<compile_context>
chip_gen: v7x
topology: tpu7x:2x2x1
jax: 0.10.2.dev20260603
libtpu: 0.0.44.dev20260713+nightly
codegen_flags: <defaults>
</compile_context>

<pallas_src>
import functools

import numpy as np
import jax
import jax.numpy as jnp
from jax import lax
from jax.experimental import pallas as pl
from jax.experimental.pallas import tpu as pltpu
from jax.experimental.pallas import tpu_sc as plsc

V = 6890
VP = 6912
NQ = 8192
QT = 512
NT = NQ // QT
RES = 10
FD = 32



def _knn_body(pb_ref, kptb_ref, kpsq_ref, out_ref):
    pb = pb_ref[0]
    dots = lax.dot_general(pb, kptb_ref[...], (((1,), (0,)), ((), ())),
                           preferred_element_type=jnp.float32)
    scores = kpsq_ref[...] - 2.0 * dots
    m = jnp.min(scores, axis=1, keepdims=True)
    iota = lax.broadcasted_iota(jnp.int32, scores.shape, 1)
    idx = jnp.min(jnp.where(scores == m, iota, VP), axis=1)
    out_ref[0, 0, :] = idx.astype(jnp.int32)


def _knn_call(pb, kptb, kpsq):
    return pl.pallas_call(
        _knn_body,
        grid=(NT,),
        in_specs=[
            pl.BlockSpec((1, QT, 8), lambda i: (i, 0, 0)),
            pl.BlockSpec((8, VP), lambda i: (0, 0)),
            pl.BlockSpec((1, VP), lambda i: (0, 0)),
        ],
        out_specs=pl.BlockSpec((1, 1, QT), lambda i: (i, 0, 0)),
        out_shape=jax.ShapeDtypeStruct((NT, 1, QT), jnp.int32),
    )(pb, kptb, kpsq)



def _sc_gather(knn2d, neighbors8, feat, gq, gr, gk):
    mesh = plsc.VectorSubcoreMesh(core_axis_name="c", subcore_axis_name="s")

    @functools.partial(
        pl.kernel, mesh=mesh,
        compiler_params=pltpu.CompilerParams(use_tc_tiling_on_sc=False,
                                            needs_layout_passes=False),
        out_type=jax.ShapeDtypeStruct((448, 128, FD), jnp.float32),
        scratch_types=[
            pltpu.VMEM((2, 128), jnp.int32),
            pltpu.VMEM((2, 128, 8), jnp.int32),
            pltpu.VMEM((112, 16), jnp.int32),
            pltpu.VMEM((112, 16), jnp.int32),
            pltpu.VMEM((112, 16), jnp.int32),
            pltpu.VMEM((14, 128), jnp.int32),
            pltpu.VMEM((14, 128, FD), jnp.float32),
            pltpu.SemaphoreType.DMA,
            pltpu.SemaphoreType.DMA,
        ],
    )
    def k(knn_hbm, nbr_hbm, feat_hbm, gq_hbm, gr_hbm, gk_hbm, out_hbm,
          idx_v, nbuf, gq_v, gr_v, gk_v, fidx, gbuf, sem, sem2):
        wid = lax.axis_index("s") * 2 + lax.axis_index("c")
        pltpu.sync_copy(gq_hbm, gq_v)
        pltpu.sync_copy(gr_hbm, gr_v)
        pltpu.sync_copy(gk_hbm, gk_v)
        pltpu.sync_copy(knn_hbm.at[pl.ds(wid * 2, 2)], idx_v)
        cps = [pltpu.async_copy(nbr_hbm.at[idx_v.at[c]], nbuf.at[c], sem)
               for c in range(2)]
        for c in range(2):
            cps[c].wait()
        for t in range(112):
            v = plsc.load_gather(nbuf, [gq_v[t], gr_v[t], gk_v[t]])
            fidx[t // 8, pl.ds((t % 8) * 16, 16)] = v
        gps = [pltpu.async_copy(feat_hbm.at[fidx.at[j]], gbuf.at[j], sem2)
               for j in range(14)]
        for j in range(14):
            gps[j].wait()
        pltpu.sync_copy(gbuf, out_hbm.at[pl.ds(wid * 14, 14)])

    return k(knn2d, neighbors8, feat, gq, gr, gk)



def _mlp_body(g_ref, p_ref, w1p_ref,
              w2_ref, w3_ref, b1_ref, b2_ref, b3_ref, out_ref):
    g = g_ref[0]
    p = p_ref[0]

    rest = []
    norms = []
    lats = []
    for k in range(7):
        blk = g[:, FD * k:FD * k + 22]
        rest.append(blk[:, 0:3])
        kp_k = blk[:, 3:6]
        d = p - kp_k
        norms.append(jnp.sqrt(jnp.sum(d * d, axis=1, keepdims=True)))
        lats.append(blk[:, 6:22])

    x32 = jnp.concatenate(
        rest + norms + [jnp.zeros((QT, 4), jnp.float32)], axis=1)
    lf = jnp.concatenate(lats, axis=1)

    def mm(a, w):
        return lax.dot_general(a.astype(jnp.bfloat16), w,
                               (((1,), (0,)), ((), ())),
                               preferred_element_type=jnp.float32)

    acc = mm(x32, w1p_ref[0:32])
    s = jnp.sin(x32)
    c = jnp.cos(x32)
    for i in range(RES):
        acc += (mm(s, w1p_ref[32 * (1 + 2 * i):32 * (2 + 2 * i)])
                + mm(c, w1p_ref[32 * (2 + 2 * i):32 * (3 + 2 * i)]))
        if i < RES - 1:
            s, c = 2.0 * s * c, 2.0 * c * c - 1.0
    acc += mm(lf, w1p_ref[672:784])

    h = jnp.maximum(acc + b1_ref[...], 0.0)
    h = jnp.maximum(mm(h, w2_ref[...]) + b2_ref[...], 0.0)
    out_ref[0] = mm(h, w3_ref[...]) + b3_ref[...]


def _mlp_call(g3, p3, w1p, w2, w3, b1, b2, b3):
    full = lambda *shape: pl.BlockSpec(shape, lambda i: (0,) * len(shape))
    return pl.pallas_call(
        _mlp_body,
        grid=(NT,),
        in_specs=[
            pl.BlockSpec((1, QT, 7 * FD), lambda i: (i, 0, 0)),
            pl.BlockSpec((1, QT, 3), lambda i: (i, 0, 0)),
            full(784, 256), full(256, 256), full(256, 256),
            full(1, 256), full(1, 256), full(1, 256),
        ],
        out_specs=pl.BlockSpec((1, QT, 256), lambda i: (i, 0, 0)),
        out_shape=jax.ShapeDtypeStruct((NT, QT, 256), jnp.float32),
    )(g3, p3, w1p, w2, w3, b1, b2, b3)



def kernel(pts, theta, beta, trans, rest_pose, shape_dirs, pose_basis, v2j,
           neighbors, latent, W1, b1, W2, b2, W3, b3):
    rays, points, _ = pts.shape
    p = pts[:, :, :3].reshape(NQ, 3)

    v_shaped = rest_pose + (beta @ shape_dirs).reshape(V, 3)
    keypoints = v_shaped + trans.reshape(1, 3)
    kp_sq = jnp.sum(keypoints * keypoints, axis=-1)

    pb = jnp.concatenate(
        [p.astype(jnp.bfloat16), jnp.zeros((NQ, 5), jnp.bfloat16)],
        axis=1).reshape(NT, QT, 8)
    kptb = jnp.concatenate([
        jnp.concatenate([keypoints.T.astype(jnp.bfloat16),
                         jnp.zeros((5, V), jnp.bfloat16)], axis=0),
        jnp.zeros((8, VP - V), jnp.bfloat16)], axis=1)
    kpsq_p = jnp.concatenate(
        [kp_sq, jnp.full((VP - V,), 1e30, jnp.float32)]).reshape(1, VP)
    knn = _knn_call(pb, kptb, kpsq_p).reshape(NQ)

    neighbors8 = jnp.concatenate(
        [neighbors, neighbors[:, 6:7]], axis=1).astype(jnp.int32)
    feat = jnp.concatenate(
        [rest_pose, keypoints, latent, jnp.zeros((V, 10), jnp.float32)],
        axis=1)

    f = np.arange(1792)
    q, kk = f // 7, f % 7
    gq = jnp.asarray((q // 128).reshape(112, 16), jnp.int32)
    gr = jnp.asarray((q % 128).reshape(112, 16), jnp.int32)
    gk = jnp.asarray(kk.reshape(112, 16), jnp.int32)

    g = _sc_gather(knn.reshape(64, 128), neighbors8, feat, gq, gr, gk)

    g3 = g.reshape(NQ, 7 * FD).reshape(NT, QT, 7 * FD)
    p3 = p.reshape(NT, QT, 3)

    perm = np.full((784,), 700, np.int64)
    for b in range(21):
        perm[32 * b:32 * b + 28] = np.arange(28 * b, 28 * b + 28)
    perm[672:784] = np.arange(588, 700)
    w1p = jnp.concatenate(
        [W1.astype(jnp.bfloat16), jnp.zeros((1, 256), jnp.bfloat16)],
        axis=0)[jnp.asarray(perm, jnp.int32)]

    out = _mlp_call(g3, p3, w1p,
                    W2.astype(jnp.bfloat16), W3.astype(jnp.bfloat16),
                    b1.reshape(1, 256), b2.reshape(1, 256),
                    b3.reshape(1, 256))
    return out.reshape(rays, points, 256)

# --- scband reference (transcript-rebuilt; emitter-appended) ---
"""Pipeline reference for scband-embedding-24206435680939 (READ-ONLY COPY).

The authoritative reference and input builder live on the scoring server;
editing this copy changes nothing except your own understanding.
"""

import jax, jax.numpy as jnp
import numpy as np

V = 6890
NJ = 24
LATENT_DIM = 16
RES = 10

def posenc(x, res):
    out = [x]
    for i in range(res):
        f = 2.0 ** i
        out.append(jnp.sin(f * x))
        out.append(jnp.cos(f * x))
    return jnp.concatenate(out, axis=-1)

def setup_inputs(seed: int = 0):
    key = jax.random.key(seed)
    ks = jax.random.split(key, 16)
    rays, points = 256, 32
    pts = jax.random.normal(ks[0], (rays, points, 6), dtype=jnp.float32)
    theta = jax.random.normal(ks[1], (1, 72), dtype=jnp.float32) * 0.1
    beta = jax.random.normal(ks[2], (1, 10), dtype=jnp.float32)
    trans = jax.random.normal(ks[3], (1, 3), dtype=jnp.float32) * 0.1
    rest_pose = jax.random.normal(ks[4], (V, 3), dtype=jnp.float32)
    shape_dirs = jax.random.normal(ks[5], (10, V * 3), dtype=jnp.float32) * 0.01
    pose_basis = jax.random.normal(ks[6], (72, NJ * 16), dtype=jnp.float32) * 0.1
    v2j = jax.random.randint(ks[7], (V,), 0, NJ)
    neighbors = jax.random.randint(ks[8], (V, 7), 0, V)
    latent = jax.random.normal(ks[9], (V, LATENT_DIM), dtype=jnp.float32)
    in_dim = 7 * ((2 * RES + 1) * 4 + LATENT_DIM)
    W1 = jax.random.normal(ks[10], (in_dim, 256), dtype=jnp.float32) / np.sqrt(in_dim)
    b1 = jnp.zeros((256,), jnp.float32)
    W2 = jax.random.normal(ks[11], (256, 256), dtype=jnp.float32) / 16.0
    b2 = jnp.zeros((256,), jnp.float32)
    W3 = jax.random.normal(ks[12], (256, 256), dtype=jnp.float32) / 16.0
    b3 = jnp.zeros((256,), jnp.float32)
    return {"pts": pts, "theta": theta, "beta": beta, "trans": trans,
            "rest_pose": rest_pose, "shape_dirs": shape_dirs, "pose_basis": pose_basis,
            "v2j": v2j, "neighbors": neighbors, "latent": latent,
            "W1": W1, "b1": b1, "W2": W2, "b2": b2, "W3": W3, "b3": b3}

def smpl_fn(theta, beta, trans, rest_pose, shape_dirs, pose_basis, v2j):
    # surrogate SMPL: linear blend shapes + per-joint invertible 4x4 transforms
    v_shaped = rest_pose + (beta @ shape_dirs).reshape(V, 3)
    keypoints = v_shaped + trans.reshape(1, 3)
    J = jnp.eye(4, dtype=jnp.float32)[None] + 0.05 * jnp.tanh((theta @ pose_basis).reshape(NJ, 4, 4))
    T = J[v2j]  # [V,4,4] gather of joint transforms to vertices
    trans_kp = jnp.transpose(T, (1, 2, 0))  # (4,4,V), matches torch layout after [0]
    return keypoints[None], None, trans_kp[None]

def reference(pts, theta, beta, trans, rest_pose, shape_dirs, pose_basis, v2j, neighbors, latent, W1, b1, W2, b2, W3, b3):
    rays, points, _ = pts.shape
    p, view_dir = jnp.split(pts, 2, axis=-1)
    keypoints, _, trans_kp = smpl_fn(theta, beta, trans, rest_pose, shape_dirs, pose_basis, v2j)
    keypoints = keypoints[0]
    trans_kp = trans_kp[0]
    trans_kp = jnp.transpose(trans_kp, (2, 0, 1))
    trans_kp = jnp.linalg.inv(trans_kp)
    trans_kp = jnp.transpose(trans_kp, (1, 2, 0))
    trans_kp = trans_kp[:3, :3]
    p = p.reshape(rays * points, 3)
    # exact 1-NN: argmin of squared distance (|p|^2 row-constant dropped)
    kp_sq = jnp.sum(keypoints * keypoints, axis=-1)
    scores = kp_sq[None, :] - 2.0 * (p @ keypoints.T)
    knn_index = jnp.argmin(scores, axis=1)
    vertices_index = neighbors[knn_index]  # [N,7] gather
    vertices_dist = p[:, None, :] - keypoints[vertices_index]  # [N,7,3]
    direction = (trans_kp[..., knn_index] * (p - keypoints[knn_index]).T[None]).sum(1).T
    direction = direction / jnp.clip(jnp.linalg.norm(direction, axis=-1, keepdims=True), 1e-12)
    vf = rest_pose[vertices_index].reshape(rays * points, -1)
    vf = jnp.concatenate([vf, jnp.linalg.norm(vertices_dist, axis=-1)], axis=-1)
    lf = latent[vertices_index].reshape(rays * points, -1)
    vf = posenc(vf, RES)
    h = jnp.concatenate([vf, lf], axis=-1)
    h = jax.nn.relu(h @ W1 + b1)
    h = jax.nn.relu(h @ W2 + b2)
    h = h @ W3 + b3
    return h.reshape(rays, points, -1)

if __name__ == "__main__":
    import jax
    _d = setup_inputs()
    print(jax.jit(kernel)(*tuple(_d.values())))

</pallas_src>

<mosaic_0001>
#map = affine_map<(d0, d1) -> (0, 0)>
#map1 = affine_map<(d0, d1) -> (0, 0, 0)>
module attributes {stable_mosaic.version = 14 : i64} {
  func.func @k(%arg0: i32, %arg1: i32, %arg2: memref<64x128xi32, #tpu.memory_space<hbm>>, %arg3: memref<6890x8xi32, #tpu.memory_space<hbm>>, %arg4: memref<6890x32xf32, #tpu.memory_space<hbm>>, %arg5: memref<112x16xi32, #tpu.memory_space<hbm>>, %arg6: memref<112x16xi32, #tpu.memory_space<hbm>>, %arg7: memref<112x16xi32, #tpu.memory_space<hbm>>, %arg8: memref<448x128x32xf32, #tpu.memory_space<hbm>>, %arg9: memref<2x128xi32, #tpu.memory_space<vmem>>, %arg10: memref<2x128x8xi32, #tpu.memory_space<vmem>>, %arg11: memref<112x16xi32, #tpu.memory_space<vmem>>, %arg12: memref<112x16xi32, #tpu.memory_space<vmem>>, %arg13: memref<112x16xi32, #tpu.memory_space<vmem>>, %arg14: memref<14x128xi32, #tpu.memory_space<vmem>>, %arg15: memref<14x128x32xf32, #tpu.memory_space<vmem>>, %arg16: memref<!tpu.dma_semaphore, #tpu.memory_space<semaphore_mem>>, %arg17: memref<!tpu.dma_semaphore, #tpu.memory_space<semaphore_mem>>) attributes {dimension_semantics = [#tpu.dimension_semantics<core_parallel>, #tpu.dimension_semantics<subcore_parallel>], iteration_bounds = array<i64: 2, 16>, scalar_prefetch = 0 : i64, scratch_operands = 9 : i64, tpu.core_type = #tpu.core_type<sc_vector_subcore>, window_params = [{transform_indices = #map}, {transform_indices = #map}, {transform_indices = #map}, {transform_indices = #map}, {transform_indices = #map}, {transform_indices = #map}, {transform_indices = #map1}]} {
    %mul3A = arith.constant 2 : i32
    %mul3A_0 = arith.muli %arg1, %mul3A : i32
    %add3A = arith.addi %mul3A_0, %arg0 : i32
    "tpu.region"() ({
      %run_scoped3A = tpu.sem_alloc : memref<!tpu.dma_semaphore, #tpu.memory_space<semaphore_mem>>
      tpu.enqueue_dma source(%arg5 : memref<112x16xi32, #tpu.memory_space<hbm>>) target(%arg11 : memref<112x16xi32, #tpu.memory_space<vmem>>) target_semaphore(%run_scoped3A : memref<!tpu.dma_semaphore, #tpu.memory_space<semaphore_mem>>)
      tpu.wait_dma2 semaphore(%run_scoped3A : memref<!tpu.dma_semaphore, #tpu.memory_space<semaphore_mem>>) src(%arg5 : memref<112x16xi32, #tpu.memory_space<hbm>>) dst(%arg11 : memref<112x16xi32, #tpu.memory_space<vmem>>)
      tpu.yield
    }) : () -> ()
    "tpu.region"() ({
      %run_scoped3A = tpu.sem_alloc : memref<!tpu.dma_semaphore, #tpu.memory_space<semaphore_mem>>
      tpu.enqueue_dma source(%arg6 : memref<112x16xi32, #tpu.memory_space<hbm>>) target(%arg12 : memref<112x16xi32, #tpu.memory_space<vmem>>) target_semaphore(%run_scoped3A : memref<!tpu.dma_semaphore, #tpu.memory_space<semaphore_mem>>)
      tpu.wait_dma2 semaphore(%run_scoped3A : memref<!tpu.dma_semaphore, #tpu.memory_space<semaphore_mem>>) src(%arg6 : memref<112x16xi32, #tpu.memory_space<hbm>>) dst(%arg12 : memref<112x16xi32, #tpu.memory_space<vmem>>)
      tpu.yield
    }) : () -> ()
    "tpu.region"() ({
      %run_scoped3A = tpu.sem_alloc : memref<!tpu.dma_semaphore, #tpu.memory_space<semaphore_mem>>
      tpu.enqueue_dma source(%arg7 : memref<112x16xi32, #tpu.memory_space<hbm>>) target(%arg13 : memref<112x16xi32, #tpu.memory_space<vmem>>) target_semaphore(%run_scoped3A : memref<!tpu.dma_semaphore, #tpu.memory_space<semaphore_mem>>)
      tpu.wait_dma2 semaphore(%run_scoped3A : memref<!tpu.dma_semaphore, #tpu.memory_space<semaphore_mem>>) src(%arg7 : memref<112x16xi32, #tpu.memory_space<hbm>>) dst(%arg13 : memref<112x16xi32, #tpu.memory_space<vmem>>)
      tpu.yield
    }) : () -> ()
    %mul3A_1 = arith.constant 2 : i32
    %mul3A_2 = arith.muli %add3A, %mul3A_1 : i32
    "tpu.region"() ({
      %run_scoped3A = tpu.sem_alloc : memref<!tpu.dma_semaphore, #tpu.memory_space<semaphore_mem>>
      %dma_start3A_2288 = arith.constant 0 : i32
      %dma_start3A_2289 = tpu.memref_slice %arg2[%mul3A_2, %dma_start3A_2288] : memref<64x128xi32, #tpu.memory_space<hbm>> -> memref<2x128xi32, #tpu.memory_space<hbm>>
      %dma_start3A_2290 = arith.constant 0 : i32
      %dma_start3A_2291 = tpu.memref_slice %arg2[%mul3A_2, %dma_start3A_2290] : memref<64x128xi32, #tpu.memory_space<hbm>> -> memref<2x128xi32, #tpu.memory_space<hbm>>
      tpu.enqueue_dma source(%dma_start3A_2291 : memref<2x128xi32, #tpu.memory_space<hbm>>) target(%arg9 : memref<2x128xi32, #tpu.memory_space<vmem>>) target_semaphore(%run_scoped3A : memref<!tpu.dma_semaphore, #tpu.memory_space<semaphore_mem>>)
      %dma_wait3A_2292 = arith.constant 0 : i32
      %dma_wait3A_2293 = tpu.memref_slice %arg2[%mul3A_2, %dma_wait3A_2292] : memref<64x128xi32, #tpu.memory_space<hbm>> -> memref<2x128xi32, #tpu.memory_space<hbm>>
      %dma_wait3A_2294 = arith.constant 0 : i32
      %dma_wait3A_2295 = tpu.memref_slice %arg2[%mul3A_2, %dma_wait3A_2294] : memref<64x128xi32, #tpu.memory_space<hbm>> -> memref<2x128xi32, #tpu.memory_space<hbm>>
      tpu.wait_dma2 semaphore(%run_scoped3A : memref<!tpu.dma_semaphore, #tpu.memory_space<semaphore_mem>>) src(%dma_wait3A_2295 : memref<2x128xi32, #tpu.memory_space<hbm>>) dst(%arg9 : memref<2x128xi32, #tpu.memory_space<vmem>>)
      tpu.yield
    }) : () -> ()
    %dma_start3A = arith.constant 0 : i32
    %dma_start3A_3 = arith.constant 0 : i32
    %dma_start3A_4 = arith.constant 0 : i32
    %dma_start3A_5 = arith.constant 0 : i32
    %dma_start3A_6 = tpu.memref_slice %arg10[%dma_start3A_3, %dma_start3A_4, %dma_start3A_5] : memref<2x128x8xi32, #tpu.memory_space<vmem>> -> memref<1x128x8xi32, #tpu.memory_space<vmem>>
    %dma_start3A_7 = tpu.memref_squeeze %dma_start3A_6 : memref<1x128x8xi32, #tpu.memory_space<vmem>> -> memref<128x8xi32, #tpu.memory_space<vmem>>
    %dma_start3A_8 = arith.constant 0 : i32
    %dma_start3A_9 = tpu.memref_slice %arg9[%dma_start3A, %dma_start3A_8] : memref<2x128xi32, #tpu.memory_space<vmem>> -> memref<1x128xi32, #tpu.memory_space<vmem>>
    %dma_start3A_10 = tpu.memref_squeeze %dma_start3A_9 : memref<1x128xi32, #tpu.memory_space<vmem>> -> memref<128xi32, #tpu.memory_space<vmem>>
    %dma_start3A_11 = arith.constant 0 : i32
    %dma_start3A_12 = arith.constant 0 : i32
    %dma_start3A_13 = tpu.memref_slice %arg3[%dma_start3A_11, %dma_start3A_12] : memref<6890x8xi32, #tpu.memory_space<hbm>> -> memref<6890x8xi32, #tpu.memory_space<hbm>>
    tpu.enqueue_indirect_dma source(%dma_start3A_13 : memref<6890x8xi32, #tpu.memory_space<hbm>>) target(%dma_start3A_7 : memref<128x8xi32, #tpu.memory_space<vmem>>) offsets(%dma_start3A_10 : memref<128xi32, #tpu.memory_space<vmem>>) semaphore(%arg16 : memref<!tpu.dma_semaphore, #tpu.memory_space<semaphore_mem>>)
    %dma_start3A_14 = arith.constant 1 : i32
    %dma_start3A_15 = arith.constant 1 : i32
    %dma_start3A_16 = arith.constant 0 : i32
    %dma_start3A_17 = arith.constant 0 : i32
    %dma_start3A_18 = tpu.memref_slice %arg10[%dma_start3A_15, %dma_start3A_16, %dma_start3A_17] : memref<2x128x8xi32, #tpu.memory_space<vmem>> -> memref<1x128x8xi32, #tpu.memory_space<vmem>>
    %dma_start3A_19 = tpu.memref_squeeze %dma_start3A_18 : memref<1x128x8xi32, #tpu.memory_space<vmem>> -> memref<128x8xi32, #tpu.memory_space<vmem>>
    %dma_start3A_20 = arith.constant 0 : i32
    %dma_start3A_21 = tpu.memref_slice %arg9[%dma_start3A_14, %dma_start3A_20] : memref<2x128xi32, #tpu.memory_space<vmem>> -> memref<1x128xi32, #tpu.memory_space<vmem>>
    %dma_start3A_22 = tpu.memref_squeeze %dma_start3A_21 : memref<1x128xi32, #tpu.memory_space<vmem>> -> memref<128xi32, #tpu.memory_space<vmem>>
    %dma_start3A_23 = arith.constant 0 : i32
    %dma_start3A_24 = arith.constant 0 : i32
    %dma_start3A_25 = tpu.memref_slice %arg3[%dma_start3A_23, %dma_start3A_24] : memref<6890x8xi32, #tpu.memory_space<hbm>> -> memref<6890x8xi32, #tpu.memory_space<hbm>>
    tpu.enqueue_indirect_dma source(%dma_start3A_25 : memref<6890x8xi32, #tpu.memory_space<hbm>>) target(%dma_start3A_19 : memref<128x8xi32, #tpu.memory_space<vmem>>) offsets(%dma_start3A_22 : memref<128xi32, #tpu.memory_space<vmem>>) semaphore(%arg16 : memref<!tpu.dma_semaphore, #tpu.memory_space<semaphore_mem>>)
    %dma_wait3A = arith.constant 0 : i32
    %dma_wait3A_26 = arith.constant 0 : i32
    %dma_wait3A_27 = arith.constant 0 : i32
    %dma_wait3A_28 = arith.constant 0 : i32
    %dma_wait3A_29 = tpu.memref_slice %arg10[%dma_wait3A_26, %dma_wait3A_27, %dma_wait3A_28] : memref<2x128x8xi32, #tpu.memory_space<vmem>> -> memref<1x128x8xi32, #tpu.memory_space<vmem>>
    %dma_wait3A_30 = tpu.memref_squeeze %dma_wait3A_29 : memref<1x128x8xi32, #tpu.memory_space<vmem>> -> memref<128x8xi32, #tpu.memory_space<vmem>>
    %dma_wait3A_31 = arith.constant 0 : i32
    %dma_wait3A_32 = tpu.memref_slice %arg9[%dma_wait3A, %dma_wait3A_31] : memref<2x128xi32, #tpu.memory_space<vmem>> -> memref<1x128xi32, #tpu.memory_space<vmem>>
    %dma_wait3A_33 = tpu.memref_squeeze %dma_wait3A_32 : memref<1x128xi32, #tpu.memory_space<vmem>> -> memref<128xi32, #tpu.memory_space<vmem>>
    %dma_wait3A_34 = arith.constant 0 : i32
    %dma_wait3A_35 = arith.constant 0 : i32
    %dma_wait3A_36 = tpu.memref_slice %arg3[%dma_wait3A_34, %dma_wait3A_35] : memref<6890x8xi32, #tpu.memory_space<hbm>> -> memref<6890x8xi32, #tpu.memory_space<hbm>>
    tpu.wait_indirect_dma semaphore(%arg16 : memref<!tpu.dma_semaphore, #tpu.memory_space<semaphore_mem>>) src(%dma_wait3A_36 : memref<6890x8xi32, #tpu.memory_space<hbm>>) dst(%dma_wait3A_30 : memref<128x8xi32, #tpu.memory_space<vmem>>)
    %dma_wait3A_37 = arith.constant 1 : i32
    %dma_wait3A_38 = arith.constant 1 : i32
    %dma_wait3A_39 = arith.constant 0 : i32
    %dma_wait3A_40 = arith.constant 0 : i32
    %dma_wait3A_41 = tpu.memref_slice %arg10[%dma_wait3A_38, %dma_wait3A_39, %dma_wait3A_40] : memref<2x128x8xi32, #tpu.memory_space<vmem>> -> memref<1x128x8xi32, #tpu.memory_space<vmem>>
    %dma_wait3A_42 = tpu.memref_squeeze %dma_wait3A_41 : memref<1x128x8xi32, #tpu.memory_space<vmem>> -> memref<128x8xi32, #tpu.memory_space<vmem>>
    %dma_wait3A_43 = arith.constant 0 : i32
    %dma_wait3A_44 = tpu.memref_slice %arg9[%dma_wait3A_37, %dma_wait3A_43] : memref<2x128xi32, #tpu.memory_space<vmem>> -> memref<1x128xi32, #tpu.memory_space<vmem>>
    %dma_wait3A_45 = tpu.memref_squeeze %dma_wait3A_44 : memref<1x128xi32, #tpu.memory_space<vmem>> -> memref<128xi32, #tpu.memory_space<vmem>>
    %dma_wait3A_46 = arith.constant 0 : i32
    %dma_wait3A_47 = arith.constant 0 : i32
    %dma_wait3A_48 = tpu.memref_slice %arg3[%dma_wait3A_46, %dma_wait3A_47] : memref<6890x8xi32, #tpu.memory_space<hbm>> -> memref<6890x8xi32, #tpu.memory_space<hbm>>
    tpu.wait_indirect_dma semaphore(%arg16 : memref<!tpu.dma_semaphore, #tpu.memory_space<semaphore_mem>>) src(%dma_wait3A_48 : memref<6890x8xi32, #tpu.memory_space<hbm>>) dst(%dma_wait3A_42 : memref<128x8xi32, #tpu.memory_space<vmem>>)
    %get3A = arith.constant 0 : i32
    %get3A_49 = arith.index_cast %get3A : i32 to index
    %get3A_50 = arith.constant 0 : index
    %get3A_51 = tpu.vector_load %arg11[%get3A_49, %get3A_50] {strides = array<i32>} : memref<112x16xi32, #tpu.memory_space<vmem>>, vector<16xi32>,
    %get3A_52 = arith.constant 0 : i32
    %get3A_53 = arith.index_cast %get3A_52 : i32 to index
    %get3A_54 = arith.constant 0 : index
    %get3A_55 = tpu.vector_load %arg12[%get3A_53, %get3A_54] {strides = array<i32>} : memref<112x16xi32, #tpu.memory_space<vmem>>, vector<16xi32>,
    %get3A_56 = arith.constant 0 : i32
    %get3A_57 = arith.index_cast %get3A_56 : i32 to index
    %get3A_58 = arith.constant 0 : index
    %get3A_59 = tpu.vector_load %arg13[%get3A_57, %get3A_58] {strides = array<i32>} : memref<112x16xi32, #tpu.memory_space<vmem>>, vector<16xi32>,
    %gather3A = tpu.vector_load_idx %arg10[%get3A_51, %get3A_55, %get3A_59] : memref<2x128x8xi32, #tpu.memory_space<vmem>>[vector<16xi32>, vector<16xi32>, vector<16xi32>], vector<16xi32>,
    %swap3A = arith.constant 0 : i32
    %swap3A_60 = arith.index_cast %swap3A : i32 to index
    %swap3A_61 = arith.constant 0 : index
    %swap3A_62 = tpu.vector_load %arg14[%swap3A_60, %swap3A_61] {strides = array<i32>} : memref<14x128xi32, #tpu.memory_space<vmem>>, vector<16xi32>,
    tpu.vector_store %arg14[%swap3A_60, %swap3A_61], %gather3A {strides = array<i32>} : memref<14x128xi32, #tpu.memory_space<vmem>>, vector<16xi32>,
    %get3A_63 = arith.constant 1 : i32
    %get3A_64 = arith.index_cast %get3A_63 : i32 to index
    %get3A_65 = arith.constant 0 : index
    %get3A_66 = tpu.vector_load %arg11[%get3A_64, %get3A_65] {strides = array<i32>} : memref<112x16xi32, #tpu.memory_space<vmem>>, vector<16xi32>,
    %get3A_67 = arith.constant 1 : i32
    %get3A_68 = arith.index_cast %get3A_67 : i32 to index
    %get3A_69 = arith.constant 0 : index
    %get3A_70 = tpu.vector_load %arg12[%get3A_68, %get3A_69] {strides = array<i32>} : memref<112x16xi32, #tpu.memory_space<vmem>>, vector<16xi32>,
    %get3A_71 = arith.constant 1 : i32
    %get3A_72 = arith.index_cast %get3A_71 : i32 to index
    %get3A_73 = arith.constant 0 : index
    %get3A_74 = tpu.vector_load %arg13[%get3A_72, %get3A_73] {strides = array<i32>} : memref<112x16xi32, #tpu.memory_space<vmem>>, vector<16xi32>,
    %gather3A_75 = tpu.vector_load_idx %arg10[%get3A_66, %get3A_70, %get3A_74] : memref<2x128x8xi32, #tpu.memory_space<vmem>>[vector<16xi32>, vector<16xi32>, vector<16xi32>], vector<16xi32>,
    %swap3A_76 = arith.constant 0 : i32
    %swap3A_77 = arith.index_cast %swap3A_76 : i32 to index
    %swap3A_78 = arith.constant 16 : index
    %swap3A_79 = tpu.vector_load %arg14[%swap3A_77, %swap3A_78] {strides = array<i32>} : memref<14x128xi32, #tpu.memory_space<vmem>>, vector<16xi32>,
    tpu.vector_store %arg14[%swap3A_77, %swap3A_78], %gather3A_75 {strides = array<i32>} : memref<14x128xi32, #tpu.memory_space<vmem>>, vector<16xi32>,
    %get3A_80 = arith.constant 2 : i32
    %get3A_81 = arith.index_cast %get3A_80 : i32 to index
    %get3A_82 = arith.constant 0 : index
    %get3A_83 = tpu.vector_load %arg11[%get3A_81, %get3A_82] {strides = array<i32>} : memref<112x16xi32, #tpu.memory_space<vmem>>, vector<16xi32>,
    %get3A_84 = arith.constant 2 : i32
    %get3A_85 = arith.index_cast %get3A_84 : i32 to index
    %get3A_86 = arith.constant 0 : index
    %get3A_87 = tpu.vector_load %arg12[%get3A_85, %get3A_86] {strides = array<i32>} : memref<112x16xi32, #tpu.memory_space<vmem>>, vector<16xi32>,
    %get3A_88 = arith.constant 2 : i32
    %get3A_89 = arith.index_cast %get3A_88 : i32 to index
    %get3A_90 = arith.constant 0 : index
    %get3A_91 = tpu.vector_load %arg13[%get3A_89, %get3A_90] {strides = array<i32>} : memref<112x16xi32, #tpu.memory_space<vmem>>, vector<16xi32>,
    %gather3A_92 = tpu.vector_load_idx %arg10[%get3A_83, %get3A_87, %get3A_91] : memref<2x128x8xi32, #tpu.memory_space<vmem>>[vector<16xi32>, vector<16xi32>, vector<16xi32>], vector<16xi32>,
    %swap3A_93 = arith.constant 0 : i32
    %swap3A_94 = arith.index_cast %swap3A_93 : i32 to index
    %swap3A_95 = arith.constant 32 : index
    %swap3A_96 = tpu.vector_load %arg14[%swap3A_94, %swap3A_95] {strides = array<i32>} : memref<14x128xi32, #tpu.memory_space<vmem>>, vector<16xi32>,
    tpu.vector_store %arg14[%swap3A_94, %swap3A_95], %gather3A_92 {strides = array<i32>} : memref<14x128xi32, #tpu.memory_space<vmem>>, vector<16xi32>,
    %get3A_97 = arith.constant 3 : i32
    %get3A_98 = arith.index_cast %get3A_97 : i32 to index
    %get3A_99 = arith.constant 0 : index
    %get3A_100 = tpu.vector_load %arg11[%get3A_98, %get3A_99] {strides = array<i32>} : memref<112x16xi32, #tpu.memory_space<vmem>>, vector<16xi32>,
    %get3A_101 = arith.constant 3 : i32
    %get3A_102 = arith.index_cast %get3A_101 : i32 to index
    %get3A_103 = arith.constant 0 : index
    %get3A_104 = tpu.vector_load %arg12[%get3A_102, %get3A_103] {strides = array<i32>} : memref<112x16xi32, #tpu.memory_space<vmem>>, vector<16xi32>,
    %get3A_105 = arith.constant 3 : i32
    %get3A_106 = arith.index_cast %get3A_105 : i32 to index
    %get3A_107 = arith.constant 0 : index
    %get3A_108 = tpu.vector_load %arg13[%get3A_106, %get3A_107] {strides = array<i32>} : memref<112x16xi32, #tpu.memory_space<vmem>>, vector<16xi32>,
    %gather3A_109 = tpu.vector_load_idx %arg10[%get3A_100, %get3A_104, %get3A_108] : memref<2x128x8xi32, #tpu.memory_space<vmem>>[vector<16xi32>, vector<16xi32>, vector<16xi32>], vector<16xi32>,
    %swap3A_110 = arith.constant 0 : i32
    %swap3A_111 = arith.index_cast %swap3A_110 : i32 to index
    %swap3A_112 = arith.constant 48 : index
    %swap3A_113 = tpu.vector_load %arg14[%swap3A_111, %swap3A_112] {strides = array<i32>} : memref<14x128xi32, #tpu.memory_space<vmem>>, vector<16xi32>,
    tpu.vector_store %arg14[%swap3A_111, %swap3A_112], %gather3A_109 {strides = array<i32>} : memref<14x128xi32, #tpu.memory_space<vmem>>, vector<16xi32>,
    %get3A_114 = arith.constant 4 : i32
    %get3A_115 = arith.index_cast %get3A_114 : i32 to index
    %get3A_116 = arith.constant 0 : index
    %get3A_117 = tpu.vector_load %arg11[%get3A_115, %get3A_116] {strides = array<i32>} : memref<112x16xi32, #tpu.memory_space<vmem>>, vector<16xi32>,
    %get3A_118 = arith.constant 4 : i32
    %get3A_119 = arith.index_cast %get3A_118 : i32 to index
    %get3A_120 = arith.constant 0 : index
    %get3A_121 = tpu.vector_load %arg12[%get3A_119, %get3A_120] {strides = array<i32>} : memref<112x16xi32, #tpu.memory_space<vmem>>, vector<16xi32>,
    %get3A_122 = arith.constant 4 : i32
    %get3A_123 = arith.index_cast %get3A_122 : i32 to index
    %get3A_124 = arith.constant 0 : index
    %get3A_125 = tpu.vector_load %arg13[%get3A_123, %get3A_124] {strides = array<i32>} : memref<112x16xi32, #tpu.memory_space<vmem>>, vector<16xi32>,
    %gather3A_126 = tpu.vector_load_idx %arg10[%get3A_117, %get3A_121, %get3A_125] : memref<2x128x8xi32, #tpu.memory_space<vmem>>[vector<16xi32>, vector<16xi32>, vector<16xi32>], vector<16xi32>,
    %swap3A_127 = arith.constant 0 : i32
    %swap3A_128 = arith.index_cast %swap3A_127 : i32 to index
    %swap3A_129 = arith.constant 64 : index
    %swap3A_130 = tpu.vector_load %arg14[%swap3A_128, %swap3A_129] {strides = array<i32>} : memref<14x128xi32, #tpu.memory_space<vmem>>, vector<16xi32>,
    tpu.vector_store %arg14[%swap3A_128, %swap3A_129], %gather3A_126 {strides = array<i32>} : memref<14x128xi32, #tpu.memory_space<vmem>>, vector<16xi32>,
    %get3A_131 = arith.constant 5 : i32
    %get3A_132 = arith.index_cast %get3A_131 : i32 to index
    %get3A_133 = arith.constant 0 : index
    %get3A_134 = tpu.vector_load %arg11[%get3A_132, %get3A_133] {strides = array<i32>} : memref<112x16xi32, #tpu.memory_space<vmem>>, vector<16xi32>,
    %get3A_135 = arith.constant 5 : i32
    %get3A_136 = arith.index_cast %get3A_135 : i32 to index
    %get3A_137 = arith.constant 0 : index
    %get3A_138 = tpu.vector_load %arg12[%get3A_136, %get3A_137] {strides = array<i32>} : memref<112x16xi32, #tpu.memory_space<vmem>>, vector<16xi32>,
    %get3A_139 = arith.constant 5 : i32
    %get3A_140 = arith.index_cast %get3A_139 : i32 to index
    %get3A_141 = arith.constant 0 : index
    %get3A_142 = tpu.vector_load %arg13[%get3A_140, %get3A_141] {strides = array<i32>} : memref<112x16xi32, #tpu.memory_space<vmem>>, vector<16xi32>,
    %gather3A_143 = tpu.vector_load_idx %arg10[%get3A_134, %get3A_138, %get3A_142] : memref<2x128x8xi32, #tpu.memory_space<vmem>>[vector<16xi32>, vector<16xi32>, vector<16xi32>], vector<16xi32>,
    %swap3A_144 = arith.constant 0 : i32
    %swap3A_145 = arith.index_cast %swap3A_144 : i32 to index
    %swap3A_146 = arith.constant 80 : index
    %swap3A_147 = tpu.vector_load %arg14[%swap3A_145, %swap3A_146] {strides = array<i32>} : memref<14x128xi32, #tpu.memory_space<vmem>>, vector<16xi32>,
    tpu.vector_store %arg14[%swap3A_145, %swap3A_146], %gather3A_143 {strides = array<i32>} : memref<14x128xi32, #tpu.memory_space<vmem>>, vector<16xi32>,
    %get3A_148 = arith.constant 6 : i32
    %get3A_149 = arith.index_cast %get3A_148 : i32 to index
    %get3A_150 = arith.constant 0 : index
    %get3A_151 = tpu.vector_load %arg11[%get3A_149, %get3A_150] {strides = array<i32>} : memref<112x16xi32, #tpu.memory_space<vmem>>, vector<16xi32>,
    %get3A_152 = arith.constant 6 : i32
    %get3A_153 = arith.index_cast %get3A_152 : i32 to index
    %get3A_154 = arith.constant 0 : index
    %get3A_155 = tpu.vector_load %arg12[%get3A_153, %get3A_154] {strides = array<i32>} : memref<112x16xi32, #tpu.memory_space<vmem>>, vector<16xi32>,
    %get3A_156 = arith.constant 6 : i32
    %get3A_157 = arith.index_cast %get3A_156 : i32 to index
    %get3A_158 = arith.constant 0 : index
    %get3A_159 = tpu.vector_load %arg13[%get3A_157, %get3A_158] {strides = array<i32>} : memref<112x16xi32, #tpu.memory_space<vmem>>, vector<16xi32>,
    %gather3A_160 = tpu.vector_load_idx %arg10[%get3A_151, %get3A_155, %get3A_159] : memref<2x128x8xi32, #tpu.memory_space<vmem>>[vector<16xi32>, vector<16xi32>, vector<16xi32>], vector<16xi32>,
    %swap3A_161 = arith.constant 0 : i32
    %swap3A_162 = arith.index_cast %swap3A_161 : i32 to index
    %swap3A_163 = arith.constant 96 : index
    %swap3A_164 = tpu.vector_load %arg14[%swap3A_162, %swap3A_163] {strides = array<i32>} : memref<14x128xi32, #tpu.memory_space<vmem>>, vector<16xi32>,
    tpu.vector_store %arg14[%swap3A_162, %swap3A_163], %gather3A_160 {strides = array<i32>} : memref<14x128xi32, #tpu.memory_space<vmem>>, vector<16xi32>,
    %get3A_165 = arith.constant 7 : i32
    %get3A_166 = arith.index_cast %get3A_165 : i32 to index
    %get3A_167 = arith.constant 0 : index
    %get3A_168 = tpu.vector_load %arg11[%get3A_166, %get3A_167] {strides = array<i32>} : memref<112x16xi32, #tpu.memory_space<vmem>>, vector<16xi32>,
    %get3A_169 = arith.constant 7 : i32
    %get3A_170 = arith.index_cast %get3A_169 : i32 to index
    %get3A_171 = arith.constant 0 : index
    %get3A_172 = tpu.vector_load %arg12[%get3A_170, %get3A_171] {strides = array<i32>} : memref<112x16xi32, #tpu.memory_space<vmem>>, vector<16xi32>,
    %get3A_173 = arith.constant 7 : i32
    %get3A_174 = arith.index_cast %get3A_173 : i32 to index
    %get3A_175 = arith.constant 0 : index
    %get3A_176 = tpu.vector_load %arg13[%get3A_174, %get3A_175] {strides = array<i32>} : memref<112x16xi32, #tpu.memory_space<vmem>>, vector<16xi32>,
    %gather3A_177 = tpu.vector_load_idx %arg10[%get3A_168, %get3A_172, %get3A_176] : memref<2x128x8xi32, #tpu.memory_space<vmem>>[vector<16xi32>, vector<16xi32>, vector<16xi32>], vector<16xi32>,
    %swap3A_178 = arith.constant 0 : i32
    %swap3A_179 = arith.index_cast %swap3A_178 : i32 to index
    %swap3A_180 = arith.constant 112 : index
    %swap3A_181 = tpu.vector_load %arg14[%swap3A_179, %swap3A_180] {strides = array<i32>} : memref<14x128xi32, #tpu.memory_space<vmem>>, vector<16xi32>,
    tpu.vector_store %arg14[%swap3A_179, %swap3A_180], %gather3A_177 {strides = array<i32>} : memref<14x128xi32, #tpu.memory_space<vmem>>, vector<16xi32>,
    %get3A_182 = arith.constant 8 : i32
    %get3A_183 = arith.index_cast %get3A_182 : i32 to index
    %get3A_184 = arith.constant 0 : index
    %get3A_185 = tpu.vector_load %arg11[%get3A_183, %get3A_184] {strides = array<i32>} : memref<112x16xi32, #tpu.memory_space<vmem>>, vector<16xi32>,
    %get3A_186 = arith.constant 8 : i32
    %get3A_187 = arith.index_cast %get3A_186 : i32 to index
    %get3A_188 = arith.constant 0 : index
    %get3A_189 = tpu.vector_load %arg12[%get3A_187, %get3A_188] {strides = array<i32>} : memref<112x16xi32, #tpu.memory_space<vmem>>, vector<16xi32>,
    %get3A_190 = arith.constant 8 : i32
    %get3A_191 = arith.index_cast %get3A_190 : i32 to index
    %get3A_192 = arith.constant 0 : index
    %get3A_193 = tpu.vector_load %arg13[%get3A_191, %get3A_192] {strides = array<i32>} : memref<112x16xi32, #tpu.memory_space<vmem>>, vector<16xi32>,
    %gather3A_194 = tpu.vector_load_idx %arg10[%get3A_185, %get3A_189, %get3A_193] : memref<2x128x8xi32, #tpu.memory_space<vmem>>[vector<16xi32>, vector<16xi32>, vector<16xi32>], vector<16xi32>,
    %swap3A_195 = arith.constant 1 : i32
    %swap3A_196 = arith.index_cast %swap3A_195 : i32 to index
    %swap3A_197 = arith.constant 0 : index
    %swap3A_198 = tpu.vector_load %arg14[%swap3A_196, %swap3A_197] {strides = array<i32>} : memref<14x128xi32, #tpu.memory_space<vmem>>, vector<16xi32>,
    tpu.vector_store %arg14[%swap3A_196, %swap3A_197], %gather3A_194 {strides = array<i32>} : memref<14x128xi32, #tpu.memory_space<vmem>>, vector<16xi32>,
    %get3A_199 = arith.constant 9 : i32
    %get3A_200 = arith.index_cast %get3A_199 : i32 to index
    %get3A_201 = arith.constant 0 : index
    %get3A_202 = tpu.vector_load %arg11[%get3A_200, %get3A_201] {strides = array<i32>} : memref<112x16xi32, #tpu.memory_space<vmem>>, vector<16xi32>,
    %get3A_203 = arith.constant 9 : i32
    %get3A_204 = arith.index_cast %get3A_203 : i32 to index
    %get3A_205 = arith.constant 0 : index
    %get3A_206 = tpu.vector_load %arg12[%get3A_204, %get3A_205] {strides = array<i32>} : memref<112x16xi32, #tpu.memory_space<vmem>>, vector<16xi32>,
    %get3A_207 = arith.constant 9 : i32
    %get3A_208 = arith.index_cast %get3A_207 : i32 to index
    %get3A_209 = arith.constant 0 : index
    %get3A_210 = tpu.vector_load %arg13[%get3A_208, %get3A_209] {strides = array<i32>} : memref<112x16xi32, #tpu.memory_space<vmem>>, vector<16xi32>,
    %gather3A_211 = tpu.vector_load_idx %arg10[%get3A_202, %get3A_206, %get3A_210] : memref<2x128x8xi32, #tpu.memory_space<vmem>>[vector<16xi32>, vector<16xi32>, vector<16xi32>], vector<16xi32>,
    %swap3A_212 = arith.constant 1 : i32
    %swap3A_213 = arith.index_cast %swap3A_212 : i32 to index
    %swap3A_214 = arith.constant 16 : index
    %swap3A_215 = tpu.vector_load %arg14[%swap3A_213, %swap3A_214] {strides = array<i32>} : memref<14x128xi32, #tpu.memory_space<vmem>>, vector<16xi32>,
    tpu.vector_store %arg14[%swap3A_213, %swap3A_214], %gather3A_211 {strides = array<i32>} : memref<14x128xi32, #tpu.memory_space<vmem>>, vector<16xi32>,
    %get3A_216 = arith.constant 10 : i32
    %get3A_217 = arith.index_cast %get3A_216 : i32 to index
    %get3A_218 = arith.constant 0 : index
    %get3A_219 = tpu.vector_load %arg11[%get3A_217, %get3A_218] {strides = array<i32>} : memref<112x16xi32, #tpu.memory_space<vmem>>, vector<16xi32>,
    %get3A_220 = arith.constant 10 : i32
    %get3A_221 = arith.index_cast %get3A_220 : i32 to index
    %get3A_222 = arith.constant 0 : index
    %get3A_223 = tpu.vector_load %arg12[%get3A_221, %get3A_222] {strides = array<i32>} : memref<112x16xi32, #tpu.memory_space<vmem>>, vector<16xi32>,
    %get3A_224 = arith.constant 10 : i32
    %get3A_225 = arith.index_cast %get3A_224 : i32 to index
    %get3A_226 = arith.constant 0 : index
    %get3A_227 = tpu.vector_load %arg13[%get3A_225, %get3A_226] {strides = array<i32>} : memref<112x16xi32, #tpu.memory_space<vmem>>, vector<16xi32>,
    %gather3A_228 = tpu.vector_load_idx %arg10[%get3A_219, %get3A_223, %get3A_227] : memref<2x128x8xi32, #tpu.memory_space<vmem>>[vector<16xi32>, vector<16xi32>, vector<16xi32>], vector<16xi32>,
    %swap3A_229 = arith.constant 1 : i32
    %swap3A_230 = arith.index_cast %swap3A_229 : i32 to index
    %swap3A_231 = arith.constant 32 : index
    %swap3A_232 = tpu.vector_load %arg14[%swap3A_230, %swap3A_231] {strides = array<i32>} : memref<14x128xi32, #tpu.memory_space<vmem>>, vector<16xi32>,
    tpu.vector_store %arg14[%swap3A_230, %swap3A_231], %gather3A_228 {strides = array<i32>} : memref<14x128xi32, #tpu.memory_space<vmem>>, vector<16xi32>,
    %get3A_233 = arith.constant 11 : i32
    %get3A_234 = arith.index_cast %get3A_233 : i32 to index
    %get3A_235 = arith.constant 0 : index
    %get3A_236 = tpu.vector_load %arg11[%get3A_234, %get3A_235] {strides = array<i32>} : memref<112x16xi32, #tpu.memory_space<vmem>>, vector<16xi32>,
    %get3A_237 = arith.constant 11 : i32
    %get3A_238 = arith.index_cast %get3A_237 : i32 to index
    %get3A_239 = arith.constant 0 : index
    %get3A_240 = tpu.vector_load %arg12[%get3A_238, %get3A_239] {strides = array<i32>} : memref<112x16xi32, #tpu.memory_space<vmem>>, vector<16xi32>,
    %get3A_241 = arith.constant 11 : i32
    %get3A_242 = arith.index_cast %get3A_241 : i32 to index
    %get3A_243 = arith.constant 0 : index
    %get3A_244 = tpu.vector_load %arg13[%get3A_242, %get3A_243] {strides = array<i32>} : memref<112x16xi32, #tpu.memory_space<vmem>>, vector<16xi32>,
    %gather3A_245 = tpu.vector_load_idx %arg10[%get3A_236, %get3A_240, %get3A_244] : memref<2x128x8xi32, #tpu.memory_space<vmem>>[vector<16xi32>, vector<16xi32>, vector<16xi32>], vector<16xi32>,
    %swap3A_246 = arith.constant 1 : i32
    %swap3A_247 = arith.index_cast %swap3A_246 : i32 to index
    %swap3A_248 = arith.constant 48 : index
    %swap3A_249 = tpu.vector_load %arg14[%swap3A_247, %swap3A_248] {strides = array<i32>} : memref<14x128xi32, #tpu.memory_space<vmem>>, vector<16xi32>,
    tpu.vector_store %arg14[%swap3A_247, %swap3A_248], %gather3A_245 {strides = array<i32>} : memref<14x128xi32, #tpu.memory_space<vmem>>, vector<16xi32>,
    %get3A_250 = arith.constant 12 : i32
    %get3A_251 = arith.index_cast %get3A_250 : i32 to index
    %get3A_252 = arith.constant 0 : index
    %get3A_253 = tpu.vector_load %arg11[%get3A_251, %get3A_252] {strides = array<i32>} : memref<112x16xi32, #tpu.memory_space<vmem>>, vector<16xi32>,
    %get3A_254 = arith.constant 12 : i32
    %get3A_255 = arith.index_cast %get3A_254 : i32 to index
    %get3A_256 = arith.constant 0 : index
    %get3A_257 = tpu.vector_load %arg12[%get3A_255, %get3A_256] {strides = array<i32>} : memref<112x16xi32, #tpu.memory_space<vmem>>, vector<16xi32>,
    %get3A_258 = arith.constant 12 : i32
    %get3A_259 = arith.index_cast %get3A_258 : i32 to index
    %get3A_260 = arith.constant 0 : index
    %get3A_261 = tpu.vector_load %arg13[%get3A_259, %get3A_260] {strides = array<i32>} : memref<112x16xi32, #tpu.memory_space<vmem>>, vector<16xi32>,
    %gather3A_262 = tpu.vector_load_idx %arg10[%get3A_253, %get3A_257, %get3A_261] : memref<2x128x8xi32, #tpu.memory_space<vmem>>[vector<16xi32>, vector<16xi32>, vector<16xi32>], vector<16xi32>,
    %swap3A_263 = arith.constant 1 : i32
    %swap3A_264 = arith.index_cast %swap3A_263 : i32 to index
    %swap3A_265 = arith.constant 64 : index
    %swap3A_266 = tpu.vector_load %arg14[%swap3A_264, %swap3A_265] {strides = array<i32>} : memref<14x128xi32, #tpu.memory_space<vmem>>, vector<16xi32>,
    tpu.vector_store %arg14[%swap3A_264, %swap3A_265], %gather3A_262 {strides = array<i32>} : memref<14x128xi32, #tpu.memory_space<vmem>>, vector<16xi32>,
    %get3A_267 = arith.constant 13 : i32
    %get3A_268 = arith.index_cast %get3A_267 : i32 to index
    %get3A_269 = arith.constant 0 : index
    %get3A_270 = tpu.vector_load %arg11[%get3A_268, %get3A_269] {strides = array<i32>} : memref<112x16xi32, #tpu.memory_space<vmem>>, vector<16xi32>,
    %get3A_271 = arith.constant 13 : i32
    %get3A_272 = arith.index_cast %get3A_271 : i32 to index
    %get3A_273 = arith.constant 0 : index
    %get3A_274 = tpu.vector_load %arg12[%get3A_272, %get3A_273] {strides = array<i32>} : memref<112x16xi32, #tpu.memory_space<vmem>>, vector<16xi32>,
    %get3A_275 = arith.constant 13 : i32
    %get3A_276 = arith.index_cast %get3A_275 : i32 to index
    %get3A_277 = arith.constant 0 : index
    %get3A_278 = tpu.vector_load %arg13[%get3A_276, %get3A_277] {strides = array<i32>} : memref<112x16xi32, #tpu.memory_space<vmem>>, vector<16xi32>,
    %gather3A_279 = tpu.vector_load_idx %arg10[%get3A_270, %get3A_274, %get3A_278] : memref<2x128x8xi32, #tpu.memory_space<vmem>>[vector<16xi32>, vector<16xi32>, vector<16xi32>], vector<16xi32>,
    %swap3A_280 = arith.constant 1 : i32
    %swap3A_281 = arith.index_cast %swap3A_280 : i32 to index
    %swap3A_282 = arith.constant 80 : index
    %swap3A_283 = tpu.vector_load %arg14[%swap3A_281, %swap3A_282] {strides = array<i32>} : memref<14x128xi32, #tpu.memory_space<vmem>>, vector<16xi32>,
    tpu.vector_store %arg14[%swap3A_281, %swap3A_282], %gather3A_279 {strides = array<i32>} : memref<14x128xi32, #tpu.memory_space<vmem>>, vector<16xi32>,
    %get3A_284 = arith.constant 14 : i32
    %get3A_285 = arith.index_cast %get3A_284 : i32 to index
    %get3A_286 = arith.constant 0 : index
    %get3A_287 = tpu.vector_load %arg11[%get3A_285, %get3A_286] {strides = array<i32>} : memref<112x16xi32, #tpu.memory_space<vmem>>, vector<16xi32>,
    %get3A_288 = arith.constant 14 : i32
    %get3A_289 = arith.index_cast %get3A_288 : i32 to index
    %get3A_290 = arith.constant 0 : index
    %get3A_291 = tpu.vector_load %arg12[%get3A_289, %get3A_290] {strides = array<i32>} : memref<112x16xi32, #tpu.memory_space<vmem>>, vector<16xi32>,
    %get3A_292 = arith.constant 14 : i32
    %get3A_293 = arith.index_cast %get3A_292 : i32 to index
    %get3A_294 = arith.constant 0 : index
    %get3A_295 = tpu.vector_load %arg13[%get3A_293, %get3A_294] {strides = array<i32>} : memref<112x16xi32, #tpu.memory_space<vmem>>, vector<16xi32>,
    %gather3A_296 = tpu.vector_load_idx %arg10[%get3A_287, %get3A_291, %get3A_295] : memref<2x128x8xi32, #tpu.memory_space<vmem>>[vector<16xi32>, vector<16xi32>, vector<16xi32>], vector<16xi32>,
    %swap3A_297 = arith.constant 1 : i32
    %swap3A_298 = arith.index_cast %swap3A_297 : i32 to index
    %swap3A_299 = arith.constant 96 : index
    %swap3A_300 = tpu.vector_load %arg14[%swap3A_298, %swap3A_299] {strides = array<i32>} : memref<14x128xi32, #tpu.memory_space<vmem>>, vector<16xi32>,
    tpu.vector_store %arg14[%swap3A_298, %swap3A_299], %gather3A_296 {strides = array<i32>} : memref<14x128xi32, #tpu.memory_space<vmem>>, vector<16xi32>,
    %get3A_301 = arith.constant 15 : i32
    %get3A_302 = arith.index_cast %get3A_301 : i32 to index
    %get3A_303 = arith.constant 0 : index
    %get3A_304 = tpu.vector_load %arg11[%get3A_302, %get3A_303] {strides = array<i32>} : memref<112x16xi32, #tpu.memory_space<vmem>>, vector<16xi32>,
    %get3A_305 = arith.constant 15 : i32
    %get3A_306 = arith.index_cast %get3A_305 : i32 to index
    %get3A_307 = arith.constant 0 : index
    %get3A_308 = tpu.vector_load %arg12[%get3A_306, %get3A_307] {strides = array<i32>} : memref<112x16xi32, #tpu.memory_space<vmem>>, vector<16xi32>,
    %get3A_309 = arith.constant 15 : i32
    %get3A_310 = arith.index_cast %get3A_309 : i32 to index
    %get3A_311 = arith.constant 0 : index
    %get3A_312 = tpu.vector_load %arg13[%get3A_310, %get3A_311] {strides = array<i32>} : memref<112x16xi32, #tpu.memory_space<vmem>>, vector<16xi32>,
    %gather3A_313 = tpu.vector_load_idx %arg10[%get3A_304, %get3A_308, %get3A_312] : memref<2x128x8xi32, #tpu.memory_space<vmem>>[vector<16xi32>, vector<16xi32>, vector<16xi32>], vector<16xi32>,
    %swap3A_314 = arith.constant 1 : i32
    %swap3A_315 = arith.index_cast %swap3A_314 : i32 to index
    %swap3A_316 = arith.constant 112 : index
    %swap3A_317 = tpu.vector_load %arg14[%swap3A_315, %swap3A_316] {strides = array<i32>} : memref<14x128xi32, #tpu.memory_space<vmem>>, vector<16xi32>,
    tpu.vector_store %arg14[%swap3A_315, %swap3A_316], %gather3A_313 {strides = array<i32>} : memref<14x128xi32, #tpu.memory_space<vmem>>, vector<16xi32>,
    %get3A_318 = arith.constant 16 : i32
    %get3A_319 = arith.index_cast %get3A_318 : i32 to index
    %get3A_320 = arith.constant 0 : index
    %get3A_321 = tpu.vector_load %arg11[%get3A_319, %get3A_320] {strides = array<i32>} : memref<112x16xi32, #tpu.memory_space<vmem>>, vector<16xi32>,
    %get3A_322 = arith.constant 16 : i32
    %get3A_323 = arith.index_cast %get3A_322 : i32 to index
    %get3A_324 = arith.constant 0 : index
    %get3A_325 = tpu.vector_load %arg12[%get3A_323, %get3A_324] {strides = array<i32>} : memref<112x16xi32, #tpu.memory_space<vmem>>, vector<16xi32>,
    %get3A_326 = arith.constant 16 : i32
    %get3A_327 = arith.index_cast %get3A_326 : i32 to index
    %get3A_328 = arith.constant 0 : index
    %get3A_329 = tpu.vector_load %arg13[%get3A_327, %get3A_328] {strides = array<i32>} : memref<112x16xi32, #tpu.memory_space<vmem>>, vector<16xi32>,
    %gather3A_330 = tpu.vector_load_idx %arg10[%get3A_321, %get3A_325, %get3A_329] : memref<2x128x8xi32, #tpu.memory_space<vmem>>[vector<16xi32>, vector<16xi32>, vector<16xi32>], vector<16xi32>,
    %swap3A_331 = arith.constant 2 : i32
    %swap3A_332 = arith.index_cast %swap3A_331 : i32 to index
    %swap3A_333 = arith.constant 0 : index
    %swap3A_334 = tpu.vector_load %arg14[%swap3A_332, %swap3A_333] {strides = array<i32>} : memref<14x128xi32, #tpu.memory_space<vmem>>, vector<16xi32>,
    tpu.vector_store %arg14[%swap3A_332, %swap3A_333], %gather3A_330 {strides = array<i32>} : memref<14x128xi32, #tpu.memory_space<vmem>>, vector<16xi32>,
    %get3A_335 = arith.constant 17 : i32
    %get3A_336 = arith.index_cast %get3A_335 : i32 to index
    %get3A_337 = arith.constant 0 : index
    %get3A_338 = tpu.vector_load %arg11[%get3A_336, %get3A_337] {strides = array<i32>} : memref<112x16xi32, #tpu.memory_space<vmem>>, vector<16xi32>,
    %get3A_339 = arith.constant 17 : i32
    %get3A_340 = arith.index_cast %get3A_339 : i32 to index
    %get3A_341 = arith.constant 0 : index
    %get3A_342 = tpu.vector_load %arg12[%get3A_340, %get3A_341] {strides = array<i32>} : memref<112x16xi32, #tpu.memory_space<vmem>>, vector<16xi32>,
    %get3A_343 = arith.constant 17 : i32
    %get3A_344 = arith.index_cast %get3A_343 : i32 to index
    %get3A_345 = arith.constant 0 : index
    %get3A_346 = tpu.vector_load %arg13[%get3A_344, %get3A_345] {strides = array<i32>} : memref<112x16xi32, #tpu.memory_space<vmem>>, vector<16xi32>,
    %gather3A_347 = tpu.vector_load_idx %arg10[%get3A_338, %get3A_342, %get3A_346] : memref<2x128x8xi32, #tpu.memory_space<vmem>>[vector<16xi32>, vector<16xi32>, vector<16xi32>], vector<16xi32>,
    %swap3A_348 = arith.constant 2 : i32
    %swap3A_349 = arith.index_cast %swap3A_348 : i32 to index
    %swap3A_350 = arith.constant 16 : index
    %swap3A_351 = tpu.vector_load %arg14[%swap3A_349, %swap3A_350] {strides = array<i32>} : memref<14x128xi32, #tpu.memory_space<vmem>>, vector<16xi32>,
    tpu.vector_store %arg14[%swap3A_349, %swap3A_350], %gather3A_347 {strides = array<i32>} : memref<14x128xi32, #tpu.memory_space<vmem>>, vector<16xi32>,
    %get3A_352 = arith.constant 18 : i32
    %get3A_353 = arith.index_cast %get3A_352 : i32 to index
    %get3A_354 = arith.constant 0 : index
    %get3A_355 = tpu.vector_load %arg11[%get3A_353, %get3A_354] {strides = array<i32>} : memref<112x16xi32, #tpu.memory_space<vmem>>, vector<16xi32>,
    %get3A_356 = arith.constant 18 : i32
    %get3A_357 = arith.index_cast %get3A_356 : i32 to index
    %get3A_358 = arith.constant 0 : index
    %get3A_359 = tpu.vector_load %arg12[%get3A_357, %get3A_358] {strides = array<i32>} : memref<112x16xi32, #tpu.memory_space<vmem>>, vector<16xi32>,
    %get3A_360 = arith.constant 18 : i32
    %get3A_361 = arith.index_cast %get3A_360 : i32 to index
    %get3A_362 = arith.constant 0 : index
    %get3A_363 = tpu.vector_load %arg13[%get3A_361, %get3A_362] {strides = array<i32>} : memref<112x16xi32, #tpu.memory_space<vmem>>, vector<16xi32>,
    %gather3A_364 = tpu.vector_load_idx %arg10[%get3A_355, %get3A_359, %get3A_363] : memref<2x128x8xi32, #tpu.memory_space<vmem>>[vector<16xi32>, vector<16xi32>, vector<16xi32>], vector<16xi32>,
    %swap3A_365 = arith.constant 2 : i32
    %swap3A_366 = arith.index_cast %swap3A_365 : i32 to index
    %swap3A_367 = arith.constant 32 : index
    %swap3A_368 = tpu.vector_load %arg14[%swap3A_366, %swap3A_367] {strides = array<i32>} : memref<14x128xi32, #tpu.memory_space<vmem>>, vector<16xi32>,
    tpu.vector_store %arg14[%swap3A_366, %swap3A_367], %gather3A_364 {strides = array<i32>} : memref<14x128xi32, #tpu.memory_space<vmem>>, vector<16xi32>,
    %get3A_369 = arith.constant 19 : i32
    %get3A_370 = arith.index_cast %get3A_369 : i32 to index
    %get3A_371 = arith.constant 0 : index
    %get3A_372 = tpu.vector_load %arg11[%get3A_370, %get3A_371] {strides = array<i32>} : memref<112x16xi32, #tpu.memory_space<vmem>>, vector<16xi32>,
    %get3A_373 = arith.constant 19 : i32
    %get3A_374 = arith.index_cast %get3A_373 : i32 to index
    %get3A_375 = arith.constant 0 : index
    %get3A_376 = tpu.vector_load %arg12[%get3A_374, %get3A_375] {strides = array<i32>} : memref<112x16xi32, #tpu.memory_space<vmem>>, vector<16xi32>,
    %get3A_377 = arith.constant 19 : i32
    %get3A_378 = arith.index_cast %get3A_377 : i32 to index
    %get3A_379 = arith.constant 0 : index
    %get3A_380 = tpu.vector_load %arg13[%get3A_378, %get3A_379] {strides = array<i32>} : memref<112x16xi32, #tpu.memory_space<vmem>>, vector<16xi32>,
    %gather3A_381 = tpu.vector_load_idx %arg10[%get3A_372, %get3A_376, %get3A_380] : memref<2x128x8xi32, #tpu.memory_space<vmem>>[vector<16xi32>, vector<16xi32>, vector<16xi32>], vector<16xi32>,
    %swap3A_382 = arith.constant 2 : i32
    %swap3A_383 = arith.index_cast %swap3A_382 : i32 to index
    %swap3A_384 = arith.constant 48 : index
    %swap3A_385 = tpu.vector_load %arg14[%swap3A_383, %swap3A_384] {strides = array<i32>} : memref<14x128xi32, #tpu.memory_space<vmem>>, vector<16xi32>,
    tpu.vector_store %arg14[%swap3A_383, %swap3A_384], %gather3A_381 {strides = array<i32>} : memref<14x128xi32, #tpu.memory_space<vmem>>, vector<16xi32>,
    %get3A_386 = arith.constant 20 : i32
    %get3A_387 = arith.index_cast %get3A_386 : i32 to index
    %get3A_388 = arith.constant 0 : index
    %get3A_389 = tpu.vector_load %arg11[%get3A_387, %get3A_388] {strides = array<i32>} : memref<112x16xi32, #tpu.memory_space<vmem>>, vector<16xi32>,
    %get3A_390 = arith.constant 20 : i32
    %get3A_391 = arith.index_cast %get3A_390 : i32 to index
    %get3A_392 = arith.constant 0 : index
    %get3A_393 = tpu.vector_load %arg12[%get3A_391, %get3A_392] {strides = array<i32>} : memref<112x16xi32, #tpu.memory_space<vmem>>, vector<16xi32>,
    %get3A_394 = arith.constant 20 : i32
    %get3A_395 = arith.index_cast %get3A_394 : i32 to index
    %get3A_396 = arith.constant 0 : index
    %get3A_397 = tpu.vector_load %arg13[%get3A_395, %get3A_396] {strides = array<i32>} : memref<112x16xi32, #tpu.memory_space<vmem>>, vector<16xi32>,
    %gather3A_398 = tpu.vector_load_idx %arg10[%get3A_389, %get3A_393, %get3A_397] : memref<2x128x8xi32, #tpu.memory_space<vmem>>[vector<16xi32>, vector<16xi32>, vector<16xi32>], vector<16xi32>,
    %swap3A_399 = arith.constant 2 : i32
    %swap3A_400 = arith.index_cast %swap3A_399 : i32 to index
    %swap3A_401 = arith.constant 64 : index
    %swap3A_402 = tpu.vector_load %arg14[%swap3A_400, %swap3A_401] {strides = array<i32>} : memref<14x128xi32, #tpu.memory_space<vmem>>, vector<16xi32>,
    tpu.vector_store %arg14[%swap3A_400, %swap3A_401], %gather3A_398 {strides = array<i32>} : memref<14x128xi32, #tpu.memory_space<vmem>>, vector<16xi32>,
    %get3A_403 = arith.constant 21 : i32
    %get3A_404 = arith.index_cast %get3A_403 : i32 to index
    %get3A_405 = arith.constant 0 : index
    %get3A_406 = tpu.vector_load %arg11[%get3A_404, %get3A_405] {strides = array<i32>} : memref<112x16xi32, #tpu.memory_space<vmem>>, vector<16xi32>,
    %get3A_407 = arith.constant 21 : i32
    %get3A_408 = arith.index_cast %get3A_407 : i32 to index
    %get3A_409 = arith.constant 0 : index
    %get3A_410 = tpu.vector_load %arg12[%get3A_408, %get3A_409] {strides = array<i32>} : memref<112x16xi32, #tpu.memory_space<vmem>>, vector<16xi32>,
    %get3A_411 = arith.constant 21 : i32
    %get3A_412 = arith.index_cast %get3A_411 : i32 to index
    %get3A_413 = arith.constant 0 : index
    %get3A_414 = tpu.vector_load %arg13[%get3A_412, %get3A_413] {strides = array<i32>} : memref<112x16xi32, #tpu.memory_space<vmem>>, vector<16xi32>,
    %gather3A_415 = tpu.vector_load_idx %arg10[%get3A_406, %get3A_410, %get3A_414] : memref<2x128x8xi32, #tpu.memory_space<vmem>>[vector<16xi32>, vector<16xi32>, vector<16xi32>], vector<16xi32>,
    %swap3A_416 = arith.constant 2 : i32
    %swap3A_417 = arith.index_cast %swap3A_416 : i32 to index
    %swap3A_418 = arith.constant 80 : index
    %swap3A_419 = tpu.vector_load %arg14[%swap3A_417, %swap3A_418] {strides = array<i32>} : memref<14x128xi32, #tpu.memory_space<vmem>>, vector<16xi32>,
    tpu.vector_store %arg14[%swap3A_417, %swap3A_418], %gather3A_415 {strides = array<i32>} : memref<14x128xi32, #tpu.memory_space<vmem>>, vector<16xi32>,
    %get3A_420 = arith.constant 22 : i32
    %get3A_421 = arith.index_cast %get3A_420 : i32 to index
    %get3A_422 = arith.constant 0 : index
    %get3A_423 = tpu.vector_load %arg11[%get3A_421, %get3A_422] {strides = array<i32>} : memref<112x16xi32, #tpu.memory_space<vmem>>, vector<16xi32>,
    %get3A_424 = arith.constant 22 : i32
    %get3A_425 = arith.index_cast %get3A_424 : i32 to index
    %get3A_426 = arith.constant 0 : index
    %get3A_427 = tpu.vector_load %arg12[%get3A_425, %get3A_426] {strides = array<i32>} : memref<112x16xi32, #tpu.memory_space<vmem>>, vector<16xi32>,
    %get3A_428 = arith.constant 22 : i32
    %get3A_429 = arith.index_cast %get3A_428 : i32 to index
    %get3A_430 = arith.constant 0 : index
    %get3A_431 = tpu.vector_load %arg13[%get3A_429, %get3A_430] {strides = array<i32>} : memref<112x16xi32, #tpu.memory_space<vmem>>, vector<16xi32>,
    %gather3A_432 = tpu.vector_load_idx %arg10[%get3A_423, %get3A_427, %get3A_431] : memref<2x128x8xi32, #tpu.memory_space<vmem>>[vector<16xi32>, vector<16xi32>, vector<16xi32>], vector<16xi32>,
    %swap3A_433 = arith.constant 2 : i32
    %swap3A_434 = arith.index_cast %swap3A_433 : i32 to index
    %swap3A_435 = arith.constant 96 : index
    %swap3A_436 = tpu.vector_load %arg14[%swap3A_434, %swap3A_435] {strides = array<i32>} : memref<14x128xi32, #tpu.memory_space<vmem>>, vector<16xi32>,
    tpu.vector_store %arg14[%swap3A_434, %swap3A_435], %gather3A_432 {strides = array<i32>} : memref<14x128xi32, #tpu.memory_space<vmem>>, vector<16xi32>,
    %get3A_437 = arith.constant 23 : i32
    %get3A_438 = arith.index_cast %get3A_437 : i32 to index
    %get3A_439 = arith.constant 0 : index
    %get3A_440 = tpu.vector_load %arg11[%get3A_438, %get3A_439] {strides = array<i32>} : memref<112x16xi32, #tpu.memory_space<vmem>>, vector<16xi32>,
    %get3A_441 = arith.constant 23 : i32
    %get3A_442 = arith.index_cast %get3A_441 : i32 to index
    %get3A_443 = arith.constant 0 : index
    %get3A_444 = tpu.vector_load %arg12[%get3A_442, %get3A_443] {strides = array<i32>} : memref<112x16xi32, #tpu.memory_space<vmem>>, vector<16xi32>,
    %get3A_445 = arith.constant 23 : i32
    %get3A_446 = arith.index_cast %get3A_445 : i32 to index
    %get3A_447 = arith.constant 0 : index
    %get3A_448 = tpu.vector_load %arg13[%get3A_446, %get3A_447] {strides = array<i32>} : memref<112x16xi32, #tpu.memory_space<vmem>>, vector<16xi32>,
    %gather3A_449 = tpu.vector_load_idx %arg10[%get3A_440, %get3A_444, %get3A_448] : memref<2x128x8xi32, #tpu.memory_space<vmem>>[vector<16xi32>, vector<16xi32>, vector<16xi32>], vector<16xi32>,
    %swap3A_450 = arith.constant 2 : i32
    %swap3A_451 = arith.index_cast %swap3A_450 : i32 to index
    %swap3A_452 = arith.constant 112 : index
    %swap3A_453 = tpu.vector_load %arg14[%swap3A_451, %swap3A_452] {strides = array<i32>} : memref<14x128xi32, #tpu.memory_space<vmem>>, vector<16xi32>,
    tpu.vector_store %arg14[%swap3A_451, %swap3A_452], %gather3A_449 {strides = array<i32>} : memref<14x128xi32, #tpu.memory_space<vmem>>, vector<16xi32>,
    %get3A_454 = arith.constant 24 : i32
    %get3A_455 = arith.index_cast %get3A_454 : i32 to index
    %get3A_456 = arith.constant 0 : index
    %get3A_457 = tpu.vector_load %arg11[%get3A_455, %get3A_456] {strides = array<i32>} : memref<112x16xi32, #tpu.memory_space<vmem>>, vector<16xi32>,
    %get3A_458 = arith.constant 24 : i32
    %get3A_459 = arith.index_cast %get3A_458 : i32 to index
    %get3A_460 = arith.constant 0 : index
    %get3A_461 = tpu.vector_load %arg12[%get3A_459, %get3A_460] {strides = array<i32>} : memref<112x16xi32, #tpu.memory_space<vmem>>, vector<16xi32>,
    %get3A_462 = arith.constant 24 : i32
    %get3A_463 = arith.index_cast %get3A_462 : i32 to index
    %get3A_464 = arith.constant 0 : index
    %get3A_465 = tpu.vector_load %arg13[%get3A_463, %get3A_464] {strides = array<i32>} : memref<112x16xi32, #tpu.memory_space<vmem>>, vector<16xi32>,
    %gather3A_466 = tpu.vector_load_idx %arg10[%get3A_457, %get3A_461, %get3A_465] : memref<2x128x8xi32, #tpu.memory_space<vmem>>[vector<16xi32>, vector<16xi32>, vector<16xi32>], vector<16xi32>,
    %swap3A_467 = arith.constant 3 : i32
    %swap3A_468 = arith.index_cast %swap3A_467 : i32 to index
    %swap3A_469 = arith.constant 0 : index
    %swap3A_470 = tpu.vector_load %arg14[%swap3A_468, %swap3A_469] {strides = array<i32>} : memref<14x128xi32, #tpu.memory_space<vmem>>, vector<16xi32>,
    tpu.vector_store %arg14[%swap3A_468, %swap3A_469], %gather3A_466 {strides = array<i32>} : memref<14x128xi32, #tpu.memory_space<vmem>>, vector<16xi32>,
    %get3A_471 = arith.constant 25 : i32
    %get3A_472 = arith.index_cast %get3A_471 : i32 to index
    %get3A_473 = arith.constant 0 : index
    %get3A_474 = tpu.vector_load %arg11[%get3A_472, %get3A_473] {strides = array<i32>} : memref<112x16xi32, #tpu.memory_space<vmem>>, vector<16xi32>,
    %get3A_475 = arith.constant 25 : i32
    %get3A_476 = arith.index_cast %get3A_475 : i32 to index
    %get3A_477 = arith.constant 0 : index
    %get3A_478 = tpu.vector_load %arg12[%get3A_476, %get3A_477] {strides = array<i32>} : memref<112x16xi32, #tpu.memory_space<vmem>>, vector<16xi32>,
    %get3A_479 = arith.constant 25 : i32
    %get3A_480 = arith.index_cast %get3A_479 : i32 to index
    %get3A_481 = arith.constant 0 : index
    %get3A_482 = tpu.vector_load %arg13[%get3A_480, %get3A_481] {strides = array<i32>} : memref<112x16xi32, #tpu.memory_space<vmem>>, vector<16xi32>,
    %gather3A_483 = tpu.vector_load_idx %arg10[%get3A_474, %get3A_478, %get3A_482] : memref<2x128x8xi32, #tpu.memory_space<vmem>>[vector<16xi32>, vector<16xi32>, vector<16xi32>], vector<16xi32>,
    %swap3A_484 = arith.constant 3 : i32
    %swap3A_485 = arith.index_cast %swap3A_484 : i32 to index
    %swap3A_486 = arith.constant 16 : index
    %swap3A_487 = tpu.vector_load %arg14[%swap3A_485, %swap3A_486] {strides = array<i32>} : memref<14x128xi32, #tpu.memory_space<vmem>>, vector<16xi32>,
    tpu.vector_store %arg14[%swap3A_485, %swap3A_486], %gather3A_483 {strides = array<i32>} : memref<14x128xi32, #tpu.memory_space<vmem>>, vector<16xi32>,
    %get3A_488 = arith.constant 26 : i32
    %get3A_489 = arith.index_cast %get3A_488 : i32 to index
    %get3A_490 = arith.constant 0 : index
    %get3A_491 = tpu.vector_load %arg11[%get3A_489, %get3A_490] {strides = array<i32>} : memref<112x16xi32, #tpu.memory_space<vmem>>, vector<16xi32>,
    %get3A_492 = arith.constant 26 : i32
    %get3A_493 = arith.index_cast %get3A_492 : i32 to index
    %get3A_494 = arith.constant 0 : index
    %get3A_495 = tpu.vector_load %arg12[%get3A_493, %get3A_494] {strides = array<i32>} : memref<112x16xi32, #tpu.memory_space<vmem>>, vector<16xi32>,
    %get3A_496 = arith.constant 26 : i32
    %get3A_497 = arith.index_cast %get3A_496 : i32 to index
    %get3A_498 = arith.constant 0 : index
    %get3A_499 = tpu.vector_load %arg13[%get3A_497, %get3A_498] {strides = array<i32>} : memref<112x16xi32, #tpu.memory_space<vmem>>, vector<16xi32>,
    %gather3A_500 = tpu.vector_load_idx %arg10[%get3A_491, %get3A_495, %get3A_499] : memref<2x128x8xi32, #tpu.memory_space<vmem>>[vector<16xi32>, vector<16xi32>, vector<16xi32>], vector<16xi32>,
    %swap3A_501 = arith.constant 3 : i32
    %swap3A_502 = arith.index_cast %swap3A_501 : i32 to index
    %swap3A_503 = arith.constant 32 : index
    %swap3A_504 = tpu.vector_load %arg14[%swap3A_502, %swap3A_503] {strides = array<i32>} : memref<14x128xi32, #tpu.memory_space<vmem>>, vector<16xi32>,
    tpu.vector_store %arg14[%swap3A_502, %swap3A_503], %gather3A_500 {strides = array<i32>} : memref<14x128xi32, #tpu.memory_space<vmem>>, vector<16xi32>,
    %get3A_505 = arith.constant 27 : i32
    %get3A_506 = arith.index_cast %get3A_505 : i32 to index
    %get3A_507 = arith.constant 0 : index
    %get3A_508 = tpu.vector_load %arg11[%get3A_506, %get3A_507] {strides = array<i32>} : memref<112x16xi32, #tpu.memory_space<vmem>>, vector<16xi32>,
    %get3A_509 = arith.constant 27 : i32
    %get3A_510 = arith.index_cast %get3A_509 : i32 to index
    %get3A_511 = arith.constant 0 : index
    %get3A_512 = tpu.vector_load %arg12[%get3A_510, %get3A_511] {strides = array<i32>} : memref<112x16xi32, #tpu.memory_space<vmem>>, vector<16xi32>,
    %get3A_513 = arith.constant 27 : i32
    %get3A_514 = arith.index_cast %get3A_513 : i32 to index
    %get3A_515 = arith.constant 0 : index
    %get3A_516 = tpu.vector_load %arg13[%get3A_514, %get3A_515] {strides = array<i32>} : memref<112x16xi32, #tpu.memory_space<vmem>>, vector<16xi32>,
    %gather3A_517 = tpu.vector_load_idx %arg10[%get3A_508, %get3A_512, %get3A_516] : memref<2x128x8xi32, #tpu.memory_space<vmem>>[vector<16xi32>, vector<16xi32>, vector<16xi32>], vector<16xi32>,
    %swap3A_518 = arith.constant 3 : i32
    %swap3A_519 = arith.index_cast %swap3A_518 : i32 to index
    %swap3A_520 = arith.constant 48 : index
    %swap3A_521 = tpu.vector_load %arg14[%swap3A_519, %swap3A_520] {strides = array<i32>} : memref<14x128xi32, #tpu.memory_space<vmem>>, vector<16xi32>,
    tpu.vector_store %arg14[%swap3A_519, %swap3A_520], %gather3A_517 {strides = array<i32>} : memref<14x128xi32, #tpu.memory_space<vmem>>, vector<16xi32>,
    %get3A_522 = arith.constant 28 : i32
    %get3A_523 = arith.index_cast %get3A_522 : i32 to index
    %get3A_524 = arith.constant 0 : index
    %get3A_525 = tpu.vector_load %arg11[%get3A_523, %get3A_524] {strides = array<i32>} : memref<112x16xi32, #tpu.memory_space<vmem>>, vector<16xi32>,
    %get3A_526 = arith.constant 28 : i32
    %get3A_527 = arith.index_cast %get3A_526 : i32 to index
    %get3A_528 = arith.constant 0 : index
    %get3A_529 = tpu.vector_load %arg12[%get3A_527, %get3A_528] {strides = array<i32>} : memref<112x16xi32, #tpu.memory_space<vmem>>, vector<16xi32>,
    %get3A_530 = arith.constant 28 : i32
    %get3A_531 = arith.index_cast %get3A_530 : i32 to index
    %get3A_532 = arith.constant 0 : index
    %get3A_533 = tpu.vector_load %arg13[%get3A_531, %get3A_532] {strides = array<i32>} : memref<112x16xi32, #tpu.memory_space<vmem>>, vector<16xi32>,
    %gather3A_534 = tpu.vector_load_idx %arg10[%get3A_525, %get3A_529, %get3A_533] : memref<2x128x8xi32, #tpu.memory_space<vmem>>[vector<16xi32>, vector<16xi32>, vector<16xi32>], vector<16xi32>,
    %swap3A_535 = arith.constant 3 : i32
    %swap3A_536 = arith.index_cast %swap3A_535 : i32 to index
    %swap3A_537 = arith.constant 64 : index
    %swap3A_538 = tpu.vector_load %arg14[%swap3A_536, %swap3A_537] {strides = array<i32>} : memref<14x128xi32, #tpu.memory_space<vmem>>, vector<16xi32>,
    tpu.vector_store %arg14[%swap3A_536, %swap3A_537], %gather3A_534 {strides = array<i32>} : memref<14x128xi32, #tpu.memory_space<vmem>>, vector<16xi32>,
    %get3A_539 = arith.constant 29 : i32
    %get3A_540 = arith.index_cast %get3A_539 : i32 to index
    %get3A_541 = arith.constant 0 : index
    %get3A_542 = tpu.vector_load %arg11[%get3A_540, %get3A_541] {strides = array<i32>} : memref<112x16xi32, #tpu.memory_space<vmem>>, vector<16xi32>,
    %get3A_543 = arith.constant 29 : i32
    %get3A_544 = arith.index_cast %get3A_543 : i32 to index
    %get3A_545 = arith.constant 0 : index
    %get3A_546 = tpu.vector_load %arg12[%get3A_544, %get3A_545] {strides = array<i32>} : memref<112x16xi32, #tpu.memory_space<vmem>>, vector<16xi32>,
    %get3A_547 = arith.constant 29 : i32
    %get3A_548 = arith.index_cast %get3A_547 : i32 to index
    %get3A_549 = arith.constant 0 : index
    %get3A_550 = tpu.vector_load %arg13[%get3A_548, %get3A_549] {strides = array<i32>} : memref<112x16xi32, #tpu.memory_space<vmem>>, vector<16xi32>,
    %gather3A_551 = tpu.vector_load_idx %arg10[%get3A_542, %get3A_546, %get3A_550] : memref<2x128x8xi32, #tpu.memory_space<vmem>>[vector<16xi32>, vector<16xi32>, vector<16xi32>], vector<16xi32>,
    %swap3A_552 = arith.constant 3 : i32
    %swap3A_553 = arith.index_cast %swap3A_552 : i32 to index
    %swap3A_554 = arith.constant 80 : index
    %swap3A_555 = tpu.vector_load %arg14[%swap3A_553, %swap3A_554] {strides = array<i32>} : memref<14x128xi32, #tpu.memory_space<vmem>>, vector<16xi32>,
    tpu.vector_store %arg14[%swap3A_553, %swap3A_554], %gather3A_551 {strides = array<i32>} : memref<14x128xi32, #tpu.memory_space<vmem>>, vector<16xi32>,
    %get3A_556 = arith.constant 30 : i32
    %get3A_557 = arith.index_cast %get3A_556 : i32 to index
    %get3A_558 = arith.constant 0 : index
    %get3A_559 = tpu.vector_load %arg11[%get3A_557, %get3A_558] {strides = array<i32>} : memref<112x16xi32, #tpu.memory_space<vmem>>, vector<16xi32>,
    %get3A_560 = arith.constant 30 : i32
    %get3A_561 = arith.index_cast %get3A_560 : i32 to index
    %get3A_562 = arith.constant 0 : index
    %get3A_563 = tpu.vector_load %arg12[%get3A_561, %get3A_562] {strides = array<i32>} : memref<112x16xi32, #tpu.memory_space<vmem>>, vector<16xi32>,
    %get3A_564 = arith.constant 30 : i32
    %get3A_565 = arith.index_cast %get3A_564 : i32 to index
    %get3A_566 = arith.constant 0 : index
    %get3A_567 = tpu.vector_load %arg13[%get3A_565, %get3A_566] {strides = array<i32>} : memref<112x16xi32, #tpu.memory_space<vmem>>, vector<16xi32>,
    %gather3A_568 = tpu.vector_load_idx %arg10[%get3A_559, %get3A_563, %get3A_567] : memref<2x128x8xi32, #tpu.memory_space<vmem>>[vector<16xi32>, vector<16xi32>, vector<16xi32>], vector<16xi32>,
    %swap3A_569 = arith.constant 3 : i32
    %swap3A_570 = arith.index_cast %swap3A_569 : i32 to index
    %swap3A_571 = arith.constant 96 : index
    %swap3A_572 = tpu.vector_load %arg14[%swap3A_570, %swap3A_571] {strides = array<i32>} : memref<14x128xi32, #tpu.memory_space<vmem>>, vector<16xi32>,
    tpu.vector_store %arg14[%swap3A_570, %swap3A_571], %gather3A_568 {strides = array<i32>} : memref<14x128xi32, #tpu.memory_space<vmem>>, vector<16xi32>,
    %get3A_573 = arith.constant 31 : i32
    %get3A_574 = arith.index_cast %get3A_573 : i32 to index
    %get3A_575 = arith.constant 0 : index
    %get3A_576 = tpu.vector_load %arg11[%get3A_574, %get3A_575] {strides = array<i32>} : memref<112x16xi32, #tpu.memory_space<vmem>>, vector<16xi32>,
    %get3A_577 = arith.constant 31 : i32
    %get3A_578 = arith.index_cast %get3A_577 : i32 to index
    %get3A_579 = arith.constant 0 : index
    %get3A_580 = tpu.vector_load %arg12[%get3A_578, %get3A_579] {strides = array<i32>} : memref<112x16xi32, #tpu.memory_space<vmem>>, vector<16xi32>,
    %get3A_581 = arith.constant 31 : i32
    %get3A_582 = arith.index_cast %get3A_581 : i32 to index
    %get3A_583 = arith.constant 0 : index
    %get3A_584 = tpu.vector_load %arg13[%get3A_582, %get3A_583] {strides = array<i32>} : memref<112x16xi32, #tpu.memory_space<vmem>>, vector<16xi32>,
    %gather3A_585 = tpu.vector_load_idx %arg10[%get3A_576, %get3A_580, %get3A_584] : memref<2x128x8xi32, #tpu.memory_space<vmem>>[vector<16xi32>, vector<16xi32>, vector<16xi32>], vector<16xi32>,
    %swap3A_586 = arith.constant 3 : i32
    %swap3A_587 = arith.index_cast %swap3A_586 : i32 to index
    %swap3A_588 = arith.constant 112 : index
    %swap3A_589 = tpu.vector_load %arg14[%swap3A_587, %swap3A_588] {strides = array<i32>} : memref<14x128xi32, #tpu.memory_space<vmem>>, vector<16xi32>,
    tpu.vector_store %arg14[%swap3A_587, %swap3A_588], %gather3A_585 {strides = array<i32>} : memref<14x128xi32, #tpu.memory_space<vmem>>, vector<16xi32>,
    %get3A_590 = arith.constant 32 : i32
    %get3A_591 = arith.index_cast %get3A_590 : i32 to index
    %get3A_592 = arith.constant 0 : index
    %get3A_593 = tpu.vector_load %arg11[%get3A_591, %get3A_592] {strides = array<i32>} : memref<112x16xi32, #tpu.memory_space<vmem>>, vector<16xi32>,
    %get3A_594 = arith.constant 32 : i32
    %get3A_595 = arith.index_cast %get3A_594 : i32 to index
    %get3A_596 = arith.constant 0 : index
    %get3A_597 = tpu.vector_load %arg12[%get3A_595, %get3A_596] {strides = array<i32>} : memref<112x16xi32, #tpu.memory_space<vmem>>, vector<16xi32>,
    %get3A_598 = arith.constant 32 : i32
    %get3A_599 = arith.index_cast %get3A_598 : i32 to index
    %get3A_600 = arith.constant 0 : index
    %get3A_601 = tpu.vector_load %arg13[%get3A_599, %get3A_600] {strides = array<i32>} : memref<112x16xi32, #tpu.memory_space<vmem>>, vector<16xi32>,
    %gather3A_602 = tpu.vector_load_idx %arg10[%get3A_593, %get3A_597, %get3A_601] : memref<2x128x8xi32, #tpu.memory_space<vmem>>[vector<16xi32>, vector<16xi32>, vector<16xi32>], vector<16xi32>,
    %swap3A_603 = arith.constant 4 : i32
    %swap3A_604 = arith.index_cast %swap3A_603 : i32 to index
    %swap3A_605 = arith.constant 0 : index
    %swap3A_606 = tpu.vector_load %arg14[%swap3A_604, %swap3A_605] {strides = array<i32>} : memref<14x128xi32, #tpu.memory_space<vmem>>, vector<16xi32>,
    tpu.vector_store %arg14[%swap3A_604, %swap3A_605], %gather3A_602 {strides = array<i32>} : memref<14x128xi32, #tpu.memory_space<vmem>>, vector<16xi32>,
    %get3A_607 = arith.constant 33 : i32
    %get3A_608 = arith.index_cast %get3A_607 : i32 to index
    %get3A_609 = arith.constant 0 : index
    %get3A_610 = tpu.vector_load %arg11[%get3A_608, %get3A_609] {strides = array<i32>} : memref<112x16xi32, #tpu.memory_space<vmem>>, vector<16xi32>,
    %get3A_611 = arith.constant 33 : i32
    %get3A_612 = arith.index_cast %get3A_611 : i32 to index
    %get3A_613 = arith.constant 0 : index
    %get3A_614 = tpu.vector_load %arg12[%get3A_612, %get3A_613] {strides = array<i32>} : memref<112x16xi32, #tpu.memory_space<vmem>>, vector<16xi32>,
    %get3A_615 = arith.constant 33 : i32
    %get3A_616 = arith.index_cast %get3A_615 : i32 to index
    %get3A_617 = arith.constant 0 : index
    %get3A_618 = tpu.vector_load %arg13[%get3A_616, %get3A_617] {strides = array<i32>} : memref<112x16xi32, #tpu.memory_space<vmem>>, vector<16xi32>,
    %gather3A_619 = tpu.vector_load_idx %arg10[%get3A_610, %get3A_614, %get3A_618] : memref<2x128x8xi32, #tpu.memory_space<vmem>>[vector<16xi32>, vector<16xi32>, vector<16xi32>], vector<16xi32>,
    %swap3A_620 = arith.constant 4 : i32
    %swap3A_621 = arith.index_cast %swap3A_620 : i32 to index
    %swap3A_622 = arith.constant 16 : index
    %swap3A_623 = tpu.vector_load %arg14[%swap3A_621, %swap3A_622] {strides = array<i32>} : memref<14x128xi32, #tpu.memory_space<vmem>>, vector<16xi32>,
    tpu.vector_store %arg14[%swap3A_621, %swap3A_622], %gather3A_619 {strides = array<i32>} : memref<14x128xi32, #tpu.memory_space<vmem>>, vector<16xi32>,
    %get3A_624 = arith.constant 34 : i32
    %get3A_625 = arith.index_cast %get3A_624 : i32 to index
    %get3A_626 = arith.constant 0 : index
    %get3A_627 = tpu.vector_load %arg11[%get3A_625, %get3A_626] {strides = array<i32>} : memref<112x16xi32, #tpu.memory_space<vmem>>, vector<16xi32>,
    %get3A_628 = arith.constant 34 : i32
    %get3A_629 = arith.index_cast %get3A_628 : i32 to index
    %get3A_630 = arith.constant 0 : index
    %get3A_631 = tpu.vector_load %arg12[%get3A_629, %get3A_630] {strides = array<i32>} : memref<112x16xi32, #tpu.memory_space<vmem>>, vector<16xi32>,
    %get3A_632 = arith.constant 34 : i32
    %get3A_633 = arith.index_cast %get3A_632 : i32 to index
    %get3A_634 = arith.constant 0 : index
    %get3A_635 = tpu.vector_load %arg13[%get3A_633, %get3A_634] {strides = array<i32>} : memref<112x16xi32, #tpu.memory_space<vmem>>, vector<16xi32>,
    %gather3A_636 = tpu.vector_load_idx %arg10[%get3A_627, %get3A_631, %get3A_635] : memref<2x128x8xi32, #tpu.memory_space<vmem>>[vector<16xi32>, vector<16xi32>, vector<16xi32>], vector<16xi32>,
    %swap3A_637 = arith.constant 4 : i32
    %swap3A_638 = arith.index_cast %swap3A_637 : i32 to index
    %swap3A_639 = arith.constant 32 : index
    %swap3A_640 = tpu.vector_load %arg14[%swap3A_638, %swap3A_639] {strides = array<i32>} : memref<14x128xi32, #tpu.memory_space<vmem>>, vector<16xi32>,
    tpu.vector_store %arg14[%swap3A_638, %swap3A_639], %gather3A_636 {strides = array<i32>} : memref<14x128xi32, #tpu.memory_space<vmem>>, vector<16xi32>,
    %get3A_641 = arith.constant 35 : i32
    %get3A_642 = arith.index_cast %get3A_641 : i32 to index
    %get3A_643 = arith.constant 0 : index
    %get3A_644 = tpu.vector_load %arg11[%get3A_642, %get3A_643] {strides = array<i32>} : memref<112x16xi32, #tpu.memory_space<vmem>>, vector<16xi32>,
    %get3A_645 = arith.constant 35 : i32
    %get3A_646 = arith.index_cast %get3A_645 : i32 to index
    %get3A_647 = arith.constant 0 : index
    %get3A_648 = tpu.vector_load %arg12[%get3A_646, %get3A_647] {strides = array<i32>} : memref<112x16xi32, #tpu.memory_space<vmem>>, vector<16xi32>,
    %get3A_649 = arith.constant 35 : i32
    %get3A_650 = arith.index_cast %get3A_649 : i32 to index
    %get3A_651 = arith.constant 0 : index
    %get3A_652 = tpu.vector_load %arg13[%get3A_650, %get3A_651] {strides = array<i32>} : memref<112x16xi32, #tpu.memory_space<vmem>>, vector<16xi32>,
    %gather3A_653 = tpu.vector_load_idx %arg10[%get3A_644, %get3A_648, %get3A_652] : memref<2x128x8xi32, #tpu.memory_space<vmem>>[vector<16xi32>, vector<16xi32>, vector<16xi32>], vector<16xi32>,
    %swap3A_654 = arith.constant 4 : i32
    %swap3A_655 = arith.index_cast %swap3A_654 : i32 to index
    %swap3A_656 = arith.constant 48 : index
    %swap3A_657 = tpu.vector_load %arg14[%swap3A_655, %swap3A_656] {strides = array<i32>} : memref<14x128xi32, #tpu.memory_space<vmem>>, vector<16xi32>,
    tpu.vector_store %arg14[%swap3A_655, %swap3A_656], %gather3A_653 {strides = array<i32>} : memref<14x128xi32, #tpu.memory_space<vmem>>, vector<16xi32>,
    %get3A_658 = arith.constant 36 : i32
    %get3A_659 = arith.index_cast %get3A_658 : i32 to index
    %get3A_660 = arith.constant 0 : index
    %get3A_661 = tpu.vector_load %arg11[%get3A_659, %get3A_660] {strides = array<i32>} : memref<112x16xi32, #tpu.memory_space<vmem>>, vector<16xi32>,
    %get3A_662 = arith.constant 36 : i32
    %get3A_663 = arith.index_cast %get3A_662 : i32 to index
    %get3A_664 = arith.constant 0 : index
    %get3A_665 = tpu.vector_load %arg12[%get3A_663, %get3A_664] {strides = array<i32>} : memref<112x16xi32, #tpu.memory_space<vmem>>, vector<16xi32>,
    %get3A_666 = arith.constant 36 : i32
    %get3A_667 = arith.index_cast %get3A_666 : i32 to index
    %get3A_668 = arith.constant 0 : index
    %get3A_669 = tpu.vector_load %arg13[%get3A_667, %get3A_668] {strides = array<i32>} : memref<112x16xi32, #tpu.memory_space<vmem>>, vector<16xi32>,
    %gather3A_670 = tpu.vector_load_idx %arg10[%get3A_661, %get3A_665, %get3A_669] : memref<2x128x8xi32, #tpu.memory_space<vmem>>[vector<16xi32>, vector<16xi32>, vector<16xi32>], vector<16xi32>,
    %swap3A_671 = arith.constant 4 : i32
    %swap3A_672 = arith.index_cast %swap3A_671 : i32 to index
    %swap3A_673 = arith.constant 64 : index
    %swap3A_674 = tpu.vector_load %arg14[%swap3A_672, %swap3A_673] {strides = array<i32>} : memref<14x128xi32, #tpu.memory_space<vmem>>, vector<16xi32>,
    tpu.vector_store %arg14[%swap3A_672, %swap3A_673], %gather3A_670 {strides = array<i32>} : memref<14x128xi32, #tpu.memory_space<vmem>>, vector<16xi32>,
    %get3A_675 = arith.constant 37 : i32
    %get3A_676 = arith.index_cast %get3A_675 : i32 to index
    %get3A_677 = arith.constant 0 : index
    %get3A_678 = tpu.vector_load %arg11[%get3A_676, %get3A_677] {strides = array<i32>} : memref<112x16xi32, #tpu.memory_space<vmem>>, vector<16xi32>,
    %get3A_679 = arith.constant 37 : i32
    %get3A_680 = arith.index_cast %get3A_679 : i32 to index
    %get3A_681 = arith.constant 0 : index
    %get3A_682 = tpu.vector_load %arg12[%get3A_680, %get3A_681] {strides = array<i32>} : memref<112x16xi32, #tpu.memory_space<vmem>>, vector<16xi32>,
    %get3A_683 = arith.constant 37 : i32
    %get3A_684 = arith.index_cast %get3A_683 : i32 to index
    %get3A_685 = arith.constant 0 : index
    %get3A_686 = tpu.vector_load %arg13[%get3A_684, %get3A_685] {strides = array<i32>} : memref<112x16xi32, #tpu.memory_space<vmem>>, vector<16xi32>,
    %gather3A_687 = tpu.vector_load_idx %arg10[%get3A_678, %get3A_682, %get3A_686] : memref<2x128x8xi32, #tpu.memory_space<vmem>>[vector<16xi32>, vector<16xi32>, vector<16xi32>], vector<16xi32>,
    %swap3A_688 = arith.constant 4 : i32
    %swap3A_689 = arith.index_cast %swap3A_688 : i32 to index
    %swap3A_690 = arith.constant 80 : index
    %swap3A_691 = tpu.vector_load %arg14[%swap3A_689, %swap3A_690] {strides = array<i32>} : memref<14x128xi32, #tpu.memory_space<vmem>>, vector<16xi32>,
    tpu.vector_store %arg14[%swap3A_689, %swap3A_690], %gather3A_687 {strides = array<i32>} : memref<14x128xi32, #tpu.memory_space<vmem>>, vector<16xi32>,
    %get3A_692 = arith.constant 38 : i32
    %get3A_693 = arith.index_cast %get3A_692 : i32 to index
    %get3A_694 = arith.constant 0 : index
    %get3A_695 = tpu.vector_load %arg11[%get3A_693, %get3A_694] {strides = array<i32>} : memref<112x16xi32, #tpu.memory_space<vmem>>, vector<16xi32>,
    %get3A_696 = arith.constant 38 : i32
    %get3A_697 = arith.index_cast %get3A_696 : i32 to index
    %get3A_698 = arith.constant 0 : index
    %get3A_699 = tpu.vector_load %arg12[%get3A_697, %get3A_698] {strides = array<i32>} : memref<112x16xi32, #tpu.memory_space<vmem>>, vector<16xi32>,
    %get3A_700 = arith.constant 38 : i32
    %get3A_701 = arith.index_cast %get3A_700 : i32 to index
    %get3A_702 = arith.constant 0 : index
    %get3A_703 = tpu.vector_load %arg13[%get3A_701, %get3A_702] {strides = array<i32>} : memref<112x16xi32, #tpu.memory_space<vmem>>, vector<16xi32>,
    %gather3A_704 = tpu.vector_load_idx %arg10[%get3A_695, %get3A_699, %get3A_703] : memref<2x128x8xi32, #tpu.memory_space<vmem>>[vector<16xi32>, vector<16xi32>, vector<16xi32>], vector<16xi32>,
    %swap3A_705 = arith.constant 4 : i32
    %swap3A_706 = arith.index_cast %swap3A_705 : i32 to index
    %swap3A_707 = arith.constant 96 : index
    %swap3A_708 = tpu.vector_load %arg14[%swap3A_706, %swap3A_707] {strides = array<i32>} : memref<14x128xi32, #tpu.memory_space<vmem>>, vector<16xi32>,
    tpu.vector_store %arg14[%swap3A_706, %swap3A_707], %gather3A_704 {strides = array<i32>} : memref<14x128xi32, #tpu.memory_space<vmem>>, vector<16xi32>,
    %get3A_709 = arith.constant 39 : i32
    %get3A_710 = arith.index_cast %get3A_709 : i32 to index
    %get3A_711 = arith.constant 0 : index
    %get3A_712 = tpu.vector_load %arg11[%get3A_710, %get3A_711] {strides = array<i32>} : memref<112x16xi32, #tpu.memory_space<vmem>>, vector<16xi32>,
    %get3A_713 = arith.constant 39 : i32
    %get3A_714 = arith.index_cast %get3A_713 : i32 to index
    %get3A_715 = arith.constant 0 : index
    %get3A_716 = tpu.vector_load %arg12[%get3A_714, %get3A_715] {strides = array<i32>} : memref<112x16xi32, #tpu.memory_space<vmem>>, vector<16xi32>,
    %get3A_717 = arith.constant 39 : i32
    %get3A_718 = arith.index_cast %get3A_717 : i32 to index
    %get3A_719 = arith.constant 0 : index
    %get3A_720 = tpu.vector_load %arg13[%get3A_718, %get3A_719] {strides = array<i32>} : memref<112x16xi32, #tpu.memory_space<vmem>>, vector<16xi32>,
    %gather3A_721 = tpu.vector_load_idx %arg10[%get3A_712, %get3A_716, %get3A_720] : memref<2x128x8xi32, #tpu.memory_space<vmem>>[vector<16xi32>, vector<16xi32>, vector<16xi32>], vector<16xi32>,
    %swap3A_722 = arith.constant 4 : i32
    %swap3A_723 = arith.index_cast %swap3A_722 : i32 to index
    %swap3A_724 = arith.constant 112 : index
    %swap3A_725 = tpu.vector_load %arg14[%swap3A_723, %swap3A_724] {strides = array<i32>} : memref<14x128xi32, #tpu.memory_space<vmem>>, vector<16xi32>,
    tpu.vector_store %arg14[%swap3A_723, %swap3A_724], %gather3A_721 {strides = array<i32>} : memref<14x128xi32, #tpu.memory_space<vmem>>, vector<16xi32>,
    %get3A_726 = arith.constant 40 : i32
    %get3A_727 = arith.index_cast %get3A_726 : i32 to index
    %get3A_728 = arith.constant 0 : index
    %get3A_729 = tpu.vector_load %arg11[%get3A_727, %get3A_728] {strides = array<i32>} : memref<112x16xi32, #tpu.memory_space<vmem>>, vector<16xi32>,
    %get3A_730 = arith.constant 40 : i32
    %get3A_731 = arith.index_cast %get3A_730 : i32 to index
    %get3A_732 = arith.constant 0 : index
    %get3A_733 = tpu.vector_load %arg12[%get3A_731, %get3A_732] {strides = array<i32>} : memref<112x16xi32, #tpu.memory_space<vmem>>, vector<16xi32>,
    %get3A_734 = arith.constant 40 : i32
    %get3A_735 = arith.index_cast %get3A_734 : i32 to index
    %get3A_736 = arith.constant 0 : index
    %get3A_737 = tpu.vector_load %arg13[%get3A_735, %get3A_736] {strides = array<i32>} : memref<112x16xi32, #tpu.memory_space<vmem>>, vector<16xi32>,
    %gather3A_738 = tpu.vector_load_idx %arg10[%get3A_729, %get3A_733, %get3A_737] : memref<2x128x8xi32, #tpu.memory_space<vmem>>[vector<16xi32>, vector<16xi32>, vector<16xi32>], vector<16xi32>,
    %swap3A_739 = arith.constant 5 : i32
    %swap3A_740 = arith.index_cast %swap3A_739 : i32 to index
    %swap3A_741 = arith.constant 0 : index
    %swap3A_742 = tpu.vector_load %arg14[%swap3A_740, %swap3A_741] {strides = array<i32>} : memref<14x128xi32, #tpu.memory_space<vmem>>, vector<16xi32>,
    tpu.vector_store %arg14[%swap3A_740, %swap3A_741], %gather3A_738 {strides = array<i32>} : memref<14x128xi32, #tpu.memory_space<vmem>>, vector<16xi32>,
    %get3A_743 = arith.constant 41 : i32
    %get3A_744 = arith.index_cast %get3A_743 : i32 to index
    %get3A_745 = arith.constant 0 : index
    %get3A_746 = tpu.vector_load %arg11[%get3A_744, %get3A_745] {strides = array<i32>} : memref<112x16xi32, #tpu.memory_space<vmem>>, vector<16xi32>,
    %get3A_747 = arith.constant 41 : i32
    %get3A_748 = arith.index_cast %get3A_747 : i32 to index
    %get3A_749 = arith.constant 0 : index
    %get3A_750 = tpu.vector_load %arg12[%get3A_748, %get3A_749] {strides = array<i32>} : memref<112x16xi32, #tpu.memory_space<vmem>>, vector<16xi32>,
    %get3A_751 = arith.constant 41 : i32
    %get3A_752 = arith.index_cast %get3A_751 : i32 to index
    %get3A_753 = arith.constant 0 : index
    %get3A_754 = tpu.vector_load %arg13[%get3A_752, %get3A_753] {strides = array<i32>} : memref<112x16xi32, #tpu.memory_space<vmem>>, vector<16xi32>,
    %gather3A_755 = tpu.vector_load_idx %arg10[%get3A_746, %get3A_750, %get3A_754] : memref<2x128x8xi32, #tpu.memory_space<vmem>>[vector<16xi32>, vector<16xi32>, vector<16xi32>], vector<16xi32>,
    %swap3A_756 = arith.constant 5 : i32
    %swap3A_757 = arith.index_cast %swap3A_756 : i32 to index
    %swap3A_758 = arith.constant 16 : index
    %swap3A_759 = tpu.vector_load %arg14[%swap3A_757, %swap3A_758] {strides = array<i32>} : memref<14x128xi32, #tpu.memory_space<vmem>>, vector<16xi32>,
    tpu.vector_store %arg14[%swap3A_757, %swap3A_758], %gather3A_755 {strides = array<i32>} : memref<14x128xi32, #tpu.memory_space<vmem>>, vector<16xi32>,
    %get3A_760 = arith.constant 42 : i32
    %get3A_761 = arith.index_cast %get3A_760 : i32 to index
    %get3A_762 = arith.constant 0 : index
    %get3A_763 = tpu.vector_load %arg11[%get3A_761, %get3A_762] {strides = array<i32>} : memref<112x16xi32, #tpu.memory_space<vmem>>, vector<16xi32>,
    %get3A_764 = arith.constant 42 : i32
    %get3A_765 = arith.index_cast %get3A_764 : i32 to index
    %get3A_766 = arith.constant 0 : index
    %get3A_767 = tpu.vector_load %arg12[%get3A_765, %get3A_766] {strides = array<i32>} : memref<112x16xi32, #tpu.memory_space<vmem>>, vector<16xi32>,
    %get3A_768 = arith.constant 42 : i32
    %get3A_769 = arith.index_cast %get3A_768 : i32 to index
    %get3A_770 = arith.constant 0 : index
    %get3A_771 = tpu.vector_load %arg13[%get3A_769, %get3A_770] {strides = array<i32>} : memref<112x16xi32, #tpu.memory_space<vmem>>, vector<16xi32>,
    %gather3A_772 = tpu.vector_load_idx %arg10[%get3A_763, %get3A_767, %get3A_771] : memref<2x128x8xi32, #tpu.memory_space<vmem>>[vector<16xi32>, vector<16xi32>, vector<16xi32>], vector<16xi32>,
    %swap3A_773 = arith.constant 5 : i32
    %swap3A_774 = arith.index_cast %swap3A_773 : i32 to index
    %swap3A_775 = arith.constant 32 : index
    %swap3A_776 = tpu.vector_load %arg14[%swap3A_774, %swap3A_775] {strides = array<i32>} : memref<14x128xi32, #tpu.memory_space<vmem>>, vector<16xi32>,
    tpu.vector_store %arg14[%swap3A_774, %swap3A_775], %gather3A_772 {strides = array<i32>} : memref<14x128xi32, #tpu.memory_space<vmem>>, vector<16xi32>,
    %get3A_777 = arith.constant 43 : i32
    %get3A_778 = arith.index_cast %get3A_777 : i32 to index
    %get3A_779 = arith.constant 0 : index
    %get3A_780 = tpu.vector_load %arg11[%get3A_778, %get3A_779] {strides = array<i32>} : memref<112x16xi32, #tpu.memory_space<vmem>>, vector<16xi32>,
    %get3A_781 = arith.constant 43 : i32
    %get3A_782 = arith.index_cast %get3A_781 : i32 to index
    %get3A_783 = arith.constant 0 : index
    %get3A_784 = tpu.vector_load %arg12[%get3A_782, %get3A_783] {strides = array<i32>} : memref<112x16xi32, #tpu.memory_space<vmem>>, vector<16xi32>,
    %get3A_785 = arith.constant 43 : i32
    %get3A_786 = arith.index_cast %get3A_785 : i32 to index
    %get3A_787 = arith.constant 0 : index
    %get3A_788 = tpu.vector_load %arg13[%get3A_786, %get3A_787] {strides = array<i32>} : memref<112x16xi32, #tpu.memory_space<vmem>>, vector<16xi32>,
    %gather3A_789 = tpu.vector_load_idx %arg10[%get3A_780, %get3A_784, %get3A_788] : memref<2x128x8xi32, #tpu.memory_space<vmem>>[vector<16xi32>, vector<16xi32>, vector<16xi32>], vector<16xi32>,
    %swap3A_790 = arith.constant 5 : i32
    %swap3A_791 = arith.index_cast %swap3A_790 : i32 to index
    %swap3A_792 = arith.constant 48 : index
    %swap3A_793 = tpu.vector_load %arg14[%swap3A_791, %swap3A_792] {strides = array<i32>} : memref<14x128xi32, #tpu.memory_space<vmem>>, vector<16xi32>,
    tpu.vector_store %arg14[%swap3A_791, %swap3A_792], %gather3A_789 {strides = array<i32>} : memref<14x128xi32, #tpu.memory_space<vmem>>, vector<16xi32>,
    %get3A_794 = arith.constant 44 : i32
    %get3A_795 = arith.index_cast %get3A_794 : i32 to index
    %get3A_796 = arith.constant 0 : index
    %get3A_797 = tpu.vector_load %arg11[%get3A_795, %get3A_796] {strides = array<i32>} : memref<112x16xi32, #tpu.memory_space<vmem>>, vector<16xi32>,
    %get3A_798 = arith.constant 44 : i32
    %get3A_799 = arith.index_cast %get3A_798 : i32 to index
    %get3A_800 = arith.constant 0 : index
    %get3A_801 = tpu.vector_load %arg12[%get3A_799, %get3A_800] {strides = array<i32>} : memref<112x16xi32, #tpu.memory_space<vmem>>, vector<16xi32>,
    %get3A_802 = arith.constant 44 : i32
    %get3A_803 = arith.index_cast %get3A_802 : i32 to index
    %get3A_804 = arith.constant 0 : index
    %get3A_805 = tpu.vector_load %arg13[%get3A_803, %get3A_804] {strides = array<i32>} : memref<112x16xi32, #tpu.memory_space<vmem>>, vector<16xi32>,
    %gather3A_806 = tpu.vector_load_idx %arg10[%get3A_797, %get3A_801, %get3A_805] : memref<2x128x8xi32, #tpu.memory_space<vmem>>[vector<16xi32>, vector<16xi32>, vector<16xi32>], vector<16xi32>,
    %swap3A_807 = arith.constant 5 : i32
    %swap3A_808 = arith.index_cast %swap3A_807 : i32 to index
    %swap3A_809 = arith.constant 64 : index
    %swap3A_810 = tpu.vector_load %arg14[%swap3A_808, %swap3A_809] {strides = array<i32>} : memref<14x128xi32, #tpu.memory_space<vmem>>, vector<16xi32>,
    tpu.vector_store %arg14[%swap3A_808, %swap3A_809], %gather3A_806 {strides = array<i32>} : memref<14x128xi32, #tpu.memory_space<vmem>>, vector<16xi32>,
    %get3A_811 = arith.constant 45 : i32
    %get3A_812 = arith.index_cast %get3A_811 : i32 to index
    %get3A_813 = arith.constant 0 : index
    %get3A_814 = tpu.vector_load %arg11[%get3A_812, %get3A_813] {strides = array<i32>} : memref<112x16xi32, #tpu.memory_space<vmem>>, vector<16xi32>,
    %get3A_815 = arith.constant 45 : i32
    %get3A_816 = arith.index_cast %get3A_815 : i32 to index
    %get3A_817 = arith.constant 0 : index
    %get3A_818 = tpu.vector_load %arg12[%get3A_816, %get3A_817] {strides = array<i32>} : memref<112x16xi32, #tpu.memory_space<vmem>>, vector<16xi32>,
    %get3A_819 = arith.constant 45 : i32
    %get3A_820 = arith.index_cast %get3A_819 : i32 to index
    %get3A_821 = arith.constant 0 : index
    %get3A_822 = tpu.vector_load %arg13[%get3A_820, %get3A_821] {strides = array<i32>} : memref<112x16xi32, #tpu.memory_space<vmem>>, vector<16xi32>,
    %gather3A_823 = tpu.vector_load_idx %arg10[%get3A_814, %get3A_818, %get3A_822] : memref<2x128x8xi32, #tpu.memory_space<vmem>>[vector<16xi32>, vector<16xi32>, vector<16xi32>], vector<16xi32>,
    %swap3A_824 = arith.constant 5 : i32
    %swap3A_825 = arith.index_cast %swap3A_824 : i32 to index
    %swap3A_826 = arith.constant 80 : index
    %swap3A_827 = tpu.vector_load %arg14[%swap3A_825, %swap3A_826] {strides = array<i32>} : memref<14x128xi32, #tpu.memory_space<vmem>>, vector<16xi32>,
    tpu.vector_store %arg14[%swap3A_825, %swap3A_826], %gather3A_823 {strides = array<i32>} : memref<14x128xi32, #tpu.memory_space<vmem>>, vector<16xi32>,
    %get3A_828 = arith.constant 46 : i32
    %get3A_829 = arith.index_cast %get3A_828 : i32 to index
    %get3A_830 = arith.constant 0 : index
    %get3A_831 = tpu.vector_load %arg11[%get3A_829, %get3A_830] {strides = array<i32>} : memref<112x16xi32, #tpu.memory_space<vmem>>, vector<16xi32>,
    %get3A_832 = arith.constant 46 : i32
    %get3A_833 = arith.index_cast %get3A_832 : i32 to index
    %get3A_834 = arith.constant 0 : index
    %get3A_835 = tpu.vector_load %arg12[%get3A_833, %get3A_834] {strides = array<i32>} : memref<112x16xi32, #tpu.memory_space<vmem>>, vector<16xi32>,
    %get3A_836 = arith.constant 46 : i32
    %get3A_837 = arith.index_cast %get3A_836 : i32 to index
    %get3A_838 = arith.constant 0 : index
    %get3A_839 = tpu.vector_load %arg13[%get3A_837, %get3A_838] {strides = array<i32>} : memref<112x16xi32, #tpu.memory_space<vmem>>, vector<16xi32>,
    %gather3A_840 = tpu.vector_load_idx %arg10[%get3A_831, %get3A_835, %get3A_839] : memref<2x128x8xi32, #tpu.memory_space<vmem>>[vector<16xi32>, vector<16xi32>, vector<16xi32>], vector<16xi32>,
    %swap3A_841 = arith.constant 5 : i32
    %swap3A_842 = arith.index_cast %swap3A_841 : i32 to index
    %swap3A_843 = arith.constant 96 : index
    %swap3A_844 = tpu.vector_load %arg14[%swap3A_842, %swap3A_843] {strides = array<i32>} : memref<14x128xi32, #tpu.memory_space<vmem>>, vector<16xi32>,
    tpu.vector_store %arg14[%swap3A_842, %swap3A_843], %gather3A_840 {strides = array<i32>} : memref<14x128xi32, #tpu.memory_space<vmem>>, vector<16xi32>,
    %get3A_845 = arith.constant 47 : i32
    %get3A_846 = arith.index_cast %get3A_845 : i32 to index
    %get3A_847 = arith.constant 0 : index
    %get3A_848 = tpu.vector_load %arg11[%get3A_846, %get3A_847] {strides = array<i32>} : memref<112x16xi32, #tpu.memory_space<vmem>>, vector<16xi32>,
    %get3A_849 = arith.constant 47 : i32
    %get3A_850 = arith.index_cast %get3A_849 : i32 to index
    %get3A_851 = arith.constant 0 : index
    %get3A_852 = tpu.vector_load %arg12[%get3A_850, %get3A_851] {strides = array<i32>} : memref<112x16xi32, #tpu.memory_space<vmem>>, vector<16xi32>,
    %get3A_853 = arith.constant 47 : i32
    %get3A_854 = arith.index_cast %get3A_853 : i32 to index
    %get3A_855 = arith.constant 0 : index
    %get3A_856 = tpu.vector_load %arg13[%get3A_854, %get3A_855] {strides = array<i32>} : memref<112x16xi32, #tpu.memory_space<vmem>>, vector<16xi32>,
    %gather3A_857 = tpu.vector_load_idx %arg10[%get3A_848, %get3A_852, %get3A_856] : memref<2x128x8xi32, #tpu.memory_space<vmem>>[vector<16xi32>, vector<16xi32>, vector<16xi32>], vector<16xi32>,
    %swap3A_858 = arith.constant 5 : i32
    %swap3A_859 = arith.index_cast %swap3A_858 : i32 to index
    %swap3A_860 = arith.constant 112 : index
    %swap3A_861 = tpu.vector_load %arg14[%swap3A_859, %swap3A_860] {strides = array<i32>} : memref<14x128xi32, #tpu.memory_space<vmem>>, vector<16xi32>,
    tpu.vector_store %arg14[%swap3A_859, %swap3A_860], %gather3A_857 {strides = array<i32>} : memref<14x128xi32, #tpu.memory_space<vmem>>, vector<16xi32>,
    %get3A_862 = arith.constant 48 : i32
    %get3A_863 = arith.index_cast %get3A_862 : i32 to index
    %get3A_864 = arith.constant 0 : index
    %get3A_865 = tpu.vector_load %arg11[%get3A_863, %get3A_864] {strides = array<i32>} : memref<112x16xi32, #tpu.memory_space<vmem>>, vector<16xi32>,
    %get3A_866 = arith.constant 48 : i32
    %get3A_867 = arith.index_cast %get3A_866 : i32 to index
    %get3A_868 = arith.constant 0 : index
    %get3A_869 = tpu.vector_load %arg12[%get3A_867, %get3A_868] {strides = array<i32>} : memref<112x16xi32, #tpu.memory_space<vmem>>, vector<16xi32>,
    %get3A_870 = arith.constant 48 : i32
    %get3A_871 = arith.index_cast %get3A_870 : i32 to index
    %get3A_872 = arith.constant 0 : index
    %get3A_873 = tpu.vector_load %arg13[%get3A_871, %get3A_872] {strides = array<i32>} : memref<112x16xi32, #tpu.memory_space<vmem>>, vector<16xi32>,
    %gather3A_874 = tpu.vector_load_idx %arg10[%get3A_865, %get3A_869, %get3A_873] : memref<2x128x8xi32, #tpu.memory_space<vmem>>[vector<16xi32>, vector<16xi32>, vector<16xi32>], vector<16xi32>,
    %swap3A_875 = arith.constant 6 : i32
    %swap3A_876 = arith.index_cast %swap3A_875 : i32 to index
    %swap3A_877 = arith.constant 0 : index
    %swap3A_878 = tpu.vector_load %arg14[%swap3A_876, %swap3A_877] {strides = array<i32>} : memref<14x128xi32, #tpu.memory_space<vmem>>, vector<16xi32>,
    tpu.vector_store %arg14[%swap3A_876, %swap3A_877], %gather3A_874 {strides = array<i32>} : memref<14x128xi32, #tpu.memory_space<vmem>>, vector<16xi32>,
    %get3A_879 = arith.constant 49 : i32
    %get3A_880 = arith.index_cast %get3A_879 : i32 to index
    %get3A_881 = arith.constant 0 : index
    %get3A_882 = tpu.vector_load %arg11[%get3A_880, %get3A_881] {strides = array<i32>} : memref<112x16xi32, #tpu.memory_space<vmem>>, vector<16xi32>,
    %get3A_883 = arith.constant 49 : i32
    %get3A_884 = arith.index_cast %get3A_883 : i32 to index
    %get3A_885 = arith.constant 0 : index
    %get3A_886 = tpu.vector_load %arg12[%get3A_884, %get3A_885] {strides = array<i32>} : memref<112x16xi32, #tpu.memory_space<vmem>>, vector<16xi32>,
    %get3A_887 = arith.constant 49 : i32
    %get3A_888 = arith.index_cast %get3A_887 : i32 to index
    %get3A_889 = arith.constant 0 : index
    %get3A_890 = tpu.vector_load %arg13[%get3A_888, %get3A_889] {strides = array<i32>} : memref<112x16xi32, #tpu.memory_space<vmem>>, vector<16xi32>,
    %gather3A_891 = tpu.vector_load_idx %arg10[%get3A_882, %get3A_886, %get3A_890] : memref<2x128x8xi32, #tpu.memory_space<vmem>>[vector<16xi32>, vector<16xi32>, vector<16xi32>], vector<16xi32>,
    %swap3A_892 = arith.constant 6 : i32
    %swap3A_893 = arith.index_cast %swap3A_892 : i32 to index
    %swap3A_894 = arith.constant 16 : index
    %swap3A_895 = tpu.vector_load %arg14[%swap3A_893, %swap3A_894] {strides = array<i32>} : memref<14x128xi32, #tpu.memory_space<vmem>>, vector<16xi32>,
    tpu.vector_store %arg14[%swap3A_893, %swap3A_894], %gather3A_891 {strides = array<i32>} : memref<14x128xi32, #tpu.memory_space<vmem>>, vector<16xi32>,
    %get3A_896 = arith.constant 50 : i32
    %get3A_897 = arith.index_cast %get3A_896 : i32 to index
    %get3A_898 = arith.constant 0 : index
    %get3A_899 = tpu.vector_load %arg11[%get3A_897, %get3A_898] {strides = array<i32>} : memref<112x16xi32, #tpu.memory_space<vmem>>, vector<16xi32>,
    %get3A_900 = arith.constant 50 : i32
    %get3A_901 = arith.index_cast %get3A_900 : i32 to index
    %get3A_902 = arith.constant 0 : index
    %get3A_903 = tpu.vector_load %arg12[%get3A_901, %get3A_902] {strides = array<i32>} : memref<112x16xi32, #tpu.memory_space<vmem>>, vector<16xi32>,
    %get3A_904 = arith.constant 50 : i32
    %get3A_905 = arith.index_cast %get3A_904 : i32 to index
    %get3A_906 = arith.constant 0 : index
    %get3A_907 = tpu.vector_load %arg13[%get3A_905, %get3A_906] {strides = array<i32>} : memref<112x16xi32, #tpu.memory_space<vmem>>, vector<16xi32>,
    %gather3A_908 = tpu.vector_load_idx %arg10[%get3A_899, %get3A_903, %get3A_907] : memref<2x128x8xi32, #tpu.memory_space<vmem>>[vector<16xi32>, vector<16xi32>, vector<16xi32>], vector<16xi32>,
    %swap3A_909 = arith.constant 6 : i32
    %swap3A_910 = arith.index_cast %swap3A_909 : i32 to index
    %swap3A_911 = arith.constant 32 : index
    %swap3A_912 = tpu.vector_load %arg14[%swap3A_910, %swap3A_911] {strides = array<i32>} : memref<14x128xi32, #tpu.memory_space<vmem>>, vector<16xi32>,
    tpu.vector_store %arg14[%swap3A_910, %swap3A_911], %gather3A_908 {strides = array<i32>} : memref<14x128xi32, #tpu.memory_space<vmem>>, vector<16xi32>,
    %get3A_913 = arith.constant 51 : i32
    %get3A_914 = arith.index_cast %get3A_913 : i32 to index
    %get3A_915 = arith.constant 0 : index
    %get3A_916 = tpu.vector_load %arg11[%get3A_914, %get3A_915] {strides = array<i32>} : memref<112x16xi32, #tpu.memory_space<vmem>>, vector<16xi32>,
    %get3A_917 = arith.constant 51 : i32
    %get3A_918 = arith.index_cast %get3A_917 : i32 to index
    %get3A_919 = arith.constant 0 : index
    %get3A_920 = tpu.vector_load %arg12[%get3A_918, %get3A_919] {strides = array<i32>} : memref<112x16xi32, #tpu.memory_space<vmem>>, vector<16xi32>,
    %get3A_921 = arith.constant 51 : i32
    %get3A_922 = arith.index_cast %get3A_921 : i32 to index
    %get3A_923 = arith.constant 0 : index
    %get3A_924 = tpu.vector_load %arg13[%get3A_922, %get3A_923] {strides = array<i32>} : memref<112x16xi32, #tpu.memory_space<vmem>>, vector<16xi32>,
    %gather3A_925 = tpu.vector_load_idx %arg10[%get3A_916, %get3A_920, %get3A_924] : memref<2x128x8xi32, #tpu.memory_space<vmem>>[vector<16xi32>, vector<16xi32>, vector<16xi32>], vector<16xi32>,
    %swap3A_926 = arith.constant 6 : i32
    %swap3A_927 = arith.index_cast %swap3A_926 : i32 to index
    %swap3A_928 = arith.constant 48 : index
    %swap3A_929 = tpu.vector_load %arg14[%swap3A_927, %swap3A_928] {strides = array<i32>} : memref<14x128xi32, #tpu.memory_space<vmem>>, vector<16xi32>,
    tpu.vector_store %arg14[%swap3A_927, %swap3A_928], %gather3A_925 {strides = array<i32>} : memref<14x128xi32, #tpu.memory_space<vmem>>, vector<16xi32>,
    %get3A_930 = arith.constant 52 : i32
    %get3A_931 = arith.index_cast %get3A_930 : i32 to index
    %get3A_932 = arith.constant 0 : index
    %get3A_933 = tpu.vector_load %arg11[%get3A_931, %get3A_932] {strides = array<i32>} : memref<112x16xi32, #tpu.memory_space<vmem>>, vector<16xi32>,
    %get3A_934 = arith.constant 52 : i32
    %get3A_935 = arith.index_cast %get3A_934 : i32 to index
    %get3A_936 = arith.constant 0 : index
    %get3A_937 = tpu.vector_load %arg12[%get3A_935, %get3A_936] {strides = array<i32>} : memref<112x16xi32, #tpu.memory_space<vmem>>, vector<16xi32>,
    %get3A_938 = arith.constant 52 : i32
    %get3A_939 = arith.index_cast %get3A_938 : i32 to index
    %get3A_940 = arith.constant 0 : index
    %get3A_941 = tpu.vector_load %arg13[%get3A_939, %get3A_940] {strides = array<i32>} : memref<112x16xi32, #tpu.memory_space<vmem>>, vector<16xi32>,
    %gather3A_942 = tpu.vector_load_idx %arg10[%get3A_933, %get3A_937, %get3A_941] : memref<2x128x8xi32, #tpu.memory_space<vmem>>[vector<16xi32>, vector<16xi32>, vector<16xi32>], vector<16xi32>,
    %swap3A_943 = arith.constant 6 : i32
    %swap3A_944 = arith.index_cast %swap3A_943 : i32 to index
    %swap3A_945 = arith.constant 64 : index
    %swap3A_946 = tpu.vector_load %arg14[%swap3A_944, %swap3A_945] {strides = array<i32>} : memref<14x128xi32, #tpu.memory_space<vmem>>, vector<16xi32>,
    tpu.vector_store %arg14[%swap3A_944, %swap3A_945], %gather3A_942 {strides = array<i32>} : memref<14x128xi32, #tpu.memory_space<vmem>>, vector<16xi32>,
    %get3A_947 = arith.constant 53 : i32
    %get3A_948 = arith.index_cast %get3A_947 : i32 to index
    %get3A_949 = arith.constant 0 : index
    %get3A_950 = tpu.vector_load %arg11[%get3A_948, %get3A_949] {strides = array<i32>} : memref<112x16xi32, #tpu.memory_space<vmem>>, vector<16xi32>,
    %get3A_951 = arith.constant 53 : i32
    %get3A_952 = arith.index_cast %get3A_951 : i32 to index
    %get3A_953 = arith.constant 0 : index
    %get3A_954 = tpu.vector_load %arg12[%get3A_952, %get3A_953] {strides = array<i32>} : memref<112x16xi32, #tpu.memory_space<vmem>>, vector<16xi32>,
    %get3A_955 = arith.constant 53 : i32
    %get3A_956 = arith.index_cast %get3A_955 : i32 to index
    %get3A_957 = arith.constant 0 : index
    %get3A_958 = tpu.vector_load %arg13[%get3A_956, %get3A_957] {strides = array<i32>} : memref<112x16xi32, #tpu.memory_space<vmem>>, vector<16xi32>,
    %gather3A_959 = tpu.vector_load_idx %arg10[%get3A_950, %get3A_954, %get3A_958] : memref<2x128x8xi32, #tpu.memory_space<vmem>>[vector<16xi32>, vector<16xi32>, vector<16xi32>], vector<16xi32>,
    %swap3A_960 = arith.constant 6 : i32
    %swap3A_961 = arith.index_cast %swap3A_960 : i32 to index
    %swap3A_962 = arith.constant 80 : index
    %swap3A_963 = tpu.vector_load %arg14[%swap3A_961, %swap3A_962] {strides = array<i32>} : memref<14x128xi32, #tpu.memory_space<vmem>>, vector<16xi32>,
    tpu.vector_store %arg14[%swap3A_961, %swap3A_962], %gather3A_959 {strides = array<i32>} : memref<14x128xi32, #tpu.memory_space<vmem>>, vector<16xi32>,
    %get3A_964 = arith.constant 54 : i32
    %get3A_965 = arith.index_cast %get3A_964 : i32 to index
    %get3A_966 = arith.constant 0 : index
    %get3A_967 = tpu.vector_load %arg11[%get3A_965, %get3A_966] {strides = array<i32>} : memref<112x16xi32, #tpu.memory_space<vmem>>, vector<16xi32>,
    %get3A_968 = arith.constant 54 : i32
    %get3A_969 = arith.index_cast %get3A_968 : i32 to index
    %get3A_970 = arith.constant 0 : index
    %get3A_971 = tpu.vector_load %arg12[%get3A_969, %get3A_970] {strides = array<i32>} : memref<112x16xi32, #tpu.memory_space<vmem>>, vector<16xi32>,
    %get3A_972 = arith.constant 54 : i32
    %get3A_973 = arith.index_cast %get3A_972 : i32 to index
    %get3A_974 = arith.constant 0 : index
    %get3A_975 = tpu.vector_load %arg13[%get3A_973, %get3A_974] {strides = array<i32>} : memref<112x16xi32, #tpu.memory_space<vmem>>, vector<16xi32>,
    %gather3A_976 = tpu.vector_load_idx %arg10[%get3A_967, %get3A_971, %get3A_975] : memref<2x128x8xi32, #tpu.memory_space<vmem>>[vector<16xi32>, vector<16xi32>, vector<16xi32>], vector<16xi32>,
    %swap3A_977 = arith.constant 6 : i32
    %swap3A_978 = arith.index_cast %swap3A_977 : i32 to index
    %swap3A_979 = arith.constant 96 : index
    %swap3A_980 = tpu.vector_load %arg14[%swap3A_978, %swap3A_979] {strides = array<i32>} : memref<14x128xi32, #tpu.memory_space<vmem>>, vector<16xi32>,
    tpu.vector_store %arg14[%swap3A_978, %swap3A_979], %gather3A_976 {strides = array<i32>} : memref<14x128xi32, #tpu.memory_space<vmem>>, vector<16xi32>,
    %get3A_981 = arith.constant 55 : i32
    %get3A_982 = arith.index_cast %get3A_981 : i32 to index
    %get3A_983 = arith.constant 0 : index
    %get3A_984 = tpu.vector_load %arg11[%get3A_982, %get3A_983] {strides = array<i32>} : memref<112x16xi32, #tpu.memory_space<vmem>>, vector<16xi32>,
    %get3A_985 = arith.constant 55 : i32
    %get3A_986 = arith.index_cast %get3A_985 : i32 to index
    %get3A_987 = arith.constant 0 : index
    %get3A_988 = tpu.vector_load %arg12[%get3A_986, %get3A_987] {strides = array<i32>} : memref<112x16xi32, #tpu.memory_space<vmem>>, vector<16xi32>,
    %get3A_989 = arith.constant 55 : i32
    %get3A_990 = arith.index_cast %get3A_989 : i32 to index
    %get3A_991 = arith.constant 0 : index
    %get3A_992 = tpu.vector_load %arg13[%get3A_990, %get3A_991] {strides = array<i32>} : memref<112x16xi32, #tpu.memory_space<vmem>>, vector<16xi32>,
    %gather3A_993 = tpu.vector_load_idx %arg10[%get3A_984, %get3A_988, %get3A_992] : memref<2x128x8xi32, #tpu.memory_space<vmem>>[vector<16xi32>, vector<16xi32>, vector<16xi32>], vector<16xi32>,
    %swap3A_994 = arith.constant 6 : i32
    %swap3A_995 = arith.index_cast %swap3A_994 : i32 to index
    %swap3A_996 = arith.constant 112 : index
    %swap3A_997 = tpu.vector_load %arg14[%swap3A_995, %swap3A_996] {strides = array<i32>} : memref<14x128xi32, #tpu.memory_space<vmem>>, vector<16xi32>,
    tpu.vector_store %arg14[%swap3A_995, %swap3A_996], %gather3A_993 {strides = array<i32>} : memref<14x128xi32, #tpu.memory_space<vmem>>, vector<16xi32>,
    %get3A_998 = arith.constant 56 : i32
    %get3A_999 = arith.index_cast %get3A_998 : i32 to index
    %get3A_1000 = arith.constant 0 : index
    %get3A_1001 = tpu.vector_load %arg11[%get3A_999, %get3A_1000] {strides = array<i32>} : memref<112x16xi32, #tpu.memory_space<vmem>>, vector<16xi32>,
    %get3A_1002 = arith.constant 56 : i32
    %get3A_1003 = arith.index_cast %get3A_1002 : i32 to index
    %get3A_1004 = arith.constant 0 : index
    %get3A_1005 = tpu.vector_load %arg12[%get3A_1003, %get3A_1004] {strides = array<i32>} : memref<112x16xi32, #tpu.memory_space<vmem>>, vector<16xi32>,
    %get3A_1006 = arith.constant 56 : i32
    %get3A_1007 = arith.index_cast %get3A_1006 : i32 to index
    %get3A_1008 = arith.constant 0 : index
    %get3A_1009 = tpu.vector_load %arg13[%get3A_1007, %get3A_1008] {strides = array<i32>} : memref<112x16xi32, #tpu.memory_space<vmem>>, vector<16xi32>,
    %gather3A_1010 = tpu.vector_load_idx %arg10[%get3A_1001, %get3A_1005, %get3A_1009] : memref<2x128x8xi32, #tpu.memory_space<vmem>>[vector<16xi32>, vector<16xi32>, vector<16xi32>], vector<16xi32>,
    %swap3A_1011 = arith.constant 7 : i32
    %swap3A_1012 = arith.index_cast %swap3A_1011 : i32 to index
    %swap3A_1013 = arith.constant 0 : index
    %swap3A_1014 = tpu.vector_load %arg14[%swap3A_1012, %swap3A_1013] {strides = array<i32>} : memref<14x128xi32, #tpu.memory_space<vmem>>, vector<16xi32>,
    tpu.vector_store %arg14[%swap3A_1012, %swap3A_1013], %gather3A_1010 {strides = array<i32>} : memref<14x128xi32, #tpu.memory_space<vmem>>, vector<16xi32>,
    %get3A_1015 = arith.constant 57 : i32
    %get3A_1016 = arith.index_cast %get3A_1015 : i32 to index
    %get3A_1017 = arith.constant 0 : index
    %get3A_1018 = tpu.vector_load %arg11[%get3A_1016, %get3A_1017] {strides = array<i32>} : memref<112x16xi32, #tpu.memory_space<vmem>>, vector<16xi32>,
    %get3A_1019 = arith.constant 57 : i32
    %get3A_1020 = arith.index_cast %get3A_1019 : i32 to index
    %get3A_1021 = arith.constant 0 : index
    %get3A_1022 = tpu.vector_load %arg12[%get3A_1020, %get3A_1021] {strides = array<i32>} : memref<112x16xi32, #tpu.memory_space<vmem>>, vector<16xi32>,
    %get3A_1023 = arith.constant 57 : i32
    %get3A_1024 = arith.index_cast %get3A_1023 : i32 to index
    %get3A_1025 = arith.constant 0 : index
    %get3A_1026 = tpu.vector_load %arg13[%get3A_1024, %get3A_1025] {strides = array<i32>} : memref<112x16xi32, #tpu.memory_space<vmem>>, vector<16xi32>,
    %gather3A_1027 = tpu.vector_load_idx %arg10[%get3A_1018, %get3A_1022, %get3A_1026] : memref<2x128x8xi32, #tpu.memory_space<vmem>>[vector<16xi32>, vector<16xi32>, vector<16xi32>], vector<16xi32>,
    %swap3A_1028 = arith.constant 7 : i32
    %swap3A_1029 = arith.index_cast %swap3A_1028 : i32 to index
    %swap3A_1030 = arith.constant 16 : index
    %swap3A_1031 = tpu.vector_load %arg14[%swap3A_1029, %swap3A_1030] {strides = array<i32>} : memref<14x128xi32, #tpu.memory_space<vmem>>, vector<16xi32>,
    tpu.vector_store %arg14[%swap3A_1029, %swap3A_1030], %gather3A_1027 {strides = array<i32>} : memref<14x128xi32, #tpu.memory_space<vmem>>, vector<16xi32>,
    %get3A_1032 = arith.constant 58 : i32
    %get3A_1033 = arith.index_cast %get3A_1032 : i32 to index
    %get3A_1034 = arith.constant 0 : index
    %get3A_1035 = tpu.vector_load %arg11[%get3A_1033, %get3A_1034] {strides = array<i32>} : memref<112x16xi32, #tpu.memory_space<vmem>>, vector<16xi32>,
    %get3A_1036 = arith.constant 58 : i32
    %get3A_1037 = arith.index_cast %get3A_1036 : i32 to index
    %get3A_1038 = arith.constant 0 : index
    %get3A_1039 = tpu.vector_load %arg12[%get3A_1037, %get3A_1038] {strides = array<i32>} : memref<112x16xi32, #tpu.memory_space<vmem>>, vector<16xi32>,
    %get3A_1040 = arith.constant 58 : i32
    %get3A_1041 = arith.index_cast %get3A_1040 : i32 to index
    %get3A_1042 = arith.constant 0 : index
    %get3A_1043 = tpu.vector_load %arg13[%get3A_1041, %get3A_1042] {strides = array<i32>} : memref<112x16xi32, #tpu.memory_space<vmem>>, vector<16xi32>,
    %gather3A_1044 = tpu.vector_load_idx %arg10[%get3A_1035, %get3A_1039, %get3A_1043] : memref<2x128x8xi32, #tpu.memory_space<vmem>>[vector<16xi32>, vector<16xi32>, vector<16xi32>], vector<16xi32>,
    %swap3A_1045 = arith.constant 7 : i32
    %swap3A_1046 = arith.index_cast %swap3A_1045 : i32 to index
    %swap3A_1047 = arith.constant 32 : index
    %swap3A_1048 = tpu.vector_load %arg14[%swap3A_1046, %swap3A_1047] {strides = array<i32>} : memref<14x128xi32, #tpu.memory_space<vmem>>, vector<16xi32>,
    tpu.vector_store %arg14[%swap3A_1046, %swap3A_1047], %gather3A_1044 {strides = array<i32>} : memref<14x128xi32, #tpu.memory_space<vmem>>, vector<16xi32>,
    %get3A_1049 = arith.constant 59 : i32
    %get3A_1050 = arith.index_cast %get3A_1049 : i32 to index
    %get3A_1051 = arith.constant 0 : index
    %get3A_1052 = tpu.vector_load %arg11[%get3A_1050, %get3A_1051] {strides = array<i32>} : memref<112x16xi32, #tpu.memory_space<vmem>>, vector<16xi32>,
    %get3A_1053 = arith.constant 59 : i32
    %get3A_1054 = arith.index_cast %get3A_1053 : i32 to index
    %get3A_1055 = arith.constant 0 : index
    %get3A_1056 = tpu.vector_load %arg12[%get3A_1054, %get3A_1055] {strides = array<i32>} : memref<112x16xi32, #tpu.memory_space<vmem>>, vector<16xi32>,
    %get3A_1057 = arith.constant 59 : i32
    %get3A_1058 = arith.index_cast %get3A_1057 : i32 to index
    %get3A_1059 = arith.constant 0 : index
    %get3A_1060 = tpu.vector_load %arg13[%get3A_1058, %get3A_1059] {strides = array<i32>} : memref<112x16xi32, #tpu.memory_space<vmem>>, vector<16xi32>,
    %gather3A_1061 = tpu.vector_load_idx %arg10[%get3A_1052, %get3A_1056, %get3A_1060] : memref<2x128x8xi32, #tpu.memory_space<vmem>>[vector<16xi32>, vector<16xi32>, vector<16xi32>], vector<16xi32>,
    %swap3A_1062 = arith.constant 7 : i32
    %swap3A_1063 = arith.index_cast %swap3A_1062 : i32 to index
    %swap3A_1064 = arith.constant 48 : index
    %swap3A_1065 = tpu.vector_load %arg14[%swap3A_1063, %swap3A_1064] {strides = array<i32>} : memref<14x128xi32, #tpu.memory_space<vmem>>, vector<16xi32>,
    tpu.vector_store %arg14[%swap3A_1063, %swap3A_1064], %gather3A_1061 {strides = array<i32>} : memref<14x128xi32, #tpu.memory_space<vmem>>, vector<16xi32>,
    %get3A_1066 = arith.constant 60 : i32
    %get3A_1067 = arith.index_cast %get3A_1066 : i32 to index
    %get3A_1068 = arith.constant 0 : index
    %get3A_1069 = tpu.vector_load %arg11[%get3A_1067, %get3A_1068] {strides = array<i32>} : memref<112x16xi32, #tpu.memory_space<vmem>>, vector<16xi32>,
    %get3A_1070 = arith.constant 60 : i32
    %get3A_1071 = arith.index_cast %get3A_1070 : i32 to index
    %get3A_1072 = arith.constant 0 : index
    %get3A_1073 = tpu.vector_load %arg12[%get3A_1071, %get3A_1072] {strides = array<i32>} : memref<112x16xi32, #tpu.memory_space<vmem>>, vector<16xi32>,
    %get3A_1074 = arith.constant 60 : i32
    %get3A_1075 = arith.index_cast %get3A_1074 : i32 to index
    %get3A_1076 = arith.constant 0 : index
    %get3A_1077 = tpu.vector_load %arg13[%get3A_1075, %get3A_1076] {strides = array<i32>} : memref<112x16xi32, #tpu.memory_space<vmem>>, vector<16xi32>,
    %gather3A_1078 = tpu.vector_load_idx %arg10[%get3A_1069, %get3A_1073, %get3A_1077] : memref<2x128x8xi32, #tpu.memory_space<vmem>>[vector<16xi32>, vector<16xi32>, vector<16xi32>], vector<16xi32>,
    %swap3A_1079 = arith.constant 7 : i32
    %swap3A_1080 = arith.index_cast %swap3A_1079 : i32 to index
    %swap3A_1081 = arith.constant 64 : index
    %swap3A_1082 = tpu.vector_load %arg14[%swap3A_1080, %swap3A_1081] {strides = array<i32>} : memref<14x128xi32, #tpu.memory_space<vmem>>, vector<16xi32>,
    tpu.vector_store %arg14[%swap3A_1080, %swap3A_1081], %gather3A_1078 {strides = array<i32>} : memref<14x128xi32, #tpu.memory_space<vmem>>, vector<16xi32>,
    %get3A_1083 = arith.constant 61 : i32
    %get3A_1084 = arith.index_cast %get3A_1083 : i32 to index
    %get3A_1085 = arith.constant 0 : index
    %get3A_1086 = tpu.vector_load %arg11[%get3A_1084, %get3A_1085] {strides = array<i32>} : memref<112x16xi32, #tpu.memory_space<vmem>>, vector<16xi32>,
    %get3A_1087 = arith.constant 61 : i32
    %get3A_1088 = arith.index_cast %get3A_1087 : i32 to index
    %get3A_1089 = arith.constant 0 : index
    %get3A_1090 = tpu.vector_load %arg12[%get3A_1088, %get3A_1089] {strides = array<i32>} : memref<112x16xi32, #tpu.memory_space<vmem>>, vector<16xi32>,
    %get3A_1091 = arith.constant 61 : i32
    %get3A_1092 = arith.index_cast %get3A_1091 : i32 to index
    %get3A_1093 = arith.constant 0 : index
    %get3A_1094 = tpu.vector_load %arg13[%get3A_1092, %get3A_1093] {strides = array<i32>} : memref<112x16xi32, #tpu.memory_space<vmem>>, vector<16xi32>,
    %gather3A_1095 = tpu.vector_load_idx %arg10[%get3A_1086, %get3A_1090, %get3A_1094] : memref<2x128x8xi32, #tpu.memory_space<vmem>>[vector<16xi32>, vector<16xi32>, vector<16xi32>], vector<16xi32>,
    %swap3A_1096 = arith.constant 7 : i32
    %swap3A_1097 = arith.index_cast %swap3A_1096 : i32 to index
    %swap3A_1098 = arith.constant 80 : index
    %swap3A_1099 = tpu.vector_load %arg14[%swap3A_1097, %swap3A_1098] {strides = array<i32>} : memref<14x128xi32, #tpu.memory_space<vmem>>, vector<16xi32>,
    tpu.vector_store %arg14[%swap3A_1097, %swap3A_1098], %gather3A_1095 {strides = array<i32>} : memref<14x128xi32, #tpu.memory_space<vmem>>, vector<16xi32>,
    %get3A_1100 = arith.constant 62 : i32
    %get3A_1101 = arith.index_cast %get3A_1100 : i32 to index
    %get3A_1102 = arith.constant 0 : index
    %get3A_1103 = tpu.vector_load %arg11[%get3A_1101, %get3A_1102] {strides = array<i32>} : memref<112x16xi32, #tpu.memory_space<vmem>>, vector<16xi32>,
    %get3A_1104 = arith.constant 62 : i32
    %get3A_1105 = arith.index_cast %get3A_1104 : i32 to index
    %get3A_1106 = arith.constant 0 : index
    %get3A_1107 = tpu.vector_load %arg12[%get3A_1105, %get3A_1106] {strides = array<i32>} : memref<112x16xi32, #tpu.memory_space<vmem>>, vector<16xi32>,
    %get3A_1108 = arith.constant 62 : i32
    %get3A_1109 = arith.index_cast %get3A_1108 : i32 to index
    %get3A_1110 = arith.constant 0 : index
    %get3A_1111 = tpu.vector_load %arg13[%get3A_1109, %get3A_1110] {strides = array<i32>} : memref<112x16xi32, #tpu.memory_space<vmem>>, vector<16xi32>,
    %gather3A_1112 = tpu.vector_load_idx %arg10[%get3A_1103, %get3A_1107, %get3A_1111] : memref<2x128x8xi32, #tpu.memory_space<vmem>>[vector<16xi32>, vector<16xi32>, vector<16xi32>], vector<16xi32>,
    %swap3A_1113 = arith.constant 7 : i32
    %swap3A_1114 = arith.index_cast %swap3A_1113 : i32 to index
    %swap3A_1115 = arith.constant 96 : index
    %swap3A_1116 = tpu.vector_load %arg14[%swap3A_1114, %swap3A_1115] {strides = array<i32>} : memref<14x128xi32, #tpu.memory_space<vmem>>, vector<16xi32>,
    tpu.vector_store %arg14[%swap3A_1114, %swap3A_1115], %gather3A_1112 {strides = array<i32>} : memref<14x128xi32, #tpu.memory_space<vmem>>, vector<16xi32>,
    %get3A_1117 = arith.constant 63 : i32
    %get3A_1118 = arith.index_cast %get3A_1117 : i32 to index
    %get3A_1119 = arith.constant 0 : index
    %get3A_1120 = tpu.vector_load %arg11[%get3A_1118, %get3A_1119] {strides = array<i32>} : memref<112x16xi32, #tpu.memory_space<vmem>>, vector<16xi32>,
    %get3A_1121 = arith.constant 63 : i32
    %get3A_1122 = arith.index_cast %get3A_1121 : i32 to index
    %get3A_1123 = arith.constant 0 : index
    %get3A_1124 = tpu.vector_load %arg12[%get3A_1122, %get3A_1123] {strides = array<i32>} : memref<112x16xi32, #tpu.memory_space<vmem>>, vector<16xi32>,
    %get3A_1125 = arith.constant 63 : i32
    %get3A_1126 = arith.index_cast %get3A_1125 : i32 to index
    %get3A_1127 = arith.constant 0 : index
    %get3A_1128 = tpu.vector_load %arg13[%get3A_1126, %get3A_1127] {strides = array<i32>} : memref<112x16xi32, #tpu.memory_space<vmem>>, vector<16xi32>,
    %gather3A_1129 = tpu.vector_load_idx %arg10[%get3A_1120, %get3A_1124, %get3A_1128] : memref<2x128x8xi32, #tpu.memory_space<vmem>>[vector<16xi32>, vector<16xi32>, vector<16xi32>], vector<16xi32>,
    %swap3A_1130 = arith.constant 7 : i32
    %swap3A_1131 = arith.index_cast %swap3A_1130 : i32 to index
    %swap3A_1132 = arith.constant 112 : index
    %swap3A_1133 = tpu.vector_load %arg14[%swap3A_1131, %swap3A_1132] {strides = array<i32>} : memref<14x128xi32, #tpu.memory_space<vmem>>, vector<16xi32>,
    tpu.vector_store %arg14[%swap3A_1131, %swap3A_1132], %gather3A_1129 {strides = array<i32>} : memref<14x128xi32, #tpu.memory_space<vmem>>, vector<16xi32>,
    %get3A_1134 = arith.constant 64 : i32
    %get3A_1135 = arith.index_cast %get3A_1134 : i32 to index
    %get3A_1136 = arith.constant 0 : index
    %get3A_1137 = tpu.vector_load %arg11[%get3A_1135, %get3A_1136] {strides = array<i32>} : memref<112x16xi32, #tpu.memory_space<vmem>>, vector<16xi32>,
    %get3A_1138 = arith.constant 64 : i32
    %get3A_1139 = arith.index_cast %get3A_1138 : i32 to index
    %get3A_1140 = arith.constant 0 : index
    %get3A_1141 = tpu.vector_load %arg12[%get3A_1139, %get3A_1140] {strides = array<i32>} : memref<112x16xi32, #tpu.memory_space<vmem>>, vector<16xi32>,
    %get3A_1142 = arith.constant 64 : i32
    %get3A_1143 = arith.index_cast %get3A_1142 : i32 to index
    %get3A_1144 = arith.constant 0 : index
    %get3A_1145 = tpu.vector_load %arg13[%get3A_1143, %get3A_1144] {strides = array<i32>} : memref<112x16xi32, #tpu.memory_space<vmem>>, vector<16xi32>,
    %gather3A_1146 = tpu.vector_load_idx %arg10[%get3A_1137, %get3A_1141, %get3A_1145] : memref<2x128x8xi32, #tpu.memory_space<vmem>>[vector<16xi32>, vector<16xi32>, vector<16xi32>], vector<16xi32>,
    %swap3A_1147 = arith.constant 8 : i32
    %swap3A_1148 = arith.index_cast %swap3A_1147 : i32 to index
    %swap3A_1149 = arith.constant 0 : index
    %swap3A_1150 = tpu.vector_load %arg14[%swap3A_1148, %swap3A_1149] {strides = array<i32>} : memref<14x128xi32, #tpu.memory_space<vmem>>, vector<16xi32>,
    tpu.vector_store %arg14[%swap3A_1148, %swap3A_1149], %gather3A_1146 {strides = array<i32>} : memref<14x128xi32, #tpu.memory_space<vmem>>, vector<16xi32>,
    %get3A_1151 = arith.constant 65 : i32
    %get3A_1152 = arith.index_cast %get3A_1151 : i32 to index
    %get3A_1153 = arith.constant 0 : index
    %get3A_1154 = tpu.vector_load %arg11[%get3A_1152, %get3A_1153] {strides = array<i32>} : memref<112x16xi32, #tpu.memory_space<vmem>>, vector<16xi32>,
    %get3A_1155 = arith.constant 65 : i32
    %get3A_1156 = arith.index_cast %get3A_1155 : i32 to index
    %get3A_1157 = arith.constant 0 : index
    %get3A_1158 = tpu.vector_load %arg12[%get3A_1156, %get3A_1157] {strides = array<i32>} : memref<112x16xi32, #tpu.memory_space<vmem>>, vector<16xi32>,
    %get3A_1159 = arith.constant 65 : i32
    %get3A_1160 = arith.index_cast %get3A_1159 : i32 to index
    %get3A_1161 = arith.constant 0 : index
    %get3A_1162 = tpu.vector_load %arg13[%get3A_1160, %get3A_1161] {strides = array<i32>} : memref<112x16xi32, #tpu.memory_space<vmem>>, vector<16xi32>,
    %gather3A_1163 = tpu.vector_load_idx %arg10[%get3A_1154, %get3A_1158, %get3A_1162] : memref<2x128x8xi32, #tpu.memory_space<vmem>>[vector<16xi32>, vector<16xi32>, vector<16xi32>], vector<16xi32>,
    %swap3A_1164 = arith.constant 8 : i32
    %swap3A_1165 = arith.index_cast %swap3A_1164 : i32 to index
    %swap3A_1166 = arith.constant 16 : index
    %swap3A_1167 = tpu.vector_load %arg14[%swap3A_1165, %swap3A_1166] {strides = array<i32>} : memref<14x128xi32, #tpu.memory_space<vmem>>, vector<16xi32>,
    tpu.vector_store %arg14[%swap3A_1165, %swap3A_1166], %gather3A_1163 {strides = array<i32>} : memref<14x128xi32, #tpu.memory_space<vmem>>, vector<16xi32>,
    %get3A_1168 = arith.constant 66 : i32
    %get3A_1169 = arith.index_cast %get3A_1168 : i32 to index
    %get3A_1170 = arith.constant 0 : index
    %get3A_1171 = tpu.vector_load %arg11[%get3A_1169, %get3A_1170] {strides = array<i32>} : memref<112x16xi32, #tpu.memory_space<vmem>>, vector<16xi32>,
    %get3A_1172 = arith.constant 66 : i32
    %get3A_1173 = arith.index_cast %get3A_1172 : i32 to index
    %get3A_1174 = arith.constant 0 : index
    %get3A_1175 = tpu.vector_load %arg12[%get3A_1173, %get3A_1174] {strides = array<i32>} : memref<112x16xi32, #tpu.memory_space<vmem>>, vector<16xi32>,
    %get3A_1176 = arith.constant 66 : i32
    %get3A_1177 = arith.index_cast %get3A_1176 : i32 to index
    %get3A_1178 = arith.constant 0 : index
    %get3A_1179 = tpu.vector_load %arg13[%get3A_1177, %get3A_1178] {strides = array<i32>} : memref<112x16xi32, #tpu.memory_space<vmem>>, vector<16xi32>,
    %gather3A_1180 = tpu.vector_load_idx %arg10[%get3A_1171, %get3A_1175, %get3A_1179] : memref<2x128x8xi32, #tpu.memory_space<vmem>>[vector<16xi32>, vector<16xi32>, vector<16xi32>], vector<16xi32>,
    %swap3A_1181 = arith.constant 8 : i32
    %swap3A_1182 = arith.index_cast %swap3A_1181 : i32 to index
    %swap3A_1183 = arith.constant 32 : index
    %swap3A_1184 = tpu.vector_load %arg14[%swap3A_1182, %swap3A_1183] {strides = array<i32>} : memref<14x128xi32, #tpu.memory_space<vmem>>, vector<16xi32>,
    tpu.vector_store %arg14[%swap3A_1182, %swap3A_1183], %gather3A_1180 {strides = array<i32>} : memref<14x128xi32, #tpu.memory_space<vmem>>, vector<16xi32>,
    %get3A_1185 = arith.constant 67 : i32
    %get3A_1186 = arith.index_cast %get3A_1185 : i32 to index
    %get3A_1187 = arith.constant 0 : index
    %get3A_1188 = tpu.vector_load %arg11[%get3A_1186, %get3A_1187] {strides = array<i32>} : memref<112x16xi32, #tpu.memory_space<vmem>>, vector<16xi32>,
    %get3A_1189 = arith.constant 67 : i32
    %get3A_1190 = arith.index_cast %get3A_1189 : i32 to index
    %get3A_1191 = arith.constant 0 : index
    %get3A_1192 = tpu.vector_load %arg12[%get3A_1190, %get3A_1191] {strides = array<i32>} : memref<112x16xi32, #tpu.memory_space<vmem>>, vector<16xi32>,
    %get3A_1193 = arith.constant 67 : i32
    %get3A_1194 = arith.index_cast %get3A_1193 : i32 to index
    %get3A_1195 = arith.constant 0 : index
    %get3A_1196 = tpu.vector_load %arg13[%get3A_1194, %get3A_1195] {strides = array<i32>} : memref<112x16xi32, #tpu.memory_space<vmem>>, vector<16xi32>,
    %gather3A_1197 = tpu.vector_load_idx %arg10[%get3A_1188, %get3A_1192, %get3A_1196] : memref<2x128x8xi32, #tpu.memory_space<vmem>>[vector<16xi32>, vector<16xi32>, vector<16xi32>], vector<16xi32>,
    %swap3A_1198 = arith.constant 8 : i32
    %swap3A_1199 = arith.index_cast %swap3A_1198 : i32 to index
    %swap3A_1200 = arith.constant 48 : index
    %swap3A_1201 = tpu.vector_load %arg14[%swap3A_1199, %swap3A_1200] {strides = array<i32>} : memref<14x128xi32, #tpu.memory_space<vmem>>, vector<16xi32>,
    tpu.vector_store %arg14[%swap3A_1199, %swap3A_1200], %gather3A_1197 {strides = array<i32>} : memref<14x128xi32, #tpu.memory_space<vmem>>, vector<16xi32>,
    %get3A_1202 = arith.constant 68 : i32
    %get3A_1203 = arith.index_cast %get3A_1202 : i32 to index
    %get3A_1204 = arith.constant 0 : index
    %get3A_1205 = tpu.vector_load %arg11[%get3A_1203, %get3A_1204] {strides = array<i32>} : memref<112x16xi32, #tpu.memory_space<vmem>>, vector<16xi32>,
    %get3A_1206 = arith.constant 68 : i32
    %get3A_1207 = arith.index_cast %get3A_1206 : i32 to index
    %get3A_1208 = arith.constant 0 : index
    %get3A_1209 = tpu.vector_load %arg12[%get3A_1207, %get3A_1208] {strides = array<i32>} : memref<112x16xi32, #tpu.memory_space<vmem>>, vector<16xi32>,
    %get3A_1210 = arith.constant 68 : i32
    %get3A_1211 = arith.index_cast %get3A_1210 : i32 to index
    %get3A_1212 = arith.constant 0 : index
    %get3A_1213 = tpu.vector_load %arg13[%get3A_1211, %get3A_1212] {strides = array<i32>} : memref<112x16xi32, #tpu.memory_space<vmem>>, vector<16xi32>,
    %gather3A_1214 = tpu.vector_load_idx %arg10[%get3A_1205, %get3A_1209, %get3A_1213] : memref<2x128x8xi32, #tpu.memory_space<vmem>>[vector<16xi32>, vector<16xi32>, vector<16xi32>], vector<16xi32>,
    %swap3A_1215 = arith.constant 8 : i32
    %swap3A_1216 = arith.index_cast %swap3A_1215 : i32 to index
    %swap3A_1217 = arith.constant 64 : index
    %swap3A_1218 = tpu.vector_load %arg14[%swap3A_1216, %swap3A_1217] {strides = array<i32>} : memref<14x128xi32, #tpu.memory_space<vmem>>, vector<16xi32>,
    tpu.vector_store %arg14[%swap3A_1216, %swap3A_1217], %gather3A_1214 {strides = array<i32>} : memref<14x128xi32, #tpu.memory_space<vmem>>, vector<16xi32>,
    %get3A_1219 = arith.constant 69 : i32
    %get3A_1220 = arith.index_cast %get3A_1219 : i32 to index
    %get3A_1221 = arith.constant 0 : index
    %get3A_1222 = tpu.vector_load %arg11[%get3A_1220, %get3A_1221] {strides = array<i32>} : memref<112x16xi32, #tpu.memory_space<vmem>>, vector<16xi32>,
    %get3A_1223 = arith.constant 69 : i32
    %get3A_1224 = arith.index_cast %get3A_1223 : i32 to index
    %get3A_1225 = arith.constant 0 : index
    %get3A_1226 = tpu.vector_load %arg12[%get3A_1224, %get3A_1225] {strides = array<i32>} : memref<112x16xi32, #tpu.memory_space<vmem>>, vector<16xi32>,
    %get3A_1227 = arith.constant 69 : i32
    %get3A_1228 = arith.index_cast %get3A_1227 : i32 to index
    %get3A_1229 = arith.constant 0 : index
    %get3A_1230 = tpu.vector_load %arg13[%get3A_1228, %get3A_1229] {strides = array<i32>} : memref<112x16xi32, #tpu.memory_space<vmem>>, vector<16xi32>,
    %gather3A_1231 = tpu.vector_load_idx %arg10[%get3A_1222, %get3A_1226, %get3A_1230] : memref<2x128x8xi32, #tpu.memory_space<vmem>>[vector<16xi32>, vector<16xi32>, vector<16xi32>], vector<16xi32>,
    %swap3A_1232 = arith.constant 8 : i32
    %swap3A_1233 = arith.index_cast %swap3A_1232 : i32 to index
    %swap3A_1234 = arith.constant 80 : index
    %swap3A_1235 = tpu.vector_load %arg14[%swap3A_1233, %swap3A_1234] {strides = array<i32>} : memref<14x128xi32, #tpu.memory_space<vmem>>, vector<16xi32>,
    tpu.vector_store %arg14[%swap3A_1233, %swap3A_1234], %gather3A_1231 {strides = array<i32>} : memref<14x128xi32, #tpu.memory_space<vmem>>, vector<16xi32>,
    %get3A_1236 = arith.constant 70 : i32
    %get3A_1237 = arith.index_cast %get3A_1236 : i32 to index
    %get3A_1238 = arith.constant 0 : index
    %get3A_1239 = tpu.vector_load %arg11[%get3A_1237, %get3A_1238] {strides = array<i32>} : memref<112x16xi32, #tpu.memory_space<vmem>>, vector<16xi32>,
    %get3A_1240 = arith.constant 70 : i32
    %get3A_1241 = arith.index_cast %get3A_1240 : i32 to index
    %get3A_1242 = arith.constant 0 : index
    %get3A_1243 = tpu.vector_load %arg12[%get3A_1241, %get3A_1242] {strides = array<i32>} : memref<112x16xi32, #tpu.memory_space<vmem>>, vector<16xi32>,
    %get3A_1244 = arith.constant 70 : i32
    %get3A_1245 = arith.index_cast %get3A_1244 : i32 to index
    %get3A_1246 = arith.constant 0 : index
    %get3A_1247 = tpu.vector_load %arg13[%get3A_1245, %get3A_1246] {strides = array<i32>} : memref<112x16xi32, #tpu.memory_space<vmem>>, vector<16xi32>,
    %gather3A_1248 = tpu.vector_load_idx %arg10[%get3A_1239, %get3A_1243, %get3A_1247] : memref<2x128x8xi32, #tpu.memory_space<vmem>>[vector<16xi32>, vector<16xi32>, vector<16xi32>], vector<16xi32>,
    %swap3A_1249 = arith.constant 8 : i32
    %swap3A_1250 = arith.index_cast %swap3A_1249 : i32 to index
    %swap3A_1251 = arith.constant 96 : index
    %swap3A_1252 = tpu.vector_load %arg14[%swap3A_1250, %swap3A_1251] {strides = array<i32>} : memref<14x128xi32, #tpu.memory_space<vmem>>, vector<16xi32>,
    tpu.vector_store %arg14[%swap3A_1250, %swap3A_1251], %gather3A_1248 {strides = array<i32>} : memref<14x128xi32, #tpu.memory_space<vmem>>, vector<16xi32>,
    %get3A_1253 = arith.constant 71 : i32
    %get3A_1254 = arith.index_cast %get3A_1253 : i32 to index
    %get3A_1255 = arith.constant 0 : index
    %get3A_1256 = tpu.vector_load %arg11[%get3A_1254, %get3A_1255] {strides = array<i32>} : memref<112x16xi32, #tpu.memory_space<vmem>>, vector<16xi32>,
    %get3A_1257 = arith.constant 71 : i32
    %get3A_1258 = arith.index_cast %get3A_1257 : i32 to index
    %get3A_1259 = arith.constant 0 : index
    %get3A_1260 = tpu.vector_load %arg12[%get3A_1258, %get3A_1259] {strides = array<i32>} : memref<112x16xi32, #tpu.memory_space<vmem>>, vector<16xi32>,
    %get3A_1261 = arith.constant 71 : i32
    %get3A_1262 = arith.index_cast %get3A_1261 : i32 to index
    %get3A_1263 = arith.constant 0 : index
    %get3A_1264 = tpu.vector_load %arg13[%get3A_1262, %get3A_1263] {strides = array<i32>} : memref<112x16xi32, #tpu.memory_space<vmem>>, vector<16xi32>,
    %gather3A_1265 = tpu.vector_load_idx %arg10[%get3A_1256, %get3A_1260, %get3A_1264] : memref<2x128x8xi32, #tpu.memory_space<vmem>>[vector<16xi32>, vector<16xi32>, vector<16xi32>], vector<16xi32>,
    %swap3A_1266 = arith.constant 8 : i32
    %swap3A_1267 = arith.index_cast %swap3A_1266 : i32 to index
    %swap3A_1268 = arith.constant 112 : index
    %swap3A_1269 = tpu.vector_load %arg14[%swap3A_1267, %swap3A_1268] {strides = array<i32>} : memref<14x128xi32, #tpu.memory_space<vmem>>, vector<16xi32>,
    tpu.vector_store %arg14[%swap3A_1267, %swap3A_1268], %gather3A_1265 {strides = array<i32>} : memref<14x128xi32, #tpu.memory_space<vmem>>, vector<16xi32>,
    %get3A_1270 = arith.constant 72 : i32
    %get3A_1271 = arith.index_cast %get3A_1270 : i32 to index
    %get3A_1272 = arith.constant 0 : index
    %get3A_1273 = tpu.vector_load %arg11[%get3A_1271, %get3A_1272] {strides = array<i32>} : memref<112x16xi32, #tpu.memory_space<vmem>>, vector<16xi32>,
    %get3A_1274 = arith.constant 72 : i32
    %get3A_1275 = arith.index_cast %get3A_1274 : i32 to index
    %get3A_1276 = arith.constant 0 : index
    %get3A_1277 = tpu.vector_load %arg12[%get3A_1275, %get3A_1276] {strides = array<i32>} : memref<112x16xi32, #tpu.memory_space<vmem>>, vector<16xi32>,
    %get3A_1278 = arith.constant 72 : i32
    %get3A_1279 = arith.index_cast %get3A_1278 : i32 to index
    %get3A_1280 = arith.constant 0 : index
    %get3A_1281 = tpu.vector_load %arg13[%get3A_1279, %get3A_1280] {strides = array<i32>} : memref<112x16xi32, #tpu.memory_space<vmem>>, vector<16xi32>,
    %gather3A_1282 = tpu.vector_load_idx %arg10[%get3A_1273, %get3A_1277, %get3A_1281] : memref<2x128x8xi32, #tpu.memory_space<vmem>>[vector<16xi32>, vector<16xi32>, vector<16xi32>], vector<16xi32>,
    %swap3A_1283 = arith.constant 9 : i32
    %swap3A_1284 = arith.index_cast %swap3A_1283 : i32 to index
    %swap3A_1285 = arith.constant 0 : index
    %swap3A_1286 = tpu.vector_load %arg14[%swap3A_1284, %swap3A_1285] {strides = array<i32>} : memref<14x128xi32, #tpu.memory_space<vmem>>, vector<16xi32>,
    tpu.vector_store %arg14[%swap3A_1284, %swap3A_1285], %gather3A_1282 {strides = array<i32>} : memref<14x128xi32, #tpu.memory_space<vmem>>, vector<16xi32>,
    %get3A_1287 = arith.constant 73 : i32
    %get3A_1288 = arith.index_cast %get3A_1287 : i32 to index
    %get3A_1289 = arith.constant 0 : index
    %get3A_1290 = tpu.vector_load %arg11[%get3A_1288, %get3A_1289] {strides = array<i32>} : memref<112x16xi32, #tpu.memory_space<vmem>>, vector<16xi32>,
    %get3A_1291 = arith.constant 73 : i32
    %get3A_1292 = arith.index_cast %get3A_1291 : i32 to index
    %get3A_1293 = arith.constant 0 : index
    %get3A_1294 = tpu.vector_load %arg12[%get3A_1292, %get3A_1293] {strides = array<i32>} : memref<112x16xi32, #tpu.memory_space<vmem>>, vector<16xi32>,
    %get3A_1295 = arith.constant 73 : i32
    %get3A_1296 = arith.index_cast %get3A_1295 : i32 to index
    %get3A_1297 = arith.constant 0 : index
    %get3A_1298 = tpu.vector_load %arg13[%get3A_1296, %get3A_1297] {strides = array<i32>} : memref<112x16xi32, #tpu.memory_space<vmem>>, vector<16xi32>,
    %gather3A_1299 = tpu.vector_load_idx %arg10[%get3A_1290, %get3A_1294, %get3A_1298] : memref<2x128x8xi32, #tpu.memory_space<vmem>>[vector<16xi32>, vector<16xi32>, vector<16xi32>], vector<16xi32>,
    %swap3A_1300 = arith.constant 9 : i32
    %swap3A_1301 = arith.index_cast %swap3A_1300 : i32 to index
    %swap3A_1302 = arith.constant 16 : index
    %swap3A_1303 = tpu.vector_load %arg14[%swap3A_1301, %swap3A_1302] {strides = array<i32>} : memref<14x128xi32, #tpu.memory_space<vmem>>, vector<16xi32>,
    tpu.vector_store %arg14[%swap3A_1301, %swap3A_1302], %gather3A_1299 {strides = array<i32>} : memref<14x128xi32, #tpu.memory_space<vmem>>, vector<16xi32>,
    %get3A_1304 = arith.constant 74 : i32
    %get3A_1305 = arith.index_cast %get3A_1304 : i32 to index
    %get3A_1306 = arith.constant 0 : index
    %get3A_1307 = tpu.vector_load %arg11[%get3A_1305, %get3A_1306] {strides = array<i32>} : memref<112x16xi32, #tpu.memory_space<vmem>>, vector<16xi32>,
    %get3A_1308 = arith.constant 74 : i32
    %get3A_1309 = arith.index_cast %get3A_1308 : i32 to index
    %get3A_1310 = arith.constant 0 : index
    %get3A_1311 = tpu.vector_load %arg12[%get3A_1309, %get3A_1310] {strides = array<i32>} : memref<112x16xi32, #tpu.memory_space<vmem>>, vector<16xi32>,
    %get3A_1312 = arith.constant 74 : i32
    %get3A_1313 = arith.index_cast %get3A_1312 : i32 to index
    %get3A_1314 = arith.constant 0 : index
    %get3A_1315 = tpu.vector_load %arg13[%get3A_1313, %get3A_1314] {strides = array<i32>} : memref<112x16xi32, #tpu.memory_space<vmem>>, vector<16xi32>,
    %gather3A_1316 = tpu.vector_load_idx %arg10[%get3A_1307, %get3A_1311, %get3A_1315] : memref<2x128x8xi32, #tpu.memory_space<vmem>>[vector<16xi32>, vector<16xi32>, vector<16xi32>], vector<16xi32>,
    %swap3A_1317 = arith.constant 9 : i32
    %swap3A_1318 = arith.index_cast %swap3A_1317 : i32 to index
    %swap3A_1319 = arith.constant 32 : index
    %swap3A_1320 = tpu.vector_load %arg14[%swap3A_1318, %swap3A_1319] {strides = array<i32>} : memref<14x128xi32, #tpu.memory_space<vmem>>, vector<16xi32>,
    tpu.vector_store %arg14[%swap3A_1318, %swap3A_1319], %gather3A_1316 {strides = array<i32>} : memref<14x128xi32, #tpu.memory_space<vmem>>, vector<16xi32>,
    %get3A_1321 = arith.constant 75 : i32
    %get3A_1322 = arith.index_cast %get3A_1321 : i32 to index
    %get3A_1323 = arith.constant 0 : index
    %get3A_1324 = tpu.vector_load %arg11[%get3A_1322, %get3A_1323] {strides = array<i32>} : memref<112x16xi32, #tpu.memory_space<vmem>>, vector<16xi32>,
    %get3A_1325 = arith.constant 75 : i32
    %get3A_1326 = arith.index_cast %get3A_1325 : i32 to index
    %get3A_1327 = arith.constant 0 : index
    %get3A_1328 = tpu.vector_load %arg12[%get3A_1326, %get3A_1327] {strides = array<i32>} : memref<112x16xi32, #tpu.memory_space<vmem>>, vector<16xi32>,
    %get3A_1329 = arith.constant 75 : i32
    %get3A_1330 = arith.index_cast %get3A_1329 : i32 to index
    %get3A_1331 = arith.constant 0 : index
    %get3A_1332 = tpu.vector_load %arg13[%get3A_1330, %get3A_1331] {strides = array<i32>} : memref<112x16xi32, #tpu.memory_space<vmem>>, vector<16xi32>,
    %gather3A_1333 = tpu.vector_load_idx %arg10[%get3A_1324, %get3A_1328, %get3A_1332] : memref<2x128x8xi32, #tpu.memory_space<vmem>>[vector<16xi32>, vector<16xi32>, vector<16xi32>], vector<16xi32>,
    %swap3A_1334 = arith.constant 9 : i32
    %swap3A_1335 = arith.index_cast %swap3A_1334 : i32 to index
    %swap3A_1336 = arith.constant 48 : index
    %swap3A_1337 = tpu.vector_load %arg14[%swap3A_1335, %swap3A_1336] {strides = array<i32>} : memref<14x128xi32, #tpu.memory_space<vmem>>, vector<16xi32>,
    tpu.vector_store %arg14[%swap3A_1335, %swap3A_1336], %gather3A_1333 {strides = array<i32>} : memref<14x128xi32, #tpu.memory_space<vmem>>, vector<16xi32>,
    %get3A_1338 = arith.constant 76 : i32
    %get3A_1339 = arith.index_cast %get3A_1338 : i32 to index
    %get3A_1340 = arith.constant 0 : index
    %get3A_1341 = tpu.vector_load %arg11[%get3A_1339, %get3A_1340] {strides = array<i32>} : memref<112x16xi32, #tpu.memory_space<vmem>>, vector<16xi32>,
    %get3A_1342 = arith.constant 76 : i32
    %get3A_1343 = arith.index_cast %get3A_1342 : i32 to index
    %get3A_1344 = arith.constant 0 : index
    %get3A_1345 = tpu.vector_load %arg12[%get3A_1343, %get3A_1344] {strides = array<i32>} : memref<112x16xi32, #tpu.memory_space<vmem>>, vector<16xi32>,
    %get3A_1346 = arith.constant 76 : i32
    %get3A_1347 = arith.index_cast %get3A_1346 : i32 to index
    %get3A_1348 = arith.constant 0 : index
    %get3A_1349 = tpu.vector_load %arg13[%get3A_1347, %get3A_1348] {strides = array<i32>} : memref<112x16xi32, #tpu.memory_space<vmem>>, vector<16xi32>,
    %gather3A_1350 = tpu.vector_load_idx %arg10[%get3A_1341, %get3A_1345, %get3A_1349] : memref<2x128x8xi32, #tpu.memory_space<vmem>>[vector<16xi32>, vector<16xi32>, vector<16xi32>], vector<16xi32>,
    %swap3A_1351 = arith.constant 9 : i32
    %swap3A_1352 = arith.index_cast %swap3A_1351 : i32 to index
    %swap3A_1353 = arith.constant 64 : index
    %swap3A_1354 = tpu.vector_load %arg14[%swap3A_1352, %swap3A_1353] {strides = array<i32>} : memref<14x128xi32, #tpu.memory_space<vmem>>, vector<16xi32>,
    tpu.vector_store %arg14[%swap3A_1352, %swap3A_1353], %gather3A_1350 {strides = array<i32>} : memref<14x128xi32, #tpu.memory_space<vmem>>, vector<16xi32>,
    %get3A_1355 = arith.constant 77 : i32
    %get3A_1356 = arith.index_cast %get3A_1355 : i32 to index
    %get3A_1357 = arith.constant 0 : index
    %get3A_1358 = tpu.vector_load %arg11[%get3A_1356, %get3A_1357] {strides = array<i32>} : memref<112x16xi32, #tpu.memory_space<vmem>>, vector<16xi32>,
    %get3A_1359 = arith.constant 77 : i32
    %get3A_1360 = arith.index_cast %get3A_1359 : i32 to index
    %get3A_1361 = arith.constant 0 : index
    %get3A_1362 = tpu.vector_load %arg12[%get3A_1360, %get3A_1361] {strides = array<i32>} : memref<112x16xi32, #tpu.memory_space<vmem>>, vector<16xi32>,
    %get3A_1363 = arith.constant 77 : i32
    %get3A_1364 = arith.index_cast %get3A_1363 : i32 to index
    %get3A_1365 = arith.constant 0 : index
    %get3A_1366 = tpu.vector_load %arg13[%get3A_1364, %get3A_1365] {strides = array<i32>} : memref<112x16xi32, #tpu.memory_space<vmem>>, vector<16xi32>,
    %gather3A_1367 = tpu.vector_load_idx %arg10[%get3A_1358, %get3A_1362, %get3A_1366] : memref<2x128x8xi32, #tpu.memory_space<vmem>>[vector<16xi32>, vector<16xi32>, vector<16xi32>], vector<16xi32>,
    %swap3A_1368 = arith.constant 9 : i32
    %swap3A_1369 = arith.index_cast %swap3A_1368 : i32 to index
    %swap3A_1370 = arith.constant 80 : index
    %swap3A_1371 = tpu.vector_load %arg14[%swap3A_1369, %swap3A_1370] {strides = array<i32>} : memref<14x128xi32, #tpu.memory_space<vmem>>, vector<16xi32>,
    tpu.vector_store %arg14[%swap3A_1369, %swap3A_1370], %gather3A_1367 {strides = array<i32>} : memref<14x128xi32, #tpu.memory_space<vmem>>, vector<16xi32>,
    %get3A_1372 = arith.constant 78 : i32
    %get3A_1373 = arith.index_cast %get3A_1372 : i32 to index
    %get3A_1374 = arith.constant 0 : index
    %get3A_1375 = tpu.vector_load %arg11[%get3A_1373, %get3A_1374] {strides = array<i32>} : memref<112x16xi32, #tpu.memory_space<vmem>>, vector<16xi32>,
    %get3A_1376 = arith.constant 78 : i32
    %get3A_1377 = arith.index_cast %get3A_1376 : i32 to index
    %get3A_1378 = arith.constant 0 : index
    %get3A_1379 = tpu.vector_load %arg12[%get3A_1377, %get3A_1378] {strides = array<i32>} : memref<112x16xi32, #tpu.memory_space<vmem>>, vector<16xi32>,
    %get3A_1380 = arith.constant 78 : i32
    %get3A_1381 = arith.index_cast %get3A_1380 : i32 to index
    %get3A_1382 = arith.constant 0 : index
    %get3A_1383 = tpu.vector_load %arg13[%get3A_1381, %get3A_1382] {strides = array<i32>} : memref<112x16xi32, #tpu.memory_space<vmem>>, vector<16xi32>,
    %gather3A_1384 = tpu.vector_load_idx %arg10[%get3A_1375, %get3A_1379, %get3A_1383] : memref<2x128x8xi32, #tpu.memory_space<vmem>>[vector<16xi32>, vector<16xi32>, vector<16xi32>], vector<16xi32>,
    %swap3A_1385 = arith.constant 9 : i32
    %swap3A_1386 = arith.index_cast %swap3A_1385 : i32 to index
    %swap3A_1387 = arith.constant 96 : index
    %swap3A_1388 = tpu.vector_load %arg14[%swap3A_1386, %swap3A_1387] {strides = array<i32>} : memref<14x128xi32, #tpu.memory_space<vmem>>, vector<16xi32>,
    tpu.vector_store %arg14[%swap3A_1386, %swap3A_1387], %gather3A_1384 {strides = array<i32>} : memref<14x128xi32, #tpu.memory_space<vmem>>, vector<16xi32>,
    %get3A_1389 = arith.constant 79 : i32
    %get3A_1390 = arith.index_cast %get3A_1389 : i32 to index
    %get3A_1391 = arith.constant 0 : index
    %get3A_1392 = tpu.vector_load %arg11[%get3A_1390, %get3A_1391] {strides = array<i32>} : memref<112x16xi32, #tpu.memory_space<vmem>>, vector<16xi32>,
    %get3A_1393 = arith.constant 79 : i32
    %get3A_1394 = arith.index_cast %get3A_1393 : i32 to index
    %get3A_1395 = arith.constant 0 : index
    %get3A_1396 = tpu.vector_load %arg12[%get3A_1394, %get3A_1395] {strides = array<i32>} : memref<112x16xi32, #tpu.memory_space<vmem>>, vector<16xi32>,
    %get3A_1397 = arith.constant 79 : i32
    %get3A_1398 = arith.index_cast %get3A_1397 : i32 to index
    %get3A_1399 = arith.constant 0 : index
    %get3A_1400 = tpu.vector_load %arg13[%get3A_1398, %get3A_1399] {strides = array<i32>} : memref<112x16xi32, #tpu.memory_space<vmem>>, vector<16xi32>,
    %gather3A_1401 = tpu.vector_load_idx %arg10[%get3A_1392, %get3A_1396, %get3A_1400] : memref<2x128x8xi32, #tpu.memory_space<vmem>>[vector<16xi32>, vector<16xi32>, vector<16xi32>], vector<16xi32>,
    %swap3A_1402 = arith.constant 9 : i32
    %swap3A_1403 = arith.index_cast %swap3A_1402 : i32 to index
    %swap3A_1404 = arith.constant 112 : index
    %swap3A_1405 = tpu.vector_load %arg14[%swap3A_1403, %swap3A_1404] {strides = array<i32>} : memref<14x128xi32, #tpu.memory_space<vmem>>, vector<16xi32>,
    tpu.vector_store %arg14[%swap3A_1403, %swap3A_1404], %gather3A_1401 {strides = array<i32>} : memref<14x128xi32, #tpu.memory_space<vmem>>, vector<16xi32>,
    %get3A_1406 = arith.constant 80 : i32
    %get3A_1407 = arith.index_cast %get3A_1406 : i32 to index
    %get3A_1408 = arith.constant 0 : index
    %get3A_1409 = tpu.vector_load %arg11[%get3A_1407, %get3A_1408] {strides = array<i32>} : memref<112x16xi32, #tpu.memory_space<vmem>>, vector<16xi32>,
    %get3A_1410 = arith.constant 80 : i32
    %get3A_1411 = arith.index_cast %get3A_1410 : i32 to index
    %get3A_1412 = arith.constant 0 : index
    %get3A_1413 = tpu.vector_load %arg12[%get3A_1411, %get3A_1412] {strides = array<i32>} : memref<112x16xi32, #tpu.memory_space<vmem>>, vector<16xi32>,
    %get3A_1414 = arith.constant 80 : i32
    %get3A_1415 = arith.index_cast %get3A_1414 : i32 to index
    %get3A_1416 = arith.constant 0 : index
    %get3A_1417 = tpu.vector_load %arg13[%get3A_1415, %get3A_1416] {strides = array<i32>} : memref<112x16xi32, #tpu.memory_space<vmem>>, vector<16xi32>,
    %gather3A_1418 = tpu.vector_load_idx %arg10[%get3A_1409, %get3A_1413, %get3A_1417] : memref<2x128x8xi32, #tpu.memory_space<vmem>>[vector<16xi32>, vector<16xi32>, vector<16xi32>], vector<16xi32>,
    %swap3A_1419 = arith.constant 10 : i32
    %swap3A_1420 = arith.index_cast %swap3A_1419 : i32 to index
    %swap3A_1421 = arith.constant 0 : index
    %swap3A_1422 = tpu.vector_load %arg14[%swap3A_1420, %swap3A_1421] {strides = array<i32>} : memref<14x128xi32, #tpu.memory_space<vmem>>, vector<16xi32>,
    tpu.vector_store %arg14[%swap3A_1420, %swap3A_1421], %gather3A_1418 {strides = array<i32>} : memref<14x128xi32, #tpu.memory_space<vmem>>, vector<16xi32>,
    %get3A_1423 = arith.constant 81 : i32
    %get3A_1424 = arith.index_cast %get3A_1423 : i32 to index
    %get3A_1425 = arith.constant 0 : index
    %get3A_1426 = tpu.vector_load %arg11[%get3A_1424, %get3A_1425] {strides = array<i32>} : memref<112x16xi32, #tpu.memory_space<vmem>>, vector<16xi32>,
    %get3A_1427 = arith.constant 81 : i32
    %get3A_1428 = arith.index_cast %get3A_1427 : i32 to index
    %get3A_1429 = arith.constant 0 : index
    %get3A_1430 = tpu.vector_load %arg12[%get3A_1428, %get3A_1429] {strides = array<i32>} : memref<112x16xi32, #tpu.memory_space<vmem>>, vector<16xi32>,
    %get3A_1431 = arith.constant 81 : i32
    %get3A_1432 = arith.index_cast %get3A_1431 : i32 to index
    %get3A_1433 = arith.constant 0 : index
    %get3A_1434 = tpu.vector_load %arg13[%get3A_1432, %get3A_1433] {strides = array<i32>} : memref<112x16xi32, #tpu.memory_space<vmem>>, vector<16xi32>,
    %gather3A_1435 = tpu.vector_load_idx %arg10[%get3A_1426, %get3A_1430, %get3A_1434] : memref<2x128x8xi32, #tpu.memory_space<vmem>>[vector<16xi32>, vector<16xi32>, vector<16xi32>], vector<16xi32>,
    %swap3A_1436 = arith.constant 10 : i32
    %swap3A_1437 = arith.index_cast %swap3A_1436 : i32 to index
    %swap3A_1438 = arith.constant 16 : index
    %swap3A_1439 = tpu.vector_load %arg14[%swap3A_1437, %swap3A_1438] {strides = array<i32>} : memref<14x128xi32, #tpu.memory_space<vmem>>, vector<16xi32>,
    tpu.vector_store %arg14[%swap3A_1437, %swap3A_1438], %gather3A_1435 {strides = array<i32>} : memref<14x128xi32, #tpu.memory_space<vmem>>, vector<16xi32>,
    %get3A_1440 = arith.constant 82 : i32
    %get3A_1441 = arith.index_cast %get3A_1440 : i32 to index
    %get3A_1442 = arith.constant 0 : index
    %get3A_1443 = tpu.vector_load %arg11[%get3A_1441, %get3A_1442] {strides = array<i32>} : memref<112x16xi32, #tpu.memory_space<vmem>>, vector<16xi32>,
    %get3A_1444 = arith.constant 82 : i32
    %get3A_1445 = arith.index_cast %get3A_1444 : i32 to index
    %get3A_1446 = arith.constant 0 : index
    %get3A_1447 = tpu.vector_load %arg12[%get3A_1445, %get3A_1446] {strides = array<i32>} : memref<112x16xi32, #tpu.memory_space<vmem>>, vector<16xi32>,
    %get3A_1448 = arith.constant 82 : i32
    %get3A_1449 = arith.index_cast %get3A_1448 : i32 to index
    %get3A_1450 = arith.constant 0 : index
    %get3A_1451 = tpu.vector_load %arg13[%get3A_1449, %get3A_1450] {strides = array<i32>} : memref<112x16xi32, #tpu.memory_space<vmem>>, vector<16xi32>,
    %gather3A_1452 = tpu.vector_load_idx %arg10[%get3A_1443, %get3A_1447, %get3A_1451] : memref<2x128x8xi32, #tpu.memory_space<vmem>>[vector<16xi32>, vector<16xi32>, vector<16xi32>], vector<16xi32>,
    %swap3A_1453 = arith.constant 10 : i32
    %swap3A_1454 = arith.index_cast %swap3A_1453 : i32 to index
    %swap3A_1455 = arith.constant 32 : index
    %swap3A_1456 = tpu.vector_load %arg14[%swap3A_1454, %swap3A_1455] {strides = array<i32>} : memref<14x128xi32, #tpu.memory_space<vmem>>, vector<16xi32>,
    tpu.vector_store %arg14[%swap3A_1454, %swap3A_1455], %gather3A_1452 {strides = array<i32>} : memref<14x128xi32, #tpu.memory_space<vmem>>, vector<16xi32>,
    %get3A_1457 = arith.constant 83 : i32
    %get3A_1458 = arith.index_cast %get3A_1457 : i32 to index
    %get3A_1459 = arith.constant 0 : index
    %get3A_1460 = tpu.vector_load %arg11[%get3A_1458, %get3A_1459] {strides = array<i32>} : memref<112x16xi32, #tpu.memory_space<vmem>>, vector<16xi32>,
    %get3A_1461 = arith.constant 83 : i32
    %get3A_1462 = arith.index_cast %get3A_1461 : i32 to index
    %get3A_1463 = arith.constant 0 : index
    %get3A_1464 = tpu.vector_load %arg12[%get3A_1462, %get3A_1463] {strides = array<i32>} : memref<112x16xi32, #tpu.memory_space<vmem>>, vector<16xi32>,
    %get3A_1465 = arith.constant 83 : i32
    %get3A_1466 = arith.index_cast %get3A_1465 : i32 to index
    %get3A_1467 = arith.constant 0 : index
    %get3A_1468 = tpu.vector_load %arg13[%get3A_1466, %get3A_1467] {strides = array<i32>} : memref<112x16xi32, #tpu.memory_space<vmem>>, vector<16xi32>,
    %gather3A_1469 = tpu.vector_load_idx %arg10[%get3A_1460, %get3A_1464, %get3A_1468] : memref<2x128x8xi32, #tpu.memory_space<vmem>>[vector<16xi32>, vector<16xi32>, vector<16xi32>], vector<16xi32>,
    %swap3A_1470 = arith.constant 10 : i32
    %swap3A_1471 = arith.index_cast %swap3A_1470 : i32 to index
    %swap3A_1472 = arith.constant 48 : index
    %swap3A_1473 = tpu.vector_load %arg14[%swap3A_1471, %swap3A_1472] {strides = array<i32>} : memref<14x128xi32, #tpu.memory_space<vmem>>, vector<16xi32>,
    tpu.vector_store %arg14[%swap3A_1471, %swap3A_1472], %gather3A_1469 {strides = array<i32>} : memref<14x128xi32, #tpu.memory_space<vmem>>, vector<16xi32>,
    %get3A_1474 = arith.constant 84 : i32
    %get3A_1475 = arith.index_cast %get3A_1474 : i32 to index
    %get3A_1476 = arith.constant 0 : index
    %get3A_1477 = tpu.vector_load %arg11[%get3A_1475, %get3A_1476] {strides = array<i32>} : memref<112x16xi32, #tpu.memory_space<vmem>>, vector<16xi32>,
    %get3A_1478 = arith.constant 84 : i32
    %get3A_1479 = arith.index_cast %get3A_1478 : i32 to index
    %get3A_1480 = arith.constant 0 : index
    %get3A_1481 = tpu.vector_load %arg12[%get3A_1479, %get3A_1480] {strides = array<i32>} : memref<112x16xi32, #tpu.memory_space<vmem>>, vector<16xi32>,
    %get3A_1482 = arith.constant 84 : i32
    %get3A_1483 = arith.index_cast %get3A_1482 : i32 to index
    %get3A_1484 = arith.constant 0 : index
    %get3A_1485 = tpu.vector_load %arg13[%get3A_1483, %get3A_1484] {strides = array<i32>} : memref<112x16xi32, #tpu.memory_space<vmem>>, vector<16xi32>,
    %gather3A_1486 = tpu.vector_load_idx %arg10[%get3A_1477, %get3A_1481, %get3A_1485] : memref<2x128x8xi32, #tpu.memory_space<vmem>>[vector<16xi32>, vector<16xi32>, vector<16xi32>], vector<16xi32>,
    %swap3A_1487 = arith.constant 10 : i32
    %swap3A_1488 = arith.index_cast %swap3A_1487 : i32 to index
    %swap3A_1489 = arith.constant 64 : index
    %swap3A_1490 = tpu.vector_load %arg14[%swap3A_1488, %swap3A_1489] {strides = array<i32>} : memref<14x128xi32, #tpu.memory_space<vmem>>, vector<16xi32>,
    tpu.vector_store %arg14[%swap3A_1488, %swap3A_1489], %gather3A_1486 {strides = array<i32>} : memref<14x128xi32, #tpu.memory_space<vmem>>, vector<16xi32>,
    %get3A_1491 = arith.constant 85 : i32
    %get3A_1492 = arith.index_cast %get3A_1491 : i32 to index
    %get3A_1493 = arith.constant 0 : index
    %get3A_1494 = tpu.vector_load %arg11[%get3A_1492, %get3A_1493] {strides = array<i32>} : memref<112x16xi32, #tpu.memory_space<vmem>>, vector<16xi32>,
    %get3A_1495 = arith.constant 85 : i32
    %get3A_1496 = arith.index_cast %get3A_1495 : i32 to index
    %get3A_1497 = arith.constant 0 : index
    %get3A_1498 = tpu.vector_load %arg12[%get3A_1496, %get3A_1497] {strides = array<i32>} : memref<112x16xi32, #tpu.memory_space<vmem>>, vector<16xi32>,
    %get3A_1499 = arith.constant 85 : i32
    %get3A_1500 = arith.index_cast %get3A_1499 : i32 to index
    %get3A_1501 = arith.constant 0 : index
    %get3A_1502 = tpu.vector_load %arg13[%get3A_1500, %get3A_1501] {strides = array<i32>} : memref<112x16xi32, #tpu.memory_space<vmem>>, vector<16xi32>,
    %gather3A_1503 = tpu.vector_load_idx %arg10[%get3A_1494, %get3A_1498, %get3A_1502] : memref<2x128x8xi32, #tpu.memory_space<vmem>>[vector<16xi32>, vector<16xi32>, vector<16xi32>], vector<16xi32>,
    %swap3A_1504 = arith.constant 10 : i32
    %swap3A_1505 = arith.index_cast %swap3A_1504 : i32 to index
    %swap3A_1506 = arith.constant 80 : index
    %swap3A_1507 = tpu.vector_load %arg14[%swap3A_1505, %swap3A_1506] {strides = array<i32>} : memref<14x128xi32, #tpu.memory_space<vmem>>, vector<16xi32>,
    tpu.vector_store %arg14[%swap3A_1505, %swap3A_1506], %gather3A_1503 {strides = array<i32>} : memref<14x128xi32, #tpu.memory_space<vmem>>, vector<16xi32>,
    %get3A_1508 = arith.constant 86 : i32
    %get3A_1509 = arith.index_cast %get3A_1508 : i32 to index
    %get3A_1510 = arith.constant 0 : index
    %get3A_1511 = tpu.vector_load %arg11[%get3A_1509, %get3A_1510] {strides = array<i32>} : memref<112x16xi32, #tpu.memory_space<vmem>>, vector<16xi32>,
    %get3A_1512 = arith.constant 86 : i32
    %get3A_1513 = arith.index_cast %get3A_1512 : i32 to index
    %get3A_1514 = arith.constant 0 : index
    %get3A_1515 = tpu.vector_load %arg12[%get3A_1513, %get3A_1514] {strides = array<i32>} : memref<112x16xi32, #tpu.memory_space<vmem>>, vector<16xi32>,
    %get3A_1516 = arith.constant 86 : i32
    %get3A_1517 = arith.index_cast %get3A_1516 : i32 to index
    %get3A_1518 = arith.constant 0 : index
    %get3A_1519 = tpu.vector_load %arg13[%get3A_1517, %get3A_1518] {strides = array<i32>} : memref<112x16xi32, #tpu.memory_space<vmem>>, vector<16xi32>,
    %gather3A_1520 = tpu.vector_load_idx %arg10[%get3A_1511, %get3A_1515, %get3A_1519] : memref<2x128x8xi32, #tpu.memory_space<vmem>>[vector<16xi32>, vector<16xi32>, vector<16xi32>], vector<16xi32>,
    %swap3A_1521 = arith.constant 10 : i32
    %swap3A_1522 = arith.index_cast %swap3A_1521 : i32 to index
    %swap3A_1523 = arith.constant 96 : index
    %swap3A_1524 = tpu.vector_load %arg14[%swap3A_1522, %swap3A_1523] {strides = array<i32>} : memref<14x128xi32, #tpu.memory_space<vmem>>, vector<16xi32>,
    tpu.vector_store %arg14[%swap3A_1522, %swap3A_1523], %gather3A_1520 {strides = array<i32>} : memref<14x128xi32, #tpu.memory_space<vmem>>, vector<16xi32>,
    %get3A_1525 = arith.constant 87 : i32
    %get3A_1526 = arith.index_cast %get3A_1525 : i32 to index
    %get3A_1527 = arith.constant 0 : index
    %get3A_1528 = tpu.vector_load %arg11[%get3A_1526, %get3A_1527] {strides = array<i32>} : memref<112x16xi32, #tpu.memory_space<vmem>>, vector<16xi32>,
    %get3A_1529 = arith.constant 87 : i32
    %get3A_1530 = arith.index_cast %get3A_1529 : i32 to index
    %get3A_1531 = arith.constant 0 : index
    %get3A_1532 = tpu.vector_load %arg12[%get3A_1530, %get3A_1531] {strides = array<i32>} : memref<112x16xi32, #tpu.memory_space<vmem>>, vector<16xi32>,
    %get3A_1533 = arith.constant 87 : i32
    %get3A_1534 = arith.index_cast %get3A_1533 : i32 to index
    %get3A_1535 = arith.constant 0 : index
    %get3A_1536 = tpu.vector_load %arg13[%get3A_1534, %get3A_1535] {strides = array<i32>} : memref<112x16xi32, #tpu.memory_space<vmem>>, vector<16xi32>,
    %gather3A_1537 = tpu.vector_load_idx %arg10[%get3A_1528, %get3A_1532, %get3A_1536] : memref<2x128x8xi32, #tpu.memory_space<vmem>>[vector<16xi32>, vector<16xi32>, vector<16xi32>], vector<16xi32>,
    %swap3A_1538 = arith.constant 10 : i32
    %swap3A_1539 = arith.index_cast %swap3A_1538 : i32 to index
    %swap3A_1540 = arith.constant 112 : index
    %swap3A_1541 = tpu.vector_load %arg14[%swap3A_1539, %swap3A_1540] {strides = array<i32>} : memref<14x128xi32, #tpu.memory_space<vmem>>, vector<16xi32>,
    tpu.vector_store %arg14[%swap3A_1539, %swap3A_1540], %gather3A_1537 {strides = array<i32>} : memref<14x128xi32, #tpu.memory_space<vmem>>, vector<16xi32>,
    %get3A_1542 = arith.constant 88 : i32
    %get3A_1543 = arith.index_cast %get3A_1542 : i32 to index
    %get3A_1544 = arith.constant 0 : index
    %get3A_1545 = tpu.vector_load %arg11[%get3A_1543, %get3A_1544] {strides = array<i32>} : memref<112x16xi32, #tpu.memory_space<vmem>>, vector<16xi32>,
    %get3A_1546 = arith.constant 88 : i32
    %get3A_1547 = arith.index_cast %get3A_1546 : i32 to index
    %get3A_1548 = arith.constant 0 : index
    %get3A_1549 = tpu.vector_load %arg12[%get3A_1547, %get3A_1548] {strides = array<i32>} : memref<112x16xi32, #tpu.memory_space<vmem>>, vector<16xi32>,
    %get3A_1550 = arith.constant 88 : i32
    %get3A_1551 = arith.index_cast %get3A_1550 : i32 to index
    %get3A_1552 = arith.constant 0 : index
    %get3A_1553 = tpu.vector_load %arg13[%get3A_1551, %get3A_1552] {strides = array<i32>} : memref<112x16xi32, #tpu.memory_space<vmem>>, vector<16xi32>,
    %gather3A_1554 = tpu.vector_load_idx %arg10[%get3A_1545, %get3A_1549, %get3A_1553] : memref<2x128x8xi32, #tpu.memory_space<vmem>>[vector<16xi32>, vector<16xi32>, vector<16xi32>], vector<16xi32>,
    %swap3A_1555 = arith.constant 11 : i32
    %swap3A_1556 = arith.index_cast %swap3A_1555 : i32 to index
    %swap3A_1557 = arith.constant 0 : index
    %swap3A_1558 = tpu.vector_load %arg14[%swap3A_1556, %swap3A_1557] {strides = array<i32>} : memref<14x128xi32, #tpu.memory_space<vmem>>, vector<16xi32>,
    tpu.vector_store %arg14[%swap3A_1556, %swap3A_1557], %gather3A_1554 {strides = array<i32>} : memref<14x128xi32, #tpu.memory_space<vmem>>, vector<16xi32>,
    %get3A_1559 = arith.constant 89 : i32
    %get3A_1560 = arith.index_cast %get3A_1559 : i32 to index
    %get3A_1561 = arith.constant 0 : index
    %get3A_1562 = tpu.vector_load %arg11[%get3A_1560, %get3A_1561] {strides = array<i32>} : memref<112x16xi32, #tpu.memory_space<vmem>>, vector<16xi32>,
    %get3A_1563 = arith.constant 89 : i32
    %get3A_1564 = arith.index_cast %get3A_1563 : i32 to index
    %get3A_1565 = arith.constant 0 : index
    %get3A_1566 = tpu.vector_load %arg12[%get3A_1564, %get3A_1565] {strides = array<i32>} : memref<112x16xi32, #tpu.memory_space<vmem>>, vector<16xi32>,
    %get3A_1567 = arith.constant 89 : i32
    %get3A_1568 = arith.index_cast %get3A_1567 : i32 to index
    %get3A_1569 = arith.constant 0 : index
    %get3A_1570 = tpu.vector_load %arg13[%get3A_1568, %get3A_1569] {strides = array<i32>} : memref<112x16xi32, #tpu.memory_space<vmem>>, vector<16xi32>,
    %gather3A_1571 = tpu.vector_load_idx %arg10[%get3A_1562, %get3A_1566, %get3A_1570] : memref<2x128x8xi32, #tpu.memory_space<vmem>>[vector<16xi32>, vector<16xi32>, vector<16xi32>], vector<16xi32>,
    %swap3A_1572 = arith.constant 11 : i32
    %swap3A_1573 = arith.index_cast %swap3A_1572 : i32 to index
    %swap3A_1574 = arith.constant 16 : index
    %swap3A_1575 = tpu.vector_load %arg14[%swap3A_1573, %swap3A_1574] {strides = array<i32>} : memref<14x128xi32, #tpu.memory_space<vmem>>, vector<16xi32>,
    tpu.vector_store %arg14[%swap3A_1573, %swap3A_1574], %gather3A_1571 {strides = array<i32>} : memref<14x128xi32, #tpu.memory_space<vmem>>, vector<16xi32>,
    %get3A_1576 = arith.constant 90 : i32
    %get3A_1577 = arith.index_cast %get3A_1576 : i32 to index
    %get3A_1578 = arith.constant 0 : index
    %get3A_1579 = tpu.vector_load %arg11[%get3A_1577, %get3A_1578] {strides = array<i32>} : memref<112x16xi32, #tpu.memory_space<vmem>>, vector<16xi32>,
    %get3A_1580 = arith.constant 90 : i32
    %get3A_1581 = arith.index_cast %get3A_1580 : i32 to index
    %get3A_1582 = arith.constant 0 : index
    %get3A_1583 = tpu.vector_load %arg12[%get3A_1581, %get3A_1582] {strides = array<i32>} : memref<112x16xi32, #tpu.memory_space<vmem>>, vector<16xi32>,
    %get3A_1584 = arith.constant 90 : i32
    %get3A_1585 = arith.index_cast %get3A_1584 : i32 to index
    %get3A_1586 = arith.constant 0 : index
    %get3A_1587 = tpu.vector_load %arg13[%get3A_1585, %get3A_1586] {strides = array<i32>} : memref<112x16xi32, #tpu.memory_space<vmem>>, vector<16xi32>,
    %gather3A_1588 = tpu.vector_load_idx %arg10[%get3A_1579, %get3A_1583, %get3A_1587] : memref<2x128x8xi32, #tpu.memory_space<vmem>>[vector<16xi32>, vector<16xi32>, vector<16xi32>], vector<16xi32>,
    %swap3A_1589 = arith.constant 11 : i32
    %swap3A_1590 = arith.index_cast %swap3A_1589 : i32 to index
    %swap3A_1591 = arith.constant 32 : index
    %swap3A_1592 = tpu.vector_load %arg14[%swap3A_1590, %swap3A_1591] {strides = array<i32>} : memref<14x128xi32, #tpu.memory_space<vmem>>, vector<16xi32>,
    tpu.vector_store %arg14[%swap3A_1590, %swap3A_1591], %gather3A_1588 {strides = array<i32>} : memref<14x128xi32, #tpu.memory_space<vmem>>, vector<16xi32>,
    %get3A_1593 = arith.constant 91 : i32
    %get3A_1594 = arith.index_cast %get3A_1593 : i32 to index
    %get3A_1595 = arith.constant 0 : index
    %get3A_1596 = tpu.vector_load %arg11[%get3A_1594, %get3A_1595] {strides = array<i32>} : memref<112x16xi32, #tpu.memory_space<vmem>>, vector<16xi32>,
    %get3A_1597 = arith.constant 91 : i32
    %get3A_1598 = arith.index_cast %get3A_1597 : i32 to index
    %get3A_1599 = arith.constant 0 : index
    %get3A_1600 = tpu.vector_load %arg12[%get3A_1598, %get3A_1599] {strides = array<i32>} : memref<112x16xi32, #tpu.memory_space<vmem>>, vector<16xi32>,
    %get3A_1601 = arith.constant 91 : i32
    %get3A_1602 = arith.index_cast %get3A_1601 : i32 to index
    %get3A_1603 = arith.constant 0 : index
    %get3A_1604 = tpu.vector_load %arg13[%get3A_1602, %get3A_1603] {strides = array<i32>} : memref<112x16xi32, #tpu.memory_space<vmem>>, vector<16xi32>,
    %gather3A_1605 = tpu.vector_load_idx %arg10[%get3A_1596, %get3A_1600, %get3A_1604] : memref<2x128x8xi32, #tpu.memory_space<vmem>>[vector<16xi32>, vector<16xi32>, vector<16xi32>], vector<16xi32>,
    %swap3A_1606 = arith.constant 11 : i32
    %swap3A_1607 = arith.index_cast %swap3A_1606 : i32 to index
    %swap3A_1608 = arith.constant 48 : index
    %swap3A_1609 = tpu.vector_load %arg14[%swap3A_1607, %swap3A_1608] {strides = array<i32>} : memref<14x128xi32, #tpu.memory_space<vmem>>, vector<16xi32>,
    tpu.vector_store %arg14[%swap3A_1607, %swap3A_1608], %gather3A_1605 {strides = array<i32>} : memref<14x128xi32, #tpu.memory_space<vmem>>, vector<16xi32>,
    %get3A_1610 = arith.constant 92 : i32
    %get3A_1611 = arith.index_cast %get3A_1610 : i32 to index
    %get3A_1612 = arith.constant 0 : index
    %get3A_1613 = tpu.vector_load %arg11[%get3A_1611, %get3A_1612] {strides = array<i32>} : memref<112x16xi32, #tpu.memory_space<vmem>>, vector<16xi32>,
    %get3A_1614 = arith.constant 92 : i32
    %get3A_1615 = arith.index_cast %get3A_1614 : i32 to index
    %get3A_1616 = arith.constant 0 : index
    %get3A_1617 = tpu.vector_load %arg12[%get3A_1615, %get3A_1616] {strides = array<i32>} : memref<112x16xi32, #tpu.memory_space<vmem>>, vector<16xi32>,
    %get3A_1618 = arith.constant 92 : i32
    %get3A_1619 = arith.index_cast %get3A_1618 : i32 to index
    %get3A_1620 = arith.constant 0 : index
    %get3A_1621 = tpu.vector_load %arg13[%get3A_1619, %get3A_1620] {strides = array<i32>} : memref<112x16xi32, #tpu.memory_space<vmem>>, vector<16xi32>,
    %gather3A_1622 = tpu.vector_load_idx %arg10[%get3A_1613, %get3A_1617, %get3A_1621] : memref<2x128x8xi32, #tpu.memory_space<vmem>>[vector<16xi32>, vector<16xi32>, vector<16xi32>], vector<16xi32>,
    %swap3A_1623 = arith.constant 11 : i32
    %swap3A_1624 = arith.index_cast %swap3A_1623 : i32 to index
    %swap3A_1625 = arith.constant 64 : index
    %swap3A_1626 = tpu.vector_load %arg14[%swap3A_1624, %swap3A_1625] {strides = array<i32>} : memref<14x128xi32, #tpu.memory_space<vmem>>, vector<16xi32>,
    tpu.vector_store %arg14[%swap3A_1624, %swap3A_1625], %gather3A_1622 {strides = array<i32>} : memref<14x128xi32, #tpu.memory_space<vmem>>, vector<16xi32>,
    %get3A_1627 = arith.constant 93 : i32
    %get3A_1628 = arith.index_cast %get3A_1627 : i32 to index
    %get3A_1629 = arith.constant 0 : index
    %get3A_1630 = tpu.vector_load %arg11[%get3A_1628, %get3A_1629] {strides = array<i32>} : memref<112x16xi32, #tpu.memory_space<vmem>>, vector<16xi32>,
    %get3A_1631 = arith.constant 93 : i32
    %get3A_1632 = arith.index_cast %get3A_1631 : i32 to index
    %get3A_1633 = arith.constant 0 : index
    %get3A_1634 = tpu.vector_load %arg12[%get3A_1632, %get3A_1633] {strides = array<i32>} : memref<112x16xi32, #tpu.memory_space<vmem>>, vector<16xi32>,
    %get3A_1635 = arith.constant 93 : i32
    %get3A_1636 = arith.index_cast %get3A_1635 : i32 to index
    %get3A_1637 = arith.constant 0 : index
    %get3A_1638 = tpu.vector_load %arg13[%get3A_1636, %get3A_1637] {strides = array<i32>} : memref<112x16xi32, #tpu.memory_space<vmem>>, vector<16xi32>,
    %gather3A_1639 = tpu.vector_load_idx %arg10[%get3A_1630, %get3A_1634, %get3A_1638] : memref<2x128x8xi32, #tpu.memory_space<vmem>>[vector<16xi32>, vector<16xi32>, vector<16xi32>], vector<16xi32>,
    %swap3A_1640 = arith.constant 11 : i32
    %swap3A_1641 = arith.index_cast %swap3A_1640 : i32 to index
    %swap3A_1642 = arith.constant 80 : index
    %swap3A_1643 = tpu.vector_load %arg14[%swap3A_1641, %swap3A_1642] {strides = array<i32>} : memref<14x128xi32, #tpu.memory_space<vmem>>, vector<16xi32>,
    tpu.vector_store %arg14[%swap3A_1641, %swap3A_1642], %gather3A_1639 {strides = array<i32>} : memref<14x128xi32, #tpu.memory_space<vmem>>, vector<16xi32>,
    %get3A_1644 = arith.constant 94 : i32
    %get3A_1645 = arith.index_cast %get3A_1644 : i32 to index
    %get3A_1646 = arith.constant 0 : index
    %get3A_1647 = tpu.vector_load %arg11[%get3A_1645, %get3A_1646] {strides = array<i32>} : memref<112x16xi32, #tpu.memory_space<vmem>>, vector<16xi32>,
    %get3A_1648 = arith.constant 94 : i32
    %get3A_1649 = arith.index_cast %get3A_1648 : i32 to index
    %get3A_1650 = arith.constant 0 : index
    %get3A_1651 = tpu.vector_load %arg12[%get3A_1649, %get3A_1650] {strides = array<i32>} : memref<112x16xi32, #tpu.memory_space<vmem>>, vector<16xi32>,
    %get3A_1652 = arith.constant 94 : i32
    %get3A_1653 = arith.index_cast %get3A_1652 : i32 to index
    %get3A_1654 = arith.constant 0 : index
    %get3A_1655 = tpu.vector_load %arg13[%get3A_1653, %get3A_1654] {strides = array<i32>} : memref<112x16xi32, #tpu.memory_space<vmem>>, vector<16xi32>,
    %gather3A_1656 = tpu.vector_load_idx %arg10[%get3A_1647, %get3A_1651, %get3A_1655] : memref<2x128x8xi32, #tpu.memory_space<vmem>>[vector<16xi32>, vector<16xi32>, vector<16xi32>], vector<16xi32>,
    %swap3A_1657 = arith.constant 11 : i32
    %swap3A_1658 = arith.index_cast %swap3A_1657 : i32 to index
    %swap3A_1659 = arith.constant 96 : index
    %swap3A_1660 = tpu.vector_load %arg14[%swap3A_1658, %swap3A_1659] {strides = array<i32>} : memref<14x128xi32, #tpu.memory_space<vmem>>, vector<16xi32>,
    tpu.vector_store %arg14[%swap3A_1658, %swap3A_1659], %gather3A_1656 {strides = array<i32>} : memref<14x128xi32, #tpu.memory_space<vmem>>, vector<16xi32>,
    %get3A_1661 = arith.constant 95 : i32
    %get3A_1662 = arith.index_cast %get3A_1661 : i32 to index
    %get3A_1663 = arith.constant 0 : index
    %get3A_1664 = tpu.vector_load %arg11[%get3A_1662, %get3A_1663] {strides = array<i32>} : memref<112x16xi32, #tpu.memory_space<vmem>>, vector<16xi32>,
    %get3A_1665 = arith.constant 95 : i32
    %get3A_1666 = arith.index_cast %get3A_1665 : i32 to index
    %get3A_1667 = arith.constant 0 : index
    %get3A_1668 = tpu.vector_load %arg12[%get3A_1666, %get3A_1667] {strides = array<i32>} : memref<112x16xi32, #tpu.memory_space<vmem>>, vector<16xi32>,
    %get3A_1669 = arith.constant 95 : i32
    %get3A_1670 = arith.index_cast %get3A_1669 : i32 to index
    %get3A_1671 = arith.constant 0 : index
    %get3A_1672 = tpu.vector_load %arg13[%get3A_1670, %get3A_1671] {strides = array<i32>} : memref<112x16xi32, #tpu.memory_space<vmem>>, vector<16xi32>,
    %gather3A_1673 = tpu.vector_load_idx %arg10[%get3A_1664, %get3A_1668, %get3A_1672] : memref<2x128x8xi32, #tpu.memory_space<vmem>>[vector<16xi32>, vector<16xi32>, vector<16xi32>], vector<16xi32>,
    %swap3A_1674 = arith.constant 11 : i32
    %swap3A_1675 = arith.index_cast %swap3A_1674 : i32 to index
    %swap3A_1676 = arith.constant 112 : index
    %swap3A_1677 = tpu.vector_load %arg14[%swap3A_1675, %swap3A_1676] {strides = array<i32>} : memref<14x128xi32, #tpu.memory_space<vmem>>, vector<16xi32>,
    tpu.vector_store %arg14[%swap3A_1675, %swap3A_1676], %gather3A_1673 {strides = array<i32>} : memref<14x128xi32, #tpu.memory_space<vmem>>, vector<16xi32>,
    %get3A_1678 = arith.constant 96 : i32
    %get3A_1679 = arith.index_cast %get3A_1678 : i32 to index
    %get3A_1680 = arith.constant 0 : index
    %get3A_1681 = tpu.vector_load %arg11[%get3A_1679, %get3A_1680] {strides = array<i32>} : memref<112x16xi32, #tpu.memory_space<vmem>>, vector<16xi32>,
    %get3A_1682 = arith.constant 96 : i32
    %get3A_1683 = arith.index_cast %get3A_1682 : i32 to index
    %get3A_1684 = arith.constant 0 : index
    %get3A_1685 = tpu.vector_load %arg12[%get3A_1683, %get3A_1684] {strides = array<i32>} : memref<112x16xi32, #tpu.memory_space<vmem>>, vector<16xi32>,
    %get3A_1686 = arith.constant 96 : i32
    %get3A_1687 = arith.index_cast %get3A_1686 : i32 to index
    %get3A_1688 = arith.constant 0 : index
    %get3A_1689 = tpu.vector_load %arg13[%get3A_1687, %get3A_1688] {strides = array<i32>} : memref<112x16xi32, #tpu.memory_space<vmem>>, vector<16xi32>,
    %gather3A_1690 = tpu.vector_load_idx %arg10[%get3A_1681, %get3A_1685, %get3A_1689] : memref<2x128x8xi32, #tpu.memory_space<vmem>>[vector<16xi32>, vector<16xi32>, vector<16xi32>], vector<16xi32>,
    %swap3A_1691 = arith.constant 12 : i32
    %swap3A_1692 = arith.index_cast %swap3A_1691 : i32 to index
    %swap3A_1693 = arith.constant 0 : index
    %swap3A_1694 = tpu.vector_load %arg14[%swap3A_1692, %swap3A_1693] {strides = array<i32>} : memref<14x128xi32, #tpu.memory_space<vmem>>, vector<16xi32>,
    tpu.vector_store %arg14[%swap3A_1692, %swap3A_1693], %gather3A_1690 {strides = array<i32>} : memref<14x128xi32, #tpu.memory_space<vmem>>, vector<16xi32>,
    %get3A_1695 = arith.constant 97 : i32
    %get3A_1696 = arith.index_cast %get3A_1695 : i32 to index
    %get3A_1697 = arith.constant 0 : index
    %get3A_1698 = tpu.vector_load %arg11[%get3A_1696, %get3A_1697] {strides = array<i32>} : memref<112x16xi32, #tpu.memory_space<vmem>>, vector<16xi32>,
    %get3A_1699 = arith.constant 97 : i32
    %get3A_1700 = arith.index_cast %get3A_1699 : i32 to index
    %get3A_1701 = arith.constant 0 : index
    %get3A_1702 = tpu.vector_load %arg12[%get3A_1700, %get3A_1701] {strides = array<i32>} : memref<112x16xi32, #tpu.memory_space<vmem>>, vector<16xi32>,
    %get3A_1703 = arith.constant 97 : i32
    %get3A_1704 = arith.index_cast %get3A_1703 : i32 to index
    %get3A_1705 = arith.constant 0 : index
    %get3A_1706 = tpu.vector_load %arg13[%get3A_1704, %get3A_1705] {strides = array<i32>} : memref<112x16xi32, #tpu.memory_space<vmem>>, vector<16xi32>,
    %gather3A_1707 = tpu.vector_load_idx %arg10[%get3A_1698, %get3A_1702, %get3A_1706] : memref<2x128x8xi32, #tpu.memory_space<vmem>>[vector<16xi32>, vector<16xi32>, vector<16xi32>], vector<16xi32>,
    %swap3A_1708 = arith.constant 12 : i32
    %swap3A_1709 = arith.index_cast %swap3A_1708 : i32 to index
    %swap3A_1710 = arith.constant 16 : index
    %swap3A_1711 = tpu.vector_load %arg14[%swap3A_1709, %swap3A_1710] {strides = array<i32>} : memref<14x128xi32, #tpu.memory_space<vmem>>, vector<16xi32>,
    tpu.vector_store %arg14[%swap3A_1709, %swap3A_1710], %gather3A_1707 {strides = array<i32>} : memref<14x128xi32, #tpu.memory_space<vmem>>, vector<16xi32>,
    %get3A_1712 = arith.constant 98 : i32
    %get3A_1713 = arith.index_cast %get3A_1712 : i32 to index
    %get3A_1714 = arith.constant 0 : index
    %get3A_1715 = tpu.vector_load %arg11[%get3A_1713, %get3A_1714] {strides = array<i32>} : memref<112x16xi32, #tpu.memory_space<vmem>>, vector<16xi32>,
    %get3A_1716 = arith.constant 98 : i32
    %get3A_1717 = arith.index_cast %get3A_1716 : i32 to index
    %get3A_1718 = arith.constant 0 : index
    %get3A_1719 = tpu.vector_load %arg12[%get3A_1717, %get3A_1718] {strides = array<i32>} : memref<112x16xi32, #tpu.memory_space<vmem>>, vector<16xi32>,
    %get3A_1720 = arith.constant 98 : i32
    %get3A_1721 = arith.index_cast %get3A_1720 : i32 to index
    %get3A_1722 = arith.constant 0 : index
    %get3A_1723 = tpu.vector_load %arg13[%get3A_1721, %get3A_1722] {strides = array<i32>} : memref<112x16xi32, #tpu.memory_space<vmem>>, vector<16xi32>,
    %gather3A_1724 = tpu.vector_load_idx %arg10[%get3A_1715, %get3A_1719, %get3A_1723] : memref<2x128x8xi32, #tpu.memory_space<vmem>>[vector<16xi32>, vector<16xi32>, vector<16xi32>], vector<16xi32>,
    %swap3A_1725 = arith.constant 12 : i32
    %swap3A_1726 = arith.index_cast %swap3A_1725 : i32 to index
    %swap3A_1727 = arith.constant 32 : index
    %swap3A_1728 = tpu.vector_load %arg14[%swap3A_1726, %swap3A_1727] {strides = array<i32>} : memref<14x128xi32, #tpu.memory_space<vmem>>, vector<16xi32>,
    tpu.vector_store %arg14[%swap3A_1726, %swap3A_1727], %gather3A_1724 {strides = array<i32>} : memref<14x128xi32, #tpu.memory_space<vmem>>, vector<16xi32>,
    %get3A_1729 = arith.constant 99 : i32
    %get3A_1730 = arith.index_cast %get3A_1729 : i32 to index
    %get3A_1731 = arith.constant 0 : index
    %get3A_1732 = tpu.vector_load %arg11[%get3A_1730, %get3A_1731] {strides = array<i32>} : memref<112x16xi32, #tpu.memory_space<vmem>>, vector<16xi32>,
    %get3A_1733 = arith.constant 99 : i32
    %get3A_1734 = arith.index_cast %get3A_1733 : i32 to index
    %get3A_1735 = arith.constant 0 : index
    %get3A_1736 = tpu.vector_load %arg12[%get3A_1734, %get3A_1735] {strides = array<i32>} : memref<112x16xi32, #tpu.memory_space<vmem>>, vector<16xi32>,
    %get3A_1737 = arith.constant 99 : i32
    %get3A_1738 = arith.index_cast %get3A_1737 : i32 to index
    %get3A_1739 = arith.constant 0 : index
    %get3A_1740 = tpu.vector_load %arg13[%get3A_1738, %get3A_1739] {strides = array<i32>} : memref<112x16xi32, #tpu.memory_space<vmem>>, vector<16xi32>,
    %gather3A_1741 = tpu.vector_load_idx %arg10[%get3A_1732, %get3A_1736, %get3A_1740] : memref<2x128x8xi32, #tpu.memory_space<vmem>>[vector<16xi32>, vector<16xi32>, vector<16xi32>], vector<16xi32>,
    %swap3A_1742 = arith.constant 12 : i32
    %swap3A_1743 = arith.index_cast %swap3A_1742 : i32 to index
    %swap3A_1744 = arith.constant 48 : index
    %swap3A_1745 = tpu.vector_load %arg14[%swap3A_1743, %swap3A_1744] {strides = array<i32>} : memref<14x128xi32, #tpu.memory_space<vmem>>, vector<16xi32>,
    tpu.vector_store %arg14[%swap3A_1743, %swap3A_1744], %gather3A_1741 {strides = array<i32>} : memref<14x128xi32, #tpu.memory_space<vmem>>, vector<16xi32>,
    %get3A_1746 = arith.constant 100 : i32
    %get3A_1747 = arith.index_cast %get3A_1746 : i32 to index
    %get3A_1748 = arith.constant 0 : index
    %get3A_1749 = tpu.vector_load %arg11[%get3A_1747, %get3A_1748] {strides = array<i32>} : memref<112x16xi32, #tpu.memory_space<vmem>>, vector<16xi32>,
    %get3A_1750 = arith.constant 100 : i32
    %get3A_1751 = arith.index_cast %get3A_1750 : i32 to index
    %get3A_1752 = arith.constant 0 : index
    %get3A_1753 = tpu.vector_load %arg12[%get3A_1751, %get3A_1752] {strides = array<i32>} : memref<112x16xi32, #tpu.memory_space<vmem>>, vector<16xi32>,
    %get3A_1754 = arith.constant 100 : i32
    %get3A_1755 = arith.index_cast %get3A_1754 : i32 to index
    %get3A_1756 = arith.constant 0 : index
    %get3A_1757 = tpu.vector_load %arg13[%get3A_1755, %get3A_1756] {strides = array<i32>} : memref<112x16xi32, #tpu.memory_space<vmem>>, vector<16xi32>,
    %gather3A_1758 = tpu.vector_load_idx %arg10[%get3A_1749, %get3A_1753, %get3A_1757] : memref<2x128x8xi32, #tpu.memory_space<vmem>>[vector<16xi32>, vector<16xi32>, vector<16xi32>], vector<16xi32>,
    %swap3A_1759 = arith.constant 12 : i32
    %swap3A_1760 = arith.index_cast %swap3A_1759 : i32 to index
    %swap3A_1761 = arith.constant 64 : index
    %swap3A_1762 = tpu.vector_load %arg14[%swap3A_1760, %swap3A_1761] {strides = array<i32>} : memref<14x128xi32, #tpu.memory_space<vmem>>, vector<16xi32>,
    tpu.vector_store %arg14[%swap3A_1760, %swap3A_1761], %gather3A_1758 {strides = array<i32>} : memref<14x128xi32, #tpu.memory_space<vmem>>, vector<16xi32>,
    %get3A_1763 = arith.constant 101 : i32
    %get3A_1764 = arith.index_cast %get3A_1763 : i32 to index
    %get3A_1765 = arith.constant 0 : index
    %get3A_1766 = tpu.vector_load %arg11[%get3A_1764, %get3A_1765] {strides = array<i32>} : memref<112x16xi32, #tpu.memory_space<vmem>>, vector<16xi32>,
    %get3A_1767 = arith.constant 101 : i32
    %get3A_1768 = arith.index_cast %get3A_1767 : i32 to index
    %get3A_1769 = arith.constant 0 : index
    %get3A_1770 = tpu.vector_load %arg12[%get3A_1768, %get3A_1769] {strides = array<i32>} : memref<112x16xi32, #tpu.memory_space<vmem>>, vector<16xi32>,
    %get3A_1771 = arith.constant 101 : i32
    %get3A_1772 = arith.index_cast %get3A_1771 : i32 to index
    %get3A_1773 = arith.constant 0 : index
    %get3A_1774 = tpu.vector_load %arg13[%get3A_1772, %get3A_1773] {strides = array<i32>} : memref<112x16xi32, #tpu.memory_space<vmem>>, vector<16xi32>,
    %gather3A_1775 = tpu.vector_load_idx %arg10[%get3A_1766, %get3A_1770, %get3A_1774] : memref<2x128x8xi32, #tpu.memory_space<vmem>>[vector<16xi32>, vector<16xi32>, vector<16xi32>], vector<16xi32>,
    %swap3A_1776 = arith.constant 12 : i32
    %swap3A_1777 = arith.index_cast %swap3A_1776 : i32 to index
    %swap3A_1778 = arith.constant 80 : index
    %swap3A_1779 = tpu.vector_load %arg14[%swap3A_1777, %swap3A_1778] {strides = array<i32>} : memref<14x128xi32, #tpu.memory_space<vmem>>, vector<16xi32>,
    tpu.vector_store %arg14[%swap3A_1777, %swap3A_1778], %gather3A_1775 {strides = array<i32>} : memref<14x128xi32, #tpu.memory_space<vmem>>, vector<16xi32>,
    %get3A_1780 = arith.constant 102 : i32
    %get3A_1781 = arith.index_cast %get3A_1780 : i32 to index
    %get3A_1782 = arith.constant 0 : index
    %get3A_1783 = tpu.vector_load %arg11[%get3A_1781, %get3A_1782] {strides = array<i32>} : memref<112x16xi32, #tpu.memory_space<vmem>>, vector<16xi32>,
    %get3A_1784 = arith.constant 102 : i32
    %get3A_1785 = arith.index_cast %get3A_1784 : i32 to index
    %get3A_1786 = arith.constant 0 : index
    %get3A_1787 = tpu.vector_load %arg12[%get3A_1785, %get3A_1786] {strides = array<i32>} : memref<112x16xi32, #tpu.memory_space<vmem>>, vector<16xi32>,
    %get3A_1788 = arith.constant 102 : i32
    %get3A_1789 = arith.index_cast %get3A_1788 : i32 to index
    %get3A_1790 = arith.constant 0 : index
    %get3A_1791 = tpu.vector_load %arg13[%get3A_1789, %get3A_1790] {strides = array<i32>} : memref<112x16xi32, #tpu.memory_space<vmem>>, vector<16xi32>,
    %gather3A_1792 = tpu.vector_load_idx %arg10[%get3A_1783, %get3A_1787, %get3A_1791] : memref<2x128x8xi32, #tpu.memory_space<vmem>>[vector<16xi32>, vector<16xi32>, vector<16xi32>], vector<16xi32>,
    %swap3A_1793 = arith.constant 12 : i32
    %swap3A_1794 = arith.index_cast %swap3A_1793 : i32 to index
    %swap3A_1795 = arith.constant 96 : index
    %swap3A_1796 = tpu.vector_load %arg14[%swap3A_1794, %swap3A_1795] {strides = array<i32>} : memref<14x128xi32, #tpu.memory_space<vmem>>, vector<16xi32>,
    tpu.vector_store %arg14[%swap3A_1794, %swap3A_1795], %gather3A_1792 {strides = array<i32>} : memref<14x128xi32, #tpu.memory_space<vmem>>, vector<16xi32>,
    %get3A_1797 = arith.constant 103 : i32
    %get3A_1798 = arith.index_cast %get3A_1797 : i32 to index
    %get3A_1799 = arith.constant 0 : index
    %get3A_1800 = tpu.vector_load %arg11[%get3A_1798, %get3A_1799] {strides = array<i32>} : memref<112x16xi32, #tpu.memory_space<vmem>>, vector<16xi32>,
    %get3A_1801 = arith.constant 103 : i32
    %get3A_1802 = arith.index_cast %get3A_1801 : i32 to index
    %get3A_1803 = arith.constant 0 : index
    %get3A_1804 = tpu.vector_load %arg12[%get3A_1802, %get3A_1803] {strides = array<i32>} : memref<112x16xi32, #tpu.memory_space<vmem>>, vector<16xi32>,
    %get3A_1805 = arith.constant 103 : i32
    %get3A_1806 = arith.index_cast %get3A_1805 : i32 to index
    %get3A_1807 = arith.constant 0 : index
    %get3A_1808 = tpu.vector_load %arg13[%get3A_1806, %get3A_1807] {strides = array<i32>} : memref<112x16xi32, #tpu.memory_space<vmem>>, vector<16xi32>,
    %gather3A_1809 = tpu.vector_load_idx %arg10[%get3A_1800, %get3A_1804, %get3A_1808] : memref<2x128x8xi32, #tpu.memory_space<vmem>>[vector<16xi32>, vector<16xi32>, vector<16xi32>], vector<16xi32>,
    %swap3A_1810 = arith.constant 12 : i32
    %swap3A_1811 = arith.index_cast %swap3A_1810 : i32 to index
    %swap3A_1812 = arith.constant 112 : index
    %swap3A_1813 = tpu.vector_load %arg14[%swap3A_1811, %swap3A_1812] {strides = array<i32>} : memref<14x128xi32, #tpu.memory_space<vmem>>, vector<16xi32>,
    tpu.vector_store %arg14[%swap3A_1811, %swap3A_1812], %gather3A_1809 {strides = array<i32>} : memref<14x128xi32, #tpu.memory_space<vmem>>, vector<16xi32>,
    %get3A_1814 = arith.constant 104 : i32
    %get3A_1815 = arith.index_cast %get3A_1814 : i32 to index
    %get3A_1816 = arith.constant 0 : index
    %get3A_1817 = tpu.vector_load %arg11[%get3A_1815, %get3A_1816] {strides = array<i32>} : memref<112x16xi32, #tpu.memory_space<vmem>>, vector<16xi32>,
    %get3A_1818 = arith.constant 104 : i32
    %get3A_1819 = arith.index_cast %get3A_1818 : i32 to index
    %get3A_1820 = arith.constant 0 : index
    %get3A_1821 = tpu.vector_load %arg12[%get3A_1819, %get3A_1820] {strides = array<i32>} : memref<112x16xi32, #tpu.memory_space<vmem>>, vector<16xi32>,
    %get3A_1822 = arith.constant 104 : i32
    %get3A_1823 = arith.index_cast %get3A_1822 : i32 to index
    %get3A_1824 = arith.constant 0 : index
    %get3A_1825 = tpu.vector_load %arg13[%get3A_1823, %get3A_1824] {strides = array<i32>} : memref<112x16xi32, #tpu.memory_space<vmem>>, vector<16xi32>,
    %gather3A_1826 = tpu.vector_load_idx %arg10[%get3A_1817, %get3A_1821, %get3A_1825] : memref<2x128x8xi32, #tpu.memory_space<vmem>>[vector<16xi32>, vector<16xi32>, vector<16xi32>], vector<16xi32>,
    %swap3A_1827 = arith.constant 13 : i32
    %swap3A_1828 = arith.index_cast %swap3A_1827 : i32 to index
    %swap3A_1829 = arith.constant 0 : index
    %swap3A_1830 = tpu.vector_load %arg14[%swap3A_1828, %swap3A_1829] {strides = array<i32>} : memref<14x128xi32, #tpu.memory_space<vmem>>, vector<16xi32>,
    tpu.vector_store %arg14[%swap3A_1828, %swap3A_1829], %gather3A_1826 {strides = array<i32>} : memref<14x128xi32, #tpu.memory_space<vmem>>, vector<16xi32>,
    %get3A_1831 = arith.constant 105 : i32
    %get3A_1832 = arith.index_cast %get3A_1831 : i32 to index
    %get3A_1833 = arith.constant 0 : index
    %get3A_1834 = tpu.vector_load %arg11[%get3A_1832, %get3A_1833] {strides = array<i32>} : memref<112x16xi32, #tpu.memory_space<vmem>>, vector<16xi32>,
    %get3A_1835 = arith.constant 105 : i32
    %get3A_1836 = arith.index_cast %get3A_1835 : i32 to index
    %get3A_1837 = arith.constant 0 : index
    %get3A_1838 = tpu.vector_load %arg12[%get3A_1836, %get3A_1837] {strides = array<i32>} : memref<112x16xi32, #tpu.memory_space<vmem>>, vector<16xi32>,
    %get3A_1839 = arith.constant 105 : i32
    %get3A_1840 = arith.index_cast %get3A_1839 : i32 to index
    %get3A_1841 = arith.constant 0 : index
    %get3A_1842 = tpu.vector_load %arg13[%get3A_1840, %get3A_1841] {strides = array<i32>} : memref<112x16xi32, #tpu.memory_space<vmem>>, vector<16xi32>,
    %gather3A_1843 = tpu.vector_load_idx %arg10[%get3A_1834, %get3A_1838, %get3A_1842] : memref<2x128x8xi32, #tpu.memory_space<vmem>>[vector<16xi32>, vector<16xi32>, vector<16xi32>], vector<16xi32>,
    %swap3A_1844 = arith.constant 13 : i32
    %swap3A_1845 = arith.index_cast %swap3A_1844 : i32 to index
    %swap3A_1846 = arith.constant 16 : index
    %swap3A_1847 = tpu.vector_load %arg14[%swap3A_1845, %swap3A_1846] {strides = array<i32>} : memref<14x128xi32, #tpu.memory_space<vmem>>, vector<16xi32>,
    tpu.vector_store %arg14[%swap3A_1845, %swap3A_1846], %gather3A_1843 {strides = array<i32>} : memref<14x128xi32, #tpu.memory_space<vmem>>, vector<16xi32>,
    %get3A_1848 = arith.constant 106 : i32
    %get3A_1849 = arith.index_cast %get3A_1848 : i32 to index
    %get3A_1850 = arith.constant 0 : index
    %get3A_1851 = tpu.vector_load %arg11[%get3A_1849, %get3A_1850] {strides = array<i32>} : memref<112x16xi32, #tpu.memory_space<vmem>>, vector<16xi32>,
    %get3A_1852 = arith.constant 106 : i32
    %get3A_1853 = arith.index_cast %get3A_1852 : i32 to index
    %get3A_1854 = arith.constant 0 : index
    %get3A_1855 = tpu.vector_load %arg12[%get3A_1853, %get3A_1854] {strides = array<i32>} : memref<112x16xi32, #tpu.memory_space<vmem>>, vector<16xi32>,
    %get3A_1856 = arith.constant 106 : i32
    %get3A_1857 = arith.index_cast %get3A_1856 : i32 to index
    %get3A_1858 = arith.constant 0 : index
    %get3A_1859 = tpu.vector_load %arg13[%get3A_1857, %get3A_1858] {strides = array<i32>} : memref<112x16xi32, #tpu.memory_space<vmem>>, vector<16xi32>,
    %gather3A_1860 = tpu.vector_load_idx %arg10[%get3A_1851, %get3A_1855, %get3A_1859] : memref<2x128x8xi32, #tpu.memory_space<vmem>>[vector<16xi32>, vector<16xi32>, vector<16xi32>], vector<16xi32>,
    %swap3A_1861 = arith.constant 13 : i32
    %swap3A_1862 = arith.index_cast %swap3A_1861 : i32 to index
    %swap3A_1863 = arith.constant 32 : index
    %swap3A_1864 = tpu.vector_load %arg14[%swap3A_1862, %swap3A_1863] {strides = array<i32>} : memref<14x128xi32, #tpu.memory_space<vmem>>, vector<16xi32>,
    tpu.vector_store %arg14[%swap3A_1862, %swap3A_1863], %gather3A_1860 {strides = array<i32>} : memref<14x128xi32, #tpu.memory_space<vmem>>, vector<16xi32>,
    %get3A_1865 = arith.constant 107 : i32
    %get3A_1866 = arith.index_cast %get3A_1865 : i32 to index
    %get3A_1867 = arith.constant 0 : index
    %get3A_1868 = tpu.vector_load %arg11[%get3A_1866, %get3A_1867] {strides = array<i32>} : memref<112x16xi32, #tpu.memory_space<vmem>>, vector<16xi32>,
    %get3A_1869 = arith.constant 107 : i32
    %get3A_1870 = arith.index_cast %get3A_1869 : i32 to index
    %get3A_1871 = arith.constant 0 : index
    %get3A_1872 = tpu.vector_load %arg12[%get3A_1870, %get3A_1871] {strides = array<i32>} : memref<112x16xi32, #tpu.memory_space<vmem>>, vector<16xi32>,
    %get3A_1873 = arith.constant 107 : i32
    %get3A_1874 = arith.index_cast %get3A_1873 : i32 to index
    %get3A_1875 = arith.constant 0 : index
    %get3A_1876 = tpu.vector_load %arg13[%get3A_1874, %get3A_1875] {strides = array<i32>} : memref<112x16xi32, #tpu.memory_space<vmem>>, vector<16xi32>,
    %gather3A_1877 = tpu.vector_load_idx %arg10[%get3A_1868, %get3A_1872, %get3A_1876] : memref<2x128x8xi32, #tpu.memory_space<vmem>>[vector<16xi32>, vector<16xi32>, vector<16xi32>], vector<16xi32>,
    %swap3A_1878 = arith.constant 13 : i32
    %swap3A_1879 = arith.index_cast %swap3A_1878 : i32 to index
    %swap3A_1880 = arith.constant 48 : index
    %swap3A_1881 = tpu.vector_load %arg14[%swap3A_1879, %swap3A_1880] {strides = array<i32>} : memref<14x128xi32, #tpu.memory_space<vmem>>, vector<16xi32>,
    tpu.vector_store %arg14[%swap3A_1879, %swap3A_1880], %gather3A_1877 {strides = array<i32>} : memref<14x128xi32, #tpu.memory_space<vmem>>, vector<16xi32>,
    %get3A_1882 = arith.constant 108 : i32
    %get3A_1883 = arith.index_cast %get3A_1882 : i32 to index
    %get3A_1884 = arith.constant 0 : index
    %get3A_1885 = tpu.vector_load %arg11[%get3A_1883, %get3A_1884] {strides = array<i32>} : memref<112x16xi32, #tpu.memory_space<vmem>>, vector<16xi32>,
    %get3A_1886 = arith.constant 108 : i32
    %get3A_1887 = arith.index_cast %get3A_1886 : i32 to index
    %get3A_1888 = arith.constant 0 : index
    %get3A_1889 = tpu.vector_load %arg12[%get3A_1887, %get3A_1888] {strides = array<i32>} : memref<112x16xi32, #tpu.memory_space<vmem>>, vector<16xi32>,
    %get3A_1890 = arith.constant 108 : i32
    %get3A_1891 = arith.index_cast %get3A_1890 : i32 to index
    %get3A_1892 = arith.constant 0 : index
    %get3A_1893 = tpu.vector_load %arg13[%get3A_1891, %get3A_1892] {strides = array<i32>} : memref<112x16xi32, #tpu.memory_space<vmem>>, vector<16xi32>,
    %gather3A_1894 = tpu.vector_load_idx %arg10[%get3A_1885, %get3A_1889, %get3A_1893] : memref<2x128x8xi32, #tpu.memory_space<vmem>>[vector<16xi32>, vector<16xi32>, vector<16xi32>], vector<16xi32>,
    %swap3A_1895 = arith.constant 13 : i32
    %swap3A_1896 = arith.index_cast %swap3A_1895 : i32 to index
    %swap3A_1897 = arith.constant 64 : index
    %swap3A_1898 = tpu.vector_load %arg14[%swap3A_1896, %swap3A_1897] {strides = array<i32>} : memref<14x128xi32, #tpu.memory_space<vmem>>, vector<16xi32>,
    tpu.vector_store %arg14[%swap3A_1896, %swap3A_1897], %gather3A_1894 {strides = array<i32>} : memref<14x128xi32, #tpu.memory_space<vmem>>, vector<16xi32>,
    %get3A_1899 = arith.constant 109 : i32
    %get3A_1900 = arith.index_cast %get3A_1899 : i32 to index
    %get3A_1901 = arith.constant 0 : index
    %get3A_1902 = tpu.vector_load %arg11[%get3A_1900, %get3A_1901] {strides = array<i32>} : memref<112x16xi32, #tpu.memory_space<vmem>>, vector<16xi32>,
    %get3A_1903 = arith.constant 109 : i32
    %get3A_1904 = arith.index_cast %get3A_1903 : i32 to index
    %get3A_1905 = arith.constant 0 : index
    %get3A_1906 = tpu.vector_load %arg12[%get3A_1904, %get3A_1905] {strides = array<i32>} : memref<112x16xi32, #tpu.memory_space<vmem>>, vector<16xi32>,
    %get3A_1907 = arith.constant 109 : i32
    %get3A_1908 = arith.index_cast %get3A_1907 : i32 to index
    %get3A_1909 = arith.constant 0 : index
    %get3A_1910 = tpu.vector_load %arg13[%get3A_1908, %get3A_1909] {strides = array<i32>} : memref<112x16xi32, #tpu.memory_space<vmem>>, vector<16xi32>,
    %gather3A_1911 = tpu.vector_load_idx %arg10[%get3A_1902, %get3A_1906, %get3A_1910] : memref<2x128x8xi32, #tpu.memory_space<vmem>>[vector<16xi32>, vector<16xi32>, vector<16xi32>], vector<16xi32>,
    %swap3A_1912 = arith.constant 13 : i32
    %swap3A_1913 = arith.index_cast %swap3A_1912 : i32 to index
    %swap3A_1914 = arith.constant 80 : index
    %swap3A_1915 = tpu.vector_load %arg14[%swap3A_1913, %swap3A_1914] {strides = array<i32>} : memref<14x128xi32, #tpu.memory_space<vmem>>, vector<16xi32>,
    tpu.vector_store %arg14[%swap3A_1913, %swap3A_1914], %gather3A_1911 {strides = array<i32>} : memref<14x128xi32, #tpu.memory_space<vmem>>, vector<16xi32>,
    %get3A_1916 = arith.constant 110 : i32
    %get3A_1917 = arith.index_cast %get3A_1916 : i32 to index
    %get3A_1918 = arith.constant 0 : index
    %get3A_1919 = tpu.vector_load %arg11[%get3A_1917, %get3A_1918] {strides = array<i32>} : memref<112x16xi32, #tpu.memory_space<vmem>>, vector<16xi32>,
    %get3A_1920 = arith.constant 110 : i32
    %get3A_1921 = arith.index_cast %get3A_1920 : i32 to index
    %get3A_1922 = arith.constant 0 : index
    %get3A_1923 = tpu.vector_load %arg12[%get3A_1921, %get3A_1922] {strides = array<i32>} : memref<112x16xi32, #tpu.memory_space<vmem>>, vector<16xi32>,
    %get3A_1924 = arith.constant 110 : i32
    %get3A_1925 = arith.index_cast %get3A_1924 : i32 to index
    %get3A_1926 = arith.constant 0 : index
    %get3A_1927 = tpu.vector_load %arg13[%get3A_1925, %get3A_1926] {strides = array<i32>} : memref<112x16xi32, #tpu.memory_space<vmem>>, vector<16xi32>,
    %gather3A_1928 = tpu.vector_load_idx %arg10[%get3A_1919, %get3A_1923, %get3A_1927] : memref<2x128x8xi32, #tpu.memory_space<vmem>>[vector<16xi32>, vector<16xi32>, vector<16xi32>], vector<16xi32>,
    %swap3A_1929 = arith.constant 13 : i32
    %swap3A_1930 = arith.index_cast %swap3A_1929 : i32 to index
    %swap3A_1931 = arith.constant 96 : index
    %swap3A_1932 = tpu.vector_load %arg14[%swap3A_1930, %swap3A_1931] {strides = array<i32>} : memref<14x128xi32, #tpu.memory_space<vmem>>, vector<16xi32>,
    tpu.vector_store %arg14[%swap3A_1930, %swap3A_1931], %gather3A_1928 {strides = array<i32>} : memref<14x128xi32, #tpu.memory_space<vmem>>, vector<16xi32>,
    %get3A_1933 = arith.constant 111 : i32
    %get3A_1934 = arith.index_cast %get3A_1933 : i32 to index
    %get3A_1935 = arith.constant 0 : index
    %get3A_1936 = tpu.vector_load %arg11[%get3A_1934, %get3A_1935] {strides = array<i32>} : memref<112x16xi32, #tpu.memory_space<vmem>>, vector<16xi32>,
    %get3A_1937 = arith.constant 111 : i32
    %get3A_1938 = arith.index_cast %get3A_1937 : i32 to index
    %get3A_1939 = arith.constant 0 : index
    %get3A_1940 = tpu.vector_load %arg12[%get3A_1938, %get3A_1939] {strides = array<i32>} : memref<112x16xi32, #tpu.memory_space<vmem>>, vector<16xi32>,
    %get3A_1941 = arith.constant 111 : i32
    %get3A_1942 = arith.index_cast %get3A_1941 : i32 to index
    %get3A_1943 = arith.constant 0 : index
    %get3A_1944 = tpu.vector_load %arg13[%get3A_1942, %get3A_1943] {strides = array<i32>} : memref<112x16xi32, #tpu.memory_space<vmem>>, vector<16xi32>,
    %gather3A_1945 = tpu.vector_load_idx %arg10[%get3A_1936, %get3A_1940, %get3A_1944] : memref<2x128x8xi32, #tpu.memory_space<vmem>>[vector<16xi32>, vector<16xi32>, vector<16xi32>], vector<16xi32>,
    %swap3A_1946 = arith.constant 13 : i32
    %swap3A_1947 = arith.index_cast %swap3A_1946 : i32 to index
    %swap3A_1948 = arith.constant 112 : index
    %swap3A_1949 = tpu.vector_load %arg14[%swap3A_1947, %swap3A_1948] {strides = array<i32>} : memref<14x128xi32, #tpu.memory_space<vmem>>, vector<16xi32>,
    tpu.vector_store %arg14[%swap3A_1947, %swap3A_1948], %gather3A_1945 {strides = array<i32>} : memref<14x128xi32, #tpu.memory_space<vmem>>, vector<16xi32>,
    %dma_start3A_1950 = arith.constant 0 : i32
    %dma_start3A_1951 = arith.constant 0 : i32
    %dma_start3A_1952 = arith.constant 0 : i32
    %dma_start3A_1953 = arith.constant 0 : i32
    %dma_start3A_1954 = tpu.memref_slice %arg15[%dma_start3A_1951, %dma_start3A_1952, %dma_start3A_1953] : memref<14x128x32xf32, #tpu.memory_space<vmem>> -> memref<1x128x32xf32, #tpu.memory_space<vmem>>
    %dma_start3A_1955 = tpu.memref_squeeze %dma_start3A_1954 : memref<1x128x32xf32, #tpu.memory_space<vmem>> -> memref<128x32xf32, #tpu.memory_space<vmem>>
    %dma_start3A_1956 = arith.constant 0 : i32
    %dma_start3A_1957 = tpu.memref_slice %arg14[%dma_start3A_1950, %dma_start3A_1956] : memref<14x128xi32, #tpu.memory_space<vmem>> -> memref<1x128xi32, #tpu.memory_space<vmem>>
    %dma_start3A_1958 = tpu.memref_squeeze %dma_start3A_1957 : memref<1x128xi32, #tpu.memory_space<vmem>> -> memref<128xi32, #tpu.memory_space<vmem>>
    %dma_start3A_1959 = arith.constant 0 : i32
    %dma_start3A_1960 = arith.constant 0 : i32
    %dma_start3A_1961 = tpu.memref_slice %arg4[%dma_start3A_1959, %dma_start3A_1960] : memref<6890x32xf32, #tpu.memory_space<hbm>> -> memref<6890x32xf32, #tpu.memory_space<hbm>>
    tpu.enqueue_indirect_dma source(%dma_start3A_1961 : memref<6890x32xf32, #tpu.memory_space<hbm>>) target(%dma_start3A_1955 : memref<128x32xf32, #tpu.memory_space<vmem>>) offsets(%dma_start3A_1958 : memref<128xi32, #tpu.memory_space<vmem>>) semaphore(%arg17 : memref<!tpu.dma_semaphore, #tpu.memory_space<semaphore_mem>>)
    %dma_start3A_1962 = arith.constant 1 : i32
    %dma_start3A_1963 = arith.constant 1 : i32
    %dma_start3A_1964 = arith.constant 0 : i32
    %dma_start3A_1965 = arith.constant 0 : i32
    %dma_start3A_1966 = tpu.memref_slice %arg15[%dma_start3A_1963, %dma_start3A_1964, %dma_start3A_1965] : memref<14x128x32xf32, #tpu.memory_space<vmem>> -> memref<1x128x32xf32, #tpu.memory_space<vmem>>
    %dma_start3A_1967 = tpu.memref_squeeze %dma_start3A_1966 : memref<1x128x32xf32, #tpu.memory_space<vmem>> -> memref<128x32xf32, #tpu.memory_space<vmem>>
    %dma_start3A_1968 = arith.constant 0 : i32
    %dma_start3A_1969 = tpu.memref_slice %arg14[%dma_start3A_1962, %dma_start3A_1968] : memref<14x128xi32, #tpu.memory_space<vmem>> -> memref<1x128xi32, #tpu.memory_space<vmem>>
    %dma_start3A_1970 = tpu.memref_squeeze %dma_start3A_1969 : memref<1x128xi32, #tpu.memory_space<vmem>> -> memref<128xi32, #tpu.memory_space<vmem>>
    %dma_start3A_1971 = arith.constant 0 : i32
    %dma_start3A_1972 = arith.constant 0 : i32
    %dma_start3A_1973 = tpu.memref_slice %arg4[%dma_start3A_1971, %dma_start3A_1972] : memref<6890x32xf32, #tpu.memory_space<hbm>> -> memref<6890x32xf32, #tpu.memory_space<hbm>>
    tpu.enqueue_indirect_dma source(%dma_start3A_1973 : memref<6890x32xf32, #tpu.memory_space<hbm>>) target(%dma_start3A_1967 : memref<128x32xf32, #tpu.memory_space<vmem>>) offsets(%dma_start3A_1970 : memref<128xi32, #tpu.memory_space<vmem>>) semaphore(%arg17 : memref<!tpu.dma_semaphore, #tpu.memory_space<semaphore_mem>>)
    %dma_start3A_1974 = arith.constant 2 : i32
    %dma_start3A_1975 = arith.constant 2 : i32
    %dma_start3A_1976 = arith.constant 0 : i32
    %dma_start3A_1977 = arith.constant 0 : i32
    %dma_start3A_1978 = tpu.memref_slice %arg15[%dma_start3A_1975, %dma_start3A_1976, %dma_start3A_1977] : memref<14x128x32xf32, #tpu.memory_space<vmem>> -> memref<1x128x32xf32, #tpu.memory_space<vmem>>
    %dma_start3A_1979 = tpu.memref_squeeze %dma_start3A_1978 : memref<1x128x32xf32, #tpu.memory_space<vmem>> -> memref<128x32xf32, #tpu.memory_space<vmem>>
    %dma_start3A_1980 = arith.constant 0 : i32
    %dma_start3A_1981 = tpu.memref_slice %arg14[%dma_start3A_1974, %dma_start3A_1980] : memref<14x128xi32, #tpu.memory_space<vmem>> -> memref<1x128xi32, #tpu.memory_space<vmem>>
    %dma_start3A_1982 = tpu.memref_squeeze %dma_start3A_1981 : memref<1x128xi32, #tpu.memory_space<vmem>> -> memref<128xi32, #tpu.memory_space<vmem>>
    %dma_start3A_1983 = arith.constant 0 : i32
    %dma_start3A_1984 = arith.constant 0 : i32
    %dma_start3A_1985 = tpu.memref_slice %arg4[%dma_start3A_1983, %dma_start3A_1984] : memref<6890x32xf32, #tpu.memory_space<hbm>> -> memref<6890x32xf32, #tpu.memory_space<hbm>>
    tpu.enqueue_indirect_dma source(%dma_start3A_1985 : memref<6890x32xf32, #tpu.memory_space<hbm>>) target(%dma_start3A_1979 : memref<128x32xf32, #tpu.memory_space<vmem>>) offsets(%dma_start3A_1982 : memref<128xi32, #tpu.memory_space<vmem>>) semaphore(%arg17 : memref<!tpu.dma_semaphore, #tpu.memory_space<semaphore_mem>>)
    %dma_start3A_1986 = arith.constant 3 : i32
    %dma_start3A_1987 = arith.constant 3 : i32
    %dma_start3A_1988 = arith.constant 0 : i32
    %dma_start3A_1989 = arith.constant 0 : i32
    %dma_start3A_1990 = tpu.memref_slice %arg15[%dma_start3A_1987, %dma_start3A_1988, %dma_start3A_1989] : memref<14x128x32xf32, #tpu.memory_space<vmem>> -> memref<1x128x32xf32, #tpu.memory_space<vmem>>
    %dma_start3A_1991 = tpu.memref_squeeze %dma_start3A_1990 : memref<1x128x32xf32, #tpu.memory_space<vmem>> -> memref<128x32xf32, #tpu.memory_space<vmem>>
    %dma_start3A_1992 = arith.constant 0 : i32
    %dma_start3A_1993 = tpu.memref_slice %arg14[%dma_start3A_1986, %dma_start3A_1992] : memref<14x128xi32, #tpu.memory_space<vmem>> -> memref<1x128xi32, #tpu.memory_space<vmem>>
    %dma_start3A_1994 = tpu.memref_squeeze %dma_start3A_1993 : memref<1x128xi32, #tpu.memory_space<vmem>> -> memref<128xi32, #tpu.memory_space<vmem>>
    %dma_start3A_1995 = arith.constant 0 : i32
    %dma_start3A_1996 = arith.constant 0 : i32
    %dma_start3A_1997 = tpu.memref_slice %arg4[%dma_start3A_1995, %dma_start3A_1996] : memref<6890x32xf32, #tpu.memory_space<hbm>> -> memref<6890x32xf32, #tpu.memory_space<hbm>>
    tpu.enqueue_indirect_dma source(%dma_start3A_1997 : memref<6890x32xf32, #tpu.memory_space<hbm>>) target(%dma_start3A_1991 : memref<128x32xf32, #tpu.memory_space<vmem>>) offsets(%dma_start3A_1994 : memref<128xi32, #tpu.memory_space<vmem>>) semaphore(%arg17 : memref<!tpu.dma_semaphore, #tpu.memory_space<semaphore_mem>>)
    %dma_start3A_1998 = arith.constant 4 : i32
    %dma_start3A_1999 = arith.constant 4 : i32
    %dma_start3A_2000 = arith.constant 0 : i32
    %dma_start3A_2001 = arith.constant 0 : i32
    %dma_start3A_2002 = tpu.memref_slice %arg15[%dma_start3A_1999, %dma_start3A_2000, %dma_start3A_2001] : memref<14x128x32xf32, #tpu.memory_space<vmem>> -> memref<1x128x32xf32, #tpu.memory_space<vmem>>
    %dma_start3A_2003 = tpu.memref_squeeze %dma_start3A_2002 : memref<1x128x32xf32, #tpu.memory_space<vmem>> -> memref<128x32xf32, #tpu.memory_space<vmem>>
    %dma_start3A_2004 = arith.constant 0 : i32
    %dma_start3A_2005 = tpu.memref_slice %arg14[%dma_start3A_1998, %dma_start3A_2004] : memref<14x128xi32, #tpu.memory_space<vmem>> -> memref<1x128xi32, #tpu.memory_space<vmem>>
    %dma_start3A_2006 = tpu.memref_squeeze %dma_start3A_2005 : memref<1x128xi32, #tpu.memory_space<vmem>> -> memref<128xi32, #tpu.memory_space<vmem>>
    %dma_start3A_2007 = arith.constant 0 : i32
    %dma_start3A_2008 = arith.constant 0 : i32
    %dma_start3A_2009 = tpu.memref_slice %arg4[%dma_start3A_2007, %dma_start3A_2008] : memref<6890x32xf32, #tpu.memory_space<hbm>> -> memref<6890x32xf32, #tpu.memory_space<hbm>>
    tpu.enqueue_indirect_dma source(%dma_start3A_2009 : memref<6890x32xf32, #tpu.memory_space<hbm>>) target(%dma_start3A_2003 : memref<128x32xf32, #tpu.memory_space<vmem>>) offsets(%dma_start3A_2006 : memref<128xi32, #tpu.memory_space<vmem>>) semaphore(%arg17 : memref<!tpu.dma_semaphore, #tpu.memory_space<semaphore_mem>>)
    %dma_start3A_2010 = arith.constant 5 : i32
    %dma_start3A_2011 = arith.constant 5 : i32
    %dma_start3A_2012 = arith.constant 0 : i32
    %dma_start3A_2013 = arith.constant 0 : i32
    %dma_start3A_2014 = tpu.memref_slice %arg15[%dma_start3A_2011, %dma_start3A_2012, %dma_start3A_2013] : memref<14x128x32xf32, #tpu.memory_space<vmem>> -> memref<1x128x32xf32, #tpu.memory_space<vmem>>
    %dma_start3A_2015 = tpu.memref_squeeze %dma_start3A_2014 : memref<1x128x32xf32, #tpu.memory_space<vmem>> -> memref<128x32xf32, #tpu.memory_space<vmem>>
    %dma_start3A_2016 = arith.constant 0 : i32
    %dma_start3A_2017 = tpu.memref_slice %arg14[%dma_start3A_2010, %dma_start3A_2016] : memref<14x128xi32, #tpu.memory_space<vmem>> -> memref<1x128xi32, #tpu.memory_space<vmem>>
    %dma_start3A_2018 = tpu.memref_squeeze %dma_start3A_2017 : memref<1x128xi32, #tpu.memory_space<vmem>> -> memref<128xi32, #tpu.memory_space<vmem>>
    %dma_start3A_2019 = arith.constant 0 : i32
    %dma_start3A_2020 = arith.constant 0 : i32
    %dma_start3A_2021 = tpu.memref_slice %arg4[%dma_start3A_2019, %dma_start3A_2020] : memref<6890x32xf32, #tpu.memory_space<hbm>> -> memref<6890x32xf32, #tpu.memory_space<hbm>>
    tpu.enqueue_indirect_dma source(%dma_start3A_2021 : memref<6890x32xf32, #tpu.memory_space<hbm>>) target(%dma_start3A_2015 : memref<128x32xf32, #tpu.memory_space<vmem>>) offsets(%dma_start3A_2018 : memref<128xi32, #tpu.memory_space<vmem>>) semaphore(%arg17 : memref<!tpu.dma_semaphore, #tpu.memory_space<semaphore_mem>>)
    %dma_start3A_2022 = arith.constant 6 : i32
    %dma_start3A_2023 = arith.constant 6 : i32
    %dma_start3A_2024 = arith.constant 0 : i32
    %dma_start3A_2025 = arith.constant 0 : i32
    %dma_start3A_2026 = tpu.memref_slice %arg15[%dma_start3A_2023, %dma_start3A_2024, %dma_start3A_2025] : memref<14x128x32xf32, #tpu.memory_space<vmem>> -> memref<1x128x32xf32, #tpu.memory_space<vmem>>
    %dma_start3A_2027 = tpu.memref_squeeze %dma_start3A_2026 : memref<1x128x32xf32, #tpu.memory_space<vmem>> -> memref<128x32xf32, #tpu.memory_space<vmem>>
    %dma_start3A_2028 = arith.constant 0 : i32
    %dma_start3A_2029 = tpu.memref_slice %arg14[%dma_start3A_2022, %dma_start3A_2028] : memref<14x128xi32, #tpu.memory_space<vmem>> -> memref<1x128xi32, #tpu.memory_space<vmem>>
    %dma_start3A_2030 = tpu.memref_squeeze %dma_start3A_2029 : memref<1x128xi32, #tpu.memory_space<vmem>> -> memref<128xi32, #tpu.memory_space<vmem>>
    %dma_start3A_2031 = arith.constant 0 : i32
    %dma_start3A_2032 = arith.constant 0 : i32
    %dma_start3A_2033 = tpu.memref_slice %arg4[%dma_start3A_2031, %dma_start3A_2032] : memref<6890x32xf32, #tpu.memory_space<hbm>> -> memref<6890x32xf32, #tpu.memory_space<hbm>>
    tpu.enqueue_indirect_dma source(%dma_start3A_2033 : memref<6890x32xf32, #tpu.memory_space<hbm>>) target(%dma_start3A_2027 : memref<128x32xf32, #tpu.memory_space<vmem>>) offsets(%dma_start3A_2030 : memref<128xi32, #tpu.memory_space<vmem>>) semaphore(%arg17 : memref<!tpu.dma_semaphore, #tpu.memory_space<semaphore_mem>>)
    %dma_start3A_2034 = arith.constant 7 : i32
    %dma_start3A_2035 = arith.constant 7 : i32
    %dma_start3A_2036 = arith.constant 0 : i32
    %dma_start3A_2037 = arith.constant 0 : i32
    %dma_start3A_2038 = tpu.memref_slice %arg15[%dma_start3A_2035, %dma_start3A_2036, %dma_start3A_2037] : memref<14x128x32xf32, #tpu.memory_space<vmem>> -> memref<1x128x32xf32, #tpu.memory_space<vmem>>
    %dma_start3A_2039 = tpu.memref_squeeze %dma_start3A_2038 : memref<1x128x32xf32, #tpu.memory_space<vmem>> -> memref<128x32xf32, #tpu.memory_space<vmem>>
    %dma_start3A_2040 = arith.constant 0 : i32
    %dma_start3A_2041 = tpu.memref_slice %arg14[%dma_start3A_2034, %dma_start3A_2040] : memref<14x128xi32, #tpu.memory_space<vmem>> -> memref<1x128xi32, #tpu.memory_space<vmem>>
    %dma_start3A_2042 = tpu.memref_squeeze %dma_start3A_2041 : memref<1x128xi32, #tpu.memory_space<vmem>> -> memref<128xi32, #tpu.memory_space<vmem>>
    %dma_start3A_2043 = arith.constant 0 : i32
    %dma_start3A_2044 = arith.constant 0 : i32
    %dma_start3A_2045 = tpu.memref_slice %arg4[%dma_start3A_2043, %dma_start3A_2044] : memref<6890x32xf32, #tpu.memory_space<hbm>> -> memref<6890x32xf32, #tpu.memory_space<hbm>>
    tpu.enqueue_indirect_dma source(%dma_start3A_2045 : memref<6890x32xf32, #tpu.memory_space<hbm>>) target(%dma_start3A_2039 : memref<128x32xf32, #tpu.memory_space<vmem>>) offsets(%dma_start3A_2042 : memref<128xi32, #tpu.memory_space<vmem>>) semaphore(%arg17 : memref<!tpu.dma_semaphore, #tpu.memory_space<semaphore_mem>>)
    %dma_start3A_2046 = arith.constant 8 : i32
    %dma_start3A_2047 = arith.constant 8 : i32
    %dma_start3A_2048 = arith.constant 0 : i32
    %dma_start3A_2049 = arith.constant 0 : i32
    %dma_start3A_2050 = tpu.memref_slice %arg15[%dma_start3A_2047, %dma_start3A_2048, %dma_start3A_2049] : memref<14x128x32xf32, #tpu.memory_space<vmem>> -> memref<1x128x32xf32, #tpu.memory_space<vmem>>
    %dma_start3A_2051 = tpu.memref_squeeze %dma_start3A_2050 : memref<1x128x32xf32, #tpu.memory_space<vmem>> -> memref<128x32xf32, #tpu.memory_space<vmem>>
    %dma_start3A_2052 = arith.constant 0 : i32
    %dma_start3A_2053 = tpu.memref_slice %arg14[%dma_start3A_2046, %dma_start3A_2052] : memref<14x128xi32, #tpu.memory_space<vmem>> -> memref<1x128xi32, #tpu.memory_space<vmem>>
    %dma_start3A_2054 = tpu.memref_squeeze %dma_start3A_2053 : memref<1x128xi32, #tpu.memory_space<vmem>> -> memref<128xi32, #tpu.memory_space<vmem>>
    %dma_start3A_2055 = arith.constant 0 : i32
    %dma_start3A_2056 = arith.constant 0 : i32
    %dma_start3A_2057 = tpu.memref_slice %arg4[%dma_start3A_2055, %dma_start3A_2056] : memref<6890x32xf32, #tpu.memory_space<hbm>> -> memref<6890x32xf32, #tpu.memory_space<hbm>>
    tpu.enqueue_indirect_dma source(%dma_start3A_2057 : memref<6890x32xf32, #tpu.memory_space<hbm>>) target(%dma_start3A_2051 : memref<128x32xf32, #tpu.memory_space<vmem>>) offsets(%dma_start3A_2054 : memref<128xi32, #tpu.memory_space<vmem>>) semaphore(%arg17 : memref<!tpu.dma_semaphore, #tpu.memory_space<semaphore_mem>>)
    %dma_start3A_2058 = arith.constant 9 : i32
    %dma_start3A_2059 = arith.constant 9 : i32
    %dma_start3A_2060 = arith.constant 0 : i32
    %dma_start3A_2061 = arith.constant 0 : i32
    %dma_start3A_2062 = tpu.memref_slice %arg15[%dma_start3A_2059, %dma_start3A_2060, %dma_start3A_2061] : memref<14x128x32xf32, #tpu.memory_space<vmem>> -> memref<1x128x32xf32, #tpu.memory_space<vmem>>
    %dma_start3A_2063 = tpu.memref_squeeze %dma_start3A_2062 : memref<1x128x32xf32, #tpu.memory_space<vmem>> -> memref<128x32xf32, #tpu.memory_space<vmem>>
    %dma_start3A_2064 = arith.constant 0 : i32
    %dma_start3A_2065 = tpu.memref_slice %arg14[%dma_start3A_2058, %dma_start3A_2064] : memref<14x128xi32, #tpu.memory_space<vmem>> -> memref<1x128xi32, #tpu.memory_space<vmem>>
    %dma_start3A_2066 = tpu.memref_squeeze %dma_start3A_2065 : memref<1x128xi32, #tpu.memory_space<vmem>> -> memref<128xi32, #tpu.memory_space<vmem>>
    %dma_start3A_2067 = arith.constant 0 : i32
    %dma_start3A_2068 = arith.constant 0 : i32
    %dma_start3A_2069 = tpu.memref_slice %arg4[%dma_start3A_2067, %dma_start3A_2068] : memref<6890x32xf32, #tpu.memory_space<hbm>> -> memref<6890x32xf32, #tpu.memory_space<hbm>>
    tpu.enqueue_indirect_dma source(%dma_start3A_2069 : memref<6890x32xf32, #tpu.memory_space<hbm>>) target(%dma_start3A_2063 : memref<128x32xf32, #tpu.memory_space<vmem>>) offsets(%dma_start3A_2066 : memref<128xi32, #tpu.memory_space<vmem>>) semaphore(%arg17 : memref<!tpu.dma_semaphore, #tpu.memory_space<semaphore_mem>>)
    %dma_start3A_2070 = arith.constant 10 : i32
    %dma_start3A_2071 = arith.constant 10 : i32
    %dma_start3A_2072 = arith.constant 0 : i32
    %dma_start3A_2073 = arith.constant 0 : i32
    %dma_start3A_2074 = tpu.memref_slice %arg15[%dma_start3A_2071, %dma_start3A_2072, %dma_start3A_2073] : memref<14x128x32xf32, #tpu.memory_space<vmem>> -> memref<1x128x32xf32, #tpu.memory_space<vmem>>
    %dma_start3A_2075 = tpu.memref_squeeze %dma_start3A_2074 : memref<1x128x32xf32, #tpu.memory_space<vmem>> -> memref<128x32xf32, #tpu.memory_space<vmem>>
    %dma_start3A_2076 = arith.constant 0 : i32
    %dma_start3A_2077 = tpu.memref_slice %arg14[%dma_start3A_2070, %dma_start3A_2076] : memref<14x128xi32, #tpu.memory_space<vmem>> -> memref<1x128xi32, #tpu.memory_space<vmem>>
    %dma_start3A_2078 = tpu.memref_squeeze %dma_start3A_2077 : memref<1x128xi32, #tpu.memory_space<vmem>> -> memref<128xi32, #tpu.memory_space<vmem>>
    %dma_start3A_2079 = arith.constant 0 : i32
    %dma_start3A_2080 = arith.constant 0 : i32
    %dma_start3A_2081 = tpu.memref_slice %arg4[%dma_start3A_2079, %dma_start3A_2080] : memref<6890x32xf32, #tpu.memory_space<hbm>> -> memref<6890x32xf32, #tpu.memory_space<hbm>>
    tpu.enqueue_indirect_dma source(%dma_start3A_2081 : memref<6890x32xf32, #tpu.memory_space<hbm>>) target(%dma_start3A_2075 : memref<128x32xf32, #tpu.memory_space<vmem>>) offsets(%dma_start3A_2078 : memref<128xi32, #tpu.memory_space<vmem>>) semaphore(%arg17 : memref<!tpu.dma_semaphore, #tpu.memory_space<semaphore_mem>>)
    %dma_start3A_2082 = arith.constant 11 : i32
    %dma_start3A_2083 = arith.constant 11 : i32
    %dma_start3A_2084 = arith.constant 0 : i32
    %dma_start3A_2085 = arith.constant 0 : i32
    %dma_start3A_2086 = tpu.memref_slice %arg15[%dma_start3A_2083, %dma_start3A_2084, %dma_start3A_2085] : memref<14x128x32xf32, #tpu.memory_space<vmem>> -> memref<1x128x32xf32, #tpu.memory_space<vmem>>
    %dma_start3A_2087 = tpu.memref_squeeze %dma_start3A_2086 : memref<1x128x32xf32, #tpu.memory_space<vmem>> -> memref<128x32xf32, #tpu.memory_space<vmem>>
    %dma_start3A_2088 = arith.constant 0 : i32
    %dma_start3A_2089 = tpu.memref_slice %arg14[%dma_start3A_2082, %dma_start3A_2088] : memref<14x128xi32, #tpu.memory_space<vmem>> -> memref<1x128xi32, #tpu.memory_space<vmem>>
    %dma_start3A_2090 = tpu.memref_squeeze %dma_start3A_2089 : memref<1x128xi32, #tpu.memory_space<vmem>> -> memref<128xi32, #tpu.memory_space<vmem>>
    %dma_start3A_2091 = arith.constant 0 : i32
    %dma_start3A_2092 = arith.constant 0 : i32
    %dma_start3A_2093 = tpu.memref_slice %arg4[%dma_start3A_2091, %dma_start3A_2092] : memref<6890x32xf32, #tpu.memory_space<hbm>> -> memref<6890x32xf32, #tpu.memory_space<hbm>>
    tpu.enqueue_indirect_dma source(%dma_start3A_2093 : memref<6890x32xf32, #tpu.memory_space<hbm>>) target(%dma_start3A_2087 : memref<128x32xf32, #tpu.memory_space<vmem>>) offsets(%dma_start3A_2090 : memref<128xi32, #tpu.memory_space<vmem>>) semaphore(%arg17 : memref<!tpu.dma_semaphore, #tpu.memory_space<semaphore_mem>>)
    %dma_start3A_2094 = arith.constant 12 : i32
    %dma_start3A_2095 = arith.constant 12 : i32
    %dma_start3A_2096 = arith.constant 0 : i32
    %dma_start3A_2097 = arith.constant 0 : i32
    %dma_start3A_2098 = tpu.memref_slice %arg15[%dma_start3A_2095, %dma_start3A_2096, %dma_start3A_2097] : memref<14x128x32xf32, #tpu.memory_space<vmem>> -> memref<1x128x32xf32, #tpu.memory_space<vmem>>
    %dma_start3A_2099 = tpu.memref_squeeze %dma_start3A_2098 : memref<1x128x32xf32, #tpu.memory_space<vmem>> -> memref<128x32xf32, #tpu.memory_space<vmem>>
    %dma_start3A_2100 = arith.constant 0 : i32
    %dma_start3A_2101 = tpu.memref_slice %arg14[%dma_start3A_2094, %dma_start3A_2100] : memref<14x128xi32, #tpu.memory_space<vmem>> -> memref<1x128xi32, #tpu.memory_space<vmem>>
    %dma_start3A_2102 = tpu.memref_squeeze %dma_start3A_2101 : memref<1x128xi32, #tpu.memory_space<vmem>> -> memref<128xi32, #tpu.memory_space<vmem>>
    %dma_start3A_2103 = arith.constant 0 : i32
    %dma_start3A_2104 = arith.constant 0 : i32
    %dma_start3A_2105 = tpu.memref_slice %arg4[%dma_start3A_2103, %dma_start3A_2104] : memref<6890x32xf32, #tpu.memory_space<hbm>> -> memref<6890x32xf32, #tpu.memory_space<hbm>>
    tpu.enqueue_indirect_dma source(%dma_start3A_2105 : memref<6890x32xf32, #tpu.memory_space<hbm>>) target(%dma_start3A_2099 : memref<128x32xf32, #tpu.memory_space<vmem>>) offsets(%dma_start3A_2102 : memref<128xi32, #tpu.memory_space<vmem>>) semaphore(%arg17 : memref<!tpu.dma_semaphore, #tpu.memory_space<semaphore_mem>>)
    %dma_start3A_2106 = arith.constant 13 : i32
    %dma_start3A_2107 = arith.constant 13 : i32
    %dma_start3A_2108 = arith.constant 0 : i32
    %dma_start3A_2109 = arith.constant 0 : i32
    %dma_start3A_2110 = tpu.memref_slice %arg15[%dma_start3A_2107, %dma_start3A_2108, %dma_start3A_2109] : memref<14x128x32xf32, #tpu.memory_space<vmem>> -> memref<1x128x32xf32, #tpu.memory_space<vmem>>
    %dma_start3A_2111 = tpu.memref_squeeze %dma_start3A_2110 : memref<1x128x32xf32, #tpu.memory_space<vmem>> -> memref<128x32xf32, #tpu.memory_space<vmem>>
    %dma_start3A_2112 = arith.constant 0 : i32
    %dma_start3A_2113 = tpu.memref_slice %arg14[%dma_start3A_2106, %dma_start3A_2112] : memref<14x128xi32, #tpu.memory_space<vmem>> -> memref<1x128xi32, #tpu.memory_space<vmem>>
    %dma_start3A_2114 = tpu.memref_squeeze %dma_start3A_2113 : memref<1x128xi32, #tpu.memory_space<vmem>> -> memref<128xi32, #tpu.memory_space<vmem>>
    %dma_start3A_2115 = arith.constant 0 : i32
    %dma_start3A_2116 = arith.constant 0 : i32
    %dma_start3A_2117 = tpu.memref_slice %arg4[%dma_start3A_2115, %dma_start3A_2116] : memref<6890x32xf32, #tpu.memory_space<hbm>> -> memref<6890x32xf32, #tpu.memory_space<hbm>>
    tpu.enqueue_indirect_dma source(%dma_start3A_2117 : memref<6890x32xf32, #tpu.memory_space<hbm>>) target(%dma_start3A_2111 : memref<128x32xf32, #tpu.memory_space<vmem>>) offsets(%dma_start3A_2114 : memref<128xi32, #tpu.memory_space<vmem>>) semaphore(%arg17 : memref<!tpu.dma_semaphore, #tpu.memory_space<semaphore_mem>>)
    %dma_wait3A_2118 = arith.constant 0 : i32
    %dma_wait3A_2119 = arith.constant 0 : i32
    %dma_wait3A_2120 = arith.constant 0 : i32
    %dma_wait3A_2121 = arith.constant 0 : i32
    %dma_wait3A_2122 = tpu.memref_slice %arg15[%dma_wait3A_2119, %dma_wait3A_2120, %dma_wait3A_2121] : memref<14x128x32xf32, #tpu.memory_space<vmem>> -> memref<1x128x32xf32, #tpu.memory_space<vmem>>
    %dma_wait3A_2123 = tpu.memref_squeeze %dma_wait3A_2122 : memref<1x128x32xf32, #tpu.memory_space<vmem>> -> memref<128x32xf32, #tpu.memory_space<vmem>>
    %dma_wait3A_2124 = arith.constant 0 : i32
    %dma_wait3A_2125 = tpu.memref_slice %arg14[%dma_wait3A_2118, %dma_wait3A_2124] : memref<14x128xi32, #tpu.memory_space<vmem>> -> memref<1x128xi32, #tpu.memory_space<vmem>>
    %dma_wait3A_2126 = tpu.memref_squeeze %dma_wait3A_2125 : memref<1x128xi32, #tpu.memory_space<vmem>> -> memref<128xi32, #tpu.memory_space<vmem>>
    %dma_wait3A_2127 = arith.constant 0 : i32
    %dma_wait3A_2128 = arith.constant 0 : i32
    %dma_wait3A_2129 = tpu.memref_slice %arg4[%dma_wait3A_2127, %dma_wait3A_2128] : memref<6890x32xf32, #tpu.memory_space<hbm>> -> memref<6890x32xf32, #tpu.memory_space<hbm>>
    tpu.wait_indirect_dma semaphore(%arg17 : memref<!tpu.dma_semaphore, #tpu.memory_space<semaphore_mem>>) src(%dma_wait3A_2129 : memref<6890x32xf32, #tpu.memory_space<hbm>>) dst(%dma_wait3A_2123 : memref<128x32xf32, #tpu.memory_space<vmem>>)
    %dma_wait3A_2130 = arith.constant 1 : i32
    %dma_wait3A_2131 = arith.constant 1 : i32
    %dma_wait3A_2132 = arith.constant 0 : i32
    %dma_wait3A_2133 = arith.constant 0 : i32
    %dma_wait3A_2134 = tpu.memref_slice %arg15[%dma_wait3A_2131, %dma_wait3A_2132, %dma_wait3A_2133] : memref<14x128x32xf32, #tpu.memory_space<vmem>> -> memref<1x128x32xf32, #tpu.memory_space<vmem>>
    %dma_wait3A_2135 = tpu.memref_squeeze %dma_wait3A_2134 : memref<1x128x32xf32, #tpu.memory_space<vmem>> -> memref<128x32xf32, #tpu.memory_space<vmem>>
    %dma_wait3A_2136 = arith.constant 0 : i32
    %dma_wait3A_2137 = tpu.memref_slice %arg14[%dma_wait3A_2130, %dma_wait3A_2136] : memref<14x128xi32, #tpu.memory_space<vmem>> -> memref<1x128xi32, #tpu.memory_space<vmem>>
    %dma_wait3A_2138 = tpu.memref_squeeze %dma_wait3A_2137 : memref<1x128xi32, #tpu.memory_space<vmem>> -> memref<128xi32, #tpu.memory_space<vmem>>
    %dma_wait3A_2139 = arith.constant 0 : i32
    %dma_wait3A_2140 = arith.constant 0 : i32
    %dma_wait3A_2141 = tpu.memref_slice %arg4[%dma_wait3A_2139, %dma_wait3A_2140] : memref<6890x32xf32, #tpu.memory_space<hbm>> -> memref<6890x32xf32, #tpu.memory_space<hbm>>
    tpu.wait_indirect_dma semaphore(%arg17 : memref<!tpu.dma_semaphore, #tpu.memory_space<semaphore_mem>>) src(%dma_wait3A_2141 : memref<6890x32xf32, #tpu.memory_space<hbm>>) dst(%dma_wait3A_2135 : memref<128x32xf32, #tpu.memory_space<vmem>>)
    %dma_wait3A_2142 = arith.constant 2 : i32
    %dma_wait3A_2143 = arith.constant 2 : i32
    %dma_wait3A_2144 = arith.constant 0 : i32
    %dma_wait3A_2145 = arith.constant 0 : i32
    %dma_wait3A_2146 = tpu.memref_slice %arg15[%dma_wait3A_2143, %dma_wait3A_2144, %dma_wait3A_2145] : memref<14x128x32xf32, #tpu.memory_space<vmem>> -> memref<1x128x32xf32, #tpu.memory_space<vmem>>
    %dma_wait3A_2147 = tpu.memref_squeeze %dma_wait3A_2146 : memref<1x128x32xf32, #tpu.memory_space<vmem>> -> memref<128x32xf32, #tpu.memory_space<vmem>>
    %dma_wait3A_2148 = arith.constant 0 : i32
    %dma_wait3A_2149 = tpu.memref_slice %arg14[%dma_wait3A_2142, %dma_wait3A_2148] : memref<14x128xi32, #tpu.memory_space<vmem>> -> memref<1x128xi32, #tpu.memory_space<vmem>>
    %dma_wait3A_2150 = tpu.memref_squeeze %dma_wait3A_2149 : memref<1x128xi32, #tpu.memory_space<vmem>> -> memref<128xi32, #tpu.memory_space<vmem>>
    %dma_wait3A_2151 = arith.constant 0 : i32
    %dma_wait3A_2152 = arith.constant 0 : i32
    %dma_wait3A_2153 = tpu.memref_slice %arg4[%dma_wait3A_2151, %dma_wait3A_2152] : memref<6890x32xf32, #tpu.memory_space<hbm>> -> memref<6890x32xf32, #tpu.memory_space<hbm>>
    tpu.wait_indirect_dma semaphore(%arg17 : memref<!tpu.dma_semaphore, #tpu.memory_space<semaphore_mem>>) src(%dma_wait3A_2153 : memref<6890x32xf32, #tpu.memory_space<hbm>>) dst(%dma_wait3A_2147 : memref<128x32xf32, #tpu.memory_space<vmem>>)
    %dma_wait3A_2154 = arith.constant 3 : i32
    %dma_wait3A_2155 = arith.constant 3 : i32
    %dma_wait3A_2156 = arith.constant 0 : i32
    %dma_wait3A_2157 = arith.constant 0 : i32
    %dma_wait3A_2158 = tpu.memref_slice %arg15[%dma_wait3A_2155, %dma_wait3A_2156, %dma_wait3A_2157] : memref<14x128x32xf32, #tpu.memory_space<vmem>> -> memref<1x128x32xf32, #tpu.memory_space<vmem>>
    %dma_wait3A_2159 = tpu.memref_squeeze %dma_wait3A_2158 : memref<1x128x32xf32, #tpu.memory_space<vmem>> -> memref<128x32xf32, #tpu.memory_space<vmem>>
    %dma_wait3A_2160 = arith.constant 0 : i32
    %dma_wait3A_2161 = tpu.memref_slice %arg14[%dma_wait3A_2154, %dma_wait3A_2160] : memref<14x128xi32, #tpu.memory_space<vmem>> -> memref<1x128xi32, #tpu.memory_space<vmem>>
    %dma_wait3A_2162 = tpu.memref_squeeze %dma_wait3A_2161 : memref<1x128xi32, #tpu.memory_space<vmem>> -> memref<128xi32, #tpu.memory_space<vmem>>
    %dma_wait3A_2163 = arith.constant 0 : i32
    %dma_wait3A_2164 = arith.constant 0 : i32
    %dma_wait3A_2165 = tpu.memref_slice %arg4[%dma_wait3A_2163, %dma_wait3A_2164] : memref<6890x32xf32, #tpu.memory_space<hbm>> -> memref<6890x32xf32, #tpu.memory_space<hbm>>
    tpu.wait_indirect_dma semaphore(%arg17 : memref<!tpu.dma_semaphore, #tpu.memory_space<semaphore_mem>>) src(%dma_wait3A_2165 : memref<6890x32xf32, #tpu.memory_space<hbm>>) dst(%dma_wait3A_2159 : memref<128x32xf32, #tpu.memory_space<vmem>>)
    %dma_wait3A_2166 = arith.constant 4 : i32
    %dma_wait3A_2167 = arith.constant 4 : i32
    %dma_wait3A_2168 = arith.constant 0 : i32
    %dma_wait3A_2169 = arith.constant 0 : i32
    %dma_wait3A_2170 = tpu.memref_slice %arg15[%dma_wait3A_2167, %dma_wait3A_2168, %dma_wait3A_2169] : memref<14x128x32xf32, #tpu.memory_space<vmem>> -> memref<1x128x32xf32, #tpu.memory_space<vmem>>
    %dma_wait3A_2171 = tpu.memref_squeeze %dma_wait3A_2170 : memref<1x128x32xf32, #tpu.memory_space<vmem>> -> memref<128x32xf32, #tpu.memory_space<vmem>>
    %dma_wait3A_2172 = arith.constant 0 : i32
    %dma_wait3A_2173 = tpu.memref_slice %arg14[%dma_wait3A_2166, %dma_wait3A_2172] : memref<14x128xi32, #tpu.memory_space<vmem>> -> memref<1x128xi32, #tpu.memory_space<vmem>>
    %dma_wait3A_2174 = tpu.memref_squeeze %dma_wait3A_2173 : memref<1x128xi32, #tpu.memory_space<vmem>> -> memref<128xi32, #tpu.memory_space<vmem>>
    %dma_wait3A_2175 = arith.constant 0 : i32
    %dma_wait3A_2176 = arith.constant 0 : i32
    %dma_wait3A_2177 = tpu.memref_slice %arg4[%dma_wait3A_2175, %dma_wait3A_2176] : memref<6890x32xf32, #tpu.memory_space<hbm>> -> memref<6890x32xf32, #tpu.memory_space<hbm>>
    tpu.wait_indirect_dma semaphore(%arg17 : memref<!tpu.dma_semaphore, #tpu.memory_space<semaphore_mem>>) src(%dma_wait3A_2177 : memref<6890x32xf32, #tpu.memory_space<hbm>>) dst(%dma_wait3A_2171 : memref<128x32xf32, #tpu.memory_space<vmem>>)
    %dma_wait3A_2178 = arith.constant 5 : i32
    %dma_wait3A_2179 = arith.constant 5 : i32
    %dma_wait3A_2180 = arith.constant 0 : i32
    %dma_wait3A_2181 = arith.constant 0 : i32
    %dma_wait3A_2182 = tpu.memref_slice %arg15[%dma_wait3A_2179, %dma_wait3A_2180, %dma_wait3A_2181] : memref<14x128x32xf32, #tpu.memory_space<vmem>> -> memref<1x128x32xf32, #tpu.memory_space<vmem>>
    %dma_wait3A_2183 = tpu.memref_squeeze %dma_wait3A_2182 : memref<1x128x32xf32, #tpu.memory_space<vmem>> -> memref<128x32xf32, #tpu.memory_space<vmem>>
    %dma_wait3A_2184 = arith.constant 0 : i32
    %dma_wait3A_2185 = tpu.memref_slice %arg14[%dma_wait3A_2178, %dma_wait3A_2184] : memref<14x128xi32, #tpu.memory_space<vmem>> -> memref<1x128xi32, #tpu.memory_space<vmem>>
    %dma_wait3A_2186 = tpu.memref_squeeze %dma_wait3A_2185 : memref<1x128xi32, #tpu.memory_space<vmem>> -> memref<128xi32, #tpu.memory_space<vmem>>
    %dma_wait3A_2187 = arith.constant 0 : i32
    %dma_wait3A_2188 = arith.constant 0 : i32
    %dma_wait3A_2189 = tpu.memref_slice %arg4[%dma_wait3A_2187, %dma_wait3A_2188] : memref<6890x32xf32, #tpu.memory_space<hbm>> -> memref<6890x32xf32, #tpu.memory_space<hbm>>
    tpu.wait_indirect_dma semaphore(%arg17 : memref<!tpu.dma_semaphore, #tpu.memory_space<semaphore_mem>>) src(%dma_wait3A_2189 : memref<6890x32xf32, #tpu.memory_space<hbm>>) dst(%dma_wait3A_2183 : memref<128x32xf32, #tpu.memory_space<vmem>>)
    %dma_wait3A_2190 = arith.constant 6 : i32
    %dma_wait3A_2191 = arith.constant 6 : i32
    %dma_wait3A_2192 = arith.constant 0 : i32
    %dma_wait3A_2193 = arith.constant 0 : i32
    %dma_wait3A_2194 = tpu.memref_slice %arg15[%dma_wait3A_2191, %dma_wait3A_2192, %dma_wait3A_2193] : memref<14x128x32xf32, #tpu.memory_space<vmem>> -> memref<1x128x32xf32, #tpu.memory_space<vmem>>
    %dma_wait3A_2195 = tpu.memref_squeeze %dma_wait3A_2194 : memref<1x128x32xf32, #tpu.memory_space<vmem>> -> memref<128x32xf32, #tpu.memory_space<vmem>>
    %dma_wait3A_2196 = arith.constant 0 : i32
    %dma_wait3A_2197 = tpu.memref_slice %arg14[%dma_wait3A_2190, %dma_wait3A_2196] : memref<14x128xi32, #tpu.memory_space<vmem>> -> memref<1x128xi32, #tpu.memory_space<vmem>>
    %dma_wait3A_2198 = tpu.memref_squeeze %dma_wait3A_2197 : memref<1x128xi32, #tpu.memory_space<vmem>> -> memref<128xi32, #tpu.memory_space<vmem>>
    %dma_wait3A_2199 = arith.constant 0 : i32
    %dma_wait3A_2200 = arith.constant 0 : i32
    %dma_wait3A_2201 = tpu.memref_slice %arg4[%dma_wait3A_2199, %dma_wait3A_2200] : memref<6890x32xf32, #tpu.memory_space<hbm>> -> memref<6890x32xf32, #tpu.memory_space<hbm>>
    tpu.wait_indirect_dma semaphore(%arg17 : memref<!tpu.dma_semaphore, #tpu.memory_space<semaphore_mem>>) src(%dma_wait3A_2201 : memref<6890x32xf32, #tpu.memory_space<hbm>>) dst(%dma_wait3A_2195 : memref<128x32xf32, #tpu.memory_space<vmem>>)
    %dma_wait3A_2202 = arith.constant 7 : i32
    %dma_wait3A_2203 = arith.constant 7 : i32
    %dma_wait3A_2204 = arith.constant 0 : i32
    %dma_wait3A_2205 = arith.constant 0 : i32
    %dma_wait3A_2206 = tpu.memref_slice %arg15[%dma_wait3A_2203, %dma_wait3A_2204, %dma_wait3A_2205] : memref<14x128x32xf32, #tpu.memory_space<vmem>> -> memref<1x128x32xf32, #tpu.memory_space<vmem>>
    %dma_wait3A_2207 = tpu.memref_squeeze %dma_wait3A_2206 : memref<1x128x32xf32, #tpu.memory_space<vmem>> -> memref<128x32xf32, #tpu.memory_space<vmem>>
    %dma_wait3A_2208 = arith.constant 0 : i32
    %dma_wait3A_2209 = tpu.memref_slice %arg14[%dma_wait3A_2202, %dma_wait3A_2208] : memref<14x128xi32, #tpu.memory_space<vmem>> -> memref<1x128xi32, #tpu.memory_space<vmem>>
    %dma_wait3A_2210 = tpu.memref_squeeze %dma_wait3A_2209 : memref<1x128xi32, #tpu.memory_space<vmem>> -> memref<128xi32, #tpu.memory_space<vmem>>
    %dma_wait3A_2211 = arith.constant 0 : i32
    %dma_wait3A_2212 = arith.constant 0 : i32
    %dma_wait3A_2213 = tpu.memref_slice %arg4[%dma_wait3A_2211, %dma_wait3A_2212] : memref<6890x32xf32, #tpu.memory_space<hbm>> -> memref<6890x32xf32, #tpu.memory_space<hbm>>
    tpu.wait_indirect_dma semaphore(%arg17 : memref<!tpu.dma_semaphore, #tpu.memory_space<semaphore_mem>>) src(%dma_wait3A_2213 : memref<6890x32xf32, #tpu.memory_space<hbm>>) dst(%dma_wait3A_2207 : memref<128x32xf32, #tpu.memory_space<vmem>>)
    %dma_wait3A_2214 = arith.constant 8 : i32
    %dma_wait3A_2215 = arith.constant 8 : i32
    %dma_wait3A_2216 = arith.constant 0 : i32
    %dma_wait3A_2217 = arith.constant 0 : i32
    %dma_wait3A_2218 = tpu.memref_slice %arg15[%dma_wait3A_2215, %dma_wait3A_2216, %dma_wait3A_2217] : memref<14x128x32xf32, #tpu.memory_space<vmem>> -> memref<1x128x32xf32, #tpu.memory_space<vmem>>
    %dma_wait3A_2219 = tpu.memref_squeeze %dma_wait3A_2218 : memref<1x128x32xf32, #tpu.memory_space<vmem>> -> memref<128x32xf32, #tpu.memory_space<vmem>>
    %dma_wait3A_2220 = arith.constant 0 : i32
    %dma_wait3A_2221 = tpu.memref_slice %arg14[%dma_wait3A_2214, %dma_wait3A_2220] : memref<14x128xi32, #tpu.memory_space<vmem>> -> memref<1x128xi32, #tpu.memory_space<vmem>>
    %dma_wait3A_2222 = tpu.memref_squeeze %dma_wait3A_2221 : memref<1x128xi32, #tpu.memory_space<vmem>> -> memref<128xi32, #tpu.memory_space<vmem>>
    %dma_wait3A_2223 = arith.constant 0 : i32
    %dma_wait3A_2224 = arith.constant 0 : i32
    %dma_wait3A_2225 = tpu.memref_slice %arg4[%dma_wait3A_2223, %dma_wait3A_2224] : memref<6890x32xf32, #tpu.memory_space<hbm>> -> memref<6890x32xf32, #tpu.memory_space<hbm>>
    tpu.wait_indirect_dma semaphore(%arg17 : memref<!tpu.dma_semaphore, #tpu.memory_space<semaphore_mem>>) src(%dma_wait3A_2225 : memref<6890x32xf32, #tpu.memory_space<hbm>>) dst(%dma_wait3A_2219 : memref<128x32xf32, #tpu.memory_space<vmem>>)
    %dma_wait3A_2226 = arith.constant 9 : i32
    %dma_wait3A_2227 = arith.constant 9 : i32
    %dma_wait3A_2228 = arith.constant 0 : i32
    %dma_wait3A_2229 = arith.constant 0 : i32
    %dma_wait3A_2230 = tpu.memref_slice %arg15[%dma_wait3A_2227, %dma_wait3A_2228, %dma_wait3A_2229] : memref<14x128x32xf32, #tpu.memory_space<vmem>> -> memref<1x128x32xf32, #tpu.memory_space<vmem>>
    %dma_wait3A_2231 = tpu.memref_squeeze %dma_wait3A_2230 : memref<1x128x32xf32, #tpu.memory_space<vmem>> -> memref<128x32xf32, #tpu.memory_space<vmem>>
    %dma_wait3A_2232 = arith.constant 0 : i32
    %dma_wait3A_2233 = tpu.memref_slice %arg14[%dma_wait3A_2226, %dma_wait3A_2232] : memref<14x128xi32, #tpu.memory_space<vmem>> -> memref<1x128xi32, #tpu.memory_space<vmem>>
    %dma_wait3A_2234 = tpu.memref_squeeze %dma_wait3A_2233 : memref<1x128xi32, #tpu.memory_space<vmem>> -> memref<128xi32, #tpu.memory_space<vmem>>
    %dma_wait3A_2235 = arith.constant 0 : i32
    %dma_wait3A_2236 = arith.constant 0 : i32
    %dma_wait3A_2237 = tpu.memref_slice %arg4[%dma_wait3A_2235, %dma_wait3A_2236] : memref<6890x32xf32, #tpu.memory_space<hbm>> -> memref<6890x32xf32, #tpu.memory_space<hbm>>
    tpu.wait_indirect_dma semaphore(%arg17 : memref<!tpu.dma_semaphore, #tpu.memory_space<semaphore_mem>>) src(%dma_wait3A_2237 : memref<6890x32xf32, #tpu.memory_space<hbm>>) dst(%dma_wait3A_2231 : memref<128x32xf32, #tpu.memory_space<vmem>>)
    %dma_wait3A_2238 = arith.constant 10 : i32
    %dma_wait3A_2239 = arith.constant 10 : i32
    %dma_wait3A_2240 = arith.constant 0 : i32
    %dma_wait3A_2241 = arith.constant 0 : i32
    %dma_wait3A_2242 = tpu.memref_slice %arg15[%dma_wait3A_2239, %dma_wait3A_2240, %dma_wait3A_2241] : memref<14x128x32xf32, #tpu.memory_space<vmem>> -> memref<1x128x32xf32, #tpu.memory_space<vmem>>
    %dma_wait3A_2243 = tpu.memref_squeeze %dma_wait3A_2242 : memref<1x128x32xf32, #tpu.memory_space<vmem>> -> memref<128x32xf32, #tpu.memory_space<vmem>>
    %dma_wait3A_2244 = arith.constant 0 : i32
    %dma_wait3A_2245 = tpu.memref_slice %arg14[%dma_wait3A_2238, %dma_wait3A_2244] : memref<14x128xi32, #tpu.memory_space<vmem>> -> memref<1x128xi32, #tpu.memory_space<vmem>>
    %dma_wait3A_2246 = tpu.memref_squeeze %dma_wait3A_2245 : memref<1x128xi32, #tpu.memory_space<vmem>> -> memref<128xi32, #tpu.memory_space<vmem>>
    %dma_wait3A_2247 = arith.constant 0 : i32
    %dma_wait3A_2248 = arith.constant 0 : i32
    %dma_wait3A_2249 = tpu.memref_slice %arg4[%dma_wait3A_2247, %dma_wait3A_2248] : memref<6890x32xf32, #tpu.memory_space<hbm>> -> memref<6890x32xf32, #tpu.memory_space<hbm>>
    tpu.wait_indirect_dma semaphore(%arg17 : memref<!tpu.dma_semaphore, #tpu.memory_space<semaphore_mem>>) src(%dma_wait3A_2249 : memref<6890x32xf32, #tpu.memory_space<hbm>>) dst(%dma_wait3A_2243 : memref<128x32xf32, #tpu.memory_space<vmem>>)
    %dma_wait3A_2250 = arith.constant 11 : i32
    %dma_wait3A_2251 = arith.constant 11 : i32
    %dma_wait3A_2252 = arith.constant 0 : i32
    %dma_wait3A_2253 = arith.constant 0 : i32
    %dma_wait3A_2254 = tpu.memref_slice %arg15[%dma_wait3A_2251, %dma_wait3A_2252, %dma_wait3A_2253] : memref<14x128x32xf32, #tpu.memory_space<vmem>> -> memref<1x128x32xf32, #tpu.memory_space<vmem>>
    %dma_wait3A_2255 = tpu.memref_squeeze %dma_wait3A_2254 : memref<1x128x32xf32, #tpu.memory_space<vmem>> -> memref<128x32xf32, #tpu.memory_space<vmem>>
    %dma_wait3A_2256 = arith.constant 0 : i32
    %dma_wait3A_2257 = tpu.memref_slice %arg14[%dma_wait3A_2250, %dma_wait3A_2256] : memref<14x128xi32, #tpu.memory_space<vmem>> -> memref<1x128xi32, #tpu.memory_space<vmem>>
    %dma_wait3A_2258 = tpu.memref_squeeze %dma_wait3A_2257 : memref<1x128xi32, #tpu.memory_space<vmem>> -> memref<128xi32, #tpu.memory_space<vmem>>
    %dma_wait3A_2259 = arith.constant 0 : i32
    %dma_wait3A_2260 = arith.constant 0 : i32
    %dma_wait3A_2261 = tpu.memref_slice %arg4[%dma_wait3A_2259, %dma_wait3A_2260] : memref<6890x32xf32, #tpu.memory_space<hbm>> -> memref<6890x32xf32, #tpu.memory_space<hbm>>
    tpu.wait_indirect_dma semaphore(%arg17 : memref<!tpu.dma_semaphore, #tpu.memory_space<semaphore_mem>>) src(%dma_wait3A_2261 : memref<6890x32xf32, #tpu.memory_space<hbm>>) dst(%dma_wait3A_2255 : memref<128x32xf32, #tpu.memory_space<vmem>>)
    %dma_wait3A_2262 = arith.constant 12 : i32
    %dma_wait3A_2263 = arith.constant 12 : i32
    %dma_wait3A_2264 = arith.constant 0 : i32
    %dma_wait3A_2265 = arith.constant 0 : i32
    %dma_wait3A_2266 = tpu.memref_slice %arg15[%dma_wait3A_2263, %dma_wait3A_2264, %dma_wait3A_2265] : memref<14x128x32xf32, #tpu.memory_space<vmem>> -> memref<1x128x32xf32, #tpu.memory_space<vmem>>
    %dma_wait3A_2267 = tpu.memref_squeeze %dma_wait3A_2266 : memref<1x128x32xf32, #tpu.memory_space<vmem>> -> memref<128x32xf32, #tpu.memory_space<vmem>>
    %dma_wait3A_2268 = arith.constant 0 : i32
    %dma_wait3A_2269 = tpu.memref_slice %arg14[%dma_wait3A_2262, %dma_wait3A_2268] : memref<14x128xi32, #tpu.memory_space<vmem>> -> memref<1x128xi32, #tpu.memory_space<vmem>>
    %dma_wait3A_2270 = tpu.memref_squeeze %dma_wait3A_2269 : memref<1x128xi32, #tpu.memory_space<vmem>> -> memref<128xi32, #tpu.memory_space<vmem>>
    %dma_wait3A_2271 = arith.constant 0 : i32
    %dma_wait3A_2272 = arith.constant 0 : i32
    %dma_wait3A_2273 = tpu.memref_slice %arg4[%dma_wait3A_2271, %dma_wait3A_2272] : memref<6890x32xf32, #tpu.memory_space<hbm>> -> memref<6890x32xf32, #tpu.memory_space<hbm>>
    tpu.wait_indirect_dma semaphore(%arg17 : memref<!tpu.dma_semaphore, #tpu.memory_space<semaphore_mem>>) src(%dma_wait3A_2273 : memref<6890x32xf32, #tpu.memory_space<hbm>>) dst(%dma_wait3A_2267 : memref<128x32xf32, #tpu.memory_space<vmem>>)
    %dma_wait3A_2274 = arith.constant 13 : i32
    %dma_wait3A_2275 = arith.constant 13 : i32
    %dma_wait3A_2276 = arith.constant 0 : i32
    %dma_wait3A_2277 = arith.constant 0 : i32
    %dma_wait3A_2278 = tpu.memref_slice %arg15[%dma_wait3A_2275, %dma_wait3A_2276, %dma_wait3A_2277] : memref<14x128x32xf32, #tpu.memory_space<vmem>> -> memref<1x128x32xf32, #tpu.memory_space<vmem>>
    %dma_wait3A_2279 = tpu.memref_squeeze %dma_wait3A_2278 : memref<1x128x32xf32, #tpu.memory_space<vmem>> -> memref<128x32xf32, #tpu.memory_space<vmem>>
    %dma_wait3A_2280 = arith.constant 0 : i32
    %dma_wait3A_2281 = tpu.memref_slice %arg14[%dma_wait3A_2274, %dma_wait3A_2280] : memref<14x128xi32, #tpu.memory_space<vmem>> -> memref<1x128xi32, #tpu.memory_space<vmem>>
    %dma_wait3A_2282 = tpu.memref_squeeze %dma_wait3A_2281 : memref<1x128xi32, #tpu.memory_space<vmem>> -> memref<128xi32, #tpu.memory_space<vmem>>
    %dma_wait3A_2283 = arith.constant 0 : i32
    %dma_wait3A_2284 = arith.constant 0 : i32
    %dma_wait3A_2285 = tpu.memref_slice %arg4[%dma_wait3A_2283, %dma_wait3A_2284] : memref<6890x32xf32, #tpu.memory_space<hbm>> -> memref<6890x32xf32, #tpu.memory_space<hbm>>
    tpu.wait_indirect_dma semaphore(%arg17 : memref<!tpu.dma_semaphore, #tpu.memory_space<semaphore_mem>>) src(%dma_wait3A_2285 : memref<6890x32xf32, #tpu.memory_space<hbm>>) dst(%dma_wait3A_2279 : memref<128x32xf32, #tpu.memory_space<vmem>>)
    %mul3A_2286 = arith.constant 14 : i32
    %mul3A_2287 = arith.muli %add3A, %mul3A_2286 : i32
    "tpu.region"() ({
      %run_scoped3A = tpu.sem_alloc : memref<!tpu.dma_semaphore, #tpu.memory_space<semaphore_mem>>
      %dma_start3A_2288 = arith.constant 0 : i32
      %dma_start3A_2289 = arith.constant 0 : i32
      %dma_start3A_2290 = tpu.memref_slice %arg8[%mul3A_2287, %dma_start3A_2288, %dma_start3A_2289] : memref<448x128x32xf32, #tpu.memory_space<hbm>> -> memref<14x128x32xf32, #tpu.memory_space<hbm>>
      %dma_start3A_2291 = arith.constant 0 : i32
      %dma_start3A_2292 = arith.constant 0 : i32
      %dma_start3A_2293 = tpu.memref_slice %arg8[%mul3A_2287, %dma_start3A_2291, %dma_start3A_2292] : memref<448x128x32xf32, #tpu.memory_space<hbm>> -> memref<14x128x32xf32, #tpu.memory_space<hbm>>
      tpu.enqueue_dma source(%arg15 : memref<14x128x32xf32, #tpu.memory_space<vmem>>) target(%dma_start3A_2293 : memref<14x128x32xf32, #tpu.memory_space<hbm>>) target_semaphore(%run_scoped3A : memref<!tpu.dma_semaphore, #tpu.memory_space<semaphore_mem>>)
      %dma_wait3A_2294 = arith.constant 0 : i32
      %dma_wait3A_2295 = arith.constant 0 : i32
      %dma_wait3A_2296 = tpu.memref_slice %arg8[%mul3A_2287, %dma_wait3A_2294, %dma_wait3A_2295] : memref<448x128x32xf32, #tpu.memory_space<hbm>> -> memref<14x128x32xf32, #tpu.memory_space<hbm>>
      %dma_wait3A_2297 = arith.constant 0 : i32
      %dma_wait3A_2298 = arith.constant 0 : i32
      %dma_wait3A_2299 = tpu.memref_slice %arg8[%mul3A_2287, %dma_wait3A_2297, %dma_wait3A_2298] : memref<448x128x32xf32, #tpu.memory_space<hbm>> -> memref<14x128x32xf32, #tpu.memory_space<hbm>>
      tpu.wait_dma2 semaphore(%run_scoped3A : memref<!tpu.dma_semaphore, #tpu.memory_space<semaphore_mem>>) src(%arg15 : memref<14x128x32xf32, #tpu.memory_space<vmem>>) dst(%dma_wait3A_2299 : memref<14x128x32xf32, #tpu.memory_space<hbm>>)
      tpu.yield
    }) : () -> ()
    return
  }
}

module attributes {stable_mosaic.version = 14 : i64} {
  func.func @_knn_body(%arg0: i32, %arg1: memref<1x512x8xbf16, #tpu.memory_space<vmem>>, %arg2: memref<8x6912xbf16, #tpu.memory_space<vmem>>, %arg3: memref<1x6912xf32, #tpu.memory_space<vmem>>, %arg4: memref<1x1x512xi32, #tpu.memory_space<vmem>>) attributes {dimension_semantics = [#tpu.dimension_semantics<arbitrary>], iteration_bounds = array<i64: 16>, scalar_prefetch = 0 : i64, scratch_operands = 0 : i64, tpu.core_type = #tpu.core_type<tc>, window_params = [{transform_indices = @transform_0, window_bounds = array<i64: 1, 512, 8>}, {pipeline_mode = #tpu.pipeline_mode<synchronous>, transform_indices = @transform_1, window_bounds = array<i64: 8, 6912>}, {pipeline_mode = #tpu.pipeline_mode<synchronous>, transform_indices = @transform_2, window_bounds = array<i64: 1, 6912>}, {transform_indices = @transform_3, window_bounds = array<i64: 1, 1, 512>}]} {
    %get3A = arith.constant 0 : index
    %get3A_0 = arith.constant 0 : index
    %get3A_1 = arith.constant 0 : index
    %get3A_2 = vector.load %arg1[%get3A, %get3A_0, %get3A_1] : memref<1x512x8xbf16, #tpu.memory_space<vmem>>, vector<1x512x8xbf16>
    %get3A_3 = vector.shape_cast %get3A_2 : vector<1x512x8xbf16> to vector<512x8xbf16>
    %get3A_4 = arith.constant 0 : index
    %get3A_5 = arith.constant 0 : index
    %get3A_6 = vector.load %arg2[%get3A_4, %get3A_5] : memref<8x6912xbf16, #tpu.memory_space<vmem>>, vector<8x6912xbf16>
    %dot_general3A = arith.constant dense<0.000000e+00> : vector<512x6912xf32>
    %dot_general3A_7 = tpu.matmul %get3A_3, %get3A_6, %dot_general3A {dimension_numbers = #tpu.dot_dimension_numbers<[1], [0], [0], [1], [0, 0, 1, 1], [], []>, transpose_lhs_hint = false} : vector<512x8xbf16>, vector<8x6912xbf16>, vector<512x6912xf32> -> vector<512x6912xf32>
    %get3A_8 = arith.constant 0 : index
    %get3A_9 = arith.constant 0 : index
    %get3A_10 = vector.load %arg3[%get3A_8, %get3A_9] : memref<1x6912xf32, #tpu.memory_space<vmem>>, vector<1x6912xf32>
    %mul3A = arith.constant 2.000000e+00 : f32
    %mul3A_11 = vector.broadcast %mul3A : f32 to vector<512x6912xf32>
    %mul3A_12 = arith.mulf %mul3A_11, %dot_general3A_7 : vector<512x6912xf32>
    %sub3A = vector.broadcast %get3A_10 : vector<1x6912xf32> to vector<512x6912xf32>
    %sub3A_13 = arith.subf %sub3A, %mul3A_12 : vector<512x6912xf32>
    %reduce_min3A = arith.constant dense<0x7F800000> : vector<512xf32>
    %reduce_min3A_14 = vector.multi_reduction <minimumf>, %sub3A_13, %reduce_min3A [1] : vector<512x6912xf32> to vector<512xf32>
    %broadcast_in_dim3A = vector.shape_cast %reduce_min3A_14 : vector<512xf32> to vector<512x1xf32>
    %iota3A = tpu.iota {dimensions = array<i32: 1>} : vector<512x6912xi32>
    %eq3A = vector.broadcast %broadcast_in_dim3A : vector<512x1xf32> to vector<512x6912xf32>
    %eq3A_15 = arith.cmpf oeq, %sub3A_13, %eq3A : vector<512x6912xf32>
    %jit3A = arith.constant 6912 : i32
    %broadcast_in_dim3A_16 = vector.broadcast %jit3A : i32 to vector<512x6912xi32>
    %select_n3A = arith.select %eq3A_15, %iota3A, %broadcast_in_dim3A_16 : vector<512x6912xi1>, vector<512x6912xi32>
    %reduce_min3A_17 = arith.constant dense<2147483647> : vector<512xi32>
    %reduce_min3A_18 = vector.multi_reduction <minsi>, %select_n3A, %reduce_min3A_17 [1] : vector<512x6912xi32> to vector<512xi32>
    %swap3A = arith.constant 0 : index
    %swap3A_19 = arith.constant 0 : index
    %swap3A_20 = arith.constant 0 : index
    %swap3A_21 = vector.load %arg4[%swap3A, %swap3A_19, %swap3A_20] : memref<1x1x512xi32, #tpu.memory_space<vmem>>, vector<1x1x512xi32>
    %swap3A_22 = vector.shape_cast %swap3A_21 : vector<1x1x512xi32> to vector<512xi32>
    %swap3A_23 = vector.shape_cast %reduce_min3A_18 : vector<512xi32> to vector<1x1x512xi32>
    tpu.vector_store %arg4[%swap3A, %swap3A_19, %swap3A_20], %swap3A_23 {strides = array<i32>} : memref<1x1x512xi32, #tpu.memory_space<vmem>>, vector<1x1x512xi32>,
    return
  }
  func.func @transform_0(%arg0: i32) -> (i32, i32, i32) {
    %c0_i32 = arith.constant 0 : i32
    %c0_i32_0 = arith.constant 0 : i32
    %c0_i32_1 = arith.constant 0 : i32
    return %arg0, %c0_i32, %c0_i32_0 : i32, i32, i32
  }
  func.func @transform_1(%arg0: i32) -> (i32, i32) {
    %c0_i32 = arith.constant 0 : i32
    %c0_i32_0 = arith.constant 0 : i32
    %c0_i32_1 = arith.constant 0 : i32
    return %c0_i32, %c0_i32_0 : i32, i32
  }
  func.func @transform_2(%arg0: i32) -> (i32, i32) {
    %c0_i32 = arith.constant 0 : i32
    %c0_i32_0 = arith.constant 0 : i32
    %c0_i32_1 = arith.constant 0 : i32
    return %c0_i32, %c0_i32_0 : i32, i32
  }
  func.func @transform_3(%arg0: i32) -> (i32, i32, i32) {
    %c0_i32 = arith.constant 0 : i32
    %c0_i32_0 = arith.constant 0 : i32
    %c0_i32_1 = arith.constant 0 : i32
    return %arg0, %c0_i32, %c0_i32_0 : i32, i32, i32
  }
}

module attributes {stable_mosaic.version = 14 : i64} {
  func.func @_mlp_body(%arg0: i32, %arg1: memref<1x512x224xf32, #tpu.memory_space<vmem>>, %arg2: memref<1x512x3xf32, #tpu.memory_space<vmem>>, %arg3: memref<784x256xbf16, #tpu.memory_space<vmem>>, %arg4: memref<256x256xbf16, #tpu.memory_space<vmem>>, %arg5: memref<256x256xbf16, #tpu.memory_space<vmem>>, %arg6: memref<1x256xf32, #tpu.memory_space<vmem>>, %arg7: memref<1x256xf32, #tpu.memory_space<vmem>>, %arg8: memref<1x256xf32, #tpu.memory_space<vmem>>, %arg9: memref<1x512x256xf32, #tpu.memory_space<vmem>>) attributes {dimension_semantics = [#tpu.dimension_semantics<arbitrary>], iteration_bounds = array<i64: 16>, scalar_prefetch = 0 : i64, scratch_operands = 0 : i64, tpu.core_type = #tpu.core_type<tc>, window_params = [{transform_indices = @transform_0, window_bounds = array<i64: 1, 512, 224>}, {transform_indices = @transform_1, window_bounds = array<i64: 1, 512, 3>}, {pipeline_mode = #tpu.pipeline_mode<synchronous>, transform_indices = @transform_2, window_bounds = array<i64: 784, 256>}, {pipeline_mode = #tpu.pipeline_mode<synchronous>, transform_indices = @transform_3, window_bounds = array<i64: 256, 256>}, {pipeline_mode = #tpu.pipeline_mode<synchronous>, transform_indices = @transform_4, window_bounds = array<i64: 256, 256>}, {pipeline_mode = #tpu.pipeline_mode<synchronous>, transform_indices = @transform_5, window_bounds = array<i64: 1, 256>}, {pipeline_mode = #tpu.pipeline_mode<synchronous>, transform_indices = @transform_6, window_bounds = array<i64: 1, 256>}, {pipeline_mode = #tpu.pipeline_mode<synchronous>, transform_indices = @transform_7, window_bounds = array<i64: 1, 256>}, {transform_indices = @transform_8, window_bounds = array<i64: 1, 512, 256>}]} {
    %get3A = arith.constant 0 : index
    %get3A_0 = arith.constant 0 : index
    %get3A_1 = arith.constant 0 : index
    %get3A_2 = vector.load %arg1[%get3A, %get3A_0, %get3A_1] : memref<1x512x224xf32, #tpu.memory_space<vmem>>, vector<1x512x224xf32>
    %get3A_3 = vector.shape_cast %get3A_2 : vector<1x512x224xf32> to vector<512x224xf32>
    %get3A_4 = arith.constant 0 : index
    %get3A_5 = arith.constant 0 : index
    %get3A_6 = arith.constant 0 : index
    %get3A_7 = vector.load %arg2[%get3A_4, %get3A_5, %get3A_6] : memref<1x512x3xf32, #tpu.memory_space<vmem>>, vector<1x512x3xf32>
    %get3A_8 = vector.shape_cast %get3A_7 : vector<1x512x3xf32> to vector<512x3xf32>
    %slice3A = vector.extract_strided_slice %get3A_3 {offsets = [0, 0], sizes = [512, 22], strides = [1, 1]} : vector<512x224xf32> to vector<512x22xf32>
    %slice3A_9 = vector.extract_strided_slice %slice3A {offsets = [0, 0], sizes = [512, 3], strides = [1, 1]} : vector<512x22xf32> to vector<512x3xf32>
    %slice3A_10 = vector.extract_strided_slice %slice3A {offsets = [0, 3], sizes = [512, 3], strides = [1, 1]} : vector<512x22xf32> to vector<512x3xf32>
    %sub3A = arith.subf %get3A_8, %slice3A_10 : vector<512x3xf32>
    %mul3A = arith.mulf %sub3A, %sub3A : vector<512x3xf32>
    %reduce_sum3A = arith.constant dense<0.000000e+00> : vector<512xf32>
    %reduce_sum3A_11 = vector.multi_reduction <add>, %mul3A, %reduce_sum3A [1] : vector<512x3xf32> to vector<512xf32>
    %broadcast_in_dim3A = vector.shape_cast %reduce_sum3A_11 : vector<512xf32> to vector<512x1xf32>
    %sqrt3A = math.sqrt %broadcast_in_dim3A : vector<512x1xf32>
    %slice3A_12 = vector.extract_strided_slice %slice3A {offsets = [0, 6], sizes = [512, 16], strides = [1, 1]} : vector<512x22xf32> to vector<512x16xf32>
    %slice3A_13 = vector.extract_strided_slice %get3A_3 {offsets = [0, 32], sizes = [512, 22], strides = [1, 1]} : vector<512x224xf32> to vector<512x22xf32>
    %slice3A_14 = vector.extract_strided_slice %slice3A_13 {offsets = [0, 0], sizes = [512, 3], strides = [1, 1]} : vector<512x22xf32> to vector<512x3xf32>
    %slice3A_15 = vector.extract_strided_slice %slice3A_13 {offsets = [0, 3], sizes = [512, 3], strides = [1, 1]} : vector<512x22xf32> to vector<512x3xf32>
    %sub3A_16 = arith.subf %get3A_8, %slice3A_15 : vector<512x3xf32>
    %mul3A_17 = arith.mulf %sub3A_16, %sub3A_16 : vector<512x3xf32>
    %reduce_sum3A_18 = arith.constant dense<0.000000e+00> : vector<512xf32>
    %reduce_sum3A_19 = vector.multi_reduction <add>, %mul3A_17, %reduce_sum3A_18 [1] : vector<512x3xf32> to vector<512xf32>
    %broadcast_in_dim3A_20 = vector.shape_cast %reduce_sum3A_19 : vector<512xf32> to vector<512x1xf32>
    %sqrt3A_21 = math.sqrt %broadcast_in_dim3A_20 : vector<512x1xf32>
    %slice3A_22 = vector.extract_strided_slice %slice3A_13 {offsets = [0, 6], sizes = [512, 16], strides = [1, 1]} : vector<512x22xf32> to vector<512x16xf32>
    %slice3A_23 = vector.extract_strided_slice %get3A_3 {offsets = [0, 64], sizes = [512, 22], strides = [1, 1]} : vector<512x224xf32> to vector<512x22xf32>
    %slice3A_24 = vector.extract_strided_slice %slice3A_23 {offsets = [0, 0], sizes = [512, 3], strides = [1, 1]} : vector<512x22xf32> to vector<512x3xf32>
    %slice3A_25 = vector.extract_strided_slice %slice3A_23 {offsets = [0, 3], sizes = [512, 3], strides = [1, 1]} : vector<512x22xf32> to vector<512x3xf32>
    %sub3A_26 = arith.subf %get3A_8, %slice3A_25 : vector<512x3xf32>
    %mul3A_27 = arith.mulf %sub3A_26, %sub3A_26 : vector<512x3xf32>
    %reduce_sum3A_28 = arith.constant dense<0.000000e+00> : vector<512xf32>
    %reduce_sum3A_29 = vector.multi_reduction <add>, %mul3A_27, %reduce_sum3A_28 [1] : vector<512x3xf32> to vector<512xf32>
    %broadcast_in_dim3A_30 = vector.shape_cast %reduce_sum3A_29 : vector<512xf32> to vector<512x1xf32>
    %sqrt3A_31 = math.sqrt %broadcast_in_dim3A_30 : vector<512x1xf32>
    %slice3A_32 = vector.extract_strided_slice %slice3A_23 {offsets = [0, 6], sizes = [512, 16], strides = [1, 1]} : vector<512x22xf32> to vector<512x16xf32>
    %slice3A_33 = vector.extract_strided_slice %get3A_3 {offsets = [0, 96], sizes = [512, 22], strides = [1, 1]} : vector<512x224xf32> to vector<512x22xf32>
    %slice3A_34 = vector.extract_strided_slice %slice3A_33 {offsets = [0, 0], sizes = [512, 3], strides = [1, 1]} : vector<512x22xf32> to vector<512x3xf32>
    %slice3A_35 = vector.extract_strided_slice %slice3A_33 {offsets = [0, 3], sizes = [512, 3], strides = [1, 1]} : vector<512x22xf32> to vector<512x3xf32>
    %sub3A_36 = arith.subf %get3A_8, %slice3A_35 : vector<512x3xf32>
    %mul3A_37 = arith.mulf %sub3A_36, %sub3A_36 : vector<512x3xf32>
    %reduce_sum3A_38 = arith.constant dense<0.000000e+00> : vector<512xf32>
    %reduce_sum3A_39 = vector.multi_reduction <add>, %mul3A_37, %reduce_sum3A_38 [1] : vector<512x3xf32> to vector<512xf32>
    %broadcast_in_dim3A_40 = vector.shape_cast %reduce_sum3A_39 : vector<512xf32> to vector<512x1xf32>
    %sqrt3A_41 = math.sqrt %broadcast_in_dim3A_40 : vector<512x1xf32>
    %slice3A_42 = vector.extract_strided_slice %slice3A_33 {offsets = [0, 6], sizes = [512, 16], strides = [1, 1]} : vector<512x22xf32> to vector<512x16xf32>
    %slice3A_43 = vector.extract_strided_slice %get3A_3 {offsets = [0, 128], sizes = [512, 22], strides = [1, 1]} : vector<512x224xf32> to vector<512x22xf32>
    %slice3A_44 = vector.extract_strided_slice %slice3A_43 {offsets = [0, 0], sizes = [512, 3], strides = [1, 1]} : vector<512x22xf32> to vector<512x3xf32>
    %slice3A_45 = vector.extract_strided_slice %slice3A_43 {offsets = [0, 3], sizes = [512, 3], strides = [1, 1]} : vector<512x22xf32> to vector<512x3xf32>
    %sub3A_46 = arith.subf %get3A_8, %slice3A_45 : vector<512x3xf32>
    %mul3A_47 = arith.mulf %sub3A_46, %sub3A_46 : vector<512x3xf32>
    %reduce_sum3A_48 = arith.constant dense<0.000000e+00> : vector<512xf32>
    %reduce_sum3A_49 = vector.multi_reduction <add>, %mul3A_47, %reduce_sum3A_48 [1] : vector<512x3xf32> to vector<512xf32>
    %broadcast_in_dim3A_50 = vector.shape_cast %reduce_sum3A_49 : vector<512xf32> to vector<512x1xf32>
    %sqrt3A_51 = math.sqrt %broadcast_in_dim3A_50 : vector<512x1xf32>
    %slice3A_52 = vector.extract_strided_slice %slice3A_43 {offsets = [0, 6], sizes = [512, 16], strides = [1, 1]} : vector<512x22xf32> to vector<512x16xf32>
    %slice3A_53 = vector.extract_strided_slice %get3A_3 {offsets = [0, 160], sizes = [512, 22], strides = [1, 1]} : vector<512x224xf32> to vector<512x22xf32>
    %slice3A_54 = vector.extract_strided_slice %slice3A_53 {offsets = [0, 0], sizes = [512, 3], strides = [1, 1]} : vector<512x22xf32> to vector<512x3xf32>
    %slice3A_55 = vector.extract_strided_slice %slice3A_53 {offsets = [0, 3], sizes = [512, 3], strides = [1, 1]} : vector<512x22xf32> to vector<512x3xf32>
    %sub3A_56 = arith.subf %get3A_8, %slice3A_55 : vector<512x3xf32>
    %mul3A_57 = arith.mulf %sub3A_56, %sub3A_56 : vector<512x3xf32>
    %reduce_sum3A_58 = arith.constant dense<0.000000e+00> : vector<512xf32>
    %reduce_sum3A_59 = vector.multi_reduction <add>, %mul3A_57, %reduce_sum3A_58 [1] : vector<512x3xf32> to vector<512xf32>
    %broadcast_in_dim3A_60 = vector.shape_cast %reduce_sum3A_59 : vector<512xf32> to vector<512x1xf32>
    %sqrt3A_61 = math.sqrt %broadcast_in_dim3A_60 : vector<512x1xf32>
    %slice3A_62 = vector.extract_strided_slice %slice3A_53 {offsets = [0, 6], sizes = [512, 16], strides = [1, 1]} : vector<512x22xf32> to vector<512x16xf32>
    %slice3A_63 = vector.extract_strided_slice %get3A_3 {offsets = [0, 192], sizes = [512, 22], strides = [1, 1]} : vector<512x224xf32> to vector<512x22xf32>
    %slice3A_64 = vector.extract_strided_slice %slice3A_63 {offsets = [0, 0], sizes = [512, 3], strides = [1, 1]} : vector<512x22xf32> to vector<512x3xf32>
    %slice3A_65 = vector.extract_strided_slice %slice3A_63 {offsets = [0, 3], sizes = [512, 3], strides = [1, 1]} : vector<512x22xf32> to vector<512x3xf32>
    %sub3A_66 = arith.subf %get3A_8, %slice3A_65 : vector<512x3xf32>
    %mul3A_67 = arith.mulf %sub3A_66, %sub3A_66 : vector<512x3xf32>
    %reduce_sum3A_68 = arith.constant dense<0.000000e+00> : vector<512xf32>
    %reduce_sum3A_69 = vector.multi_reduction <add>, %mul3A_67, %reduce_sum3A_68 [1] : vector<512x3xf32> to vector<512xf32>
    %broadcast_in_dim3A_70 = vector.shape_cast %reduce_sum3A_69 : vector<512xf32> to vector<512x1xf32>
    %sqrt3A_71 = math.sqrt %broadcast_in_dim3A_70 : vector<512x1xf32>
    %slice3A_72 = vector.extract_strided_slice %slice3A_63 {offsets = [0, 6], sizes = [512, 16], strides = [1, 1]} : vector<512x22xf32> to vector<512x16xf32>
    %broadcast_in_dim3A_73 = arith.constant 0.000000e+00 : f32
    %broadcast_in_dim3A_74 = vector.broadcast %broadcast_in_dim3A_73 : f32 to vector<512x4xf32>
    %concatenate3A = tpu.concatenate %slice3A_9, %slice3A_14, %slice3A_24, %slice3A_34, %slice3A_44, %slice3A_54, %slice3A_64, %sqrt3A, %sqrt3A_21, %sqrt3A_31, %sqrt3A_41, %sqrt3A_51, %sqrt3A_61, %sqrt3A_71, %broadcast_in_dim3A_74 in 1 : vector<512x3xf32>, vector<512x3xf32>, vector<512x3xf32>, vector<512x3xf32>, vector<512x3xf32>, vector<512x3xf32>, vector<512x3xf32>, vector<512x1xf32>, vector<512x1xf32>, vector<512x1xf32>, vector<512x1xf32>, vector<512x1xf32>, vector<512x1xf32>, vector<512x1xf32>, vector<512x4xf32> -> vector<512x32xf32>
    %concatenate3A_75 = tpu.concatenate %slice3A_12, %slice3A_22, %slice3A_32, %slice3A_42, %slice3A_52, %slice3A_62, %slice3A_72 in 1 : vector<512x16xf32>, vector<512x16xf32>, vector<512x16xf32>, vector<512x16xf32>, vector<512x16xf32>, vector<512x16xf32>, vector<512x16xf32> -> vector<512x112xf32>
    %get3A_76 = arith.constant 0 : index
    %get3A_77 = arith.constant 0 : index
    %get3A_78 = vector.load %arg3[%get3A_76, %get3A_77] : memref<784x256xbf16, #tpu.memory_space<vmem>>, vector<32x256xbf16>
    %convert_element_type3A = arith.truncf %concatenate3A : vector<512x32xf32> to vector<512x32xbf16>
    %dot_general3A = arith.constant dense<0.000000e+00> : vector<512x256xf32>
    %dot_general3A_79 = tpu.matmul %convert_element_type3A, %get3A_78, %dot_general3A {dimension_numbers = #tpu.dot_dimension_numbers<[1], [0], [0], [1], [0, 0, 1, 1], [], []>, transpose_lhs_hint = false} : vector<512x32xbf16>, vector<32x256xbf16>, vector<512x256xf32> -> vector<512x256xf32>
    %sin3A = math.sin %concatenate3A : vector<512x32xf32>
    %cos3A = math.cos %concatenate3A : vector<512x32xf32>
    %get3A_80 = arith.constant 32 : index
    %get3A_81 = arith.constant 0 : index
    %get3A_82 = vector.load %arg3[%get3A_80, %get3A_81] : memref<784x256xbf16, #tpu.memory_space<vmem>>, vector<32x256xbf16>
    %convert_element_type3A_83 = arith.truncf %sin3A : vector<512x32xf32> to vector<512x32xbf16>
    %dot_general3A_84 = arith.constant dense<0.000000e+00> : vector<512x256xf32>
    %dot_general3A_85 = tpu.matmul %convert_element_type3A_83, %get3A_82, %dot_general3A_84 {dimension_numbers = #tpu.dot_dimension_numbers<[1], [0], [0], [1], [0, 0, 1, 1], [], []>, transpose_lhs_hint = false} : vector<512x32xbf16>, vector<32x256xbf16>, vector<512x256xf32> -> vector<512x256xf32>
    %get3A_86 = arith.constant 64 : index
    %get3A_87 = arith.constant 0 : index
    %get3A_88 = vector.load %arg3[%get3A_86, %get3A_87] : memref<784x256xbf16, #tpu.memory_space<vmem>>, vector<32x256xbf16>
    %convert_element_type3A_89 = arith.truncf %cos3A : vector<512x32xf32> to vector<512x32xbf16>
    %dot_general3A_90 = arith.constant dense<0.000000e+00> : vector<512x256xf32>
    %dot_general3A_91 = tpu.matmul %convert_element_type3A_89, %get3A_88, %dot_general3A_90 {dimension_numbers = #tpu.dot_dimension_numbers<[1], [0], [0], [1], [0, 0, 1, 1], [], []>, transpose_lhs_hint = false} : vector<512x32xbf16>, vector<32x256xbf16>, vector<512x256xf32> -> vector<512x256xf32>
    %add3A = arith.addf %dot_general3A_85, %dot_general3A_91 : vector<512x256xf32>
    %add3A_92 = arith.addf %dot_general3A_79, %add3A : vector<512x256xf32>
    %mul3A_93 = arith.constant 2.000000e+00 : f32
    %mul3A_94 = vector.broadcast %mul3A_93 : f32 to vector<512x32xf32>
    %mul3A_95 = arith.mulf %mul3A_94, %sin3A : vector<512x32xf32>
    %mul3A_96 = arith.mulf %mul3A_95, %cos3A : vector<512x32xf32>
    %mul3A_97 = arith.constant 2.000000e+00 : f32
    %mul3A_98 = vector.broadcast %mul3A_97 : f32 to vector<512x32xf32>
    %mul3A_99 = arith.mulf %mul3A_98, %cos3A : vector<512x32xf32>
    %mul3A_100 = arith.mulf %mul3A_99, %cos3A : vector<512x32xf32>
    %sub3A_101 = arith.constant 1.000000e+00 : f32
    %sub3A_102 = vector.broadcast %sub3A_101 : f32 to vector<512x32xf32>
    %sub3A_103 = arith.subf %mul3A_100, %sub3A_102 : vector<512x32xf32>
    %get3A_104 = arith.constant 96 : index
    %get3A_105 = arith.constant 0 : index
    %get3A_106 = vector.load %arg3[%get3A_104, %get3A_105] : memref<784x256xbf16, #tpu.memory_space<vmem>>, vector<32x256xbf16>
    %convert_element_type3A_107 = arith.truncf %mul3A_96 : vector<512x32xf32> to vector<512x32xbf16>
    %dot_general3A_108 = arith.constant dense<0.000000e+00> : vector<512x256xf32>
    %dot_general3A_109 = tpu.matmul %convert_element_type3A_107, %get3A_106, %dot_general3A_108 {dimension_numbers = #tpu.dot_dimension_numbers<[1], [0], [0], [1], [0, 0, 1, 1], [], []>, transpose_lhs_hint = false} : vector<512x32xbf16>, vector<32x256xbf16>, vector<512x256xf32> -> vector<512x256xf32>
    %get3A_110 = arith.constant 128 : index
    %get3A_111 = arith.constant 0 : index
    %get3A_112 = vector.load %arg3[%get3A_110, %get3A_111] : memref<784x256xbf16, #tpu.memory_space<vmem>>, vector<32x256xbf16>
    %convert_element_type3A_113 = arith.truncf %sub3A_103 : vector<512x32xf32> to vector<512x32xbf16>
    %dot_general3A_114 = arith.constant dense<0.000000e+00> : vector<512x256xf32>
    %dot_general3A_115 = tpu.matmul %convert_element_type3A_113, %get3A_112, %dot_general3A_114 {dimension_numbers = #tpu.dot_dimension_numbers<[1], [0], [0], [1], [0, 0, 1, 1], [], []>, transpose_lhs_hint = false} : vector<512x32xbf16>, vector<32x256xbf16>, vector<512x256xf32> -> vector<512x256xf32>
    %add3A_116 = arith.addf %dot_general3A_109, %dot_general3A_115 : vector<512x256xf32>
    %add3A_117 = arith.addf %add3A_92, %add3A_116 : vector<512x256xf32>
    %mul3A_118 = arith.constant 2.000000e+00 : f32
    %mul3A_119 = vector.broadcast %mul3A_118 : f32 to vector<512x32xf32>
    %mul3A_120 = arith.mulf %mul3A_119, %mul3A_96 : vector<512x32xf32>
    %mul3A_121 = arith.mulf %mul3A_120, %sub3A_103 : vector<512x32xf32>
    %mul3A_122 = arith.constant 2.000000e+00 : f32
    %mul3A_123 = vector.broadcast %mul3A_122 : f32 to vector<512x32xf32>
    %mul3A_124 = arith.mulf %mul3A_123, %sub3A_103 : vector<512x32xf32>
    %mul3A_125 = arith.mulf %mul3A_124, %sub3A_103 : vector<512x32xf32>
    %sub3A_126 = arith.constant 1.000000e+00 : f32
    %sub3A_127 = vector.broadcast %sub3A_126 : f32 to vector<512x32xf32>
    %sub3A_128 = arith.subf %mul3A_125, %sub3A_127 : vector<512x32xf32>
    %get3A_129 = arith.constant 160 : index
    %get3A_130 = arith.constant 0 : index
    %get3A_131 = vector.load %arg3[%get3A_129, %get3A_130] : memref<784x256xbf16, #tpu.memory_space<vmem>>, vector<32x256xbf16>
    %convert_element_type3A_132 = arith.truncf %mul3A_121 : vector<512x32xf32> to vector<512x32xbf16>
    %dot_general3A_133 = arith.constant dense<0.000000e+00> : vector<512x256xf32>
    %dot_general3A_134 = tpu.matmul %convert_element_type3A_132, %get3A_131, %dot_general3A_133 {dimension_numbers = #tpu.dot_dimension_numbers<[1], [0], [0], [1], [0, 0, 1, 1], [], []>, transpose_lhs_hint = false} : vector<512x32xbf16>, vector<32x256xbf16>, vector<512x256xf32> -> vector<512x256xf32>
    %get3A_135 = arith.constant 192 : index
    %get3A_136 = arith.constant 0 : index
    %get3A_137 = vector.load %arg3[%get3A_135, %get3A_136] : memref<784x256xbf16, #tpu.memory_space<vmem>>, vector<32x256xbf16>
    %convert_element_type3A_138 = arith.truncf %sub3A_128 : vector<512x32xf32> to vector<512x32xbf16>
    %dot_general3A_139 = arith.constant dense<0.000000e+00> : vector<512x256xf32>
    %dot_general3A_140 = tpu.matmul %convert_element_type3A_138, %get3A_137, %dot_general3A_139 {dimension_numbers = #tpu.dot_dimension_numbers<[1], [0], [0], [1], [0, 0, 1, 1], [], []>, transpose_lhs_hint = false} : vector<512x32xbf16>, vector<32x256xbf16>, vector<512x256xf32> -> vector<512x256xf32>
    %add3A_141 = arith.addf %dot_general3A_134, %dot_general3A_140 : vector<512x256xf32>
    %add3A_142 = arith.addf %add3A_117, %add3A_141 : vector<512x256xf32>
    %mul3A_143 = arith.constant 2.000000e+00 : f32
    %mul3A_144 = vector.broadcast %mul3A_143 : f32 to vector<512x32xf32>
    %mul3A_145 = arith.mulf %mul3A_144, %mul3A_121 : vector<512x32xf32>
    %mul3A_146 = arith.mulf %mul3A_145, %sub3A_128 : vector<512x32xf32>
    %mul3A_147 = arith.constant 2.000000e+00 : f32
    %mul3A_148 = vector.broadcast %mul3A_147 : f32 to vector<512x32xf32>
    %mul3A_149 = arith.mulf %mul3A_148, %sub3A_128 : vector<512x32xf32>
    %mul3A_150 = arith.mulf %mul3A_149, %sub3A_128 : vector<512x32xf32>
    %sub3A_151 = arith.constant 1.000000e+00 : f32
    %sub3A_152 = vector.broadcast %sub3A_151 : f32 to vector<512x32xf32>
    %sub3A_153 = arith.subf %mul3A_150, %sub3A_152 : vector<512x32xf32>
    %get3A_154 = arith.constant 224 : index
    %get3A_155 = arith.constant 0 : index
    %get3A_156 = vector.load %arg3[%get3A_154, %get3A_155] : memref<784x256xbf16, #tpu.memory_space<vmem>>, vector<32x256xbf16>
    %convert_element_type3A_157 = arith.truncf %mul3A_146 : vector<512x32xf32> to vector<512x32xbf16>
    %dot_general3A_158 = arith.constant dense<0.000000e+00> : vector<512x256xf32>
    %dot_general3A_159 = tpu.matmul %convert_element_type3A_157, %get3A_156, %dot_general3A_158 {dimension_numbers = #tpu.dot_dimension_numbers<[1], [0], [0], [1], [0, 0, 1, 1], [], []>, transpose_lhs_hint = false} : vector<512x32xbf16>, vector<32x256xbf16>, vector<512x256xf32> -> vector<512x256xf32>
    %get3A_160 = arith.constant 256 : index
    %get3A_161 = arith.constant 0 : index
    %get3A_162 = vector.load %arg3[%get3A_160, %get3A_161] : memref<784x256xbf16, #tpu.memory_space<vmem>>, vector<32x256xbf16>
    %convert_element_type3A_163 = arith.truncf %sub3A_153 : vector<512x32xf32> to vector<512x32xbf16>
    %dot_general3A_164 = arith.constant dense<0.000000e+00> : vector<512x256xf32>
    %dot_general3A_165 = tpu.matmul %convert_element_type3A_163, %get3A_162, %dot_general3A_164 {dimension_numbers = #tpu.dot_dimension_numbers<[1], [0], [0], [1], [0, 0, 1, 1], [], []>, transpose_lhs_hint = false} : vector<512x32xbf16>, vector<32x256xbf16>, vector<512x256xf32> -> vector<512x256xf32>
    %add3A_166 = arith.addf %dot_general3A_159, %dot_general3A_165 : vector<512x256xf32>
    %add3A_167 = arith.addf %add3A_142, %add3A_166 : vector<512x256xf32>
    %mul3A_168 = arith.constant 2.000000e+00 : f32
    %mul3A_169 = vector.broadcast %mul3A_168 : f32 to vector<512x32xf32>
    %mul3A_170 = arith.mulf %mul3A_169, %mul3A_146 : vector<512x32xf32>
    %mul3A_171 = arith.mulf %mul3A_170, %sub3A_153 : vector<512x32xf32>
    %mul3A_172 = arith.constant 2.000000e+00 : f32
    %mul3A_173 = vector.broadcast %mul3A_172 : f32 to vector<512x32xf32>
    %mul3A_174 = arith.mulf %mul3A_173, %sub3A_153 : vector<512x32xf32>
    %mul3A_175 = arith.mulf %mul3A_174, %sub3A_153 : vector<512x32xf32>
    %sub3A_176 = arith.constant 1.000000e+00 : f32
    %sub3A_177 = vector.broadcast %sub3A_176 : f32 to vector<512x32xf32>
    %sub3A_178 = arith.subf %mul3A_175, %sub3A_177 : vector<512x32xf32>
    %get3A_179 = arith.constant 288 : index
    %get3A_180 = arith.constant 0 : index
    %get3A_181 = vector.load %arg3[%get3A_179, %get3A_180] : memref<784x256xbf16, #tpu.memory_space<vmem>>, vector<32x256xbf16>
    %convert_element_type3A_182 = arith.truncf %mul3A_171 : vector<512x32xf32> to vector<512x32xbf16>
    %dot_general3A_183 = arith.constant dense<0.000000e+00> : vector<512x256xf32>
    %dot_general3A_184 = tpu.matmul %convert_element_type3A_182, %get3A_181, %dot_general3A_183 {dimension_numbers = #tpu.dot_dimension_numbers<[1], [0], [0], [1], [0, 0, 1, 1], [], []>, transpose_lhs_hint = false} : vector<512x32xbf16>, vector<32x256xbf16>, vector<512x256xf32> -> vector<512x256xf32>
    %get3A_185 = arith.constant 320 : index
    %get3A_186 = arith.constant 0 : index
    %get3A_187 = vector.load %arg3[%get3A_185, %get3A_186] : memref<784x256xbf16, #tpu.memory_space<vmem>>, vector<32x256xbf16>
    %convert_element_type3A_188 = arith.truncf %sub3A_178 : vector<512x32xf32> to vector<512x32xbf16>
    %dot_general3A_189 = arith.constant dense<0.000000e+00> : vector<512x256xf32>
    %dot_general3A_190 = tpu.matmul %convert_element_type3A_188, %get3A_187, %dot_general3A_189 {dimension_numbers = #tpu.dot_dimension_numbers<[1], [0], [0], [1], [0, 0, 1, 1], [], []>, transpose_lhs_hint = false} : vector<512x32xbf16>, vector<32x256xbf16>, vector<512x256xf32> -> vector<512x256xf32>
    %add3A_191 = arith.addf %dot_general3A_184, %dot_general3A_190 : vector<512x256xf32>
    %add3A_192 = arith.addf %add3A_167, %add3A_191 : vector<512x256xf32>
    %mul3A_193 = arith.constant 2.000000e+00 : f32
    %mul3A_194 = vector.broadcast %mul3A_193 : f32 to vector<512x32xf32>
    %mul3A_195 = arith.mulf %mul3A_194, %mul3A_171 : vector<512x32xf32>
    %mul3A_196 = arith.mulf %mul3A_195, %sub3A_178 : vector<512x32xf32>
    %mul3A_197 = arith.constant 2.000000e+00 : f32
    %mul3A_198 = vector.broadcast %mul3A_197 : f32 to vector<512x32xf32>
    %mul3A_199 = arith.mulf %mul3A_198, %sub3A_178 : vector<512x32xf32>
    %mul3A_200 = arith.mulf %mul3A_199, %sub3A_178 : vector<512x32xf32>
    %sub3A_201 = arith.constant 1.000000e+00 : f32
    %sub3A_202 = vector.broadcast %sub3A_201 : f32 to vector<512x32xf32>
    %sub3A_203 = arith.subf %mul3A_200, %sub3A_202 : vector<512x32xf32>
    %get3A_204 = arith.constant 352 : index
    %get3A_205 = arith.constant 0 : index
    %get3A_206 = vector.load %arg3[%get3A_204, %get3A_205] : memref<784x256xbf16, #tpu.memory_space<vmem>>, vector<32x256xbf16>
    %convert_element_type3A_207 = arith.truncf %mul3A_196 : vector<512x32xf32> to vector<512x32xbf16>
    %dot_general3A_208 = arith.constant dense<0.000000e+00> : vector<512x256xf32>
    %dot_general3A_209 = tpu.matmul %convert_element_type3A_207, %get3A_206, %dot_general3A_208 {dimension_numbers = #tpu.dot_dimension_numbers<[1], [0], [0], [1], [0, 0, 1, 1], [], []>, transpose_lhs_hint = false} : vector<512x32xbf16>, vector<32x256xbf16>, vector<512x256xf32> -> vector<512x256xf32>
    %get3A_210 = arith.constant 384 : index
    %get3A_211 = arith.constant 0 : index
    %get3A_212 = vector.load %arg3[%get3A_210, %get3A_211] : memref<784x256xbf16, #tpu.memory_space<vmem>>, vector<32x256xbf16>
    %convert_element_type3A_213 = arith.truncf %sub3A_203 : vector<512x32xf32> to vector<512x32xbf16>
    %dot_general3A_214 = arith.constant dense<0.000000e+00> : vector<512x256xf32>
    %dot_general3A_215 = tpu.matmul %convert_element_type3A_213, %get3A_212, %dot_general3A_214 {dimension_numbers = #tpu.dot_dimension_numbers<[1], [0], [0], [1], [0, 0, 1, 1], [], []>, transpose_lhs_hint = false} : vector<512x32xbf16>, vector<32x256xbf16>, vector<512x256xf32> -> vector<512x256xf32>
    %add3A_216 = arith.addf %dot_general3A_209, %dot_general3A_215 : vector<512x256xf32>
    %add3A_217 = arith.addf %add3A_192, %add3A_216 : vector<512x256xf32>
    %mul3A_218 = arith.constant 2.000000e+00 : f32
    %mul3A_219 = vector.broadcast %mul3A_218 : f32 to vector<512x32xf32>
    %mul3A_220 = arith.mulf %mul3A_219, %mul3A_196 : vector<512x32xf32>
    %mul3A_221 = arith.mulf %mul3A_220, %sub3A_203 : vector<512x32xf32>
    %mul3A_222 = arith.constant 2.000000e+00 : f32
    %mul3A_223 = vector.broadcast %mul3A_222 : f32 to vector<512x32xf32>
    %mul3A_224 = arith.mulf %mul3A_223, %sub3A_203 : vector<512x32xf32>
    %mul3A_225 = arith.mulf %mul3A_224, %sub3A_203 : vector<512x32xf32>
    %sub3A_226 = arith.constant 1.000000e+00 : f32
    %sub3A_227 = vector.broadcast %sub3A_226 : f32 to vector<512x32xf32>
    %sub3A_228 = arith.subf %mul3A_225, %sub3A_227 : vector<512x32xf32>
    %get3A_229 = arith.constant 416 : index
    %get3A_230 = arith.constant 0 : index
    %get3A_231 = vector.load %arg3[%get3A_229, %get3A_230] : memref<784x256xbf16, #tpu.memory_space<vmem>>, vector<32x256xbf16>
    %convert_element_type3A_232 = arith.truncf %mul3A_221 : vector<512x32xf32> to vector<512x32xbf16>
    %dot_general3A_233 = arith.constant dense<0.000000e+00> : vector<512x256xf32>
    %dot_general3A_234 = tpu.matmul %convert_element_type3A_232, %get3A_231, %dot_general3A_233 {dimension_numbers = #tpu.dot_dimension_numbers<[1], [0], [0], [1], [0, 0, 1, 1], [], []>, transpose_lhs_hint = false} : vector<512x32xbf16>, vector<32x256xbf16>, vector<512x256xf32> -> vector<512x256xf32>
    %get3A_235 = arith.constant 448 : index
    %get3A_236 = arith.constant 0 : index
    %get3A_237 = vector.load %arg3[%get3A_235, %get3A_236] : memref<784x256xbf16, #tpu.memory_space<vmem>>, vector<32x256xbf16>
    %convert_element_type3A_238 = arith.truncf %sub3A_228 : vector<512x32xf32> to vector<512x32xbf16>
    %dot_general3A_239 = arith.constant dense<0.000000e+00> : vector<512x256xf32>
    %dot_general3A_240 = tpu.matmul %convert_element_type3A_238, %get3A_237, %dot_general3A_239 {dimension_numbers = #tpu.dot_dimension_numbers<[1], [0], [0], [1], [0, 0, 1, 1], [], []>, transpose_lhs_hint = false} : vector<512x32xbf16>, vector<32x256xbf16>, vector<512x256xf32> -> vector<512x256xf32>
    %add3A_241 = arith.addf %dot_general3A_234, %dot_general3A_240 : vector<512x256xf32>
    %add3A_242 = arith.addf %add3A_217, %add3A_241 : vector<512x256xf32>
    %mul3A_243 = arith.constant 2.000000e+00 : f32
    %mul3A_244 = vector.broadcast %mul3A_243 : f32 to vector<512x32xf32>
    %mul3A_245 = arith.mulf %mul3A_244, %mul3A_221 : vector<512x32xf32>
    %mul3A_246 = arith.mulf %mul3A_245, %sub3A_228 : vector<512x32xf32>
    %mul3A_247 = arith.constant 2.000000e+00 : f32
    %mul3A_248 = vector.broadcast %mul3A_247 : f32 to vector<512x32xf32>
    %mul3A_249 = arith.mulf %mul3A_248, %sub3A_228 : vector<512x32xf32>
    %mul3A_250 = arith.mulf %mul3A_249, %sub3A_228 : vector<512x32xf32>
    %sub3A_251 = arith.constant 1.000000e+00 : f32
    %sub3A_252 = vector.broadcast %sub3A_251 : f32 to vector<512x32xf32>
    %sub3A_253 = arith.subf %mul3A_250, %sub3A_252 : vector<512x32xf32>
    %get3A_254 = arith.constant 480 : index
    %get3A_255 = arith.constant 0 : index
    %get3A_256 = vector.load %arg3[%get3A_254, %get3A_255] : memref<784x256xbf16, #tpu.memory_space<vmem>>, vector<32x256xbf16>
    %convert_element_type3A_257 = arith.truncf %mul3A_246 : vector<512x32xf32> to vector<512x32xbf16>
    %dot_general3A_258 = arith.constant dense<0.000000e+00> : vector<512x256xf32>
    %dot_general3A_259 = tpu.matmul %convert_element_type3A_257, %get3A_256, %dot_general3A_258 {dimension_numbers = #tpu.dot_dimension_numbers<[1], [0], [0], [1], [0, 0, 1, 1], [], []>, transpose_lhs_hint = false} : vector<512x32xbf16>, vector<32x256xbf16>, vector<512x256xf32> -> vector<512x256xf32>
    %get3A_260 = arith.constant 512 : index
    %get3A_261 = arith.constant 0 : index
    %get3A_262 = vector.load %arg3[%get3A_260, %get3A_261] : memref<784x256xbf16, #tpu.memory_space<vmem>>, vector<32x256xbf16>
    %convert_element_type3A_263 = arith.truncf %sub3A_253 : vector<512x32xf32> to vector<512x32xbf16>
    %dot_general3A_264 = arith.constant dense<0.000000e+00> : vector<512x256xf32>
    %dot_general3A_265 = tpu.matmul %convert_element_type3A_263, %get3A_262, %dot_general3A_264 {dimension_numbers = #tpu.dot_dimension_numbers<[1], [0], [0], [1], [0, 0, 1, 1], [], []>, transpose_lhs_hint = false} : vector<512x32xbf16>, vector<32x256xbf16>, vector<512x256xf32> -> vector<512x256xf32>
    %add3A_266 = arith.addf %dot_general3A_259, %dot_general3A_265 : vector<512x256xf32>
    %add3A_267 = arith.addf %add3A_242, %add3A_266 : vector<512x256xf32>
    %mul3A_268 = arith.constant 2.000000e+00 : f32
    %mul3A_269 = vector.broadcast %mul3A_268 : f32 to vector<512x32xf32>
    %mul3A_270 = arith.mulf %mul3A_269, %mul3A_246 : vector<512x32xf32>
    %mul3A_271 = arith.mulf %mul3A_270, %sub3A_253 : vector<512x32xf32>
    %mul3A_272 = arith.constant 2.000000e+00 : f32
    %mul3A_273 = vector.broadcast %mul3A_272 : f32 to vector<512x32xf32>
    %mul3A_274 = arith.mulf %mul3A_273, %sub3A_253 : vector<512x32xf32>
    %mul3A_275 = arith.mulf %mul3A_274, %sub3A_253 : vector<512x32xf32>
    %sub3A_276 = arith.constant 1.000000e+00 : f32
    %sub3A_277 = vector.broadcast %sub3A_276 : f32 to vector<512x32xf32>
    %sub3A_278 = arith.subf %mul3A_275, %sub3A_277 : vector<512x32xf32>
    %get3A_279 = arith.constant 544 : index
    %get3A_280 = arith.constant 0 : index
    %get3A_281 = vector.load %arg3[%get3A_279, %get3A_280] : memref<784x256xbf16, #tpu.memory_space<vmem>>, vector<32x256xbf16>
    %convert_element_type3A_282 = arith.truncf %mul3A_271 : vector<512x32xf32> to vector<512x32xbf16>
    %dot_general3A_283 = arith.constant dense<0.000000e+00> : vector<512x256xf32>
    %dot_general3A_284 = tpu.matmul %convert_element_type3A_282, %get3A_281, %dot_general3A_283 {dimension_numbers = #tpu.dot_dimension_numbers<[1], [0], [0], [1], [0, 0, 1, 1], [], []>, transpose_lhs_hint = false} : vector<512x32xbf16>, vector<32x256xbf16>, vector<512x256xf32> -> vector<512x256xf32>
    %get3A_285 = arith.constant 576 : index
    %get3A_286 = arith.constant 0 : index
    %get3A_287 = vector.load %arg3[%get3A_285, %get3A_286] : memref<784x256xbf16, #tpu.memory_space<vmem>>, vector<32x256xbf16>
    %convert_element_type3A_288 = arith.truncf %sub3A_278 : vector<512x32xf32> to vector<512x32xbf16>
    %dot_general3A_289 = arith.constant dense<0.000000e+00> : vector<512x256xf32>
    %dot_general3A_290 = tpu.matmul %convert_element_type3A_288, %get3A_287, %dot_general3A_289 {dimension_numbers = #tpu.dot_dimension_numbers<[1], [0], [0], [1], [0, 0, 1, 1], [], []>, transpose_lhs_hint = false} : vector<512x32xbf16>, vector<32x256xbf16>, vector<512x256xf32> -> vector<512x256xf32>
    %add3A_291 = arith.addf %dot_general3A_284, %dot_general3A_290 : vector<512x256xf32>
    %add3A_292 = arith.addf %add3A_267, %add3A_291 : vector<512x256xf32>
    %mul3A_293 = arith.constant 2.000000e+00 : f32
    %mul3A_294 = vector.broadcast %mul3A_293 : f32 to vector<512x32xf32>
    %mul3A_295 = arith.mulf %mul3A_294, %mul3A_271 : vector<512x32xf32>
    %mul3A_296 = arith.mulf %mul3A_295, %sub3A_278 : vector<512x32xf32>
    %mul3A_297 = arith.constant 2.000000e+00 : f32
    %mul3A_298 = vector.broadcast %mul3A_297 : f32 to vector<512x32xf32>
    %mul3A_299 = arith.mulf %mul3A_298, %sub3A_278 : vector<512x32xf32>
    %mul3A_300 = arith.mulf %mul3A_299, %sub3A_278 : vector<512x32xf32>
    %sub3A_301 = arith.constant 1.000000e+00 : f32
    %sub3A_302 = vector.broadcast %sub3A_301 : f32 to vector<512x32xf32>
    %sub3A_303 = arith.subf %mul3A_300, %sub3A_302 : vector<512x32xf32>
    %get3A_304 = arith.constant 608 : index
    %get3A_305 = arith.constant 0 : index
    %get3A_306 = vector.load %arg3[%get3A_304, %get3A_305] : memref<784x256xbf16, #tpu.memory_space<vmem>>, vector<32x256xbf16>
    %convert_element_type3A_307 = arith.truncf %mul3A_296 : vector<512x32xf32> to vector<512x32xbf16>
    %dot_general3A_308 = arith.constant dense<0.000000e+00> : vector<512x256xf32>
    %dot_general3A_309 = tpu.matmul %convert_element_type3A_307, %get3A_306, %dot_general3A_308 {dimension_numbers = #tpu.dot_dimension_numbers<[1], [0], [0], [1], [0, 0, 1, 1], [], []>, transpose_lhs_hint = false} : vector<512x32xbf16>, vector<32x256xbf16>, vector<512x256xf32> -> vector<512x256xf32>
    %get3A_310 = arith.constant 640 : index
    %get3A_311 = arith.constant 0 : index
    %get3A_312 = vector.load %arg3[%get3A_310, %get3A_311] : memref<784x256xbf16, #tpu.memory_space<vmem>>, vector<32x256xbf16>
    %convert_element_type3A_313 = arith.truncf %sub3A_303 : vector<512x32xf32> to vector<512x32xbf16>
    %dot_general3A_314 = arith.constant dense<0.000000e+00> : vector<512x256xf32>
    %dot_general3A_315 = tpu.matmul %convert_element_type3A_313, %get3A_312, %dot_general3A_314 {dimension_numbers = #tpu.dot_dimension_numbers<[1], [0], [0], [1], [0, 0, 1, 1], [], []>, transpose_lhs_hint = false} : vector<512x32xbf16>, vector<32x256xbf16>, vector<512x256xf32> -> vector<512x256xf32>
    %add3A_316 = arith.addf %dot_general3A_309, %dot_general3A_315 : vector<512x256xf32>
    %add3A_317 = arith.addf %add3A_292, %add3A_316 : vector<512x256xf32>
    %get3A_318 = arith.constant 672 : index
    %get3A_319 = arith.constant 0 : index
    %get3A_320 = vector.load %arg3[%get3A_318, %get3A_319] : memref<784x256xbf16, #tpu.memory_space<vmem>>, vector<112x256xbf16>
    %convert_element_type3A_321 = arith.truncf %concatenate3A_75 : vector<512x112xf32> to vector<512x112xbf16>
    %dot_general3A_322 = arith.constant dense<0.000000e+00> : vector<512x256xf32>
    %dot_general3A_323 = tpu.matmul %convert_element_type3A_321, %get3A_320, %dot_general3A_322 {dimension_numbers = #tpu.dot_dimension_numbers<[1], [0], [0], [1], [0, 0, 1, 1], [], []>, transpose_lhs_hint = false} : vector<512x112xbf16>, vector<112x256xbf16>, vector<512x256xf32> -> vector<512x256xf32>
    %add3A_324 = arith.addf %add3A_317, %dot_general3A_323 : vector<512x256xf32>
    %get3A_325 = arith.constant 0 : index
    %get3A_326 = arith.constant 0 : index
    %get3A_327 = vector.load %arg6[%get3A_325, %get3A_326] : memref<1x256xf32, #tpu.memory_space<vmem>>, vector<1x256xf32>
    %add3A_328 = vector.broadcast %get3A_327 : vector<1x256xf32> to vector<512x256xf32>
    %add3A_329 = arith.addf %add3A_324, %add3A_328 : vector<512x256xf32>
    %max3A = arith.constant 0.000000e+00 : f32
    %max3A_330 = vector.broadcast %max3A : f32 to vector<512x256xf32>
    %max3A_331 = arith.maximumf %add3A_329, %max3A_330 : vector<512x256xf32>
    %get3A_332 = arith.constant 0 : index
    %get3A_333 = arith.constant 0 : index
    %get3A_334 = vector.load %arg4[%get3A_332, %get3A_333] : memref<256x256xbf16, #tpu.memory_space<vmem>>, vector<256x256xbf16>
    %convert_element_type3A_335 = arith.truncf %max3A_331 : vector<512x256xf32> to vector<512x256xbf16>
    %dot_general3A_336 = arith.constant dense<0.000000e+00> : vector<512x256xf32>
    %dot_general3A_337 = tpu.matmul %convert_element_type3A_335, %get3A_334, %dot_general3A_336 {dimension_numbers = #tpu.dot_dimension_numbers<[1], [0], [0], [1], [0, 0, 1, 1], [], []>, transpose_lhs_hint = false} : vector<512x256xbf16>, vector<256x256xbf16>, vector<512x256xf32> -> vector<512x256xf32>
    %get3A_338 = arith.constant 0 : index
    %get3A_339 = arith.constant 0 : index
    %get3A_340 = vector.load %arg7[%get3A_338, %get3A_339] : memref<1x256xf32, #tpu.memory_space<vmem>>, vector<1x256xf32>
    %add3A_341 = vector.broadcast %get3A_340 : vector<1x256xf32> to vector<512x256xf32>
    %add3A_342 = arith.addf %dot_general3A_337, %add3A_341 : vector<512x256xf32>
    %max3A_343 = arith.constant 0.000000e+00 : f32
    %max3A_344 = vector.broadcast %max3A_343 : f32 to vector<512x256xf32>
    %max3A_345 = arith.maximumf %add3A_342, %max3A_344 : vector<512x256xf32>
    %get3A_346 = arith.constant 0 : index
    %get3A_347 = arith.constant 0 : index
    %get3A_348 = vector.load %arg5[%get3A_346, %get3A_347] : memref<256x256xbf16, #tpu.memory_space<vmem>>, vector<256x256xbf16>
    %convert_element_type3A_349 = arith.truncf %max3A_345 : vector<512x256xf32> to vector<512x256xbf16>
    %dot_general3A_350 = arith.constant dense<0.000000e+00> : vector<512x256xf32>
    %dot_general3A_351 = tpu.matmul %convert_element_type3A_349, %get3A_348, %dot_general3A_350 {dimension_numbers = #tpu.dot_dimension_numbers<[1], [0], [0], [1], [0, 0, 1, 1], [], []>, transpose_lhs_hint = false} : vector<512x256xbf16>, vector<256x256xbf16>, vector<512x256xf32> -> vector<512x256xf32>
    %get3A_352 = arith.constant 0 : index
    %get3A_353 = arith.constant 0 : index
    %get3A_354 = vector.load %arg8[%get3A_352, %get3A_353] : memref<1x256xf32, #tpu.memory_space<vmem>>, vector<1x256xf32>
    %add3A_355 = vector.broadcast %get3A_354 : vector<1x256xf32> to vector<512x256xf32>
    %add3A_356 = arith.addf %dot_general3A_351, %add3A_355 : vector<512x256xf32>
    %swap3A = arith.constant 0 : index
    %swap3A_357 = arith.constant 0 : index
    %swap3A_358 = arith.constant 0 : index
    %swap3A_359 = vector.load %arg9[%swap3A, %swap3A_357, %swap3A_358] : memref<1x512x256xf32, #tpu.memory_space<vmem>>, vector<1x512x256xf32>
    %swap3A_360 = vector.shape_cast %swap3A_359 : vector<1x512x256xf32> to vector<512x256xf32>
    %swap3A_361 = vector.shape_cast %add3A_356 : vector<512x256xf32> to vector<1x512x256xf32>
    tpu.vector_store %arg9[%swap3A, %swap3A_357, %swap3A_358], %swap3A_361 {strides = array<i32>} : memref<1x512x256xf32, #tpu.memory_space<vmem>>, vector<1x512x256xf32>,
    return
  }
  func.func @transform_0(%arg0: i32) -> (i32, i32, i32) {
    %c0_i32 = arith.constant 0 : i32
    %c0_i32_0 = arith.constant 0 : i32
    %c0_i32_1 = arith.constant 0 : i32
    return %arg0, %c0_i32, %c0_i32_0 : i32, i32, i32
  }
  func.func @transform_1(%arg0: i32) -> (i32, i32, i32) {
    %c0_i32 = arith.constant 0 : i32
    %c0_i32_0 = arith.constant 0 : i32
    %c0_i32_1 = arith.constant 0 : i32
    return %arg0, %c0_i32, %c0_i32_0 : i32, i32, i32
  }
  func.func @transform_2(%arg0: i32) -> (i32, i32) {
    %c0_i32 = arith.constant 0 : i32
    %c0_i32_0 = arith.constant 0 : i32
    %c0_i32_1 = arith.constant 0 : i32
    return %c0_i32, %c0_i32_0 : i32, i32
  }
  func.func @transform_3(%arg0: i32) -> (i32, i32) {
    %c0_i32 = arith.constant 0 : i32
    %c0_i32_0 = arith.constant 0 : i32
    %c0_i32_1 = arith.constant 0 : i32
    return %c0_i32, %c0_i32_0 : i32, i32
  }
  func.func @transform_4(%arg0: i32) -> (i32, i32) {
    %c0_i32 = arith.constant 0 : i32
    %c0_i32_0 = arith.constant 0 : i32
    %c0_i32_1 = arith.constant 0 : i32
    return %c0_i32, %c0_i32_0 : i32, i32
  }
  func.func @transform_5(%arg0: i32) -> (i32, i32) {
    %c0_i32 = arith.constant 0 : i32
    %c0_i32_0 = arith.constant 0 : i32
    %c0_i32_1 = arith.constant 0 : i32
    return %c0_i32, %c0_i32_0 : i32, i32
  }
  func.func @transform_6(%arg0: i32) -> (i32, i32) {
    %c0_i32 = arith.constant 0 : i32
    %c0_i32_0 = arith.constant 0 : i32
    %c0_i32_1 = arith.constant 0 : i32
    return %c0_i32, %c0_i32_0 : i32, i32
  }
  func.func @transform_7(%arg0: i32) -> (i32, i32) {
    %c0_i32 = arith.constant 0 : i32
    %c0_i32_0 = arith.constant 0 : i32
    %c0_i32_1 = arith.constant 0 : i32
    return %c0_i32, %c0_i32_0 : i32, i32
  }
  func.func @transform_8(%arg0: i32) -> (i32, i32, i32) {
    %c0_i32 = arith.constant 0 : i32
    %c0_i32_0 = arith.constant 0 : i32
    %c0_i32_1 = arith.constant 0 : i32
    return %arg0, %c0_i32, %c0_i32_0 : i32, i32, i32
  }
}

</mosaic_0001>

<sc_bundles>
// kernel: kernel.5.cloned.1.call-start
scs
__scs_entry_jumppad:
0x0: {  	(pc) =	sbr.rel $0x88, $3  }
0x1: {  	(tag) =	ssettag $0x0;
	lr =	simm.s32 $0x1  }
0x2: {  	[smem:$0x3F94] =	sst lr;
	_ =	strace $0xD0000000  }
0x3: {  	_ = 	snop  }
0x4: {  	_ = 	snop  }
0x5: {  	_ = 	snop  }
0x6: {  	_ = 	snop  }
0x7: {  	_ = 	snop  }
__scs_overlays_trampoline_lowered:
0x8: {  	[smem:$0x3FA3] =	sst s0  }
0x9: {  	[smem:$0x3FA4] =	sst s1  }
0xa: {  	[smem:$0x3FA5] =	sst s2  }
0xb: {  	[smem:$0x3FA6] =	sst s3  }
0xc: {  	[smem:$0x3FA7] =	sst s4  }
0xd: {  	[smem:$0x3FA8] =	sst s5  }
0xe: {  	[smem:$0x3FA9] =	sst s6  }
0xf: {  	[smem:$0x3FAA] =	sst s7  }
0x10: {  	[smem:$0x3FAB] =	sst s8  }
0x11: {  	[smem:$0x3FAC] =	sst s9;
	s0 =	simm.s32 @!p0 $0x0  }
0x12: {  	s1 =	sld [smem:$0x3F92];
	s0 =	simm.s32 @p0 $0x1  }
0x13: {  	[smem:$0x3FAD] =	sst s0;
	s0 =	simm.s32 @!p1 $0x0  }
0x14: {  	s2 =	sld [smem:$0x3F91];
	s0 =	simm.s32 @p1 $0x1  }
0x15: {  	[smem:$0x3FAE] =	sst s0;
	s0 =	simm.s32 @!p2 $0x0  }
0x16: {  	s3 =	sld [smem:$0x3FDB];
	s0 =	simm.s32 @p2 $0x1  }
0x17: {  	s4 =	simm.s32 $0x1BF5;
	[smem:$0x3FB0] =	sst s0  }
0x18: {  	s0 =	sld [smem:$0x3F93];
	_ =	swait.ge [sflag:s4], $0x0  }
0x19: {  	s7 =	sld [smem:$0x3F94]  }
0x1a: {  	s8 =	sadd.s32 $0xFFFFE003, lr  }
0x1b: {  	s9 =	sadd.s32 $0xFFFFFEF7, lr;
	s5 =	simm.s32 $0xFFFFFFFF;
	p2 =	slt.u32 s8, $0xFFFFF086  }
0x1c: {  	p1 =	slt.u32 s9, $0xF7A;
	s5 =	simm.s32 @!p2 $0x0  }
0x1d: {  	s5 =	simm.s32 @p1 $0x1;
	p0 =	seq.s32 s7, s2  }
0x1e: {  	s7 =	smul.u32 @!p0 $0xF7A, s2;
	p2 =	seq.s32 @!p0 s5, $0x0  }
0x1f: {  	s9 =	smul.u32 $0xF7A, s1;
	s8 =	simm.s32 @!p0 $0x1BF5;
	p2 =	por !p2, p0  }
0x20: {  	[sflag:s8] =	ssyncset.s32 @!p0 $0xFFFFF086;
	s6 =	sadd.s32 @!p0 s3, s7;
	s7 =	simm.s32 @!p0 $0x108  }
0x21: {  	s3 =	sadd.s32 s3, s9;
	s6 =	sadd.s32 @!p0 $0x88, s6;
	s7 =	simm.s32 @p2 $0x1082  }
0x22: {  	[simem:s7], [sflag:s8] =	dma.local @!p0 [hbm:s6], $0xF7A  }
0x23: {  	s9 =	sor.u32 $0xD0000000, s2;
	s6 =	simm.s32 $0x108;
	_ =	swait.ge @!p0 [sflag:s8], $0x0  }
0x24: {  	s3 =	sadd.s32 $0x88, s3;
	s6 =	simm.s32 @!p1 $0x1082;
	[sflag:s4] =	ssyncset.s32 $0xFFFFF086  }
0x25: {  	[simem:s6], [sflag:s4] =	dma.local [hbm:s3], $0xF7A  }
0x26: {  	[smem:$0x3F94] =	sst s1;
	(tag) =	ssettag s2;
	_ =	strace s9  }
0x27: {  	s1 =	sld [smem:$0x3FA4]  }
0x28: {  	s2 =	sld [smem:$0x3FA5]  }
0x29: {  	s4 =	sld [smem:$0x3FA7]  }
0x2a: {  	p0 =	seq.s32 s5, $0x0;
	s5 =	sld [smem:$0x3FA8]  }
0x2b: {  	s6 =	sld [smem:$0x3FA9]  }
0x2c: {  	s7 =	sld [smem:$0x3FAA]  }
0x2d: {  	s3 =	simm.s32 $0x108;
	s8 =	sld [smem:$0x3FAB]  }
0x2e: {  	s3 =	simm.s32 @!p0 $0x1082;
	s9 =	sld [smem:$0x3FAC]  }
0x2f: {  	lr =	sadd.s32 s0, s3;
	s0 =	sld [smem:$0x3FA3]  }
0x30: {  	s3 =	sld [smem:$0x3FA6]  }
0x31: {  	[smem:$0x3FAF] =	sst s10  }
0x32: {  	s10 =	sld [smem:$0x3FAD];
	_ =	sdelay $0x3  }
0x33: {  	p0 =	seq.s32 s10, $0x1;
	s10 =	sld [smem:$0x3FAF];
	_ =	sdelay $0x3  }
0x34: {  	[smem:$0x3FAF] =	sst s10  }
0x35: {  	s10 =	sld [smem:$0x3FAE];
	_ =	sdelay $0x3  }
0x36: {  	p1 =	seq.s32 s10, $0x1;
	s10 =	sld [smem:$0x3FAF];
	_ =	sdelay $0x3  }
0x37: {  	[smem:$0x3FAF] =	sst s10  }
0x38: {  	s10 =	sld [smem:$0x3FB0]  }
0x39: {  	_ = 	snop;
	(pc) =	sbr.ind lr, $3  }
0x3a: {  	_ = 	snop  }
0x3b: {  	_ = 	snop  }
0x3c: {  	p2 =	seq.s32 s10, $0x1;
	s10 =	sld [smem:$0x3FAF]  }
0x3d: {  	_ =	shalt  }
0x3e: {  	_ =	shalt  }
0x3f: {  	_ =	shalt  }
0x40: {  	_ =	shalt  }
0x41: {  	_ =	shalt  }
0x42: {  	_ =	shalt  }
0x43: {  	_ =	shalt  }
0x44: {  	_ =	shalt  }
0x45: {  	_ =	shalt  }
0x46: {  	_ =	shalt  }
0x47: {  	_ =	shalt  }
0x48: {  	_ =	shalt  }
0x49: {  	_ =	shalt  }
0x4a: {  	_ =	shalt  }
0x4b: {  	_ =	shalt  }
0x4c: {  	_ =	shalt  }
0x4d: {  	_ =	shalt  }
0x4e: {  	_ =	shalt  }
0x4f: {  	_ =	shalt  }
0x50: {  	_ =	shalt  }
0x51: {  	_ =	shalt  }
0x52: {  	_ =	shalt  }
0x53: {  	_ =	shalt  }
0x54: {  	_ =	shalt  }
0x55: {  	_ =	shalt  }
0x56: {  	_ =	shalt  }
0x57: {  	_ =	shalt  }
0x58: {  	_ =	shalt  }
0x59: {  	_ =	shalt  }
0x5a: {  	_ =	shalt  }
0x5b: {  	_ =	shalt  }
0x5c: {  	_ =	shalt  }
0x5d: {  	_ =	shalt  }
0x5e: {  	_ =	shalt  }
0x5f: {  	_ =	shalt  }
0x60: {  	_ =	shalt  }
0x61: {  	_ =	shalt  }
0x62: {  	_ =	shalt  }
0x63: {  	_ =	shalt  }
0x64: {  	_ =	shalt  }
0x65: {  	_ =	shalt  }
0x66: {  	_ =	shalt  }
0x67: {  	_ =	shalt  }
0x68: {  	_ =	shalt  }
0x69: {  	_ =	shalt  }
0x6a: {  	_ =	shalt  }
0x6b: {  	_ =	shalt  }
0x6c: {  	_ =	shalt  }
0x6d: {  	_ =	shalt  }
0x6e: {  	_ =	shalt  }
0x6f: {  	_ =	shalt  }
0x70: {  	_ =	shalt  }
0x71: {  	_ =	shalt  }
0x72: {  	_ =	shalt  }
0x73: {  	_ =	shalt  }
0x74: {  	_ =	shalt  }
0x75: {  	_ =	shalt  }
0x76: {  	_ =	shalt  }
0x77: {  	_ =	shalt  }
0x78: {  	_ =	shalt  }
0x79: {  	_ =	shalt  }
0x7a: {  	_ =	shalt  }
0x7b: {  	_ =	shalt  }
0x7c: {  	_ =	shalt  }
0x7d: {  	_ =	shalt  }
0x7e: {  	_ =	shalt  }
0x7f: {  	_ =	shalt  }
0x80: {  	_ =	shalt  }
0x81: {  	_ =	shalt  }
0x82: {  	_ =	shalt  }
0x83: {  	_ =	shalt  }
0x84: {  	_ =	shalt  }
0x85: {  	_ =	shalt  }
0x86: {  	_ =	shalt  }
0x87: {  	_ =	shalt  }
.Lfunc_end0:
.L_simem_size_0:
called_computation_lowered:
.L_overlay_start_0:
0x88: {  	s2 =	sld [smem:$0x3FD9]  }
0x89: {  	s3 =	sld [smem:$0x3FFE];
	_ =	sdelay $0x1  }
0x8a: {  	s1 =	srdreg.scid  }
0x8b: {  	s0 =	sand.u32 $0x1, s1  }
0x8c: {  	s17 =	sshll.u32 s0, $0xA;
	s2 =	sadd.s32 s3, s2  }
0x8d: {  	s2 =	sadd.s32 s2, s17  }
0x8e: {  	[smem:$0x3FBB] =	sst s2  }
0x8f: {  	_ = 	snop  }
0x90: {  	s2 =	sld [smem:$0x3FD0];
	(tm) =	ssettm $0x1  }
0x91: {  	s18 =	sld [smem:$0x3FFB];
	_ =	sdelay $0x3  }
0x92: {  	_ =	strace s18  }
0x93: {  	s3 =	sld [smem:$0x3FFC];
	_ =	sdelay $0x3  }
0x94: {  	_ =	strace s3  }
0x95: {  	s3 =	sld [smem:$0x3FFD];
	_ =	sdelay $0x3  }
0x96: {  	_ =	strace s3  }
0x97: {  	_ =	strace $0x8FFFFFFF  }
0x98: {  	s19 =	sld [smem:$0x3FDB];
	_ =	sdelay $0x1  }
0x99: {  	s4 =	simm.s32 $_scs_section_size  }
0x9a: {  	s5 =	simm.s32 $_size__tile_overlayer_lowered;
	s6 =	simm.s32 $_tile_overlayer_lowered  }
0x9b: {  	s22 =	simm.s32 $0x1BFF;
	s21 =	sshll.u32 s6, $0x1;
	s3 =	sadd.s32 s4, s19  }
0x9c: {  	s7 =	simm.s32 $0x0;
	s20 =	sshll.u32 s5, $0x1;
	s5 =	sadd.s32 s21, s3  }
0x9d: {  	[timem:s7], [sflag:s22] =	dma.local [hbm:s5], s20  }
0x9e: {  	_ =	swait.ge [sflag:s22], s20  }
0x9f: {  	s4 =	ssub.s32 $0x0, s20;
	[sflag:s22] =	ssyncset.done $0x0  }
0xa0: {  	[sflag:s22] =	ssyncadd.s32 s4;
	_ =	sdelay $0x1  }
0xa1: {  	s23 =	simm.s32 $0x1B8B  }
0xa2: {  	_ =	swait.ge [sflag:s23], $0x1  }
0xa3: {  	[sflag:s23] =	ssyncset.done $0x0  }
0xa4: {  	s25 =	simm.s32 $0x1B8E;
	s24 =	sld [smem:$0x3FFE];
	[sflag:s23] =	ssyncadd.s32 $0xFFFFFFFF  }
0xa5: {  	s26 =	simm.s32 $execute0_lowered;
	[smem:$0x3FD2] =	sst s25  }
0xa6: {  	s5 =	sshll.u32 s26, $0x1;
	_ =	strace $0x80000046;
	[dreg:$0x1] =	wrdreg $0xFFFFFFFF  }
0xa7: {  	s28 =	simm.s32 $_size_execute0_lowered;
	s3 =	sadd.s32 s3, s5;
	[dreg:$0x0] =	wrdreg $0x0  }
0xa8: {  	s5 =	sshll.u32 s28, $0x1;
	[dreg:$0x2] =	wrdreg s3  }
0xa9: {  	[dreg:$0x3] =	wrdreg s5  }
0xaa: {  	[dreg:$0x4] =	wrdreg $0xC0  }
0xab: {  	_ =	task [dreg:s7], $0x5FFFF  }
0xac: {  	[dreg:$0x1] =	wrdreg $0xFFFFFFFF  }
0xad: {  	[dreg:$0x0] =	wrdreg $0x60  }
0xae: {  	[dreg:$0x2] =	wrdreg s24  }
0xaf: {  	[dreg:$0x3] =	wrdreg s2  }
0xb0: {  	[dreg:$0x4] =	wrdreg $0x9  }
0xb1: {  	_ =	task.clear_ibuf [dreg:s7], $0x5FFFF;
	_ =	strace $0x90000046  }
0xb2: {  	s29 =	simm.s32 $0x9;
	_ =	strace $0x80000048  }
0xb3: {  	_ =	swait.ge [sflag:s29], $0x1  }
0xb4: {  	[sflag:s29] =	ssyncadd.s32 $0xFFFFFFFF  }
0xb5: {  	_ =	strace $0x90000048  }
0xb6: {  	_ =	sfence  }
0xb7: {  	s30 =	sld [smem:$0x0];
	_ =	sdelay $0x2  }
0xb8: {  	s31 =	sshll.u32 s1, $0xD;
	s1 =	sshrl.u32 s1, $0x2  }
0xb9: {  	s3 =	sand.u32 $0x4000, s31;
	s1 =	sadd.s32 s1, s30  }
0xba: {  	s0 =	sor.u32 s3, s0;
	s1 =	sshll.u32 s1, $0x11  }
0xbb: {  	s0 =	sor.u32 s1, s0  }
0xbc: {  	s0 =	sadd.s32 $0x8F2B, s0  }
0xbd: {  	[sflag:s0] =	ssyncadd.remote.s32 $0x1  }
0xbe: {  	_ =	sfence.sel $0xFFFF  }
0xbf: {  	[dreg:$0x0] =	wrdreg $0xFFFFFFFF;
	(pc) =	sbr.abs _section_cstart, $3  }
0xc0: {  	[dreg:$0x1] =	wrdreg $0xFFFFFFFF  }
0xc1: {  	_ =	task.clear_ibuf [dreg:s7], $0x2FFFF;
	_ =	strace $0x9FFFFFFF  }
0xc2: {  	(tm) =	ssettm $0x7FFFFFFF  }
0xc3: {  	_ =	shalt  }
tec
execute0_lowered:
.L_overlay_start_1:
0x0: {  	(tag) =	ssettag $0x1  }
0x1: {  	s0 =	rddreg [dreg:$0x0]  }
0x2: {  	s3 =	rddreg [dreg:$0x1];
	s2 =	simm.s32 $0x0  }
0x3: {  	[smem:$0x7FF] =	sst s2;
	s7 =	sadd.s32 $0xAE00, s0  }
0x4: {  	s13 =	sadd.s32 $0xAC00, s0;
	_ =	strace $0x80000047;
	[dreg:$0x3] =	wrdreg s7  }
0x5: {  	s4 =	srdreg.scid;
	s14 =	sadd.s32 $0xAA00, s0;
	[dreg:$0x4] =	wrdreg s13  }
0x6: {  	s1 =	stileid.u32;
	s15 =	simm.s32 $0x900;
	[dreg:$0x5] =	wrdreg s14  }
0x7: {  	s16 =	simm.s32 $0x1000;
	s17 =	simm.s32 $0x1700;
	[dreg:$0x8] =	wrdreg s15  }
0x8: {  	s18 =	simm.s32 $0x500;
	s19 =	simm.s32 $0x1E00;
	[dreg:$0x9] =	wrdreg s16  }
0x9: {  	s21 =	simm.s32 $0x1E80;
	s22 =	simm.s32 $0x3500;
	[dreg:$0xa] =	wrdreg s17  }
0xa: {  	s23 =	simm.s32 $0x1F00;
	s24 =	simm.s32 $0x4500;
	[dreg:$0xb] =	wrdreg s18  }
0xb: {  	s25 =	simm.s32 $0x1F80;
	s8 =	simm.s32 $0x100;
	[dreg:$0xc] =	wrdreg s19  }
0xc: {  	s26 =	simm.s32 $0x5500;
	s9 =	simm.s32 $0x1;
	[dreg:$0xd] =	wrdreg s21  }
0xd: {  	s10 =	simm.s32 $0x2500;
	s28 =	simm.s32 $0x2400;
	[dreg:$0xe] =	wrdreg s22  }
0xe: {  	s29 =	simm.s32 $0xE500;
	s30 =	simm.s32 $0x2480;
	[dreg:$0xf] =	wrdreg s23  }
0xf: {  	s5 =	sand.u32 $0x1, s4;
	s12 =	sshll.u32 s1, $0x1;
	[dreg:$0x10] =	wrdreg s24  }
0x10: {  	s31 =	simm.s32 $0xF500;
	s4 =	sor.u32 s5, s12;
	[dreg:$0x11] =	wrdreg s25  }
0x11: {  	s5 =	ssub.s32 $0x2, s5;
	s7 =	simm.s32 $0x80;
	[dreg:$0x12] =	wrdreg s26  }
0x12: {  	s14 =	simm.s32 $0x7500;
	s15 =	simm.s32 $0x2100;
	s16 =	simm.s32 $0x8500  }
0x13: {  	s17 =	simm.s32 $0x2180;
	s18 =	simm.s32 $0x9500;
	s19 =	simm.s32 $0x2200  }
0x14: {  	s21 =	simm.s32 $0x2280;
	s22 =	simm.s32 $0xB500;
	s23 =	simm.s32 $0x2300  }
0x15: {  	s24 =	simm.s32 $0xC500;
	s25 =	simm.s32 $0x2380;
	s6 =	sshll.u32 s4, $0x5  }
0x16: {  	s4 =	smul.u32 $0x1C00, s4;
	s20 =	sshrl.u32 s5, $0x1;
	s6 =	sadd.s32 s6, s0  }
0x17: {  	s26 =	simm.s32 $0xD500;
	s5 =	ssub.s32 s5, s20;
	s6 =	sadd.s32 $0xB000, s6  }
0x18: {  	s20 =	simm.s32 $0xA500;
	s3 =	sadd.s32 s3, s4;
	[dreg:$0x6] =	wrdreg s6  }
0x19: {  	s4 =	sadd.s32 $0x2200, s0;
	s5 =	smax.u32 s5, $0x1;
	[dreg:$0x7] =	wrdreg s3  }
0x1a: {  	s3 =	sadd.s32 $0x8E00, s0;
	s6 =	simm.s32 $0x3;
	s0 =	simm.s32 $0x2  }
.LBB2_1:
0x1b: {  	s1 =	rddreg [dreg:$0x3]  }
0x1c: {  	s11 =	rddreg [dreg:$0x8]  }
0x1d: {  	[tilespmem:s11], [sflag:$0x3] =	stream.linear.gather [hbm4b:s1+s2], $0x700, $0x38;
	[tilespmem:$0x10500] =	vst v63  }
0x1e: {  	_ =	swait.ge [sflag:s6], $0x700  }
0x1f: {  	s12 =	rddreg [dreg:$0x4];
	[sflag:s6] =	ssyncset.done $0x0  }
0x20: {  	s13 =	rddreg [dreg:$0x9];
	[sflag:s6] =	ssyncadd.s32 $0xFFFFF900  }
0x21: {  	[tilespmem:s13], [sflag:$0x3] =	stream.linear.gather [hbm4b:s12+s2], $0x700, $0x38;
	[tilespmem:$0x10500] =	vst v63  }
0x22: {  	_ =	swait.ge [sflag:s6], $0x700  }
0x23: {  	s12 =	rddreg [dreg:$0x5];
	[sflag:s6] =	ssyncset.done $0x0  }
0x24: {  	s13 =	rddreg [dreg:$0xa];
	[sflag:s6] =	ssyncadd.s32 $0xFFFFF900  }
0x25: {  	[tilespmem:s13], [sflag:$0x3] =	stream.linear.gather [hbm4b:s12+s2], $0x700, $0x38;
	[tilespmem:$0x10500] =	vst v63  }
0x26: {  	_ =	swait.ge [sflag:s6], $0x700  }
0x27: {  	[sflag:s6] =	ssyncset.done $0x0  }
0x28: {  	s12 =	rddreg [dreg:$0x6];
	[sflag:s6] =	ssyncadd.s32 $0xFFFFF900  }
0x29: {  	[tilespmem:s2], [sflag:$0x3] =	stream.linear.gather [hbm4b:s12+s2], $0x100, $0x38;
	[tilespmem:$0x10500] =	vst v63  }
0x2a: {  	_ =	swait.ge [sflag:s6], $0x100  }
0x2b: {  	[sflag:s6] =	ssyncset.done $0x0  }
0x2c: {  	[sflag:s6] =	ssyncadd.s32 $0xFFFFFF00  }
0x2d: {  	[tilespmem:s8], [sflag:$0x1] =	stream.indirect.gather [hbm4b:s3+s7], $0x8, s2, s7, $0xb8;
	[tilespmem:$0x10500] =	vst v63  }
0x2e: {  	s13 =	rddreg [dreg:$0xb]  }
0x2f: {  	[tilespmem:s13], [sflag:$0x1] =	stream.indirect.gather [hbm4b:s3+s7], $0x8, s7, s7, $0xb8;
	[tilespmem:$0x10500] =	vst v63  }
0x30: {  	_ =	swait.ge [sflag:s9], $0x400  }
0x31: {  	[sflag:s9] =	ssyncset.done $0x0  }
0x32: {  	[sflag:s9] =	ssyncadd.s32 $0xFFFFFC00  }
0x33: {  	_ =	swait.ge [sflag:s9], $0x400  }
0x34: {  	[sflag:s9] =	ssyncset.done $0x0  }
0x35: {  	[sflag:s9] =	ssyncadd.s32 $0xFFFFFC00  }
0x36: {  	v0 =	vld [tilespmem:$0x900]  }
0x37: {  	v1 =	vld [tilespmem:$0x1000]  }
0x38: {  	v2 =	vld [tilespmem:$0x1700];
	_ =	sdelay $0x3  }
0x39: {  	v18 =	vld [tilespmem:$0x910];
	v0 =	vshll.u32 v0, $0xA;
	v1 =	vshll.u32 v1, $0x3  }
0x3a: {  	v19 =	vld [tilespmem:$0x1010];
	v3 =	vand.u32 $0xFFFFFFF8, v2;
	v0 =	vadd.s32 v0, v1  }
0x3b: {  	v20 =	vld [tilespmem:$0x1710];
	v17 =	vand.u32 $0x7, v2;
	v0 =	vadd.s32 v3, v0  }
0x3c: {  	v0 =	vor.u32 v17, v0;
	_ =	sdelay $0x1  }
0x3d: {  	v4 =	vld [tilespmem:$0x920]  }
0x3e: {  	v21 =	vld [tilespmem:$0x1020];
	v2 =	vshll.u32 v19, $0x3;
	v1 =	vshll.u32 v18, $0xA  }
0x3f: {  	v22 =	vld [tilespmem:$0x1720];
	v5 =	vand.u32 $0xFFFFFFF8, v20;
	v1 =	vadd.s32 v1, v2  }
0x40: {  	v3 =	vand.u32 $0x7, v20;
	v1 =	vadd.s32 v5, v1;
	v0 =	vld.idx.msk [tilespmem:v0+s8+$0x0], $0xffff  }
0x41: {  	v1 =	vor.u32 v3, v1;
	_ =	sdelay $0x1  }
0x42: {  	v26 =	vld [tilespmem:$0x930]  }
0x43: {  	v27 =	vld [tilespmem:$0x1030];
	v23 =	vshll.u32 v4, $0xA;
	v2 =	vshll.u32 v21, $0x3  }
0x44: {  	v28 =	vld [tilespmem:$0x1730];
	v24 =	vand.u32 $0xFFFFFFF8, v22;
	v2 =	vadd.s32 v23, v2;
	[tilespmem:$0x1E00] =	vst v0  }
0x45: {  	v25 =	vand.u32 $0x7, v22;
	v0 =	vadd.s32 v24, v2;
	v1 =	vld.idx.msk [tilespmem:v1+s8+$0x0], $0xffff  }
0x46: {  	v0 =	vor.u32 v25, v0;
	_ =	sdelay $0x1  }
0x47: {  	v31 =	vld [tilespmem:$0x940]  }
0x48: {  	v33 =	vld [tilespmem:$0x1040];
	v29 =	vshll.u32 v26, $0xA;
	v30 =	vshll.u32 v27, $0x3  }
0x49: {  	v34 =	vld [tilespmem:$0x1740];
	v32 =	vand.u32 $0xFFFFFFF8, v28;
	[tilespmem:$0x1E10] =	vst v1;
	v1 =	vadd.s32 v29, v30  }
0x4a: {  	v4 =	vand.u32 $0x7, v28;
	v0 =	vld.idx.msk [tilespmem:v0+s8+$0x0], $0xffff;
	v1 =	vadd.s32 v32, v1  }
0x4b: {  	v1 =	vor.u32 v4, v1;
	_ =	sdelay $0x1  }
0x4c: {  	v37 =	vld [tilespmem:$0x950]  }
0x4d: {  	v38 =	vld [tilespmem:$0x1050];
	v3 =	vshll.u32 v31, $0xA;
	v2 =	vshll.u32 v33, $0x3  }
0x4e: {  	v39 =	vld [tilespmem:$0x1750];
	v35 =	vand.u32 $0xFFFFFFF8, v34;
	v2 =	vadd.s32 v3, v2;
	[tilespmem:$0x1E20] =	vst v0  }
0x4f: {  	v36 =	vand.u32 $0x7, v34;
	v0 =	vadd.s32 v35, v2;
	v1 =	vld.idx.msk [tilespmem:v1+s8+$0x0], $0xffff  }
0x50: {  	v0 =	vor.u32 v36, v0;
	_ =	sdelay $0x1  }
0x51: {  	v42 =	vld [tilespmem:$0x960]  }
0x52: {  	v44 =	vld [tilespmem:$0x1060];
	v40 =	vshll.u32 v37, $0xA;
	v41 =	vshll.u32 v38, $0x3  }
0x53: {  	v45 =	vld [tilespmem:$0x1760];
	v43 =	vand.u32 $0xFFFFFFF8, v39;
	[tilespmem:$0x1E30] =	vst v1;
	v1 =	vadd.s32 v40, v41  }
0x54: {  	v4 =	vand.u32 $0x7, v39;
	v0 =	vld.idx.msk [tilespmem:v0+s8+$0x0], $0xffff;
	v1 =	vadd.s32 v43, v1  }
0x55: {  	v1 =	vor.u32 v4, v1;
	_ =	sdelay $0x1  }
0x56: {  	v48 =	vld [tilespmem:$0x970]  }
0x57: {  	v49 =	vld [tilespmem:$0x1070];
	v3 =	vshll.u32 v42, $0xA;
	v2 =	vshll.u32 v44, $0x3  }
0x58: {  	v50 =	vld [tilespmem:$0x1770];
	v46 =	vand.u32 $0xFFFFFFF8, v45;
	v2 =	vadd.s32 v3, v2;
	[tilespmem:$0x1E40] =	vst v0  }
0x59: {  	v47 =	vand.u32 $0x7, v45;
	v0 =	vadd.s32 v46, v2;
	v1 =	vld.idx.msk [tilespmem:v1+s8+$0x0], $0xffff  }
0x5a: {  	v0 =	vor.u32 v47, v0;
	_ =	sdelay $0x1  }
0x5b: {  	v53 =	vld [tilespmem:$0x980]  }
0x5c: {  	v55 =	vld [tilespmem:$0x1080];
	v51 =	vshll.u32 v48, $0xA;
	v52 =	vshll.u32 v49, $0x3  }
0x5d: {  	v56 =	vld [tilespmem:$0x1780];
	v54 =	vand.u32 $0xFFFFFFF8, v50;
	[tilespmem:$0x1E50] =	vst v1;
	v1 =	vadd.s32 v51, v52  }
0x5e: {  	v4 =	vand.u32 $0x7, v50;
	v0 =	vld.idx.msk [tilespmem:v0+s8+$0x0], $0xffff;
	v1 =	vadd.s32 v54, v1  }
0x5f: {  	v1 =	vor.u32 v4, v1;
	_ =	sdelay $0x1  }
0x60: {  	v59 =	vld [tilespmem:$0x990]  }
0x61: {  	v60 =	vld [tilespmem:$0x1090];
	v3 =	vshll.u32 v53, $0xA;
	v2 =	vshll.u32 v55, $0x3  }
0x62: {  	v61 =	vld [tilespmem:$0x1790];
	v57 =	vand.u32 $0xFFFFFFF8, v56;
	v2 =	vadd.s32 v3, v2;
	[tilespmem:$0x1E60] =	vst v0  }
0x63: {  	v58 =	vand.u32 $0x7, v56;
	v0 =	vadd.s32 v57, v2;
	v1 =	vld.idx.msk [tilespmem:v1+s8+$0x0], $0xffff  }
0x64: {  	v0 =	vor.u32 v58, v0;
	_ =	sdelay $0x1  }
0x65: {  	v8 =	vld [tilespmem:$0x9A0]  }
0x66: {  	v10 =	vld [tilespmem:$0x10A0];
	v62 =	vshll.u32 v59, $0xA;
	v63 =	vshll.u32 v60, $0x3  }
0x67: {  	v11 =	vld [tilespmem:$0x17A0];
	v9 =	vand.u32 $0xFFFFFFF8, v61;
	[tilespmem:$0x1E70] =	vst v1;
	v1 =	vadd.s32 v62, v63  }
0x68: {  	v4 =	vand.u32 $0x7, v61;
	v0 =	vld.idx.msk [tilespmem:v0+s8+$0x0], $0xffff;
	v1 =	vadd.s32 v9, v1  }
0x69: {  	v1 =	vor.u32 v4, v1;
	_ =	sdelay $0x1  }
0x6a: {  	v14 =	vld [tilespmem:$0x9B0]  }
0x6b: {  	v15 =	vld [tilespmem:$0x10B0];
	v3 =	vshll.u32 v8, $0xA;
	v2 =	vshll.u32 v10, $0x3  }
0x6c: {  	v16 =	vld [tilespmem:$0x17B0];
	v12 =	vand.u32 $0xFFFFFFF8, v11;
	v2 =	vadd.s32 v3, v2;
	[tilespmem:$0x1E80] =	vst v0  }
0x6d: {  	v13 =	vand.u32 $0x7, v11;
	v0 =	vadd.s32 v12, v2;
	v1 =	vld.idx.msk [tilespmem:v1+s8+$0x0], $0xffff  }
0x6e: {  	v0 =	vor.u32 v13, v0;
	_ =	sdelay $0x1  }
0x6f: {  	v19 =	vld [tilespmem:$0x9C0]  }
0x70: {  	v22 =	vld [tilespmem:$0x17C0];
	v18 =	vshll.u32 v15, $0x3;
	v17 =	vshll.u32 v14, $0xA  }
0x71: {  	v20 =	vand.u32 $0xFFFFFFF8, v16;
	v21 =	vld [tilespmem:$0x10C0];
	[tilespmem:$0x1E90] =	vst v1;
	v1 =	vadd.s32 v17, v18  }
0x72: {  	v4 =	vand.u32 $0x7, v16;
	v0 =	vld.idx.msk [tilespmem:v0+s8+$0x0], $0xffff;
	v1 =	vadd.s32 v20, v1  }
0x73: {  	v1 =	vor.u32 v4, v1;
	_ =	sdelay $0x1  }
0x74: {  	v26 =	vld [tilespmem:$0x10D0]  }
0x75: {  	v27 =	vld [tilespmem:$0x17D0];
	v3 =	vshll.u32 v19, $0xA;
	v2 =	vshll.u32 v21, $0x3  }
0x76: {  	v23 =	vand.u32 $0xFFFFFFF8, v22;
	v25 =	vld [tilespmem:$0x9D0];
	v2 =	vadd.s32 v3, v2;
	[tilespmem:$0x1EA0] =	vst v0  }
0x77: {  	v24 =	vand.u32 $0x7, v22;
	v0 =	vadd.s32 v23, v2;
	v1 =	vld.idx.msk [tilespmem:v1+s8+$0x0], $0xffff  }
0x78: {  	v0 =	vor.u32 v24, v0;
	_ =	sdelay $0x1  }
0x79: {  	v33 =	vld [tilespmem:$0x17E0]  }
0x7a: {  	v28 =	vshll.u32 v25, $0xA;
	v29 =	vshll.u32 v26, $0x3;
	v30 =	vld [tilespmem:$0x9E0]  }
0x7b: {  	v31 =	vand.u32 $0xFFFFFFF8, v27;
	v32 =	vld [tilespmem:$0x10E0];
	[tilespmem:$0x1EB0] =	vst v1;
	v1 =	vadd.s32 v28, v29  }
0x7c: {  	v4 =	vand.u32 $0x7, v27;
	v0 =	vld.idx.msk [tilespmem:v0+s8+$0x0], $0xffff;
	v1 =	vadd.s32 v31, v1  }
0x7d: {  	v1 =	vor.u32 v4, v1;
	_ =	sdelay $0x1  }
0x7e: {  	v37 =	vld [tilespmem:$0x10F0]  }
0x7f: {  	v38 =	vld [tilespmem:$0x17F0];
	v3 =	vshll.u32 v30, $0xA;
	v2 =	vshll.u32 v32, $0x3  }
0x80: {  	v34 =	vand.u32 $0xFFFFFFF8, v33;
	v36 =	vld [tilespmem:$0x9F0];
	v2 =	vadd.s32 v3, v2;
	[tilespmem:$0x1EC0] =	vst v0  }
0x81: {  	v35 =	vand.u32 $0x7, v33;
	v0 =	vadd.s32 v34, v2;
	v1 =	vld.idx.msk [tilespmem:v1+s8+$0x0], $0xffff  }
0x82: {  	v0 =	vor.u32 v35, v0;
	_ =	sdelay $0x1  }
0x83: {  	v44 =	vld [tilespmem:$0x1800]  }
0x84: {  	v39 =	vshll.u32 v36, $0xA;
	v40 =	vshll.u32 v37, $0x3;
	v41 =	vld [tilespmem:$0xA00]  }
0x85: {  	v42 =	vand.u32 $0xFFFFFFF8, v38;
	v43 =	vld [tilespmem:$0x1100];
	[tilespmem:$0x1ED0] =	vst v1;
	v1 =	vadd.s32 v39, v40  }
0x86: {  	v4 =	vand.u32 $0x7, v38;
	v0 =	vld.idx.msk [tilespmem:v0+s8+$0x0], $0xffff;
	v1 =	vadd.s32 v42, v1  }
0x87: {  	v1 =	vor.u32 v4, v1;
	_ =	sdelay $0x1  }
0x88: {  	v48 =	vld [tilespmem:$0x1110]  }
0x89: {  	v49 =	vld [tilespmem:$0x1810];
	v3 =	vshll.u32 v41, $0xA;
	v2 =	vshll.u32 v43, $0x3  }
0x8a: {  	v45 =	vand.u32 $0xFFFFFFF8, v44;
	v47 =	vld [tilespmem:$0xA10];
	v2 =	vadd.s32 v3, v2;
	[tilespmem:$0x1EE0] =	vst v0  }
0x8b: {  	v46 =	vand.u32 $0x7, v44;
	v0 =	vadd.s32 v45, v2;
	v1 =	vld.idx.msk [tilespmem:v1+s8+$0x0], $0xffff  }
0x8c: {  	v0 =	vor.u32 v46, v0;
	_ =	sdelay $0x1  }
0x8d: {  	v55 =	vld [tilespmem:$0x1820]  }
0x8e: {  	v50 =	vshll.u32 v47, $0xA;
	v51 =	vshll.u32 v48, $0x3;
	v52 =	vld [tilespmem:$0xA20]  }
0x8f: {  	v53 =	vand.u32 $0xFFFFFFF8, v49;
	v54 =	vld [tilespmem:$0x1120];
	[tilespmem:$0x1EF0] =	vst v1;
	v1 =	vadd.s32 v50, v51  }
0x90: {  	v4 =	vand.u32 $0x7, v49;
	v0 =	vld.idx.msk [tilespmem:v0+s8+$0x0], $0xffff;
	v1 =	vadd.s32 v53, v1  }
0x91: {  	v1 =	vor.u32 v4, v1;
	_ =	sdelay $0x1  }
0x92: {  	v59 =	vld [tilespmem:$0x1130]  }
0x93: {  	v60 =	vld [tilespmem:$0x1830];
	v3 =	vshll.u32 v52, $0xA;
	v2 =	vshll.u32 v54, $0x3  }
0x94: {  	v56 =	vand.u32 $0xFFFFFFF8, v55;
	v58 =	vld [tilespmem:$0xA30];
	v2 =	vadd.s32 v3, v2;
	[tilespmem:$0x1F00] =	vst v0  }
0x95: {  	v57 =	vand.u32 $0x7, v55;
	v0 =	vadd.s32 v56, v2;
	v1 =	vld.idx.msk [tilespmem:v1+s8+$0x0], $0xffff  }
0x96: {  	v0 =	vor.u32 v57, v0;
	_ =	sdelay $0x1  }
0x97: {  	v10 =	vld [tilespmem:$0x1840]  }
0x98: {  	v61 =	vshll.u32 v58, $0xA;
	v62 =	vshll.u32 v59, $0x3;
	v63 =	vld [tilespmem:$0xA40]  }
0x99: {  	v8 =	vand.u32 $0xFFFFFFF8, v60;
	v9 =	vld [tilespmem:$0x1140];
	[tilespmem:$0x1F10] =	vst v1;
	v1 =	vadd.s32 v61, v62  }
0x9a: {  	v4 =	vand.u32 $0x7, v60;
	v0 =	vld.idx.msk [tilespmem:v0+s8+$0x0], $0xffff;
	v1 =	vadd.s32 v8, v1  }
0x9b: {  	v1 =	vor.u32 v4, v1;
	_ =	sdelay $0x1  }
0x9c: {  	v15 =	vld [tilespmem:$0x1850]  }
0x9d: {  	v14 =	vld [tilespmem:$0x1150];
	v3 =	vshll.u32 v63, $0xA;
	v2 =	vshll.u32 v9, $0x3  }
0x9e: {  	v11 =	vand.u32 $0xFFFFFFF8, v10;
	v13 =	vld [tilespmem:$0xA50];
	v2 =	vadd.s32 v3, v2;
	[tilespmem:$0x1F20] =	vst v0  }
0x9f: {  	v12 =	vand.u32 $0x7, v10;
	v0 =	vadd.s32 v11, v2;
	v1 =	vld.idx.msk [tilespmem:v1+s8+$0x0], $0xffff  }
0xa0: {  	v0 =	vor.u32 v12, v0;
	_ =	sdelay $0x1  }
0xa1: {  	v21 =	vld [tilespmem:$0x1860]  }
0xa2: {  	v16 =	vshll.u32 v13, $0xA;
	v17 =	vshll.u32 v14, $0x3;
	v18 =	vld [tilespmem:$0xA60]  }
0xa3: {  	v19 =	vand.u32 $0xFFFFFFF8, v15;
	v20 =	vld [tilespmem:$0x1160];
	[tilespmem:$0x1F30] =	vst v1;
	v1 =	vadd.s32 v16, v17  }
0xa4: {  	v4 =	vand.u32 $0x7, v15;
	v0 =	vld.idx.msk [tilespmem:v0+s8+$0x0], $0xffff;
	v1 =	vadd.s32 v19, v1  }
0xa5: {  	v1 =	vor.u32 v4, v1;
	_ =	sdelay $0x2  }
0xa6: {  	v3 =	vshll.u32 v18, $0xA;
	v2 =	vshll.u32 v20, $0x3  }
0xa7: {  	v22 =	vand.u32 $0xFFFFFFF8, v21;
	v2 =	vadd.s32 v3, v2;
	[tilespmem:$0x1F40] =	vst v0  }
0xa8: {  	v23 =	vand.u32 $0x7, v21;
	v0 =	vadd.s32 v22, v2;
	v1 =	vld.idx.msk [tilespmem:v1+s8+$0x0], $0xffff  }
0xa9: {  	v0 =	vor.u32 v23, v0;
	_ =	sdelay $0x3  }
0xaa: {  	[tilespmem:$0x1F50] =	vst v1  }
0xab: {  	v0 =	vld.idx.msk [tilespmem:v0+s8+$0x0], $0xffff  }
0xac: {  	v24 =	vld [tilespmem:$0xA70]  }
0xad: {  	v25 =	vld [tilespmem:$0x1170]  }
0xae: {  	v26 =	vld [tilespmem:$0x1870];
	_ =	sdelay $0x3  }
0xaf: {  	v1 =	vshll.u32 v24, $0xA;
	v2 =	vshll.u32 v25, $0x3  }
0xb0: {  	v29 =	vld [tilespmem:$0xA80];
	v27 =	vand.u32 $0xFFFFFFF8, v26;
	v1 =	vadd.s32 v1, v2  }
0xb1: {  	v30 =	vld [tilespmem:$0x1180];
	v28 =	vand.u32 $0x7, v26;
	v1 =	vadd.s32 v27, v1  }
0xb2: {  	v31 =	vld [tilespmem:$0x1880];
	v1 =	vor.u32 v28, v1;
	_ =	sdelay $0x2  }
0xb3: {  	v34 =	vld [tilespmem:$0xA90]  }
0xb4: {  	v36 =	vld [tilespmem:$0x1190];
	[tilespmem:$0x1F60] =	vst v0;
	v32 =	vshll.u32 v29, $0xA;
	v33 =	vshll.u32 v30, $0x3  }
0xb5: {  	v35 =	vand.u32 $0xFFFFFFF8, v31;
	v0 =	vld.idx.msk [tilespmem:v1+s8+$0x0], $0xffff;
	v1 =	vadd.s32 v32, v33  }
0xb6: {  	v37 =	vld [tilespmem:$0x1890];
	v4 =	vand.u32 $0x7, v31;
	v1 =	vadd.s32 v35, v1  }
0xb7: {  	v1 =	vor.u32 v4, v1;
	_ =	sdelay $0x1  }
0xb8: {  	v40 =	vld [tilespmem:$0xAA0]  }
0xb9: {  	v41 =	vld [tilespmem:$0x11A0];
	v3 =	vshll.u32 v34, $0xA;
	v2 =	vshll.u32 v36, $0x3  }
0xba: {  	v42 =	vld [tilespmem:$0x18A0];
	v38 =	vand.u32 $0xFFFFFFF8, v37;
	v2 =	vadd.s32 v3, v2;
	[tilespmem:$0x1F70] =	vst v0  }
0xbb: {  	v39 =	vand.u32 $0x7, v37;
	v0 =	vadd.s32 v38, v2;
	v1 =	vld.idx.msk [tilespmem:v1+s8+$0x0], $0xffff  }
0xbc: {  	v0 =	vor.u32 v39, v0;
	_ =	sdelay $0x1  }
0xbd: {  	v45 =	vld [tilespmem:$0xAB0]  }
0xbe: {  	v47 =	vld [tilespmem:$0x11B0];
	v43 =	vshll.u32 v40, $0xA;
	v44 =	vshll.u32 v41, $0x3  }
0xbf: {  	v48 =	vld [tilespmem:$0x18B0];
	v46 =	vand.u32 $0xFFFFFFF8, v42;
	[tilespmem:$0x1F80] =	vst v1;
	v1 =	vadd.s32 v43, v44  }
0xc0: {  	v4 =	vand.u32 $0x7, v42;
	v0 =	vld.idx.msk [tilespmem:v0+s8+$0x0], $0xffff;
	v1 =	vadd.s32 v46, v1  }
0xc1: {  	v1 =	vor.u32 v4, v1;
	_ =	sdelay $0x1  }
0xc2: {  	v51 =	vld [tilespmem:$0xAC0]  }
0xc3: {  	v52 =	vld [tilespmem:$0x11C0];
	v3 =	vshll.u32 v45, $0xA;
	v2 =	vshll.u32 v47, $0x3  }
0xc4: {  	v53 =	vld [tilespmem:$0x18C0];
	v49 =	vand.u32 $0xFFFFFFF8, v48;
	v2 =	vadd.s32 v3, v2;
	[tilespmem:$0x1F90] =	vst v0  }
0xc5: {  	v50 =	vand.u32 $0x7, v48;
	v0 =	vadd.s32 v49, v2;
	v1 =	vld.idx.msk [tilespmem:v1+s8+$0x0], $0xffff  }
0xc6: {  	v0 =	vor.u32 v50, v0;
	_ =	sdelay $0x1  }
0xc7: {  	v56 =	vld [tilespmem:$0xAD0]  }
0xc8: {  	v58 =	vld [tilespmem:$0x11D0];
	v54 =	vshll.u32 v51, $0xA;
	v55 =	vshll.u32 v52, $0x3  }
0xc9: {  	v59 =	vld [tilespmem:$0x18D0];
	v57 =	vand.u32 $0xFFFFFFF8, v53;
	[tilespmem:$0x1FA0] =	vst v1;
	v1 =	vadd.s32 v54, v55  }
0xca: {  	v4 =	vand.u32 $0x7, v53;
	v0 =	vld.idx.msk [tilespmem:v0+s8+$0x0], $0xffff;
	v1 =	vadd.s32 v57, v1  }
0xcb: {  	v1 =	vor.u32 v4, v1;
	_ =	sdelay $0x1  }
0xcc: {  	v62 =	vld [tilespmem:$0xAE0]  }
0xcd: {  	v63 =	vld [tilespmem:$0x11E0];
	v3 =	vshll.u32 v56, $0xA;
	v2 =	vshll.u32 v58, $0x3  }
0xce: {  	v8 =	vld [tilespmem:$0x18E0];
	v60 =	vand.u32 $0xFFFFFFF8, v59;
	v2 =	vadd.s32 v3, v2;
	[tilespmem:$0x1FB0] =	vst v0  }
0xcf: {  	v61 =	vand.u32 $0x7, v59;
	v0 =	vadd.s32 v60, v2;
	v1 =	vld.idx.msk [tilespmem:v1+s8+$0x0], $0xffff  }
0xd0: {  	v0 =	vor.u32 v61, v0;
	_ =	sdelay $0x1  }
0xd1: {  	v11 =	vld [tilespmem:$0xAF0]  }
0xd2: {  	v13 =	vld [tilespmem:$0x11F0];
	v9 =	vshll.u32 v62, $0xA;
	v10 =	vshll.u32 v63, $0x3  }
0xd3: {  	v14 =	vld [tilespmem:$0x18F0];
	v12 =	vand.u32 $0xFFFFFFF8, v8;
	[tilespmem:$0x1FC0] =	vst v1;
	v1 =	vadd.s32 v9, v10  }
0xd4: {  	v4 =	vand.u32 $0x7, v8;
	v0 =	vld.idx.msk [tilespmem:v0+s8+$0x0], $0xffff;
	v1 =	vadd.s32 v12, v1  }
0xd5: {  	v1 =	vor.u32 v4, v1;
	_ =	sdelay $0x1  }
0xd6: {  	v17 =	vld [tilespmem:$0xB00]  }
0xd7: {  	v18 =	vld [tilespmem:$0x1200];
	v3 =	vshll.u32 v11, $0xA;
	v2 =	vshll.u32 v13, $0x3  }
0xd8: {  	v19 =	vld [tilespmem:$0x1900];
	v15 =	vand.u32 $0xFFFFFFF8, v14;
	v2 =	vadd.s32 v3, v2;
	[tilespmem:$0x1FD0] =	vst v0  }
0xd9: {  	v16 =	vand.u32 $0x7, v14;
	v0 =	vadd.s32 v15, v2;
	v1 =	vld.idx.msk [tilespmem:v1+s8+$0x0], $0xffff  }
0xda: {  	v0 =	vor.u32 v16, v0;
	_ =	sdelay $0x1  }
0xdb: {  	v22 =	vld [tilespmem:$0xB10]  }
0xdc: {  	v20 =	vshll.u32 v17, $0xA;
	v21 =	vshll.u32 v18, $0x3;
	v24 =	vld [tilespmem:$0x1210]  }
0xdd: {  	v23 =	vand.u32 $0xFFFFFFF8, v19;
	v25 =	vld [tilespmem:$0x1910];
	[tilespmem:$0x1FE0] =	vst v1;
	v1 =	vadd.s32 v20, v21  }
0xde: {  	v4 =	vand.u32 $0x7, v19;
	v0 =	vld.idx.msk [tilespmem:v0+s8+$0x0], $0xffff;
	v1 =	vadd.s32 v23, v1  }
0xdf: {  	v1 =	vor.u32 v4, v1;
	_ =	sdelay $0x1  }
0xe0: {  	v29 =	vld [tilespmem:$0x1220]  }
0xe1: {  	v30 =	vld [tilespmem:$0x1920];
	v3 =	vshll.u32 v22, $0xA;
	v2 =	vshll.u32 v24, $0x3  }
0xe2: {  	v28 =	vld [tilespmem:$0xB20];
	v26 =	vand.u32 $0xFFFFFFF8, v25;
	v2 =	vadd.s32 v3, v2;
	[tilespmem:$0x1FF0] =	vst v0  }
0xe3: {  	v27 =	vand.u32 $0x7, v25;
	v0 =	vadd.s32 v26, v2;
	v1 =	vld.idx.msk [tilespmem:v1+s8+$0x0], $0xffff  }
0xe4: {  	v0 =	vor.u32 v27, v0;
	_ =	sdelay $0x1  }
0xe5: {  	v36 =	vld [tilespmem:$0x1930]  }
0xe6: {  	v31 =	vshll.u32 v28, $0xA;
	v32 =	vshll.u32 v29, $0x3;
	v33 =	vld [tilespmem:$0xB30]  }
0xe7: {  	v34 =	vand.u32 $0xFFFFFFF8, v30;
	v35 =	vld [tilespmem:$0x1230];
	[tilespmem:$0x2000] =	vst v1;
	v1 =	vadd.s32 v31, v32  }
0xe8: {  	v4 =	vand.u32 $0x7, v30;
	v0 =	vld.idx.msk [tilespmem:v0+s8+$0x0], $0xffff;
	v1 =	vadd.s32 v34, v1  }
0xe9: {  	v1 =	vor.u32 v4, v1;
	_ =	sdelay $0x1  }
0xea: {  	v40 =	vld [tilespmem:$0x1240]  }
0xeb: {  	v41 =	vld [tilespmem:$0x1940];
	v3 =	vshll.u32 v33, $0xA;
	v2 =	vshll.u32 v35, $0x3  }
0xec: {  	v37 =	vand.u32 $0xFFFFFFF8, v36;
	v39 =	vld [tilespmem:$0xB40];
	v2 =	vadd.s32 v3, v2;
	[tilespmem:$0x2010] =	vst v0  }
0xed: {  	v38 =	vand.u32 $0x7, v36;
	v0 =	vadd.s32 v37, v2;
	v1 =	vld.idx.msk [tilespmem:v1+s8+$0x0], $0xffff  }
0xee: {  	v0 =	vor.u32 v38, v0;
	_ =	sdelay $0x1  }
0xef: {  	v47 =	vld [tilespmem:$0x1950]  }
0xf0: {  	v42 =	vshll.u32 v39, $0xA;
	v43 =	vshll.u32 v40, $0x3;
	v44 =	vld [tilespmem:$0xB50]  }
0xf1: {  	v45 =	vand.u32 $0xFFFFFFF8, v41;
	v46 =	vld [tilespmem:$0x1250];
	[tilespmem:$0x2020] =	vst v1;
	v1 =	vadd.s32 v42, v43  }
0xf2: {  	v4 =	vand.u32 $0x7, v41;
	v0 =	vld.idx.msk [tilespmem:v0+s8+$0x0], $0xffff;
	v1 =	vadd.s32 v45, v1  }
0xf3: {  	v1 =	vor.u32 v4, v1;
	_ =	sdelay $0x1  }
0xf4: {  	v51 =	vld [tilespmem:$0x1260]  }
0xf5: {  	v52 =	vld [tilespmem:$0x1960];
	v3 =	vshll.u32 v44, $0xA;
	v2 =	vshll.u32 v46, $0x3  }
0xf6: {  	v48 =	vand.u32 $0xFFFFFFF8, v47;
	v50 =	vld [tilespmem:$0xB60];
	v2 =	vadd.s32 v3, v2;
	[tilespmem:$0x2030] =	vst v0  }
0xf7: {  	v49 =	vand.u32 $0x7, v47;
	v0 =	vadd.s32 v48, v2;
	v1 =	vld.idx.msk [tilespmem:v1+s8+$0x0], $0xffff  }
0xf8: {  	v0 =	vor.u32 v49, v0;
	_ =	sdelay $0x1  }
0xf9: {  	v58 =	vld [tilespmem:$0x1970]  }
0xfa: {  	v53 =	vshll.u32 v50, $0xA;
	v54 =	vshll.u32 v51, $0x3;
	v55 =	vld [tilespmem:$0xB70]  }
0xfb: {  	v56 =	vand.u32 $0xFFFFFFF8, v52;
	v57 =	vld [tilespmem:$0x1270];
	[tilespmem:$0x2040] =	vst v1;
	v1 =	vadd.s32 v53, v54  }
0xfc: {  	v4 =	vand.u32 $0x7, v52;
	v0 =	vld.idx.msk [tilespmem:v0+s8+$0x0], $0xffff;
	v1 =	vadd.s32 v56, v1  }
0xfd: {  	v1 =	vor.u32 v4, v1;
	_ =	sdelay $0x1  }
0xfe: {  	v62 =	vld [tilespmem:$0x1280]  }
0xff: {  	v63 =	vld [tilespmem:$0x1980];
	v3 =	vshll.u32 v55, $0xA;
	v2 =	vshll.u32 v57, $0x3  }
0x100: {  	v59 =	vand.u32 $0xFFFFFFF8, v58;
	v61 =	vld [tilespmem:$0xB80];
	v2 =	vadd.s32 v3, v2;
	[tilespmem:$0x2050] =	vst v0  }
0x101: {  	v60 =	vand.u32 $0x7, v58;
	v0 =	vadd.s32 v59, v2;
	v1 =	vld.idx.msk [tilespmem:v1+s8+$0x0], $0xffff  }
0x102: {  	v0 =	vor.u32 v60, v0;
	_ =	sdelay $0x1  }
0x103: {  	v13 =	vld [tilespmem:$0x1990]  }
0x104: {  	v8 =	vshll.u32 v61, $0xA;
	v9 =	vshll.u32 v62, $0x3;
	v10 =	vld [tilespmem:$0xB90]  }
0x105: {  	v11 =	vand.u32 $0xFFFFFFF8, v63;
	v12 =	vld [tilespmem:$0x1290];
	[tilespmem:$0x2060] =	vst v1;
	v1 =	vadd.s32 v8, v9  }
0x106: {  	v4 =	vand.u32 $0x7, v63;
	v0 =	vld.idx.msk [tilespmem:v0+s8+$0x0], $0xffff;
	v1 =	vadd.s32 v11, v1  }
0x107: {  	v1 =	vor.u32 v4, v1;
	_ =	sdelay $0x1  }
0x108: {  	v17 =	vld [tilespmem:$0x12A0]  }
0x109: {  	v18 =	vld [tilespmem:$0x19A0];
	v3 =	vshll.u32 v10, $0xA;
	v2 =	vshll.u32 v12, $0x3  }
0x10a: {  	v14 =	vand.u32 $0xFFFFFFF8, v13;
	v16 =	vld [tilespmem:$0xBA0];
	v2 =	vadd.s32 v3, v2;
	[tilespmem:$0x2070] =	vst v0  }
0x10b: {  	v15 =	vand.u32 $0x7, v13;
	v0 =	vadd.s32 v14, v2;
	v1 =	vld.idx.msk [tilespmem:v1+s8+$0x0], $0xffff  }
0x10c: {  	v0 =	vor.u32 v15, v0;
	_ =	sdelay $0x1  }
0x10d: {  	v24 =	vld [tilespmem:$0x19B0]  }
0x10e: {  	v19 =	vshll.u32 v16, $0xA;
	v20 =	vshll.u32 v17, $0x3;
	v21 =	vld [tilespmem:$0xBB0]  }
0x10f: {  	v22 =	vand.u32 $0xFFFFFFF8, v18;
	v23 =	vld [tilespmem:$0x12B0];
	[tilespmem:$0x2080] =	vst v1;
	v1 =	vadd.s32 v19, v20  }
0x110: {  	v4 =	vand.u32 $0x7, v18;
	v0 =	vld.idx.msk [tilespmem:v0+s8+$0x0], $0xffff;
	v1 =	vadd.s32 v22, v1  }
0x111: {  	v1 =	vor.u32 v4, v1;
	_ =	sdelay $0x1  }
0x112: {  	v28 =	vld [tilespmem:$0x12C0]  }
0x113: {  	v29 =	vld [tilespmem:$0x19C0];
	v3 =	vshll.u32 v21, $0xA;
	v2 =	vshll.u32 v23, $0x3  }
0x114: {  	v25 =	vand.u32 $0xFFFFFFF8, v24;
	v27 =	vld [tilespmem:$0xBC0];
	v2 =	vadd.s32 v3, v2;
	[tilespmem:$0x2090] =	vst v0  }
0x115: {  	v26 =	vand.u32 $0x7, v24;
	v0 =	vadd.s32 v25, v2;
	v1 =	vld.idx.msk [tilespmem:v1+s8+$0x0], $0xffff  }
0x116: {  	v0 =	vor.u32 v26, v0;
	_ =	sdelay $0x1  }
0x117: {  	v35 =	vld [tilespmem:$0x19D0]  }
0x118: {  	v30 =	vshll.u32 v27, $0xA;
	v31 =	vshll.u32 v28, $0x3;
	v32 =	vld [tilespmem:$0xBD0]  }
0x119: {  	v33 =	vand.u32 $0xFFFFFFF8, v29;
	v34 =	vld [tilespmem:$0x12D0];
	[tilespmem:$0x20A0] =	vst v1;
	v1 =	vadd.s32 v30, v31  }
0x11a: {  	v4 =	vand.u32 $0x7, v29;
	v0 =	vld.idx.msk [tilespmem:v0+s8+$0x0], $0xffff;
	v1 =	vadd.s32 v33, v1  }
0x11b: {  	v1 =	vor.u32 v4, v1;
	_ =	sdelay $0x1  }
0x11c: {  	v39 =	vld [tilespmem:$0x12E0]  }
0x11d: {  	v40 =	vld [tilespmem:$0x19E0];
	v3 =	vshll.u32 v32, $0xA;
	v2 =	vshll.u32 v34, $0x3  }
0x11e: {  	v36 =	vand.u32 $0xFFFFFFF8, v35;
	v38 =	vld [tilespmem:$0xBE0];
	v2 =	vadd.s32 v3, v2;
	[tilespmem:$0x20B0] =	vst v0  }
0x11f: {  	v37 =	vand.u32 $0x7, v35;
	v0 =	vadd.s32 v36, v2;
	v1 =	vld.idx.msk [tilespmem:v1+s8+$0x0], $0xffff  }
0x120: {  	v0 =	vor.u32 v37, v0;
	_ =	sdelay $0x1  }
0x121: {  	v46 =	vld [tilespmem:$0x19F0]  }
0x122: {  	v41 =	vshll.u32 v38, $0xA;
	v42 =	vshll.u32 v39, $0x3;
	v43 =	vld [tilespmem:$0xBF0]  }
0x123: {  	v44 =	vand.u32 $0xFFFFFFF8, v40;
	v45 =	vld [tilespmem:$0x12F0];
	[tilespmem:$0x20C0] =	vst v1;
	v1 =	vadd.s32 v41, v42  }
0x124: {  	v4 =	vand.u32 $0x7, v40;
	v0 =	vld.idx.msk [tilespmem:v0+s8+$0x0], $0xffff;
	v1 =	vadd.s32 v44, v1  }
0x125: {  	v1 =	vor.u32 v4, v1;
	_ =	sdelay $0x1  }
0x126: {  	v50 =	vld [tilespmem:$0x1300]  }
0x127: {  	v51 =	vld [tilespmem:$0x1A00];
	v3 =	vshll.u32 v43, $0xA;
	v2 =	vshll.u32 v45, $0x3  }
0x128: {  	v47 =	vand.u32 $0xFFFFFFF8, v46;
	v49 =	vld [tilespmem:$0xC00];
	v2 =	vadd.s32 v3, v2;
	[tilespmem:$0x20D0] =	vst v0  }
0x129: {  	v48 =	vand.u32 $0x7, v46;
	v0 =	vadd.s32 v47, v2;
	v1 =	vld.idx.msk [tilespmem:v1+s8+$0x0], $0xffff  }
0x12a: {  	v0 =	vor.u32 v48, v0;
	_ =	sdelay $0x1  }
0x12b: {  	v57 =	vld [tilespmem:$0x1A10]  }
0x12c: {  	v52 =	vshll.u32 v49, $0xA;
	v53 =	vshll.u32 v50, $0x3;
	v54 =	vld [tilespmem:$0xC10]  }
0x12d: {  	v55 =	vand.u32 $0xFFFFFFF8, v51;
	v56 =	vld [tilespmem:$0x1310];
	[tilespmem:$0x20E0] =	vst v1;
	v1 =	vadd.s32 v52, v53  }
0x12e: {  	v4 =	vand.u32 $0x7, v51;
	v0 =	vld.idx.msk [tilespmem:v0+s8+$0x0], $0xffff;
	v1 =	vadd.s32 v55, v1  }
0x12f: {  	v1 =	vor.u32 v4, v1;
	_ =	sdelay $0x1  }
0x130: {  	v61 =	vld [tilespmem:$0x1320]  }
0x131: {  	v62 =	vld [tilespmem:$0x1A20];
	v3 =	vshll.u32 v54, $0xA;
	v2 =	vshll.u32 v56, $0x3  }
0x132: {  	v58 =	vand.u32 $0xFFFFFFF8, v57;
	v60 =	vld [tilespmem:$0xC20];
	v2 =	vadd.s32 v3, v2;
	[tilespmem:$0x20F0] =	vst v0  }
0x133: {  	v59 =	vand.u32 $0x7, v57;
	v0 =	vadd.s32 v58, v2;
	v1 =	vld.idx.msk [tilespmem:v1+s8+$0x0], $0xffff  }
0x134: {  	v0 =	vor.u32 v59, v0;
	_ =	sdelay $0x1  }
0x135: {  	v12 =	vld [tilespmem:$0x1A30]  }
0x136: {  	v63 =	vshll.u32 v60, $0xA;
	v8 =	vshll.u32 v61, $0x3;
	v9 =	vld [tilespmem:$0xC30]  }
0x137: {  	v10 =	vand.u32 $0xFFFFFFF8, v62;
	v11 =	vld [tilespmem:$0x1330];
	[tilespmem:$0x2100] =	vst v1;
	v1 =	vadd.s32 v63, v8  }
0x138: {  	v4 =	vand.u32 $0x7, v62;
	v0 =	vld.idx.msk [tilespmem:v0+s8+$0x0], $0xffff;
	v1 =	vadd.s32 v10, v1  }
0x139: {  	v1 =	vor.u32 v4, v1;
	_ =	sdelay $0x1  }
0x13a: {  	v16 =	vld [tilespmem:$0x1340]  }
0x13b: {  	v17 =	vld [tilespmem:$0x1A40];
	v3 =	vshll.u32 v9, $0xA;
	v2 =	vshll.u32 v11, $0x3  }
0x13c: {  	v13 =	vand.u32 $0xFFFFFFF8, v12;
	v15 =	vld [tilespmem:$0xC40];
	v2 =	vadd.s32 v3, v2;
	[tilespmem:$0x2110] =	vst v0  }
0x13d: {  	v14 =	vand.u32 $0x7, v12;
	v0 =	vadd.s32 v13, v2;
	v1 =	vld.idx.msk [tilespmem:v1+s8+$0x0], $0xffff  }
0x13e: {  	v0 =	vor.u32 v14, v0;
	_ =	sdelay $0x1  }
0x13f: {  	v23 =	vld [tilespmem:$0x1A50]  }
0x140: {  	v18 =	vshll.u32 v15, $0xA;
	v19 =	vshll.u32 v16, $0x3;
	v20 =	vld [tilespmem:$0xC50]  }
0x141: {  	v21 =	vand.u32 $0xFFFFFFF8, v17;
	v22 =	vld [tilespmem:$0x1350];
	[tilespmem:$0x2120] =	vst v1;
	v1 =	vadd.s32 v18, v19  }
0x142: {  	v4 =	vand.u32 $0x7, v17;
	v0 =	vld.idx.msk [tilespmem:v0+s8+$0x0], $0xffff;
	v1 =	vadd.s32 v21, v1  }
0x143: {  	v1 =	vor.u32 v4, v1;
	_ =	sdelay $0x1  }
0x144: {  	v27 =	vld [tilespmem:$0x1360]  }
0x145: {  	v28 =	vld [tilespmem:$0x1A60];
	v3 =	vshll.u32 v20, $0xA;
	v2 =	vshll.u32 v22, $0x3  }
0x146: {  	v24 =	vand.u32 $0xFFFFFFF8, v23;
	v26 =	vld [tilespmem:$0xC60];
	v2 =	vadd.s32 v3, v2;
	[tilespmem:$0x2130] =	vst v0  }
0x147: {  	v25 =	vand.u32 $0x7, v23;
	v0 =	vadd.s32 v24, v2;
	v1 =	vld.idx.msk [tilespmem:v1+s8+$0x0], $0xffff  }
0x148: {  	v0 =	vor.u32 v25, v0;
	_ =	sdelay $0x1  }
0x149: {  	v34 =	vld [tilespmem:$0x1A70]  }
0x14a: {  	v29 =	vshll.u32 v26, $0xA;
	v30 =	vshll.u32 v27, $0x3;
	v31 =	vld [tilespmem:$0xC70]  }
0x14b: {  	v32 =	vand.u32 $0xFFFFFFF8, v28;
	v33 =	vld [tilespmem:$0x1370];
	[tilespmem:$0x2140] =	vst v1;
	v1 =	vadd.s32 v29, v30  }
0x14c: {  	v4 =	vand.u32 $0x7, v28;
	v0 =	vld.idx.msk [tilespmem:v0+s8+$0x0], $0xffff;
	v1 =	vadd.s32 v32, v1  }
0x14d: {  	v1 =	vor.u32 v4, v1;
	_ =	sdelay $0x1  }
0x14e: {  	v38 =	vld [tilespmem:$0x1380]  }
0x14f: {  	v39 =	vld [tilespmem:$0x1A80];
	v3 =	vshll.u32 v31, $0xA;
	v2 =	vshll.u32 v33, $0x3  }
0x150: {  	v35 =	vand.u32 $0xFFFFFFF8, v34;
	v37 =	vld [tilespmem:$0xC80];
	v2 =	vadd.s32 v3, v2;
	[tilespmem:$0x2150] =	vst v0  }
0x151: {  	v36 =	vand.u32 $0x7, v34;
	v0 =	vadd.s32 v35, v2;
	v1 =	vld.idx.msk [tilespmem:v1+s8+$0x0], $0xffff  }
0x152: {  	v0 =	vor.u32 v36, v0;
	_ =	sdelay $0x1  }
0x153: {  	v45 =	vld [tilespmem:$0x1A90]  }
0x154: {  	v40 =	vshll.u32 v37, $0xA;
	v41 =	vshll.u32 v38, $0x3;
	v42 =	vld [tilespmem:$0xC90]  }
0x155: {  	v43 =	vand.u32 $0xFFFFFFF8, v39;
	v44 =	vld [tilespmem:$0x1390];
	[tilespmem:$0x2160] =	vst v1;
	v1 =	vadd.s32 v40, v41  }
0x156: {  	v4 =	vand.u32 $0x7, v39;
	v0 =	vld.idx.msk [tilespmem:v0+s8+$0x0], $0xffff;
	v1 =	vadd.s32 v43, v1  }
0x157: {  	v1 =	vor.u32 v4, v1;
	_ =	sdelay $0x1  }
0x158: {  	v49 =	vld [tilespmem:$0x13A0]  }
0x159: {  	v50 =	vld [tilespmem:$0x1AA0];
	v3 =	vshll.u32 v42, $0xA;
	v2 =	vshll.u32 v44, $0x3  }
0x15a: {  	v46 =	vand.u32 $0xFFFFFFF8, v45;
	v48 =	vld [tilespmem:$0xCA0];
	v2 =	vadd.s32 v3, v2;
	[tilespmem:$0x2170] =	vst v0  }
0x15b: {  	v47 =	vand.u32 $0x7, v45;
	v0 =	vadd.s32 v46, v2;
	v1 =	vld.idx.msk [tilespmem:v1+s8+$0x0], $0xffff  }
0x15c: {  	v0 =	vor.u32 v47, v0;
	_ =	sdelay $0x1  }
0x15d: {  	v56 =	vld [tilespmem:$0x1AB0]  }
0x15e: {  	v51 =	vshll.u32 v48, $0xA;
	v52 =	vshll.u32 v49, $0x3;
	v53 =	vld [tilespmem:$0xCB0]  }
0x15f: {  	v54 =	vand.u32 $0xFFFFFFF8, v50;
	v55 =	vld [tilespmem:$0x13B0];
	[tilespmem:$0x2180] =	vst v1;
	v1 =	vadd.s32 v51, v52  }
0x160: {  	v4 =	vand.u32 $0x7, v50;
	v0 =	vld.idx.msk [tilespmem:v0+s8+$0x0], $0xffff;
	v1 =	vadd.s32 v54, v1  }
0x161: {  	v1 =	vor.u32 v4, v1;
	_ =	sdelay $0x1  }
0x162: {  	v60 =	vld [tilespmem:$0x13C0]  }
0x163: {  	v61 =	vld [tilespmem:$0x1AC0];
	v3 =	vshll.u32 v53, $0xA;
	v2 =	vshll.u32 v55, $0x3  }
0x164: {  	v57 =	vand.u32 $0xFFFFFFF8, v56;
	v59 =	vld [tilespmem:$0xCC0];
	v2 =	vadd.s32 v3, v2;
	[tilespmem:$0x2190] =	vst v0  }
0x165: {  	v58 =	vand.u32 $0x7, v56;
	v0 =	vadd.s32 v57, v2;
	v1 =	vld.idx.msk [tilespmem:v1+s8+$0x0], $0xffff  }
0x166: {  	v0 =	vor.u32 v58, v0;
	_ =	sdelay $0x1  }
0x167: {  	v11 =	vld [tilespmem:$0x1AD0]  }
0x168: {  	v62 =	vshll.u32 v59, $0xA;
	v63 =	vshll.u32 v60, $0x3;
	v8 =	vld [tilespmem:$0xCD0]  }
0x169: {  	v9 =	vand.u32 $0xFFFFFFF8, v61;
	v10 =	vld [tilespmem:$0x13D0];
	[tilespmem:$0x21A0] =	vst v1;
	v1 =	vadd.s32 v62, v63  }
0x16a: {  	v4 =	vand.u32 $0x7, v61;
	v0 =	vld.idx.msk [tilespmem:v0+s8+$0x0], $0xffff;
	v1 =	vadd.s32 v9, v1  }
0x16b: {  	v1 =	vor.u32 v4, v1;
	_ =	sdelay $0x1  }
0x16c: {  	v15 =	vld [tilespmem:$0x13E0]  }
0x16d: {  	v16 =	vld [tilespmem:$0x1AE0];
	v3 =	vshll.u32 v8, $0xA;
	v2 =	vshll.u32 v10, $0x3  }
0x16e: {  	v12 =	vand.u32 $0xFFFFFFF8, v11;
	v14 =	vld [tilespmem:$0xCE0];
	v2 =	vadd.s32 v3, v2;
	[tilespmem:$0x21B0] =	vst v0  }
0x16f: {  	v13 =	vand.u32 $0x7, v11;
	v0 =	vadd.s32 v12, v2;
	v1 =	vld.idx.msk [tilespmem:v1+s8+$0x0], $0xffff  }
0x170: {  	v0 =	vor.u32 v13, v0;
	_ =	sdelay $0x1  }
0x171: {  	v22 =	vld [tilespmem:$0x1AF0]  }
0x172: {  	v17 =	vshll.u32 v14, $0xA;
	v18 =	vshll.u32 v15, $0x3;
	v19 =	vld [tilespmem:$0xCF0]  }
0x173: {  	v20 =	vand.u32 $0xFFFFFFF8, v16;
	v21 =	vld [tilespmem:$0x13F0];
	[tilespmem:$0x21C0] =	vst v1;
	v1 =	vadd.s32 v17, v18  }
0x174: {  	v4 =	vand.u32 $0x7, v16;
	v0 =	vld.idx.msk [tilespmem:v0+s8+$0x0], $0xffff;
	v1 =	vadd.s32 v20, v1  }
0x175: {  	v1 =	vor.u32 v4, v1;
	_ =	sdelay $0x1  }
0x176: {  	v26 =	vld [tilespmem:$0x1400]  }
0x177: {  	v27 =	vld [tilespmem:$0x1B00];
	v3 =	vshll.u32 v19, $0xA;
	v2 =	vshll.u32 v21, $0x3  }
0x178: {  	v23 =	vand.u32 $0xFFFFFFF8, v22;
	v25 =	vld [tilespmem:$0xD00];
	v2 =	vadd.s32 v3, v2;
	[tilespmem:$0x21D0] =	vst v0  }
0x179: {  	v24 =	vand.u32 $0x7, v22;
	v0 =	vadd.s32 v23, v2;
	v1 =	vld.idx.msk [tilespmem:v1+s8+$0x0], $0xffff  }
0x17a: {  	v0 =	vor.u32 v24, v0;
	_ =	sdelay $0x1  }
0x17b: {  	v33 =	vld [tilespmem:$0x1B10]  }
0x17c: {  	v28 =	vshll.u32 v25, $0xA;
	v29 =	vshll.u32 v26, $0x3;
	v30 =	vld [tilespmem:$0xD10]  }
0x17d: {  	v31 =	vand.u32 $0xFFFFFFF8, v27;
	v32 =	vld [tilespmem:$0x1410];
	[tilespmem:$0x21E0] =	vst v1;
	v1 =	vadd.s32 v28, v29  }
0x17e: {  	v4 =	vand.u32 $0x7, v27;
	v0 =	vld.idx.msk [tilespmem:v0+s8+$0x0], $0xffff;
	v1 =	vadd.s32 v31, v1  }
0x17f: {  	v1 =	vor.u32 v4, v1;
	_ =	sdelay $0x1  }
0x180: {  	v37 =	vld [tilespmem:$0x1420]  }
0x181: {  	v38 =	vld [tilespmem:$0x1B20];
	v3 =	vshll.u32 v30, $0xA;
	v2 =	vshll.u32 v32, $0x3  }
0x182: {  	v34 =	vand.u32 $0xFFFFFFF8, v33;
	v36 =	vld [tilespmem:$0xD20];
	v2 =	vadd.s32 v3, v2;
	[tilespmem:$0x21F0] =	vst v0  }
0x183: {  	v35 =	vand.u32 $0x7, v33;
	v0 =	vadd.s32 v34, v2;
	v1 =	vld.idx.msk [tilespmem:v1+s8+$0x0], $0xffff  }
0x184: {  	v0 =	vor.u32 v35, v0;
	_ =	sdelay $0x1  }
0x185: {  	v44 =	vld [tilespmem:$0x1B30]  }
0x186: {  	v39 =	vshll.u32 v36, $0xA;
	v40 =	vshll.u32 v37, $0x3;
	v41 =	vld [tilespmem:$0xD30]  }
0x187: {  	v42 =	vand.u32 $0xFFFFFFF8, v38;
	v43 =	vld [tilespmem:$0x1430];
	[tilespmem:$0x2200] =	vst v1;
	v1 =	vadd.s32 v39, v40  }
0x188: {  	v4 =	vand.u32 $0x7, v38;
	v0 =	vld.idx.msk [tilespmem:v0+s8+$0x0], $0xffff;
	v1 =	vadd.s32 v42, v1  }
0x189: {  	v1 =	vor.u32 v4, v1;
	_ =	sdelay $0x1  }
0x18a: {  	v48 =	vld [tilespmem:$0x1440]  }
0x18b: {  	v49 =	vld [tilespmem:$0x1B40];
	v3 =	vshll.u32 v41, $0xA;
	v2 =	vshll.u32 v43, $0x3  }
0x18c: {  	v45 =	vand.u32 $0xFFFFFFF8, v44;
	v47 =	vld [tilespmem:$0xD40];
	v2 =	vadd.s32 v3, v2;
	[tilespmem:$0x2210] =	vst v0  }
0x18d: {  	v46 =	vand.u32 $0x7, v44;
	v0 =	vadd.s32 v45, v2;
	v1 =	vld.idx.msk [tilespmem:v1+s8+$0x0], $0xffff  }
0x18e: {  	v0 =	vor.u32 v46, v0;
	_ =	sdelay $0x1  }
0x18f: {  	v55 =	vld [tilespmem:$0x1B50]  }
0x190: {  	v50 =	vshll.u32 v47, $0xA;
	v51 =	vshll.u32 v48, $0x3;
	v52 =	vld [tilespmem:$0xD50]  }
0x191: {  	v53 =	vand.u32 $0xFFFFFFF8, v49;
	v54 =	vld [tilespmem:$0x1450];
	[tilespmem:$0x2220] =	vst v1;
	v1 =	vadd.s32 v50, v51  }
0x192: {  	v4 =	vand.u32 $0x7, v49;
	v0 =	vld.idx.msk [tilespmem:v0+s8+$0x0], $0xffff;
	v1 =	vadd.s32 v53, v1  }
0x193: {  	v1 =	vor.u32 v4, v1;
	_ =	sdelay $0x1  }
0x194: {  	v59 =	vld [tilespmem:$0x1460]  }
0x195: {  	v60 =	vld [tilespmem:$0x1B60];
	v3 =	vshll.u32 v52, $0xA;
	v2 =	vshll.u32 v54, $0x3  }
0x196: {  	v56 =	vand.u32 $0xFFFFFFF8, v55;
	v58 =	vld [tilespmem:$0xD60];
	v2 =	vadd.s32 v3, v2;
	[tilespmem:$0x2230] =	vst v0  }
0x197: {  	v57 =	vand.u32 $0x7, v55;
	v0 =	vadd.s32 v56, v2;
	v1 =	vld.idx.msk [tilespmem:v1+s8+$0x0], $0xffff  }
0x198: {  	v0 =	vor.u32 v57, v0;
	_ =	sdelay $0x1  }
0x199: {  	v10 =	vld [tilespmem:$0x1B70]  }
0x19a: {  	v61 =	vshll.u32 v58, $0xA;
	v62 =	vshll.u32 v59, $0x3;
	v63 =	vld [tilespmem:$0xD70]  }
0x19b: {  	v8 =	vand.u32 $0xFFFFFFF8, v60;
	v9 =	vld [tilespmem:$0x1470];
	[tilespmem:$0x2240] =	vst v1;
	v1 =	vadd.s32 v61, v62  }
0x19c: {  	v4 =	vand.u32 $0x7, v60;
	v0 =	vld.idx.msk [tilespmem:v0+s8+$0x0], $0xffff;
	v1 =	vadd.s32 v8, v1  }
0x19d: {  	v1 =	vor.u32 v4, v1;
	_ =	sdelay $0x1  }
0x19e: {  	v14 =	vld [tilespmem:$0x1480]  }
0x19f: {  	v15 =	vld [tilespmem:$0x1B80];
	v3 =	vshll.u32 v63, $0xA;
	v2 =	vshll.u32 v9, $0x3  }
0x1a0: {  	v11 =	vand.u32 $0xFFFFFFF8, v10;
	v13 =	vld [tilespmem:$0xD80];
	v2 =	vadd.s32 v3, v2;
	[tilespmem:$0x2250] =	vst v0  }
0x1a1: {  	v12 =	vand.u32 $0x7, v10;
	v0 =	vadd.s32 v11, v2;
	v1 =	vld.idx.msk [tilespmem:v1+s8+$0x0], $0xffff  }
0x1a2: {  	v0 =	vor.u32 v12, v0;
	_ =	sdelay $0x1  }
0x1a3: {  	v21 =	vld [tilespmem:$0x1B90]  }
0x1a4: {  	v16 =	vshll.u32 v13, $0xA;
	v17 =	vshll.u32 v14, $0x3;
	v18 =	vld [tilespmem:$0xD90]  }
0x1a5: {  	v19 =	vand.u32 $0xFFFFFFF8, v15;
	v20 =	vld [tilespmem:$0x1490];
	[tilespmem:$0x2260] =	vst v1;
	v1 =	vadd.s32 v16, v17  }
0x1a6: {  	v4 =	vand.u32 $0x7, v15;
	v0 =	vld.idx.msk [tilespmem:v0+s8+$0x0], $0xffff;
	v1 =	vadd.s32 v19, v1  }
0x1a7: {  	v1 =	vor.u32 v4, v1;
	_ =	sdelay $0x1  }
0x1a8: {  	v25 =	vld [tilespmem:$0x14A0]  }
0x1a9: {  	v26 =	vld [tilespmem:$0x1BA0];
	v3 =	vshll.u32 v18, $0xA;
	v2 =	vshll.u32 v20, $0x3  }
0x1aa: {  	v22 =	vand.u32 $0xFFFFFFF8, v21;
	v24 =	vld [tilespmem:$0xDA0];
	v2 =	vadd.s32 v3, v2;
	[tilespmem:$0x2270] =	vst v0  }
0x1ab: {  	v23 =	vand.u32 $0x7, v21;
	v0 =	vadd.s32 v22, v2;
	v1 =	vld.idx.msk [tilespmem:v1+s8+$0x0], $0xffff  }
0x1ac: {  	v0 =	vor.u32 v23, v0;
	_ =	sdelay $0x1  }
0x1ad: {  	v32 =	vld [tilespmem:$0x1BB0]  }
0x1ae: {  	v27 =	vshll.u32 v24, $0xA;
	v28 =	vshll.u32 v25, $0x3;
	v29 =	vld [tilespmem:$0xDB0]  }
0x1af: {  	v30 =	vand.u32 $0xFFFFFFF8, v26;
	v31 =	vld [tilespmem:$0x14B0];
	[tilespmem:$0x2280] =	vst v1;
	v1 =	vadd.s32 v27, v28  }
0x1b0: {  	v4 =	vand.u32 $0x7, v26;
	v0 =	vld.idx.msk [tilespmem:v0+s8+$0x0], $0xffff;
	v1 =	vadd.s32 v30, v1  }
0x1b1: {  	v1 =	vor.u32 v4, v1;
	_ =	sdelay $0x1  }
0x1b2: {  	v36 =	vld [tilespmem:$0x14C0]  }
0x1b3: {  	v37 =	vld [tilespmem:$0x1BC0];
	v3 =	vshll.u32 v29, $0xA;
	v2 =	vshll.u32 v31, $0x3  }
0x1b4: {  	v33 =	vand.u32 $0xFFFFFFF8, v32;
	v35 =	vld [tilespmem:$0xDC0];
	v2 =	vadd.s32 v3, v2;
	[tilespmem:$0x2290] =	vst v0  }
0x1b5: {  	v34 =	vand.u32 $0x7, v32;
	v0 =	vadd.s32 v33, v2;
	v1 =	vld.idx.msk [tilespmem:v1+s8+$0x0], $0xffff  }
0x1b6: {  	v0 =	vor.u32 v34, v0;
	_ =	sdelay $0x1  }
0x1b7: {  	v43 =	vld [tilespmem:$0x1BD0]  }
0x1b8: {  	v38 =	vshll.u32 v35, $0xA;
	v39 =	vshll.u32 v36, $0x3;
	v40 =	vld [tilespmem:$0xDD0]  }
0x1b9: {  	v41 =	vand.u32 $0xFFFFFFF8, v37;
	v42 =	vld [tilespmem:$0x14D0];
	[tilespmem:$0x22A0] =	vst v1;
	v1 =	vadd.s32 v38, v39  }
0x1ba: {  	v4 =	vand.u32 $0x7, v37;
	v0 =	vld.idx.msk [tilespmem:v0+s8+$0x0], $0xffff;
	v1 =	vadd.s32 v41, v1  }
0x1bb: {  	v1 =	vor.u32 v4, v1;
	_ =	sdelay $0x1  }
0x1bc: {  	v47 =	vld [tilespmem:$0x14E0]  }
0x1bd: {  	v48 =	vld [tilespmem:$0x1BE0];
	v3 =	vshll.u32 v40, $0xA;
	v2 =	vshll.u32 v42, $0x3  }
0x1be: {  	v44 =	vand.u32 $0xFFFFFFF8, v43;
	v46 =	vld [tilespmem:$0xDE0];
	v2 =	vadd.s32 v3, v2;
	[tilespmem:$0x22B0] =	vst v0  }
0x1bf: {  	v45 =	vand.u32 $0x7, v43;
	v0 =	vadd.s32 v44, v2;
	v1 =	vld.idx.msk [tilespmem:v1+s8+$0x0], $0xffff  }
0x1c0: {  	v0 =	vor.u32 v45, v0;
	_ =	sdelay $0x1  }
0x1c1: {  	v54 =	vld [tilespmem:$0x1BF0]  }
0x1c2: {  	v49 =	vshll.u32 v46, $0xA;
	v50 =	vshll.u32 v47, $0x3;
	v51 =	vld [tilespmem:$0xDF0]  }
0x1c3: {  	v52 =	vand.u32 $0xFFFFFFF8, v48;
	v53 =	vld [tilespmem:$0x14F0];
	[tilespmem:$0x22C0] =	vst v1;
	v1 =	vadd.s32 v49, v50  }
0x1c4: {  	v4 =	vand.u32 $0x7, v48;
	v0 =	vld.idx.msk [tilespmem:v0+s8+$0x0], $0xffff;
	v1 =	vadd.s32 v52, v1  }
0x1c5: {  	v1 =	vor.u32 v4, v1;
	_ =	sdelay $0x1  }
0x1c6: {  	v58 =	vld [tilespmem:$0x1500]  }
0x1c7: {  	v59 =	vld [tilespmem:$0x1C00];
	v3 =	vshll.u32 v51, $0xA;
	v2 =	vshll.u32 v53, $0x3  }
0x1c8: {  	v55 =	vand.u32 $0xFFFFFFF8, v54;
	v57 =	vld [tilespmem:$0xE00];
	v2 =	vadd.s32 v3, v2;
	[tilespmem:$0x22D0] =	vst v0  }
0x1c9: {  	v56 =	vand.u32 $0x7, v54;
	v0 =	vadd.s32 v55, v2;
	v1 =	vld.idx.msk [tilespmem:v1+s8+$0x0], $0xffff  }
0x1ca: {  	v0 =	vor.u32 v56, v0;
	_ =	sdelay $0x1  }
0x1cb: {  	v9 =	vld [tilespmem:$0x1C10]  }
0x1cc: {  	v60 =	vshll.u32 v57, $0xA;
	v61 =	vshll.u32 v58, $0x3;
	v62 =	vld [tilespmem:$0xE10]  }
0x1cd: {  	v63 =	vand.u32 $0xFFFFFFF8, v59;
	v8 =	vld [tilespmem:$0x1510];
	[tilespmem:$0x22E0] =	vst v1;
	v1 =	vadd.s32 v60, v61  }
0x1ce: {  	v4 =	vand.u32 $0x7, v59;
	v0 =	vld.idx.msk [tilespmem:v0+s8+$0x0], $0xffff;
	v1 =	vadd.s32 v63, v1  }
0x1cf: {  	v1 =	vor.u32 v4, v1;
	_ =	sdelay $0x1  }
0x1d0: {  	v13 =	vld [tilespmem:$0x1520]  }
0x1d1: {  	v14 =	vld [tilespmem:$0x1C20];
	v3 =	vshll.u32 v62, $0xA;
	v2 =	vshll.u32 v8, $0x3  }
0x1d2: {  	v10 =	vand.u32 $0xFFFFFFF8, v9;
	v12 =	vld [tilespmem:$0xE20];
	v2 =	vadd.s32 v3, v2;
	[tilespmem:$0x22F0] =	vst v0  }
0x1d3: {  	v11 =	vand.u32 $0x7, v9;
	v0 =	vadd.s32 v10, v2;
	v1 =	vld.idx.msk [tilespmem:v1+s8+$0x0], $0xffff  }
0x1d4: {  	v0 =	vor.u32 v11, v0;
	_ =	sdelay $0x1  }
0x1d5: {  	v20 =	vld [tilespmem:$0x1C30]  }
0x1d6: {  	v15 =	vshll.u32 v12, $0xA;
	v16 =	vshll.u32 v13, $0x3;
	v17 =	vld [tilespmem:$0xE30]  }
0x1d7: {  	v18 =	vand.u32 $0xFFFFFFF8, v14;
	v19 =	vld [tilespmem:$0x1530];
	[tilespmem:$0x2300] =	vst v1;
	v1 =	vadd.s32 v15, v16  }
0x1d8: {  	v4 =	vand.u32 $0x7, v14;
	v0 =	vld.idx.msk [tilespmem:v0+s8+$0x0], $0xffff;
	v1 =	vadd.s32 v18, v1  }
0x1d9: {  	v1 =	vor.u32 v4, v1;
	_ =	sdelay $0x1  }
0x1da: {  	v24 =	vld [tilespmem:$0x1540]  }
0x1db: {  	v25 =	vld [tilespmem:$0x1C40];
	v3 =	vshll.u32 v17, $0xA;
	v2 =	vshll.u32 v19, $0x3  }
0x1dc: {  	v21 =	vand.u32 $0xFFFFFFF8, v20;
	v23 =	vld [tilespmem:$0xE40];
	v2 =	vadd.s32 v3, v2;
	[tilespmem:$0x2310] =	vst v0  }
0x1dd: {  	v22 =	vand.u32 $0x7, v20;
	v0 =	vadd.s32 v21, v2;
	v1 =	vld.idx.msk [tilespmem:v1+s8+$0x0], $0xffff  }
0x1de: {  	v0 =	vor.u32 v22, v0;
	_ =	sdelay $0x1  }
0x1df: {  	v31 =	vld [tilespmem:$0x1C50]  }
0x1e0: {  	v26 =	vshll.u32 v23, $0xA;
	v27 =	vshll.u32 v24, $0x3;
	v28 =	vld [tilespmem:$0xE50]  }
0x1e1: {  	v29 =	vand.u32 $0xFFFFFFF8, v25;
	v30 =	vld [tilespmem:$0x1550];
	[tilespmem:$0x2320] =	vst v1;
	v1 =	vadd.s32 v26, v27  }
0x1e2: {  	v4 =	vand.u32 $0x7, v25;
	v0 =	vld.idx.msk [tilespmem:v0+s8+$0x0], $0xffff;
	v1 =	vadd.s32 v29, v1  }
0x1e3: {  	v1 =	vor.u32 v4, v1;
	_ =	sdelay $0x1  }
0x1e4: {  	v35 =	vld [tilespmem:$0x1560]  }
0x1e5: {  	v36 =	vld [tilespmem:$0x1C60];
	v3 =	vshll.u32 v28, $0xA;
	v2 =	vshll.u32 v30, $0x3  }
0x1e6: {  	v32 =	vand.u32 $0xFFFFFFF8, v31;
	v34 =	vld [tilespmem:$0xE60];
	v2 =	vadd.s32 v3, v2;
	[tilespmem:$0x2330] =	vst v0  }
0x1e7: {  	v33 =	vand.u32 $0x7, v31;
	v0 =	vadd.s32 v32, v2;
	v1 =	vld.idx.msk [tilespmem:v1+s8+$0x0], $0xffff  }
0x1e8: {  	v0 =	vor.u32 v33, v0;
	_ =	sdelay $0x1  }
0x1e9: {  	v42 =	vld [tilespmem:$0x1C70]  }
0x1ea: {  	v37 =	vshll.u32 v34, $0xA;
	v38 =	vshll.u32 v35, $0x3;
	v39 =	vld [tilespmem:$0xE70]  }
0x1eb: {  	v40 =	vand.u32 $0xFFFFFFF8, v36;
	v41 =	vld [tilespmem:$0x1570];
	[tilespmem:$0x2340] =	vst v1;
	v1 =	vadd.s32 v37, v38  }
0x1ec: {  	v4 =	vand.u32 $0x7, v36;
	v0 =	vld.idx.msk [tilespmem:v0+s8+$0x0], $0xffff;
	v1 =	vadd.s32 v40, v1  }
0x1ed: {  	v1 =	vor.u32 v4, v1;
	_ =	sdelay $0x1  }
0x1ee: {  	v46 =	vld [tilespmem:$0x1580]  }
0x1ef: {  	v47 =	vld [tilespmem:$0x1C80];
	v3 =	vshll.u32 v39, $0xA;
	v2 =	vshll.u32 v41, $0x3  }
0x1f0: {  	v43 =	vand.u32 $0xFFFFFFF8, v42;
	v45 =	vld [tilespmem:$0xE80];
	v2 =	vadd.s32 v3, v2;
	[tilespmem:$0x2350] =	vst v0  }
0x1f1: {  	v44 =	vand.u32 $0x7, v42;
	v0 =	vadd.s32 v43, v2;
	v1 =	vld.idx.msk [tilespmem:v1+s8+$0x0], $0xffff  }
0x1f2: {  	v0 =	vor.u32 v44, v0;
	_ =	sdelay $0x1  }
0x1f3: {  	v53 =	vld [tilespmem:$0x1C90]  }
0x1f4: {  	v48 =	vshll.u32 v45, $0xA;
	v49 =	vshll.u32 v46, $0x3;
	v50 =	vld [tilespmem:$0xE90]  }
0x1f5: {  	v51 =	vand.u32 $0xFFFFFFF8, v47;
	v52 =	vld [tilespmem:$0x1590];
	[tilespmem:$0x2360] =	vst v1;
	v1 =	vadd.s32 v48, v49  }
0x1f6: {  	v4 =	vand.u32 $0x7, v47;
	v0 =	vld.idx.msk [tilespmem:v0+s8+$0x0], $0xffff;
	v1 =	vadd.s32 v51, v1  }
0x1f7: {  	v1 =	vor.u32 v4, v1;
	_ =	sdelay $0x1  }
0x1f8: {  	v57 =	vld [tilespmem:$0x15A0]  }
0x1f9: {  	v58 =	vld [tilespmem:$0x1CA0];
	v3 =	vshll.u32 v50, $0xA;
	v2 =	vshll.u32 v52, $0x3  }
0x1fa: {  	v54 =	vand.u32 $0xFFFFFFF8, v53;
	v56 =	vld [tilespmem:$0xEA0];
	v2 =	vadd.s32 v3, v2;
	[tilespmem:$0x2370] =	vst v0  }
0x1fb: {  	v55 =	vand.u32 $0x7, v53;
	v0 =	vadd.s32 v54, v2;
	v1 =	vld.idx.msk [tilespmem:v1+s8+$0x0], $0xffff  }
0x1fc: {  	v0 =	vor.u32 v55, v0;
	_ =	sdelay $0x1  }
0x1fd: {  	v8 =	vld [tilespmem:$0x1CB0]  }
0x1fe: {  	v59 =	vshll.u32 v56, $0xA;
	v60 =	vshll.u32 v57, $0x3;
	v61 =	vld [tilespmem:$0xEB0]  }
0x1ff: {  	v62 =	vand.u32 $0xFFFFFFF8, v58;
	v63 =	vld [tilespmem:$0x15B0];
	[tilespmem:$0x2380] =	vst v1;
	v1 =	vadd.s32 v59, v60  }
0x200: {  	v4 =	vand.u32 $0x7, v58;
	v0 =	vld.idx.msk [tilespmem:v0+s8+$0x0], $0xffff;
	v1 =	vadd.s32 v62, v1  }
0x201: {  	v1 =	vor.u32 v4, v1;
	_ =	sdelay $0x1  }
0x202: {  	v12 =	vld [tilespmem:$0x15C0]  }
0x203: {  	v13 =	vld [tilespmem:$0x1CC0];
	v3 =	vshll.u32 v61, $0xA;
	v2 =	vshll.u32 v63, $0x3  }
0x204: {  	v9 =	vand.u32 $0xFFFFFFF8, v8;
	v11 =	vld [tilespmem:$0xEC0];
	v2 =	vadd.s32 v3, v2;
	[tilespmem:$0x2390] =	vst v0  }
0x205: {  	v10 =	vand.u32 $0x7, v8;
	v0 =	vadd.s32 v9, v2;
	v1 =	vld.idx.msk [tilespmem:v1+s8+$0x0], $0xffff  }
0x206: {  	v0 =	vor.u32 v10, v0;
	_ =	sdelay $0x1  }
0x207: {  	v19 =	vld [tilespmem:$0x1CD0]  }
0x208: {  	v14 =	vshll.u32 v11, $0xA;
	v15 =	vshll.u32 v12, $0x3;
	v16 =	vld [tilespmem:$0xED0]  }
0x209: {  	v17 =	vand.u32 $0xFFFFFFF8, v13;
	v18 =	vld [tilespmem:$0x15D0];
	[tilespmem:$0x23A0] =	vst v1;
	v1 =	vadd.s32 v14, v15  }
0x20a: {  	v4 =	vand.u32 $0x7, v13;
	v0 =	vld.idx.msk [tilespmem:v0+s8+$0x0], $0xffff;
	v1 =	vadd.s32 v17, v1  }
0x20b: {  	v1 =	vor.u32 v4, v1;
	_ =	sdelay $0x1  }
0x20c: {  	v23 =	vld [tilespmem:$0x15E0]  }
0x20d: {  	v24 =	vld [tilespmem:$0x1CE0];
	v3 =	vshll.u32 v16, $0xA;
	v2 =	vshll.u32 v18, $0x3  }
0x20e: {  	v20 =	vand.u32 $0xFFFFFFF8, v19;
	v22 =	vld [tilespmem:$0xEE0];
	v2 =	vadd.s32 v3, v2;
	[tilespmem:$0x23B0] =	vst v0  }
0x20f: {  	v21 =	vand.u32 $0x7, v19;
	v0 =	vadd.s32 v20, v2;
	v1 =	vld.idx.msk [tilespmem:v1+s8+$0x0], $0xffff  }
0x210: {  	v0 =	vor.u32 v21, v0;
	_ =	sdelay $0x1  }
0x211: {  	v30 =	vld [tilespmem:$0x1CF0]  }
0x212: {  	v25 =	vshll.u32 v22, $0xA;
	v26 =	vshll.u32 v23, $0x3;
	v27 =	vld [tilespmem:$0xEF0]  }
0x213: {  	v28 =	vand.u32 $0xFFFFFFF8, v24;
	v29 =	vld [tilespmem:$0x15F0];
	[tilespmem:$0x23C0] =	vst v1;
	v1 =	vadd.s32 v25, v26  }
0x214: {  	v4 =	vand.u32 $0x7, v24;
	v0 =	vld.idx.msk [tilespmem:v0+s8+$0x0], $0xffff;
	v1 =	vadd.s32 v28, v1  }
0x215: {  	v1 =	vor.u32 v4, v1;
	_ =	sdelay $0x1  }
0x216: {  	v34 =	vld [tilespmem:$0x1600]  }
0x217: {  	v35 =	vld [tilespmem:$0x1D00];
	v3 =	vshll.u32 v27, $0xA;
	v2 =	vshll.u32 v29, $0x3  }
0x218: {  	v31 =	vand.u32 $0xFFFFFFF8, v30;
	v33 =	vld [tilespmem:$0xF00];
	v2 =	vadd.s32 v3, v2;
	[tilespmem:$0x23D0] =	vst v0  }
0x219: {  	v32 =	vand.u32 $0x7, v30;
	v0 =	vadd.s32 v31, v2;
	v1 =	vld.idx.msk [tilespmem:v1+s8+$0x0], $0xffff  }
0x21a: {  	v0 =	vor.u32 v32, v0;
	_ =	sdelay $0x1  }
0x21b: {  	v41 =	vld [tilespmem:$0x1D10]  }
0x21c: {  	v36 =	vshll.u32 v33, $0xA;
	v37 =	vshll.u32 v34, $0x3;
	v38 =	vld [tilespmem:$0xF10]  }
0x21d: {  	v39 =	vand.u32 $0xFFFFFFF8, v35;
	v40 =	vld [tilespmem:$0x1610];
	[tilespmem:$0x23E0] =	vst v1;
	v1 =	vadd.s32 v36, v37  }
0x21e: {  	v4 =	vand.u32 $0x7, v35;
	v0 =	vld.idx.msk [tilespmem:v0+s8+$0x0], $0xffff;
	v1 =	vadd.s32 v39, v1  }
0x21f: {  	v1 =	vor.u32 v4, v1;
	_ =	sdelay $0x1  }
0x220: {  	v45 =	vld [tilespmem:$0x1620]  }
0x221: {  	v46 =	vld [tilespmem:$0x1D20];
	v3 =	vshll.u32 v38, $0xA;
	v2 =	vshll.u32 v40, $0x3  }
0x222: {  	v42 =	vand.u32 $0xFFFFFFF8, v41;
	v44 =	vld [tilespmem:$0xF20];
	v2 =	vadd.s32 v3, v2;
	[tilespmem:$0x23F0] =	vst v0  }
0x223: {  	v43 =	vand.u32 $0x7, v41;
	v0 =	vadd.s32 v42, v2;
	v1 =	vld.idx.msk [tilespmem:v1+s8+$0x0], $0xffff  }
0x224: {  	v0 =	vor.u32 v43, v0;
	_ =	sdelay $0x1  }
0x225: {  	v52 =	vld [tilespmem:$0x1D30]  }
0x226: {  	v47 =	vshll.u32 v44, $0xA;
	v48 =	vshll.u32 v45, $0x3;
	v49 =	vld [tilespmem:$0xF30]  }
0x227: {  	v50 =	vand.u32 $0xFFFFFFF8, v46;
	v51 =	vld [tilespmem:$0x1630];
	[tilespmem:$0x2400] =	vst v1;
	v1 =	vadd.s32 v47, v48  }
0x228: {  	v4 =	vand.u32 $0x7, v46;
	v0 =	vld.idx.msk [tilespmem:v0+s8+$0x0], $0xffff;
	v1 =	vadd.s32 v50, v1  }
0x229: {  	v1 =	vor.u32 v4, v1;
	_ =	sdelay $0x1  }
0x22a: {  	v56 =	vld [tilespmem:$0x1640]  }
0x22b: {  	v57 =	vld [tilespmem:$0x1D40];
	v3 =	vshll.u32 v49, $0xA;
	v2 =	vshll.u32 v51, $0x3  }
0x22c: {  	v53 =	vand.u32 $0xFFFFFFF8, v52;
	v55 =	vld [tilespmem:$0xF40];
	v2 =	vadd.s32 v3, v2;
	[tilespmem:$0x2410] =	vst v0  }
0x22d: {  	v54 =	vand.u32 $0x7, v52;
	v0 =	vadd.s32 v53, v2;
	v1 =	vld.idx.msk [tilespmem:v1+s8+$0x0], $0xffff  }
0x22e: {  	v0 =	vor.u32 v54, v0;
	_ =	sdelay $0x1  }
0x22f: {  	v63 =	vld [tilespmem:$0x1D50]  }
0x230: {  	v58 =	vshll.u32 v55, $0xA;
	v59 =	vshll.u32 v56, $0x3;
	v60 =	vld [tilespmem:$0xF50]  }
0x231: {  	v61 =	vand.u32 $0xFFFFFFF8, v57;
	v62 =	vld [tilespmem:$0x1650];
	[tilespmem:$0x2420] =	vst v1;
	v1 =	vadd.s32 v58, v59  }
0x232: {  	v4 =	vand.u32 $0x7, v57;
	v0 =	vld.idx.msk [tilespmem:v0+s8+$0x0], $0xffff;
	v1 =	vadd.s32 v61, v1  }
0x233: {  	v1 =	vor.u32 v4, v1;
	_ =	sdelay $0x1  }
0x234: {  	v8 =	vld [tilespmem:$0xF60]  }
0x235: {  	v9 =	vld [tilespmem:$0x1660];
	v3 =	vshll.u32 v60, $0xA;
	v2 =	vshll.u32 v62, $0x3  }
0x236: {  	v6 =	vand.u32 $0xFFFFFFF8, v63;
	v10 =	vld [tilespmem:$0x1D60];
	v2 =	vadd.s32 v3, v2;
	[tilespmem:$0x2430] =	vst v0  }
0x237: {  	v7 =	vand.u32 $0x7, v63;
	v0 =	vadd.s32 v6, v2;
	v1 =	vld.idx.msk [tilespmem:v1+s8+$0x0], $0xffff  }
0x238: {  	v0 =	vor.u32 v7, v0;
	_ =	sdelay $0x1  }
0x239: {  	v16 =	vld [tilespmem:$0x1D70]  }
0x23a: {  	v11 =	vshll.u32 v8, $0xA;
	v13 =	vld [tilespmem:$0xF70];
	v12 =	vshll.u32 v9, $0x3  }
0x23b: {  	v14 =	vand.u32 $0xFFFFFFF8, v10;
	v15 =	vld [tilespmem:$0x1670];
	[tilespmem:$0x2440] =	vst v1;
	v1 =	vadd.s32 v11, v12  }
0x23c: {  	v4 =	vand.u32 $0x7, v10;
	v0 =	vld.idx.msk [tilespmem:v0+s8+$0x0], $0xffff;
	v1 =	vadd.s32 v14, v1  }
0x23d: {  	v1 =	vor.u32 v4, v1;
	_ =	sdelay $0x1  }
0x23e: {  	v19 =	vld [tilespmem:$0xF80]  }
0x23f: {  	v20 =	vld [tilespmem:$0x1680];
	v3 =	vshll.u32 v13, $0xA;
	v2 =	vshll.u32 v15, $0x3  }
0x240: {  	v17 =	vand.u32 $0xFFFFFFF8, v16;
	v21 =	vld [tilespmem:$0x1D80];
	v2 =	vadd.s32 v3, v2;
	[tilespmem:$0x2450] =	vst v0  }
0x241: {  	v18 =	vand.u32 $0x7, v16;
	v0 =	vadd.s32 v17, v2;
	v1 =	vld.idx.msk [tilespmem:v1+s8+$0x0], $0xffff  }
0x242: {  	v0 =	vor.u32 v18, v0;
	_ =	sdelay $0x1  }
0x243: {  	v27 =	vld [tilespmem:$0x1D90]  }
0x244: {  	v22 =	vshll.u32 v19, $0xA;
	v24 =	vld [tilespmem:$0xF90];
	v23 =	vshll.u32 v20, $0x3  }
0x245: {  	v25 =	vand.u32 $0xFFFFFFF8, v21;
	v26 =	vld [tilespmem:$0x1690];
	[tilespmem:$0x2460] =	vst v1;
	v1 =	vadd.s32 v22, v23  }
0x246: {  	v4 =	vand.u32 $0x7, v21;
	v0 =	vld.idx.msk [tilespmem:v0+s8+$0x0], $0xffff;
	v1 =	vadd.s32 v25, v1  }
0x247: {  	v1 =	vor.u32 v4, v1;
	_ =	sdelay $0x1  }
0x248: {  	v30 =	vld [tilespmem:$0xFA0]  }
0x249: {  	v31 =	vld [tilespmem:$0x16A0];
	v3 =	vshll.u32 v24, $0xA;
	v2 =	vshll.u32 v26, $0x3  }
0x24a: {  	v28 =	vand.u32 $0xFFFFFFF8, v27;
	v32 =	vld [tilespmem:$0x1DA0];
	v2 =	vadd.s32 v3, v2;
	[tilespmem:$0x2470] =	vst v0  }
0x24b: {  	v29 =	vand.u32 $0x7, v27;
	v0 =	vadd.s32 v28, v2;
	v1 =	vld.idx.msk [tilespmem:v1+s8+$0x0], $0xffff  }
0x24c: {  	v0 =	vor.u32 v29, v0;
	_ =	sdelay $0x1  }
0x24d: {  	v38 =	vld [tilespmem:$0x1DB0]  }
0x24e: {  	v33 =	vshll.u32 v30, $0xA;
	v35 =	vld [tilespmem:$0xFB0];
	v34 =	vshll.u32 v31, $0x3  }
0x24f: {  	v36 =	vand.u32 $0xFFFFFFF8, v32;
	v37 =	vld [tilespmem:$0x16B0];
	[tilespmem:$0x2480] =	vst v1;
	v1 =	vadd.s32 v33, v34  }
0x250: {  	v4 =	vand.u32 $0x7, v32;
	v0 =	vld.idx.msk [tilespmem:v0+s8+$0x0], $0xffff;
	v1 =	vadd.s32 v36, v1  }
0x251: {  	v1 =	vor.u32 v4, v1;
	_ =	sdelay $0x1  }
0x252: {  	v41 =	vld [tilespmem:$0xFC0]  }
0x253: {  	v42 =	vld [tilespmem:$0x16C0];
	v3 =	vshll.u32 v35, $0xA;
	v2 =	vshll.u32 v37, $0x3  }
0x254: {  	v39 =	vand.u32 $0xFFFFFFF8, v38;
	v43 =	vld [tilespmem:$0x1DC0];
	v2 =	vadd.s32 v3, v2;
	[tilespmem:$0x2490] =	vst v0  }
0x255: {  	v40 =	vand.u32 $0x7, v38;
	v0 =	vadd.s32 v39, v2;
	v1 =	vld.idx.msk [tilespmem:v1+s8+$0x0], $0xffff  }
0x256: {  	v0 =	vor.u32 v40, v0;
	_ =	sdelay $0x1  }
0x257: {  	v49 =	vld [tilespmem:$0x1DD0]  }
0x258: {  	v44 =	vshll.u32 v41, $0xA;
	v46 =	vld [tilespmem:$0xFD0];
	v45 =	vshll.u32 v42, $0x3  }
0x259: {  	v47 =	vand.u32 $0xFFFFFFF8, v43;
	v48 =	vld [tilespmem:$0x16D0];
	[tilespmem:$0x24A0] =	vst v1;
	v1 =	vadd.s32 v44, v45  }
0x25a: {  	v4 =	vand.u32 $0x7, v43;
	v0 =	vld.idx.msk [tilespmem:v0+s8+$0x0], $0xffff;
	v1 =	vadd.s32 v47, v1  }
0x25b: {  	v1 =	vor.u32 v4, v1;
	_ =	sdelay $0x1  }
0x25c: {  	v52 =	vld [tilespmem:$0xFE0]  }
0x25d: {  	v53 =	vld [tilespmem:$0x16E0];
	v3 =	vshll.u32 v46, $0xA;
	v2 =	vshll.u32 v48, $0x3  }
0x25e: {  	v50 =	vand.u32 $0xFFFFFFF8, v49;
	v54 =	vld [tilespmem:$0x1DE0];
	v2 =	vadd.s32 v3, v2;
	[tilespmem:$0x24B0] =	vst v0  }
0x25f: {  	v51 =	vand.u32 $0x7, v49;
	v0 =	vadd.s32 v50, v2;
	v1 =	vld.idx.msk [tilespmem:v1+s8+$0x0], $0xffff  }
0x260: {  	v0 =	vor.u32 v51, v0;
	_ =	sdelay $0x1  }
0x261: {  	v60 =	vld [tilespmem:$0x1DF0]  }
0x262: {  	v55 =	vshll.u32 v52, $0xA;
	v57 =	vld [tilespmem:$0xFF0];
	v56 =	vshll.u32 v53, $0x3  }
0x263: {  	v58 =	vand.u32 $0xFFFFFFF8, v54;
	v59 =	vld [tilespmem:$0x16F0];
	[tilespmem:$0x24C0] =	vst v1;
	v1 =	vadd.s32 v55, v56  }
0x264: {  	v4 =	vand.u32 $0x7, v54;
	v0 =	vld.idx.msk [tilespmem:v0+s8+$0x0], $0xffff;
	v1 =	vadd.s32 v58, v1  }
0x265: {  	v1 =	vor.u32 v4, v1;
	_ =	sdelay $0x2  }
0x266: {  	v3 =	vshll.u32 v57, $0xA;
	v2 =	vshll.u32 v59, $0x3  }
0x267: {  	v62 =	vand.u32 $0xFFFFFFF8, v60;
	v61 =	vadd.s32 v3, v2;
	[tilespmem:$0x24D0] =	vst v0  }
0x268: {  	v63 =	vand.u32 $0x7, v60;
	v0 =	vadd.s32 v62, v61;
	v1 =	vld.idx.msk [tilespmem:v1+s8+$0x0], $0xffff  }
0x269: {  	v0 =	vor.u32 v63, v0;
	_ =	sdelay $0x3  }
0x26a: {  	[tilespmem:$0x24E0] =	vst v1  }
0x26b: {  	v0 =	vld.idx.msk [tilespmem:v0+s8+$0x0], $0xffff;
	_ =	sdelay $0x1  }
0x26c: {  	s11 =	rddreg [dreg:$0xc]  }
0x26d: {  	s13 =	rddreg [dreg:$0xd]  }
0x26e: {  	s12 =	rddreg [dreg:$0xe]  }
0x26f: {  	s1 =	rddreg [dreg:$0xf];
	[tilespmem:$0x24F0] =	vst v0  }
0x270: {  	[tilespmem:s10], [sflag:$0x2] =	stream.indirect.gather [hbm4b:s4+s7], $0x20, s11, s7, $0xb8;
	[tilespmem:$0x10500] =	vst v63  }
0x271: {  	s11 =	rddreg [dreg:$0x10]  }
0x272: {  	[tilespmem:s12], [sflag:$0x2] =	stream.indirect.gather [hbm4b:s4+s7], $0x20, s13, s7, $0xb8;
	[tilespmem:$0x10500] =	vst v63  }
0x273: {  	s12 =	rddreg [dreg:$0x11]  }
0x274: {  	[tilespmem:s11], [sflag:$0x2] =	stream.indirect.gather [hbm4b:s4+s7], $0x20, s1, s7, $0xb8;
	[tilespmem:$0x10500] =	vst v63  }
0x275: {  	s13 =	rddreg [dreg:$0x12]  }
0x276: {  	[tilespmem:s13], [sflag:$0x2] =	stream.indirect.gather [hbm4b:s4+s7], $0x20, s12, s7, $0xb8;
	[tilespmem:$0x10500] =	vst v63  }
0x277: {  	s12 =	simm.s32 $0x2000;
	s13 =	simm.s32 $0x6500  }
0x278: {  	[tilespmem:s13], [sflag:$0x2] =	stream.indirect.gather [hbm4b:s4+s7], $0x20, s12, s7, $0xb8;
	[tilespmem:$0x10500] =	vst v63  }
0x279: {  	s12 =	simm.s32 $0x2080  }
0x27a: {  	[tilespmem:s14], [sflag:$0x2] =	stream.indirect.gather [hbm4b:s4+s7], $0x20, s12, s7, $0xb8;
	[tilespmem:$0x10500] =	vst v63  }
0x27b: {  	_ = 	snop  }
0x27c: {  	[tilespmem:s16], [sflag:$0x2] =	stream.indirect.gather [hbm4b:s4+s7], $0x20, s15, s7, $0xb8;
	[tilespmem:$0x10500] =	vst v63  }
0x27d: {  	_ = 	snop  }
0x27e: {  	[tilespmem:s18], [sflag:$0x2] =	stream.indirect.gather [hbm4b:s4+s7], $0x20, s17, s7, $0xb8;
	[tilespmem:$0x10500] =	vst v63  }
0x27f: {  	_ = 	snop  }
0x280: {  	[tilespmem:s20], [sflag:$0x2] =	stream.indirect.gather [hbm4b:s4+s7], $0x20, s19, s7, $0xb8;
	[tilespmem:$0x10500] =	vst v63  }
0x281: {  	_ = 	snop  }
0x282: {  	[tilespmem:s22], [sflag:$0x2] =	stream.indirect.gather [hbm4b:s4+s7], $0x20, s21, s7, $0xb8;
	[tilespmem:$0x10500] =	vst v63  }
0x283: {  	_ = 	snop  }
0x284: {  	[tilespmem:s24], [sflag:$0x2] =	stream.indirect.gather [hbm4b:s4+s7], $0x20, s23, s7, $0xb8;
	[tilespmem:$0x10500] =	vst v63  }
0x285: {  	_ = 	snop  }
0x286: {  	[tilespmem:s26], [sflag:$0x2] =	stream.indirect.gather [hbm4b:s4+s7], $0x20, s25, s7, $0xb8;
	[tilespmem:$0x10500] =	vst v63  }
0x287: {  	_ = 	snop  }
0x288: {  	[tilespmem:s29], [sflag:$0x2] =	stream.indirect.gather [hbm4b:s4+s7], $0x20, s28, s7, $0xb8;
	[tilespmem:$0x10500] =	vst v63  }
0x289: {  	_ = 	snop  }
0x28a: {  	[tilespmem:s31], [sflag:$0x2] =	stream.indirect.gather [hbm4b:s4+s7], $0x20, s30, s7, $0xb8;
	[tilespmem:$0x10500] =	vst v63  }
0x28b: {  	_ =	swait.ge [sflag:s0], $0x1000  }
0x28c: {  	[sflag:s0] =	ssyncset.done $0x0  }
0x28d: {  	[sflag:s0] =	ssyncadd.s32 $0xFFFFF000  }
0x28e: {  	_ =	swait.ge [sflag:s0], $0x1000  }
0x28f: {  	[sflag:s0] =	ssyncset.done $0x0  }
0x290: {  	[sflag:s0] =	ssyncadd.s32 $0xFFFFF000  }
0x291: {  	_ =	swait.ge [sflag:s0], $0x1000  }
0x292: {  	[sflag:s0] =	ssyncset.done $0x0  }
0x293: {  	[sflag:s0] =	ssyncadd.s32 $0xFFFFF000  }
0x294: {  	_ =	swait.ge [sflag:s0], $0x1000  }
0x295: {  	[sflag:s0] =	ssyncset.done $0x0  }
0x296: {  	[sflag:s0] =	ssyncadd.s32 $0xFFFFF000  }
0x297: {  	_ =	swait.ge [sflag:s0], $0x1000  }
0x298: {  	[sflag:s0] =	ssyncset.done $0x0  }
0x299: {  	[sflag:s0] =	ssyncadd.s32 $0xFFFFF000  }
0x29a: {  	_ =	swait.ge [sflag:s0], $0x1000  }
0x29b: {  	[sflag:s0] =	ssyncset.done $0x0  }
0x29c: {  	[sflag:s0] =	ssyncadd.s32 $0xFFFFF000  }
0x29d: {  	_ =	swait.ge [sflag:s0], $0x1000  }
0x29e: {  	[sflag:s0] =	ssyncset.done $0x0  }
0x29f: {  	[sflag:s0] =	ssyncadd.s32 $0xFFFFF000  }
0x2a0: {  	_ =	swait.ge [sflag:s0], $0x1000  }
0x2a1: {  	[sflag:s0] =	ssyncset.done $0x0  }
0x2a2: {  	[sflag:s0] =	ssyncadd.s32 $0xFFFFF000  }
0x2a3: {  	_ =	swait.ge [sflag:s0], $0x1000  }
0x2a4: {  	[sflag:s0] =	ssyncset.done $0x0  }
0x2a5: {  	[sflag:s0] =	ssyncadd.s32 $0xFFFFF000  }
0x2a6: {  	_ =	swait.ge [sflag:s0], $0x1000  }
0x2a7: {  	[sflag:s0] =	ssyncset.done $0x0  }
0x2a8: {  	[sflag:s0] =	ssyncadd.s32 $0xFFFFF000  }
0x2a9: {  	_ =	swait.ge [sflag:s0], $0x1000  }
0x2aa: {  	[sflag:s0] =	ssyncset.done $0x0  }
0x2ab: {  	[sflag:s0] =	ssyncadd.s32 $0xFFFFF000  }
0x2ac: {  	_ =	swait.ge [sflag:s0], $0x1000  }
0x2ad: {  	[sflag:s0] =	ssyncset.done $0x0  }
0x2ae: {  	[sflag:s0] =	ssyncadd.s32 $0xFFFFF000  }
0x2af: {  	_ =	swait.ge [sflag:s0], $0x1000  }
0x2b0: {  	[sflag:s0] =	ssyncset.done $0x0  }
0x2b1: {  	[sflag:s0] =	ssyncadd.s32 $0xFFFFF000  }
0x2b2: {  	_ =	swait.ge [sflag:s0], $0x1000  }
0x2b3: {  	p0 =	sne.s32 s5, $0x1;
	[sflag:s0] =	ssyncset.done $0x0  }
.Ltmp0:
0x2b4: {  	s13 =	rddreg [dreg:$0x7];
	[sflag:s0] =	ssyncadd.s32 $0xFFFFF000;
	(pc) =	sbr.rel @p0 .LBB2_1-.Ltmp0, $4  }
0x2b5: {  	[hbm4b:s13+s2] =	stream.linear.scatter [tilespmem:s10], [sflag:$0x3], $0xE000, $0x38;
	[tilespmem:$0x10500] =	vst v63  }
0x2b6: {  	_ =	swait.ge [sflag:s6], $0xE000  }
0x2b7: {  	[sflag:s6] =	ssyncset.done $0x0  }
0x2b8: {  	s5 =	sadd.s32 $0xFFFFFFFF, s5;
	[sflag:s6] =	ssyncadd.s32 $0xFFFF2000  }
0x2b9: {  	_ =	sfence.sel $0x180000  }
0x2ba: {  	[bflag:$0x0] =	sbarrier.arrive $0xFFFF  }
0x2bb: {  	_ =	strace $0x90000047  }
0x2bc: {  	s0 =	stileid.u32;
	[bflag:$0x2] =	sbarrier.arrive $0xFFFF  }
0x2bd: {  	p0 =	sne.s32 s0, $0x0;
	s0 =	rddreg [dreg:$0x2]  }
0x2be: {  	s0 =	sadd.s32 @!p0 $0x100000, s0  }
0x2bf: {  	[sflag:s0] =	ssyncadd.tile.s32 @!p0 $0x1;
	_ =	shalt  }
.Lfunc_end2:
_tile_overlayer_lowered:
.L_overlay_start_2:
0x2c0: {  	(tag) =	ssettag $0x2  }
0x2c1: {  	s0 =	rddreg [dreg:$0x0];
	s2 =	stileid.u32  }
0x2c2: {  	s1 =	rddreg [dreg:$0x1];
	p0 =	sne.s32 s2, $0x0  }
0x2c3: {  	s3 =	rddreg [dreg:$0x2];
	[bflag:$0x3] =	sbarrier.arrive $0xFFFF;
	s2 =	simm.s32 @!p0 $0x1C03  }
0x2c4: {  	[timem:s3], [sflag:s2] =	dma.local @!p0 [hbm:s0], s1  }
0x2c5: {  	s0 =	simm.s32 @!p0 $0x3  }
0x2c6: {  	_ =	swait.ge @!p0 [sflag:s0], s1  }
0x2c7: {  	s1 =	ssub.s32 @!p0 $0x0, s1;
	[sflag:s0] =	ssyncset.done @!p0 $0x0  }
0x2c8: {  	[sflag:s0] =	ssyncadd.s32 @!p0 s1  }
0x2c9: {  	[bflag:$0x3] =	sbarrier.arrive $0xFFFF  }
0x2ca: {  	_ =	shalt  }

</sc_bundles>
